<compile_context>
chip_gen: v7x
topology: tpu7x:2x2x1
jax: 0.10.2.dev20260603
libtpu: 0.0.44.dev20260713+nightly
codegen_flags: <defaults>
</compile_context>

<pallas_src>
import functools

import jax
import jax.numpy as jnp
from jax import lax
from jax.experimental import pallas as pl
from jax.experimental.pallas import tpu as pltpu
from jax.experimental.pallas import tpu_sc as plsc

NC = 2
NS = 16
NW = NC * NS
F32 = jnp.float32


def _make_deg_kernel(np_, epw):
    n16 = epw // 16
    mesh = plsc.VectorSubcoreMesh(core_axis_name="c", subcore_axis_name="s")

    @functools.partial(
        pl.kernel,
        out_type=jax.ShapeDtypeStruct((NW, np_), F32),
        mesh=mesh,
        scratch_types=[
            pltpu.VMEM((epw,), jnp.int32),
            pltpu.VMEM((np_,), F32),
        ],
        compiler_params=pltpu.CompilerParams(needs_layout_passes=False),
    )
    def deg_kernel(dst2, out_hbm, dstv, hist):
        c = lax.axis_index("c")
        s = lax.axis_index("s")
        wid = c * NS + s
        pltpu.sync_copy(dst2.at[wid], dstv)
        zero16 = jnp.zeros((16,), F32)
        ones16 = jnp.ones((16,), F32)

        def zbody(i, carry):
            hist[pl.ds(i * 16, 16)] = zero16
            return carry

        lax.fori_loop(0, np_ // 16, zbody, 0)

        def body(i, carry):
            idx16 = dstv[pl.ds(i * 16, 16)]
            plsc.addupdate_scatter(hist, [idx16], ones16)
            return carry

        lax.fori_loop(0, n16, body, 0)
        pltpu.sync_copy(hist, out_hbm.at[wid])

    return deg_kernel


def _make_edge_agg_kernel(np_, n_chunks, feat, grp=16):
    rpt = np_ // NS
    chunk = 128
    n_grp = n_chunks // grp
    co = 128
    n_co = rpt // co
    mesh = plsc.VectorSubcoreMesh(core_axis_name="c", subcore_axis_name="s")

    @functools.partial(
        pl.kernel,
        out_type=jax.ShapeDtypeStruct((NC, np_, feat), F32),
        mesh=mesh,
        scratch_types=[
            pltpu.VMEM((n_chunks, chunk), jnp.int32),
            pltpu.VMEM((grp, chunk), jnp.int32),
            pltpu.VMEM((2, chunk, feat), F32),
            pltpu.VMEM_SHARED((np_, feat), F32),
            pltpu.SemaphoreType.DMA,
            pltpu.SemaphoreType.DMA,
            pltpu.SemaphoreType.DMA,
            pltpu.SemaphoreType.DMA,
            pltpu.SemaphoreType.DMA,
        ],
    )
    def agg_kernel(g_hbm, src3, dst3, zeros_hbm, out_hbm,
                   idx_s, idx_d, rows, acc, sg0, sg1, ss0, ss1, si):
        c = lax.axis_index("c")
        s = lax.axis_index("s")
        r0 = pl.multiple_of(s * rpt, 128)
        pltpu.sync_copy(zeros_hbm.at[pl.ds(r0, rpt)], acc.at[pl.ds(r0, rpt)])
        wid = c * NS + s
        pltpu.sync_copy(src3.at[wid], idx_s)
        sg = (sg0, sg1)
        ss = (ss0, ss1)

        gd = [None, None]
        gd[0] = pltpu.async_copy(g_hbm.at[idx_s.at[0]], rows.at[0], sg0)
        plsc.subcore_barrier()

        def group(jo, carry):
            j0 = pl.multiple_of(jo * grp, grp)
            dd = pltpu.async_copy(dst3.at[wid, pl.ds(j0, grp)], idx_d, si)
            sd = [None] * grp
            for k in range(grp):
                b = k % 2
                if k >= 1:
                    sd[k - 1].wait()
                if k < grp - 1:
                    gd[1 - b] = pltpu.async_copy(
                        g_hbm.at[idx_s.at[jo * grp + k + 1]],
                        rows.at[1 - b], sg[1 - b])
                else:
                    @pl.when(jo < n_grp - 1)
                    def _pref():
                        pltpu.async_copy(
                            g_hbm.at[idx_s.at[jo * grp + grp]],
                            rows.at[1 - b], sg[1 - b])
                gd[b].wait()
                if k == 0:
                    dd.wait()
                sd[k] = pltpu.async_copy(
                    rows.at[b], acc.at[idx_d.at[k]], ss[b], add=True)
            sd[grp - 1].wait()
            return carry

        lax.fori_loop(0, n_grp, group, 0)
        plsc.subcore_barrier()
        pltpu.sync_copy(acc.at[pl.ds(r0, rpt)], out_hbm.at[c, pl.ds(r0, rpt)])

    return agg_kernel


def _stage1(deg_p, xp, W1, bm):
    n, f = xp.shape
    grid = n // bm
    hid = W1.shape[1]

    def body(degp_ref, x_ref, w_ref, g1_ref, dinv_ref):
        deg = lax.dot_general(
            degp_ref[...], jnp.ones((NW, 1), F32), (((0,), (0,)), ((), ())),
            preferred_element_type=F32) + 1.0
        dinv = lax.rsqrt(deg)
        h = jnp.dot(x_ref[...], w_ref[...], preferred_element_type=F32)
        g1_ref[...] = h * dinv
        dinv_ref[...] = dinv

    return pl.pallas_call(
        body,
        grid=(grid,),
        in_specs=[
            pl.BlockSpec((NW, bm), lambda i: (0, i)),
            pl.BlockSpec((bm, f), lambda i: (i, 0)),
            pl.BlockSpec((f, hid), lambda i: (0, 0)),
        ],
        out_specs=[
            pl.BlockSpec((bm, hid), lambda i: (i, 0)),
            pl.BlockSpec((bm, 1), lambda i: (i, 0)),
        ],
        out_shape=[
            jax.ShapeDtypeStruct((n, hid), F32),
            jax.ShapeDtypeStruct((n, 1), F32),
        ],
    )(deg_p, xp, W1)


def _stage2(s1_p, g1, dinv, bm):
    n, hid = g1.shape
    grid = n // bm

    def body(sp_ref, g1_ref, dinv_ref, g2_ref):
        s = sp_ref[0] + sp_ref[1] + g1_ref[...]
        t = jnp.maximum(s * dinv_ref[...], 0.0)
        g2_ref[...] = t * dinv_ref[...]

    return pl.pallas_call(
        body,
        grid=(grid,),
        in_specs=[
            pl.BlockSpec((NC, bm, hid), lambda i: (0, i, 0)),
            pl.BlockSpec((bm, hid), lambda i: (i, 0)),
            pl.BlockSpec((bm, 1), lambda i: (i, 0)),
        ],
        out_specs=pl.BlockSpec((bm, hid), lambda i: (i, 0)),
        out_shape=jax.ShapeDtypeStruct((n, hid), F32),
    )(s1_p, g1, dinv)


def _stage3(s2_p, g2, dinv, batch2d, W2, n_graphs, bm):
    n, hid = g2.shape
    n_class = W2.shape[1]
    grid = n // bm

    def body(sp_ref, g2_ref, dinv_ref, b_ref, w_ref, out_ref, sums, counts):
        i = pl.program_id(0)

        @pl.when(i == 0)
        def _init():
            sums[...] = jnp.zeros_like(sums)
            counts[...] = jnp.zeros_like(counts)

        val = (sp_ref[0] + sp_ref[1] + g2_ref[...]) * dinv_ref[...]
        gids = lax.broadcasted_iota(jnp.int32, (1, n_graphs), 1)
        onehot = (b_ref[...] == gids).astype(F32)
        sums[...] += lax.dot_general(
            onehot, val, (((0,), (0,)), ((), ())),
            preferred_element_type=F32)
        counts[...] += lax.dot_general(
            onehot, jnp.ones((bm, 1), F32), (((0,), (0,)), ((), ())),
            preferred_element_type=F32)

        @pl.when(i == grid - 1)
        def _fin():
            mean = sums[...] / jnp.maximum(counts[...], 1.0)
            out_ref[...] = jnp.dot(mean, w_ref[...],
                                   preferred_element_type=F32)

    return pl.pallas_call(
        body,
        grid=(grid,),
        in_specs=[
            pl.BlockSpec((NC, bm, hid), lambda i: (0, i, 0)),
            pl.BlockSpec((bm, hid), lambda i: (i, 0)),
            pl.BlockSpec((bm, 1), lambda i: (i, 0)),
            pl.BlockSpec((bm, 1), lambda i: (i, 0)),
            pl.BlockSpec((hid, n_class), lambda i: (0, 0)),
        ],
        out_specs=pl.BlockSpec((n_graphs, n_class), lambda i: (0, 0)),
        out_shape=jax.ShapeDtypeStruct((n_graphs, n_class), F32),
        scratch_shapes=[
            pltpu.VMEM((n_graphs, hid), F32),
            pltpu.VMEM((n_graphs, 1), F32),
        ],
    )(s2_p, g2, dinv, batch2d, W2)


def kernel(x, edge_index, batch, W1, W2):
    n, f = x.shape
    n_edges = edge_index.shape[1]
    hid = W1.shape[1]
    n_graphs = 128
    chunk = 128
    np_ = 10240
    bm = 5120
    ep = 327680
    epw = ep // NW
    n_chunks = epw // chunk

    ei = edge_index.astype(jnp.int32)
    pad_e = n + jnp.arange(ep - n_edges, dtype=jnp.int32) % (np_ - n)
    srcp = jnp.concatenate([ei[0], pad_e])
    dstp = jnp.concatenate([ei[1], pad_e])
    src3 = srcp.reshape(NW, n_chunks, chunk)
    dst3 = dstp.reshape(NW, n_chunks, chunk)
    dst2 = dstp.reshape(NW, epw)
    zh = jnp.zeros((np_, hid), F32)
    xp = jnp.zeros((np_, f), F32).at[:n, :].set(x)
    batch2d = jnp.full((np_, 1), n_graphs, jnp.int32).at[:n, 0].set(
        batch.astype(jnp.int32))

    deg_p = _make_deg_kernel(np_, epw)(dst2)
    g1, dinv = _stage1(deg_p, xp, W1, bm)
    agg = _make_edge_agg_kernel(np_, n_chunks, hid)
    s1_p = agg(g1, src3, dst3, zh)
    g2 = _stage2(s1_p, g1, dinv, bm)
    s2_p = agg(g2, src3, dst3, zh)
    return _stage3(s2_p, g2, dinv, batch2d, W2, n_graphs, bm)

# --- scband reference (transcript-rebuilt; emitter-appended) ---
"""Pipeline reference for scband-train-gcn-2190433321519 (READ-ONLY COPY).

The authoritative reference and input builder live on the scoring server;
editing this copy changes nothing except your own understanding.
"""

import jax, jax.numpy as jnp
import numpy as np

N_NODES = 10000
N_EDGES = 320000
NFEAT = 128
HIDDEN = 128
NCLASS = 40
N_GRAPHS = 128


def setup_inputs(seed: int = 0) -> dict:
    key = jax.random.key(seed)
    k1, k2, k3, k4, k5 = jax.random.split(key, 5)
    x = jax.random.normal(k1, (N_NODES, NFEAT), dtype=jnp.float32)
    edge_index = jax.random.randint(k2, (2, N_EDGES), 0, N_NODES)
    batch = jnp.sort(jax.random.randint(k3, (N_NODES,), 0, N_GRAPHS))
    W1 = jax.random.normal(k4, (NFEAT, HIDDEN), dtype=jnp.float32) * 0.05
    W2 = jax.random.normal(k5, (HIDDEN, NCLASS), dtype=jnp.float32) * 0.05
    return {"x": x, "edge_index": edge_index, "batch": batch, "W1": W1, "W2": W2}


def gcn_conv(x, edge_index, W):
    # GCNConv with add_self_loops=True, normalize=True, bias=False
    N = x.shape[0]
    loop = jnp.arange(N, dtype=edge_index.dtype)
    src = jnp.concatenate([edge_index[0], loop])
    dst = jnp.concatenate([edge_index[1], loop])
    deg = jnp.zeros((N,), dtype=x.dtype).at[dst].add(1.0)
    dinv = jnp.where(deg > 0, deg ** -0.5, 0.0)
    norm = dinv[src] * dinv[dst]
    h = x @ W  # linear transform (no bias)
    msg = h[src] * norm[:, None]  # gather + scale
    out = jnp.zeros((N, W.shape[1]), dtype=x.dtype).at[dst].add(msg)  # scatter-add
    return out


def reference(x, edge_index, batch, W1, W2):
    h = gcn_conv(x, edge_index, W1)
    h = jax.nn.relu(h)
    h = gcn_conv(h, edge_index, W2)
    # global_mean_pool
    sums = jax.ops.segment_sum(h, batch, num_segments=N_GRAPHS)
    counts = jax.ops.segment_sum(jnp.ones((h.shape[0], 1), dtype=h.dtype), batch, num_segments=N_GRAPHS)
    return sums / jnp.clip(counts, 1.0)

if __name__ == "__main__":
    import jax
    _d = setup_inputs()
    print(jax.jit(kernel)(*tuple(_d.values())))

</pallas_src>

<mosaic_0001>
#map = affine_map<(d0, d1) -> (0, 0)>
#map1 = affine_map<(d0, d1) -> (0, 0, 0)>
module attributes {stable_mosaic.version = 14 : i64} {
  func.func @agg_kernel(%arg0: i32, %arg1: i32, %arg2: memref<10240x128xf32, #tpu.memory_space<hbm>>, %arg3: memref<32x80x128xi32, #tpu.memory_space<hbm>>, %arg4: memref<32x80x128xi32, #tpu.memory_space<hbm>>, %arg5: memref<10240x128xf32, #tpu.memory_space<hbm>>, %arg6: memref<2x10240x128xf32, #tpu.memory_space<hbm>>, %arg7: memref<80x128xi32, #tpu.memory_space<vmem>>, %arg8: memref<16x128xi32, #tpu.memory_space<vmem>>, %arg9: memref<2x128x128xf32, #tpu.memory_space<vmem>>, %arg10: memref<10240x128xf32, #tpu.memory_space<vmem_shared>>, %arg11: memref<!tpu.dma_semaphore, #tpu.memory_space<semaphore_mem>>, %arg12: memref<!tpu.dma_semaphore, #tpu.memory_space<semaphore_mem>>, %arg13: memref<!tpu.dma_semaphore, #tpu.memory_space<semaphore_mem>>, %arg14: memref<!tpu.dma_semaphore, #tpu.memory_space<semaphore_mem>>, %arg15: memref<!tpu.dma_semaphore, #tpu.memory_space<semaphore_mem>>) attributes {dimension_semantics = [#tpu.dimension_semantics<core_parallel>, #tpu.dimension_semantics<subcore_parallel>], iteration_bounds = array<i64: 2, 16>, scalar_prefetch = 0 : i64, scratch_operands = 9 : i64, tpu.core_type = #tpu.core_type<sc_vector_subcore>, window_params = [{transform_indices = #map}, {transform_indices = #map1}, {transform_indices = #map1}, {transform_indices = #map}, {transform_indices = #map1}]} {
    %mul3A = arith.constant 640 : i32
    %mul3A_0 = arith.muli %arg1, %mul3A : i32
    %multiple_of3A = tpu.assume_multiple %mul3A_0, 128 : i32
    "tpu.region"() ({
      %run_scoped3A = tpu.sem_alloc : memref<!tpu.dma_semaphore, #tpu.memory_space<semaphore_mem>>
      %dma_start3A_22 = arith.constant 0 : i32
      %dma_start3A_23 = tpu.memref_slice %arg10[%multiple_of3A, %dma_start3A_22] : memref<10240x128xf32, #tpu.memory_space<vmem_shared>> -> memref<640x128xf32, #tpu.memory_space<vmem_shared>>
      %dma_start3A_24 = arith.constant 0 : i32
      %dma_start3A_25 = tpu.memref_slice %arg5[%multiple_of3A, %dma_start3A_24] : memref<10240x128xf32, #tpu.memory_space<hbm>> -> memref<640x128xf32, #tpu.memory_space<hbm>>
      tpu.enqueue_dma source(%dma_start3A_25 : memref<640x128xf32, #tpu.memory_space<hbm>>) target(%dma_start3A_23 : memref<640x128xf32, #tpu.memory_space<vmem_shared>>) target_semaphore(%run_scoped3A : memref<!tpu.dma_semaphore, #tpu.memory_space<semaphore_mem>>)
      %dma_wait3A = arith.constant 0 : i32
      %dma_wait3A_26 = tpu.memref_slice %arg10[%multiple_of3A, %dma_wait3A] : memref<10240x128xf32, #tpu.memory_space<vmem_shared>> -> memref<640x128xf32, #tpu.memory_space<vmem_shared>>
      %dma_wait3A_27 = arith.constant 0 : i32
      %dma_wait3A_28 = tpu.memref_slice %arg5[%multiple_of3A, %dma_wait3A_27] : memref<10240x128xf32, #tpu.memory_space<hbm>> -> memref<640x128xf32, #tpu.memory_space<hbm>>
      tpu.wait_dma2 semaphore(%run_scoped3A : memref<!tpu.dma_semaphore, #tpu.memory_space<semaphore_mem>>) src(%dma_wait3A_28 : memref<640x128xf32, #tpu.memory_space<hbm>>) dst(%dma_wait3A_26 : memref<640x128xf32, #tpu.memory_space<vmem_shared>>)
      tpu.yield
    }) : () -> ()
    %mul3A_1 = arith.constant 16 : i32
    %mul3A_2 = arith.muli %arg0, %mul3A_1 : i32
    %add3A = arith.addi %mul3A_2, %arg1 : i32
    "tpu.region"() ({
      %run_scoped3A = tpu.sem_alloc : memref<!tpu.dma_semaphore, #tpu.memory_space<semaphore_mem>>
      %dma_start3A_22 = arith.constant 0 : i32
      %dma_start3A_23 = arith.constant 0 : i32
      %dma_start3A_24 = tpu.memref_slice %arg3[%add3A, %dma_start3A_22, %dma_start3A_23] : memref<32x80x128xi32, #tpu.memory_space<hbm>> -> memref<1x80x128xi32, #tpu.memory_space<hbm>>
      %dma_start3A_25 = tpu.memref_squeeze %dma_start3A_24 : memref<1x80x128xi32, #tpu.memory_space<hbm>> -> memref<80x128xi32, #tpu.memory_space<hbm>>
      %dma_start3A_26 = arith.constant 0 : i32
      %dma_start3A_27 = arith.constant 0 : i32
      %dma_start3A_28 = tpu.memref_slice %arg3[%add3A, %dma_start3A_26, %dma_start3A_27] : memref<32x80x128xi32, #tpu.memory_space<hbm>> -> memref<1x80x128xi32, #tpu.memory_space<hbm>>
      %dma_start3A_29 = tpu.memref_squeeze %dma_start3A_28 : memref<1x80x128xi32, #tpu.memory_space<hbm>> -> memref<80x128xi32, #tpu.memory_space<hbm>>
      tpu.enqueue_dma source(%dma_start3A_29 : memref<80x128xi32, #tpu.memory_space<hbm>>) target(%arg7 : memref<80x128xi32, #tpu.memory_space<vmem>>) target_semaphore(%run_scoped3A : memref<!tpu.dma_semaphore, #tpu.memory_space<semaphore_mem>>)
      %dma_wait3A = arith.constant 0 : i32
      %dma_wait3A_30 = arith.constant 0 : i32
      %dma_wait3A_31 = tpu.memref_slice %arg3[%add3A, %dma_wait3A, %dma_wait3A_30] : memref<32x80x128xi32, #tpu.memory_space<hbm>> -> memref<1x80x128xi32, #tpu.memory_space<hbm>>
      %dma_wait3A_32 = tpu.memref_squeeze %dma_wait3A_31 : memref<1x80x128xi32, #tpu.memory_space<hbm>> -> memref<80x128xi32, #tpu.memory_space<hbm>>
      %dma_wait3A_33 = arith.constant 0 : i32
      %dma_wait3A_34 = arith.constant 0 : i32
      %dma_wait3A_35 = tpu.memref_slice %arg3[%add3A, %dma_wait3A_33, %dma_wait3A_34] : memref<32x80x128xi32, #tpu.memory_space<hbm>> -> memref<1x80x128xi32, #tpu.memory_space<hbm>>
      %dma_wait3A_36 = tpu.memref_squeeze %dma_wait3A_35 : memref<1x80x128xi32, #tpu.memory_space<hbm>> -> memref<80x128xi32, #tpu.memory_space<hbm>>
      tpu.wait_dma2 semaphore(%run_scoped3A : memref<!tpu.dma_semaphore, #tpu.memory_space<semaphore_mem>>) src(%dma_wait3A_36 : memref<80x128xi32, #tpu.memory_space<hbm>>) dst(%arg7 : memref<80x128xi32, #tpu.memory_space<vmem>>)
      tpu.yield
    }) : () -> ()
    %dma_start3A = arith.constant 0 : i32
    %dma_start3A_3 = arith.constant 0 : i32
    %dma_start3A_4 = arith.constant 0 : i32
    %dma_start3A_5 = arith.constant 0 : i32
    %dma_start3A_6 = tpu.memref_slice %arg9[%dma_start3A_3, %dma_start3A_4, %dma_start3A_5] : memref<2x128x128xf32, #tpu.memory_space<vmem>> -> memref<1x128x128xf32, #tpu.memory_space<vmem>>
    %dma_start3A_7 = tpu.memref_squeeze %dma_start3A_6 : memref<1x128x128xf32, #tpu.memory_space<vmem>> -> memref<128x128xf32, #tpu.memory_space<vmem>>
    %dma_start3A_8 = arith.constant 0 : i32
    %dma_start3A_9 = tpu.memref_slice %arg7[%dma_start3A, %dma_start3A_8] : memref<80x128xi32, #tpu.memory_space<vmem>> -> memref<1x128xi32, #tpu.memory_space<vmem>>
    %dma_start3A_10 = tpu.memref_squeeze %dma_start3A_9 : memref<1x128xi32, #tpu.memory_space<vmem>> -> memref<128xi32, #tpu.memory_space<vmem>>
    %dma_start3A_11 = arith.constant 0 : i32
    %dma_start3A_12 = arith.constant 0 : i32
    %dma_start3A_13 = tpu.memref_slice %arg2[%dma_start3A_11, %dma_start3A_12] : memref<10240x128xf32, #tpu.memory_space<hbm>> -> memref<10240x128xf32, #tpu.memory_space<hbm>>
    tpu.enqueue_indirect_dma source(%dma_start3A_13 : memref<10240x128xf32, #tpu.memory_space<hbm>>) target(%dma_start3A_7 : memref<128x128xf32, #tpu.memory_space<vmem>>) offsets(%dma_start3A_10 : memref<128xi32, #tpu.memory_space<vmem>>) semaphore(%arg11 : memref<!tpu.dma_semaphore, #tpu.memory_space<semaphore_mem>>)
    %barrier3A = arith.constant 0 : index
    tpu.barrier barrier_id(%barrier3A)
    %scan3A = arith.constant 0 : i32
    %scan3A_14 = arith.constant 0 : i32
    %scan3A_15 = arith.constant 0 : i32
    %scan3A_16 = arith.constant 0 : i32
    %scan3A_17 = arith.constant 5 : i32
    %scan3A_18 = arith.addi %scan3A_16, %scan3A_17 : i32
    %scan3A_19 = arith.constant 1 : i32
    scf.for %scan3A_22 = %scan3A_16 to %scan3A_18 step %scan3A_19  : i32 {
      %mul3A_23 = arith.constant 16 : i32
      %mul3A_24 = arith.muli %scan3A_22, %mul3A_23 : i32
      %multiple_of3A_25 = tpu.assume_multiple %mul3A_24, 16 : i32
      %dma_start3A_26 = arith.constant 0 : i32
      %dma_start3A_27 = tpu.memref_slice %arg4[%add3A, %multiple_of3A_25, %dma_start3A_26] : memref<32x80x128xi32, #tpu.memory_space<hbm>> -> memref<1x16x128xi32, #tpu.memory_space<hbm>>
      %dma_start3A_28 = tpu.memref_squeeze %dma_start3A_27 : memref<1x16x128xi32, #tpu.memory_space<hbm>> -> memref<16x128xi32, #tpu.memory_space<hbm>>
      %dma_start3A_29 = arith.constant 0 : i32
      %dma_start3A_30 = tpu.memref_slice %arg4[%add3A, %multiple_of3A_25, %dma_start3A_29] : memref<32x80x128xi32, #tpu.memory_space<hbm>> -> memref<1x16x128xi32, #tpu.memory_space<hbm>>
      %dma_start3A_31 = tpu.memref_squeeze %dma_start3A_30 : memref<1x16x128xi32, #tpu.memory_space<hbm>> -> memref<16x128xi32, #tpu.memory_space<hbm>>
      tpu.enqueue_dma source(%dma_start3A_31 : memref<16x128xi32, #tpu.memory_space<hbm>>) target(%arg8 : memref<16x128xi32, #tpu.memory_space<vmem>>) target_semaphore(%arg15 : memref<!tpu.dma_semaphore, #tpu.memory_space<semaphore_mem>>)
      %mul3A_32 = arith.constant 16 : i32
      %mul3A_33 = arith.muli %scan3A_22, %mul3A_32 : i32
      %add3A_34 = arith.constant 0 : i32
      %add3A_35 = arith.addi %mul3A_33, %add3A_34 : i32
      %add3A_36 = arith.constant 1 : i32
      %add3A_37 = arith.addi %add3A_35, %add3A_36 : i32
      %dma_start3A_38 = arith.constant 1 : i32
      %dma_start3A_39 = arith.constant 0 : i32
      %dma_start3A_40 = arith.constant 0 : i32
      %dma_start3A_41 = tpu.memref_slice %arg9[%dma_start3A_38, %dma_start3A_39, %dma_start3A_40] : memref<2x128x128xf32, #tpu.memory_space<vmem>> -> memref<1x128x128xf32, #tpu.memory_space<vmem>>
      %dma_start3A_42 = tpu.memref_squeeze %dma_start3A_41 : memref<1x128x128xf32, #tpu.memory_space<vmem>> -> memref<128x128xf32, #tpu.memory_space<vmem>>
      %dma_start3A_43 = arith.constant 0 : i32
      %dma_start3A_44 = tpu.memref_slice %arg7[%add3A_37, %dma_start3A_43] : memref<80x128xi32, #tpu.memory_space<vmem>> -> memref<1x128xi32, #tpu.memory_space<vmem>>
      %dma_start3A_45 = tpu.memref_squeeze %dma_start3A_44 : memref<1x128xi32, #tpu.memory_space<vmem>> -> memref<128xi32, #tpu.memory_space<vmem>>
      %dma_start3A_46 = arith.constant 0 : i32
      %dma_start3A_47 = arith.constant 0 : i32
      %dma_start3A_48 = tpu.memref_slice %arg2[%dma_start3A_46, %dma_start3A_47] : memref<10240x128xf32, #tpu.memory_space<hbm>> -> memref<10240x128xf32, #tpu.memory_space<hbm>>
      tpu.enqueue_indirect_dma source(%dma_start3A_48 : memref<10240x128xf32, #tpu.memory_space<hbm>>) target(%dma_start3A_42 : memref<128x128xf32, #tpu.memory_space<vmem>>) offsets(%dma_start3A_45 : memref<128xi32, #tpu.memory_space<vmem>>) semaphore(%arg12 : memref<!tpu.dma_semaphore, #tpu.memory_space<semaphore_mem>>)
      %dma_wait3A = arith.constant 0 : i32
      %dma_wait3A_49 = arith.constant 0 : i32
      %dma_wait3A_50 = tpu.memref_slice %arg9[%scan3A_15, %dma_wait3A, %dma_wait3A_49] : memref<2x128x128xf32, #tpu.memory_space<vmem>> -> memref<1x128x128xf32, #tpu.memory_space<vmem>>
      %dma_wait3A_51 = tpu.memref_squeeze %dma_wait3A_50 : memref<1x128x128xf32, #tpu.memory_space<vmem>> -> memref<128x128xf32, #tpu.memory_space<vmem>>
      %dma_wait3A_52 = arith.constant 0 : i32
      %dma_wait3A_53 = tpu.memref_slice %arg7[%scan3A_14, %dma_wait3A_52] : memref<80x128xi32, #tpu.memory_space<vmem>> -> memref<1x128xi32, #tpu.memory_space<vmem>>
      %dma_wait3A_54 = tpu.memref_squeeze %dma_wait3A_53 : memref<1x128xi32, #tpu.memory_space<vmem>> -> memref<128xi32, #tpu.memory_space<vmem>>
      %dma_wait3A_55 = arith.constant 0 : i32
      %dma_wait3A_56 = arith.constant 0 : i32
      %dma_wait3A_57 = tpu.memref_slice %arg2[%dma_wait3A_55, %dma_wait3A_56] : memref<10240x128xf32, #tpu.memory_space<hbm>> -> memref<10240x128xf32, #tpu.memory_space<hbm>>
      tpu.wait_indirect_dma semaphore(%arg11 : memref<!tpu.dma_semaphore, #tpu.memory_space<semaphore_mem>>) src(%dma_wait3A_57 : memref<10240x128xf32, #tpu.memory_space<hbm>>) dst(%dma_wait3A_51 : memref<128x128xf32, #tpu.memory_space<vmem>>)
      %dma_wait3A_58 = arith.constant 0 : i32
      %dma_wait3A_59 = tpu.memref_slice %arg4[%add3A, %multiple_of3A_25, %dma_wait3A_58] : memref<32x80x128xi32, #tpu.memory_space<hbm>> -> memref<1x16x128xi32, #tpu.memory_space<hbm>>
      %dma_wait3A_60 = tpu.memref_squeeze %dma_wait3A_59 : memref<1x16x128xi32, #tpu.memory_space<hbm>> -> memref<16x128xi32, #tpu.memory_space<hbm>>
      %dma_wait3A_61 = arith.constant 0 : i32
      %dma_wait3A_62 = tpu.memref_slice %arg4[%add3A, %multiple_of3A_25, %dma_wait3A_61] : memref<32x80x128xi32, #tpu.memory_space<hbm>> -> memref<1x16x128xi32, #tpu.memory_space<hbm>>
      %dma_wait3A_63 = tpu.memref_squeeze %dma_wait3A_62 : memref<1x16x128xi32, #tpu.memory_space<hbm>> -> memref<16x128xi32, #tpu.memory_space<hbm>>
      tpu.wait_dma2 semaphore(%arg15 : memref<!tpu.dma_semaphore, #tpu.memory_space<semaphore_mem>>) src(%dma_wait3A_63 : memref<16x128xi32, #tpu.memory_space<hbm>>) dst(%arg8 : memref<16x128xi32, #tpu.memory_space<vmem>>)
      %dma_start3A_64 = arith.constant 0 : i32
      %dma_start3A_65 = arith.constant 0 : i32
      %dma_start3A_66 = arith.constant 0 : i32
      %dma_start3A_67 = arith.constant 0 : i32
      %dma_start3A_68 = tpu.memref_slice %arg9[%dma_start3A_64, %dma_start3A_66, %dma_start3A_67] : memref<2x128x128xf32, #tpu.memory_space<vmem>> -> memref<1x128x128xf32, #tpu.memory_space<vmem>>
      %dma_start3A_69 = tpu.memref_squeeze %dma_start3A_68 : memref<1x128x128xf32, #tpu.memory_space<vmem>> -> memref<128x128xf32, #tpu.memory_space<vmem>>
      %dma_start3A_70 = arith.constant 0 : i32
      %dma_start3A_71 = tpu.memref_slice %arg8[%dma_start3A_65, %dma_start3A_70] : memref<16x128xi32, #tpu.memory_space<vmem>> -> memref<1x128xi32, #tpu.memory_space<vmem>>
      %dma_start3A_72 = tpu.memref_squeeze %dma_start3A_71 : memref<1x128xi32, #tpu.memory_space<vmem>> -> memref<128xi32, #tpu.memory_space<vmem>>
      %dma_start3A_73 = arith.constant 0 : i32
      %dma_start3A_74 = arith.constant 0 : i32
      %dma_start3A_75 = tpu.memref_slice %arg10[%dma_start3A_73, %dma_start3A_74] : memref<10240x128xf32, #tpu.memory_space<vmem_shared>> -> memref<10240x128xf32, #tpu.memory_space<vmem_shared>>
      tpu.enqueue_indirect_dma source(%dma_start3A_69 : memref<128x128xf32, #tpu.memory_space<vmem>>) target(%dma_start3A_75 : memref<10240x128xf32, #tpu.memory_space<vmem_shared>>) offsets(%dma_start3A_72 : memref<128xi32, #tpu.memory_space<vmem>>) semaphore(%arg13 : memref<!tpu.dma_semaphore, #tpu.memory_space<semaphore_mem>>) {add = true}
      %dma_wait3A_76 = arith.constant 0 : i32
      %dma_wait3A_77 = arith.constant 0 : i32
      %dma_wait3A_78 = arith.constant 0 : i32
      %dma_wait3A_79 = arith.constant 0 : i32
      %dma_wait3A_80 = tpu.memref_slice %arg9[%dma_wait3A_76, %dma_wait3A_78, %dma_wait3A_79] : memref<2x128x128xf32, #tpu.memory_space<vmem>> -> memref<1x128x128xf32, #tpu.memory_space<vmem>>
      %dma_wait3A_81 = tpu.memref_squeeze %dma_wait3A_80 : memref<1x128x128xf32, #tpu.memory_space<vmem>> -> memref<128x128xf32, #tpu.memory_space<vmem>>
      %dma_wait3A_82 = arith.constant 0 : i32
      %dma_wait3A_83 = tpu.memref_slice %arg8[%dma_wait3A_77, %dma_wait3A_82] : memref<16x128xi32, #tpu.memory_space<vmem>> -> memref<1x128xi32, #tpu.memory_space<vmem>>
      %dma_wait3A_84 = tpu.memref_squeeze %dma_wait3A_83 : memref<1x128xi32, #tpu.memory_space<vmem>> -> memref<128xi32, #tpu.memory_space<vmem>>
      %dma_wait3A_85 = arith.constant 0 : i32
      %dma_wait3A_86 = arith.constant 0 : i32
      %dma_wait3A_87 = tpu.memref_slice %arg10[%dma_wait3A_85, %dma_wait3A_86] : memref<10240x128xf32, #tpu.memory_space<vmem_shared>> -> memref<10240x128xf32, #tpu.memory_space<vmem_shared>>
      tpu.wait_indirect_dma semaphore(%arg13 : memref<!tpu.dma_semaphore, #tpu.memory_space<semaphore_mem>>) src(%dma_wait3A_81 : memref<128x128xf32, #tpu.memory_space<vmem>>) dst(%dma_wait3A_87 : memref<10240x128xf32, #tpu.memory_space<vmem_shared>>)
      %mul3A_88 = arith.constant 16 : i32
      %mul3A_89 = arith.muli %scan3A_22, %mul3A_88 : i32
      %add3A_90 = arith.constant 1 : i32
      %add3A_91 = arith.addi %mul3A_89, %add3A_90 : i32
      %add3A_92 = arith.constant 1 : i32
      %add3A_93 = arith.addi %add3A_91, %add3A_92 : i32
      %dma_start3A_94 = arith.constant 0 : i32
      %dma_start3A_95 = arith.constant 0 : i32
      %dma_start3A_96 = arith.constant 0 : i32
      %dma_start3A_97 = tpu.memref_slice %arg9[%dma_start3A_94, %dma_start3A_95, %dma_start3A_96] : memref<2x128x128xf32, #tpu.memory_space<vmem>> -> memref<1x128x128xf32, #tpu.memory_space<vmem>>
      %dma_start3A_98 = tpu.memref_squeeze %dma_start3A_97 : memref<1x128x128xf32, #tpu.memory_space<vmem>> -> memref<128x128xf32, #tpu.memory_space<vmem>>
      %dma_start3A_99 = arith.constant 0 : i32
      %dma_start3A_100 = tpu.memref_slice %arg7[%add3A_93, %dma_start3A_99] : memref<80x128xi32, #tpu.memory_space<vmem>> -> memref<1x128xi32, #tpu.memory_space<vmem>>
      %dma_start3A_101 = tpu.memref_squeeze %dma_start3A_100 : memref<1x128xi32, #tpu.memory_space<vmem>> -> memref<128xi32, #tpu.memory_space<vmem>>
      %dma_start3A_102 = arith.constant 0 : i32
      %dma_start3A_103 = arith.constant 0 : i32
      %dma_start3A_104 = tpu.memref_slice %arg2[%dma_start3A_102, %dma_start3A_103] : memref<10240x128xf32, #tpu.memory_space<hbm>> -> memref<10240x128xf32, #tpu.memory_space<hbm>>
      tpu.enqueue_indirect_dma source(%dma_start3A_104 : memref<10240x128xf32, #tpu.memory_space<hbm>>) target(%dma_start3A_98 : memref<128x128xf32, #tpu.memory_space<vmem>>) offsets(%dma_start3A_101 : memref<128xi32, #tpu.memory_space<vmem>>) semaphore(%arg11 : memref<!tpu.dma_semaphore, #tpu.memory_space<semaphore_mem>>)
      %dma_wait3A_105 = arith.constant 1 : i32
      %dma_wait3A_106 = arith.constant 0 : i32
      %dma_wait3A_107 = arith.constant 0 : i32
      %dma_wait3A_108 = tpu.memref_slice %arg9[%dma_wait3A_105, %dma_wait3A_106, %dma_wait3A_107] : memref<2x128x128xf32, #tpu.memory_space<vmem>> -> memref<1x128x128xf32, #tpu.memory_space<vmem>>
      %dma_wait3A_109 = tpu.memref_squeeze %dma_wait3A_108 : memref<1x128x128xf32, #tpu.memory_space<vmem>> -> memref<128x128xf32, #tpu.memory_space<vmem>>
      %dma_wait3A_110 = arith.constant 0 : i32
      %dma_wait3A_111 = tpu.memref_slice %arg7[%add3A_37, %dma_wait3A_110] : memref<80x128xi32, #tpu.memory_space<vmem>> -> memref<1x128xi32, #tpu.memory_space<vmem>>
      %dma_wait3A_112 = tpu.memref_squeeze %dma_wait3A_111 : memref<1x128xi32, #tpu.memory_space<vmem>> -> memref<128xi32, #tpu.memory_space<vmem>>
      %dma_wait3A_113 = arith.constant 0 : i32
      %dma_wait3A_114 = arith.constant 0 : i32
      %dma_wait3A_115 = tpu.memref_slice %arg2[%dma_wait3A_113, %dma_wait3A_114] : memref<10240x128xf32, #tpu.memory_space<hbm>> -> memref<10240x128xf32, #tpu.memory_space<hbm>>
      tpu.wait_indirect_dma semaphore(%arg12 : memref<!tpu.dma_semaphore, #tpu.memory_space<semaphore_mem>>) src(%dma_wait3A_115 : memref<10240x128xf32, #tpu.memory_space<hbm>>) dst(%dma_wait3A_109 : memref<128x128xf32, #tpu.memory_space<vmem>>)
      %dma_start3A_116 = arith.constant 1 : i32
      %dma_start3A_117 = arith.constant 1 : i32
      %dma_start3A_118 = arith.constant 0 : i32
      %dma_start3A_119 = arith.constant 0 : i32
      %dma_start3A_120 = tpu.memref_slice %arg9[%dma_start3A_116, %dma_start3A_118, %dma_start3A_119] : memref<2x128x128xf32, #tpu.memory_space<vmem>> -> memref<1x128x128xf32, #tpu.memory_space<vmem>>
      %dma_start3A_121 = tpu.memref_squeeze %dma_start3A_120 : memref<1x128x128xf32, #tpu.memory_space<vmem>> -> memref<128x128xf32, #tpu.memory_space<vmem>>
      %dma_start3A_122 = arith.constant 0 : i32
      %dma_start3A_123 = tpu.memref_slice %arg8[%dma_start3A_117, %dma_start3A_122] : memref<16x128xi32, #tpu.memory_space<vmem>> -> memref<1x128xi32, #tpu.memory_space<vmem>>
      %dma_start3A_124 = tpu.memref_squeeze %dma_start3A_123 : memref<1x128xi32, #tpu.memory_space<vmem>> -> memref<128xi32, #tpu.memory_space<vmem>>
      %dma_start3A_125 = arith.constant 0 : i32
      %dma_start3A_126 = arith.constant 0 : i32
      %dma_start3A_127 = tpu.memref_slice %arg10[%dma_start3A_125, %dma_start3A_126] : memref<10240x128xf32, #tpu.memory_space<vmem_shared>> -> memref<10240x128xf32, #tpu.memory_space<vmem_shared>>
      tpu.enqueue_indirect_dma source(%dma_start3A_121 : memref<128x128xf32, #tpu.memory_space<vmem>>) target(%dma_start3A_127 : memref<10240x128xf32, #tpu.memory_space<vmem_shared>>) offsets(%dma_start3A_124 : memref<128xi32, #tpu.memory_space<vmem>>) semaphore(%arg14 : memref<!tpu.dma_semaphore, #tpu.memory_space<semaphore_mem>>) {add = true}
      %dma_wait3A_128 = arith.constant 1 : i32
      %dma_wait3A_129 = arith.constant 1 : i32
      %dma_wait3A_130 = arith.constant 0 : i32
      %dma_wait3A_131 = arith.constant 0 : i32
      %dma_wait3A_132 = tpu.memref_slice %arg9[%dma_wait3A_128, %dma_wait3A_130, %dma_wait3A_131] : memref<2x128x128xf32, #tpu.memory_space<vmem>> -> memref<1x128x128xf32, #tpu.memory_space<vmem>>
      %dma_wait3A_133 = tpu.memref_squeeze %dma_wait3A_132 : memref<1x128x128xf32, #tpu.memory_space<vmem>> -> memref<128x128xf32, #tpu.memory_space<vmem>>
      %dma_wait3A_134 = arith.constant 0 : i32
      %dma_wait3A_135 = tpu.memref_slice %arg8[%dma_wait3A_129, %dma_wait3A_134] : memref<16x128xi32, #tpu.memory_space<vmem>> -> memref<1x128xi32, #tpu.memory_space<vmem>>
      %dma_wait3A_136 = tpu.memref_squeeze %dma_wait3A_135 : memref<1x128xi32, #tpu.memory_space<vmem>> -> memref<128xi32, #tpu.memory_space<vmem>>
      %dma_wait3A_137 = arith.constant 0 : i32
      %dma_wait3A_138 = arith.constant 0 : i32
      %dma_wait3A_139 = tpu.memref_slice %arg10[%dma_wait3A_137, %dma_wait3A_138] : memref<10240x128xf32, #tpu.memory_space<vmem_shared>> -> memref<10240x128xf32, #tpu.memory_space<vmem_shared>>
      tpu.wait_indirect_dma semaphore(%arg14 : memref<!tpu.dma_semaphore, #tpu.memory_space<semaphore_mem>>) src(%dma_wait3A_133 : memref<128x128xf32, #tpu.memory_space<vmem>>) dst(%dma_wait3A_139 : memref<10240x128xf32, #tpu.memory_space<vmem_shared>>)
      %mul3A_140 = arith.constant 16 : i32
      %mul3A_141 = arith.muli %scan3A_22, %mul3A_140 : i32
      %add3A_142 = arith.constant 2 : i32
      %add3A_143 = arith.addi %mul3A_141, %add3A_142 : i32
      %add3A_144 = arith.constant 1 : i32
      %add3A_145 = arith.addi %add3A_143, %add3A_144 : i32
      %dma_start3A_146 = arith.constant 1 : i32
      %dma_start3A_147 = arith.constant 0 : i32
      %dma_start3A_148 = arith.constant 0 : i32
      %dma_start3A_149 = tpu.memref_slice %arg9[%dma_start3A_146, %dma_start3A_147, %dma_start3A_148] : memref<2x128x128xf32, #tpu.memory_space<vmem>> -> memref<1x128x128xf32, #tpu.memory_space<vmem>>
      %dma_start3A_150 = tpu.memref_squeeze %dma_start3A_149 : memref<1x128x128xf32, #tpu.memory_space<vmem>> -> memref<128x128xf32, #tpu.memory_space<vmem>>
      %dma_start3A_151 = arith.constant 0 : i32
      %dma_start3A_152 = tpu.memref_slice %arg7[%add3A_145, %dma_start3A_151] : memref<80x128xi32, #tpu.memory_space<vmem>> -> memref<1x128xi32, #tpu.memory_space<vmem>>
      %dma_start3A_153 = tpu.memref_squeeze %dma_start3A_152 : memref<1x128xi32, #tpu.memory_space<vmem>> -> memref<128xi32, #tpu.memory_space<vmem>>
      %dma_start3A_154 = arith.constant 0 : i32
      %dma_start3A_155 = arith.constant 0 : i32
      %dma_start3A_156 = tpu.memref_slice %arg2[%dma_start3A_154, %dma_start3A_155] : memref<10240x128xf32, #tpu.memory_space<hbm>> -> memref<10240x128xf32, #tpu.memory_space<hbm>>
      tpu.enqueue_indirect_dma source(%dma_start3A_156 : memref<10240x128xf32, #tpu.memory_space<hbm>>) target(%dma_start3A_150 : memref<128x128xf32, #tpu.memory_space<vmem>>) offsets(%dma_start3A_153 : memref<128xi32, #tpu.memory_space<vmem>>) semaphore(%arg12 : memref<!tpu.dma_semaphore, #tpu.memory_space<semaphore_mem>>)
      %dma_wait3A_157 = arith.constant 0 : i32
      %dma_wait3A_158 = arith.constant 0 : i32
      %dma_wait3A_159 = arith.constant 0 : i32
      %dma_wait3A_160 = tpu.memref_slice %arg9[%dma_wait3A_157, %dma_wait3A_158, %dma_wait3A_159] : memref<2x128x128xf32, #tpu.memory_space<vmem>> -> memref<1x128x128xf32, #tpu.memory_space<vmem>>
      %dma_wait3A_161 = tpu.memref_squeeze %dma_wait3A_160 : memref<1x128x128xf32, #tpu.memory_space<vmem>> -> memref<128x128xf32, #tpu.memory_space<vmem>>
      %dma_wait3A_162 = arith.constant 0 : i32
      %dma_wait3A_163 = tpu.memref_slice %arg7[%add3A_93, %dma_wait3A_162] : memref<80x128xi32, #tpu.memory_space<vmem>> -> memref<1x128xi32, #tpu.memory_space<vmem>>
      %dma_wait3A_164 = tpu.memref_squeeze %dma_wait3A_163 : memref<1x128xi32, #tpu.memory_space<vmem>> -> memref<128xi32, #tpu.memory_space<vmem>>
      %dma_wait3A_165 = arith.constant 0 : i32
      %dma_wait3A_166 = arith.constant 0 : i32
      %dma_wait3A_167 = tpu.memref_slice %arg2[%dma_wait3A_165, %dma_wait3A_166] : memref<10240x128xf32, #tpu.memory_space<hbm>> -> memref<10240x128xf32, #tpu.memory_space<hbm>>
      tpu.wait_indirect_dma semaphore(%arg11 : memref<!tpu.dma_semaphore, #tpu.memory_space<semaphore_mem>>) src(%dma_wait3A_167 : memref<10240x128xf32, #tpu.memory_space<hbm>>) dst(%dma_wait3A_161 : memref<128x128xf32, #tpu.memory_space<vmem>>)
      %dma_start3A_168 = arith.constant 0 : i32
      %dma_start3A_169 = arith.constant 2 : i32
      %dma_start3A_170 = arith.constant 0 : i32
      %dma_start3A_171 = arith.constant 0 : i32
      %dma_start3A_172 = tpu.memref_slice %arg9[%dma_start3A_168, %dma_start3A_170, %dma_start3A_171] : memref<2x128x128xf32, #tpu.memory_space<vmem>> -> memref<1x128x128xf32, #tpu.memory_space<vmem>>
      %dma_start3A_173 = tpu.memref_squeeze %dma_start3A_172 : memref<1x128x128xf32, #tpu.memory_space<vmem>> -> memref<128x128xf32, #tpu.memory_space<vmem>>
      %dma_start3A_174 = arith.constant 0 : i32
      %dma_start3A_175 = tpu.memref_slice %arg8[%dma_start3A_169, %dma_start3A_174] : memref<16x128xi32, #tpu.memory_space<vmem>> -> memref<1x128xi32, #tpu.memory_space<vmem>>
      %dma_start3A_176 = tpu.memref_squeeze %dma_start3A_175 : memref<1x128xi32, #tpu.memory_space<vmem>> -> memref<128xi32, #tpu.memory_space<vmem>>
      %dma_start3A_177 = arith.constant 0 : i32
      %dma_start3A_178 = arith.constant 0 : i32
      %dma_start3A_179 = tpu.memref_slice %arg10[%dma_start3A_177, %dma_start3A_178] : memref<10240x128xf32, #tpu.memory_space<vmem_shared>> -> memref<10240x128xf32, #tpu.memory_space<vmem_shared>>
      tpu.enqueue_indirect_dma source(%dma_start3A_173 : memref<128x128xf32, #tpu.memory_space<vmem>>) target(%dma_start3A_179 : memref<10240x128xf32, #tpu.memory_space<vmem_shared>>) offsets(%dma_start3A_176 : memref<128xi32, #tpu.memory_space<vmem>>) semaphore(%arg13 : memref<!tpu.dma_semaphore, #tpu.memory_space<semaphore_mem>>) {add = true}
      %dma_wait3A_180 = arith.constant 0 : i32
      %dma_wait3A_181 = arith.constant 2 : i32
      %dma_wait3A_182 = arith.constant 0 : i32
      %dma_wait3A_183 = arith.constant 0 : i32
      %dma_wait3A_184 = tpu.memref_slice %arg9[%dma_wait3A_180, %dma_wait3A_182, %dma_wait3A_183] : memref<2x128x128xf32, #tpu.memory_space<vmem>> -> memref<1x128x128xf32, #tpu.memory_space<vmem>>
      %dma_wait3A_185 = tpu.memref_squeeze %dma_wait3A_184 : memref<1x128x128xf32, #tpu.memory_space<vmem>> -> memref<128x128xf32, #tpu.memory_space<vmem>>
      %dma_wait3A_186 = arith.constant 0 : i32
      %dma_wait3A_187 = tpu.memref_slice %arg8[%dma_wait3A_181, %dma_wait3A_186] : memref<16x128xi32, #tpu.memory_space<vmem>> -> memref<1x128xi32, #tpu.memory_space<vmem>>
      %dma_wait3A_188 = tpu.memref_squeeze %dma_wait3A_187 : memref<1x128xi32, #tpu.memory_space<vmem>> -> memref<128xi32, #tpu.memory_space<vmem>>
      %dma_wait3A_189 = arith.constant 0 : i32
      %dma_wait3A_190 = arith.constant 0 : i32
      %dma_wait3A_191 = tpu.memref_slice %arg10[%dma_wait3A_189, %dma_wait3A_190] : memref<10240x128xf32, #tpu.memory_space<vmem_shared>> -> memref<10240x128xf32, #tpu.memory_space<vmem_shared>>
      tpu.wait_indirect_dma semaphore(%arg13 : memref<!tpu.dma_semaphore, #tpu.memory_space<semaphore_mem>>) src(%dma_wait3A_185 : memref<128x128xf32, #tpu.memory_space<vmem>>) dst(%dma_wait3A_191 : memref<10240x128xf32, #tpu.memory_space<vmem_shared>>)
      %mul3A_192 = arith.constant 16 : i32
      %mul3A_193 = arith.muli %scan3A_22, %mul3A_192 : i32
      %add3A_194 = arith.constant 3 : i32
      %add3A_195 = arith.addi %mul3A_193, %add3A_194 : i32
      %add3A_196 = arith.constant 1 : i32
      %add3A_197 = arith.addi %add3A_195, %add3A_196 : i32
      %dma_start3A_198 = arith.constant 0 : i32
      %dma_start3A_199 = arith.constant 0 : i32
      %dma_start3A_200 = arith.constant 0 : i32
      %dma_start3A_201 = tpu.memref_slice %arg9[%dma_start3A_198, %dma_start3A_199, %dma_start3A_200] : memref<2x128x128xf32, #tpu.memory_space<vmem>> -> memref<1x128x128xf32, #tpu.memory_space<vmem>>
      %dma_start3A_202 = tpu.memref_squeeze %dma_start3A_201 : memref<1x128x128xf32, #tpu.memory_space<vmem>> -> memref<128x128xf32, #tpu.memory_space<vmem>>
      %dma_start3A_203 = arith.constant 0 : i32
      %dma_start3A_204 = tpu.memref_slice %arg7[%add3A_197, %dma_start3A_203] : memref<80x128xi32, #tpu.memory_space<vmem>> -> memref<1x128xi32, #tpu.memory_space<vmem>>
      %dma_start3A_205 = tpu.memref_squeeze %dma_start3A_204 : memref<1x128xi32, #tpu.memory_space<vmem>> -> memref<128xi32, #tpu.memory_space<vmem>>
      %dma_start3A_206 = arith.constant 0 : i32
      %dma_start3A_207 = arith.constant 0 : i32
      %dma_start3A_208 = tpu.memref_slice %arg2[%dma_start3A_206, %dma_start3A_207] : memref<10240x128xf32, #tpu.memory_space<hbm>> -> memref<10240x128xf32, #tpu.memory_space<hbm>>
      tpu.enqueue_indirect_dma source(%dma_start3A_208 : memref<10240x128xf32, #tpu.memory_space<hbm>>) target(%dma_start3A_202 : memref<128x128xf32, #tpu.memory_space<vmem>>) offsets(%dma_start3A_205 : memref<128xi32, #tpu.memory_space<vmem>>) semaphore(%arg11 : memref<!tpu.dma_semaphore, #tpu.memory_space<semaphore_mem>>)
      %dma_wait3A_209 = arith.constant 1 : i32
      %dma_wait3A_210 = arith.constant 0 : i32
      %dma_wait3A_211 = arith.constant 0 : i32
      %dma_wait3A_212 = tpu.memref_slice %arg9[%dma_wait3A_209, %dma_wait3A_210, %dma_wait3A_211] : memref<2x128x128xf32, #tpu.memory_space<vmem>> -> memref<1x128x128xf32, #tpu.memory_space<vmem>>
      %dma_wait3A_213 = tpu.memref_squeeze %dma_wait3A_212 : memref<1x128x128xf32, #tpu.memory_space<vmem>> -> memref<128x128xf32, #tpu.memory_space<vmem>>
      %dma_wait3A_214 = arith.constant 0 : i32
      %dma_wait3A_215 = tpu.memref_slice %arg7[%add3A_145, %dma_wait3A_214] : memref<80x128xi32, #tpu.memory_space<vmem>> -> memref<1x128xi32, #tpu.memory_space<vmem>>
      %dma_wait3A_216 = tpu.memref_squeeze %dma_wait3A_215 : memref<1x128xi32, #tpu.memory_space<vmem>> -> memref<128xi32, #tpu.memory_space<vmem>>
      %dma_wait3A_217 = arith.constant 0 : i32
      %dma_wait3A_218 = arith.constant 0 : i32
      %dma_wait3A_219 = tpu.memref_slice %arg2[%dma_wait3A_217, %dma_wait3A_218] : memref<10240x128xf32, #tpu.memory_space<hbm>> -> memref<10240x128xf32, #tpu.memory_space<hbm>>
      tpu.wait_indirect_dma semaphore(%arg12 : memref<!tpu.dma_semaphore, #tpu.memory_space<semaphore_mem>>) src(%dma_wait3A_219 : memref<10240x128xf32, #tpu.memory_space<hbm>>) dst(%dma_wait3A_213 : memref<128x128xf32, #tpu.memory_space<vmem>>)
      %dma_start3A_220 = arith.constant 1 : i32
      %dma_start3A_221 = arith.constant 3 : i32
      %dma_start3A_222 = arith.constant 0 : i32
      %dma_start3A_223 = arith.constant 0 : i32
      %dma_start3A_224 = tpu.memref_slice %arg9[%dma_start3A_220, %dma_start3A_222, %dma_start3A_223] : memref<2x128x128xf32, #tpu.memory_space<vmem>> -> memref<1x128x128xf32, #tpu.memory_space<vmem>>
      %dma_start3A_225 = tpu.memref_squeeze %dma_start3A_224 : memref<1x128x128xf32, #tpu.memory_space<vmem>> -> memref<128x128xf32, #tpu.memory_space<vmem>>
      %dma_start3A_226 = arith.constant 0 : i32
      %dma_start3A_227 = tpu.memref_slice %arg8[%dma_start3A_221, %dma_start3A_226] : memref<16x128xi32, #tpu.memory_space<vmem>> -> memref<1x128xi32, #tpu.memory_space<vmem>>
      %dma_start3A_228 = tpu.memref_squeeze %dma_start3A_227 : memref<1x128xi32, #tpu.memory_space<vmem>> -> memref<128xi32, #tpu.memory_space<vmem>>
      %dma_start3A_229 = arith.constant 0 : i32
      %dma_start3A_230 = arith.constant 0 : i32
      %dma_start3A_231 = tpu.memref_slice %arg10[%dma_start3A_229, %dma_start3A_230] : memref<10240x128xf32, #tpu.memory_space<vmem_shared>> -> memref<10240x128xf32, #tpu.memory_space<vmem_shared>>
      tpu.enqueue_indirect_dma source(%dma_start3A_225 : memref<128x128xf32, #tpu.memory_space<vmem>>) target(%dma_start3A_231 : memref<10240x128xf32, #tpu.memory_space<vmem_shared>>) offsets(%dma_start3A_228 : memref<128xi32, #tpu.memory_space<vmem>>) semaphore(%arg14 : memref<!tpu.dma_semaphore, #tpu.memory_space<semaphore_mem>>) {add = true}
      %dma_wait3A_232 = arith.constant 1 : i32
      %dma_wait3A_233 = arith.constant 3 : i32
      %dma_wait3A_234 = arith.constant 0 : i32
      %dma_wait3A_235 = arith.constant 0 : i32
      %dma_wait3A_236 = tpu.memref_slice %arg9[%dma_wait3A_232, %dma_wait3A_234, %dma_wait3A_235] : memref<2x128x128xf32, #tpu.memory_space<vmem>> -> memref<1x128x128xf32, #tpu.memory_space<vmem>>
      %dma_wait3A_237 = tpu.memref_squeeze %dma_wait3A_236 : memref<1x128x128xf32, #tpu.memory_space<vmem>> -> memref<128x128xf32, #tpu.memory_space<vmem>>
      %dma_wait3A_238 = arith.constant 0 : i32
      %dma_wait3A_239 = tpu.memref_slice %arg8[%dma_wait3A_233, %dma_wait3A_238] : memref<16x128xi32, #tpu.memory_space<vmem>> -> memref<1x128xi32, #tpu.memory_space<vmem>>
      %dma_wait3A_240 = tpu.memref_squeeze %dma_wait3A_239 : memref<1x128xi32, #tpu.memory_space<vmem>> -> memref<128xi32, #tpu.memory_space<vmem>>
      %dma_wait3A_241 = arith.constant 0 : i32
      %dma_wait3A_242 = arith.constant 0 : i32
      %dma_wait3A_243 = tpu.memref_slice %arg10[%dma_wait3A_241, %dma_wait3A_242] : memref<10240x128xf32, #tpu.memory_space<vmem_shared>> -> memref<10240x128xf32, #tpu.memory_space<vmem_shared>>
      tpu.wait_indirect_dma semaphore(%arg14 : memref<!tpu.dma_semaphore, #tpu.memory_space<semaphore_mem>>) src(%dma_wait3A_237 : memref<128x128xf32, #tpu.memory_space<vmem>>) dst(%dma_wait3A_243 : memref<10240x128xf32, #tpu.memory_space<vmem_shared>>)
      %mul3A_244 = arith.constant 16 : i32
      %mul3A_245 = arith.muli %scan3A_22, %mul3A_244 : i32
      %add3A_246 = arith.constant 4 : i32
      %add3A_247 = arith.addi %mul3A_245, %add3A_246 : i32
      %add3A_248 = arith.constant 1 : i32
      %add3A_249 = arith.addi %add3A_247, %add3A_248 : i32
      %dma_start3A_250 = arith.constant 1 : i32
      %dma_start3A_251 = arith.constant 0 : i32
      %dma_start3A_252 = arith.constant 0 : i32
      %dma_start3A_253 = tpu.memref_slice %arg9[%dma_start3A_250, %dma_start3A_251, %dma_start3A_252] : memref<2x128x128xf32, #tpu.memory_space<vmem>> -> memref<1x128x128xf32, #tpu.memory_space<vmem>>
      %dma_start3A_254 = tpu.memref_squeeze %dma_start3A_253 : memref<1x128x128xf32, #tpu.memory_space<vmem>> -> memref<128x128xf32, #tpu.memory_space<vmem>>
      %dma_start3A_255 = arith.constant 0 : i32
      %dma_start3A_256 = tpu.memref_slice %arg7[%add3A_249, %dma_start3A_255] : memref<80x128xi32, #tpu.memory_space<vmem>> -> memref<1x128xi32, #tpu.memory_space<vmem>>
      %dma_start3A_257 = tpu.memref_squeeze %dma_start3A_256 : memref<1x128xi32, #tpu.memory_space<vmem>> -> memref<128xi32, #tpu.memory_space<vmem>>
      %dma_start3A_258 = arith.constant 0 : i32
      %dma_start3A_259 = arith.constant 0 : i32
      %dma_start3A_260 = tpu.memref_slice %arg2[%dma_start3A_258, %dma_start3A_259] : memref<10240x128xf32, #tpu.memory_space<hbm>> -> memref<10240x128xf32, #tpu.memory_space<hbm>>
      tpu.enqueue_indirect_dma source(%dma_start3A_260 : memref<10240x128xf32, #tpu.memory_space<hbm>>) target(%dma_start3A_254 : memref<128x128xf32, #tpu.memory_space<vmem>>) offsets(%dma_start3A_257 : memref<128xi32, #tpu.memory_space<vmem>>) semaphore(%arg12 : memref<!tpu.dma_semaphore, #tpu.memory_space<semaphore_mem>>)
      %dma_wait3A_261 = arith.constant 0 : i32
      %dma_wait3A_262 = arith.constant 0 : i32
      %dma_wait3A_263 = arith.constant 0 : i32
      %dma_wait3A_264 = tpu.memref_slice %arg9[%dma_wait3A_261, %dma_wait3A_262, %dma_wait3A_263] : memref<2x128x128xf32, #tpu.memory_space<vmem>> -> memref<1x128x128xf32, #tpu.memory_space<vmem>>
      %dma_wait3A_265 = tpu.memref_squeeze %dma_wait3A_264 : memref<1x128x128xf32, #tpu.memory_space<vmem>> -> memref<128x128xf32, #tpu.memory_space<vmem>>
      %dma_wait3A_266 = arith.constant 0 : i32
      %dma_wait3A_267 = tpu.memref_slice %arg7[%add3A_197, %dma_wait3A_266] : memref<80x128xi32, #tpu.memory_space<vmem>> -> memref<1x128xi32, #tpu.memory_space<vmem>>
      %dma_wait3A_268 = tpu.memref_squeeze %dma_wait3A_267 : memref<1x128xi32, #tpu.memory_space<vmem>> -> memref<128xi32, #tpu.memory_space<vmem>>
      %dma_wait3A_269 = arith.constant 0 : i32
      %dma_wait3A_270 = arith.constant 0 : i32
      %dma_wait3A_271 = tpu.memref_slice %arg2[%dma_wait3A_269, %dma_wait3A_270] : memref<10240x128xf32, #tpu.memory_space<hbm>> -> memref<10240x128xf32, #tpu.memory_space<hbm>>
      tpu.wait_indirect_dma semaphore(%arg11 : memref<!tpu.dma_semaphore, #tpu.memory_space<semaphore_mem>>) src(%dma_wait3A_271 : memref<10240x128xf32, #tpu.memory_space<hbm>>) dst(%dma_wait3A_265 : memref<128x128xf32, #tpu.memory_space<vmem>>)
      %dma_start3A_272 = arith.constant 0 : i32
      %dma_start3A_273 = arith.constant 4 : i32
      %dma_start3A_274 = arith.constant 0 : i32
      %dma_start3A_275 = arith.constant 0 : i32
      %dma_start3A_276 = tpu.memref_slice %arg9[%dma_start3A_272, %dma_start3A_274, %dma_start3A_275] : memref<2x128x128xf32, #tpu.memory_space<vmem>> -> memref<1x128x128xf32, #tpu.memory_space<vmem>>
      %dma_start3A_277 = tpu.memref_squeeze %dma_start3A_276 : memref<1x128x128xf32, #tpu.memory_space<vmem>> -> memref<128x128xf32, #tpu.memory_space<vmem>>
      %dma_start3A_278 = arith.constant 0 : i32
      %dma_start3A_279 = tpu.memref_slice %arg8[%dma_start3A_273, %dma_start3A_278] : memref<16x128xi32, #tpu.memory_space<vmem>> -> memref<1x128xi32, #tpu.memory_space<vmem>>
      %dma_start3A_280 = tpu.memref_squeeze %dma_start3A_279 : memref<1x128xi32, #tpu.memory_space<vmem>> -> memref<128xi32, #tpu.memory_space<vmem>>
      %dma_start3A_281 = arith.constant 0 : i32
      %dma_start3A_282 = arith.constant 0 : i32
      %dma_start3A_283 = tpu.memref_slice %arg10[%dma_start3A_281, %dma_start3A_282] : memref<10240x128xf32, #tpu.memory_space<vmem_shared>> -> memref<10240x128xf32, #tpu.memory_space<vmem_shared>>
      tpu.enqueue_indirect_dma source(%dma_start3A_277 : memref<128x128xf32, #tpu.memory_space<vmem>>) target(%dma_start3A_283 : memref<10240x128xf32, #tpu.memory_space<vmem_shared>>) offsets(%dma_start3A_280 : memref<128xi32, #tpu.memory_space<vmem>>) semaphore(%arg13 : memref<!tpu.dma_semaphore, #tpu.memory_space<semaphore_mem>>) {add = true}
      %dma_wait3A_284 = arith.constant 0 : i32
      %dma_wait3A_285 = arith.constant 4 : i32
      %dma_wait3A_286 = arith.constant 0 : i32
      %dma_wait3A_287 = arith.constant 0 : i32
      %dma_wait3A_288 = tpu.memref_slice %arg9[%dma_wait3A_284, %dma_wait3A_286, %dma_wait3A_287] : memref<2x128x128xf32, #tpu.memory_space<vmem>> -> memref<1x128x128xf32, #tpu.memory_space<vmem>>
      %dma_wait3A_289 = tpu.memref_squeeze %dma_wait3A_288 : memref<1x128x128xf32, #tpu.memory_space<vmem>> -> memref<128x128xf32, #tpu.memory_space<vmem>>
      %dma_wait3A_290 = arith.constant 0 : i32
      %dma_wait3A_291 = tpu.memref_slice %arg8[%dma_wait3A_285, %dma_wait3A_290] : memref<16x128xi32, #tpu.memory_space<vmem>> -> memref<1x128xi32, #tpu.memory_space<vmem>>
      %dma_wait3A_292 = tpu.memref_squeeze %dma_wait3A_291 : memref<1x128xi32, #tpu.memory_space<vmem>> -> memref<128xi32, #tpu.memory_space<vmem>>
      %dma_wait3A_293 = arith.constant 0 : i32
      %dma_wait3A_294 = arith.constant 0 : i32
      %dma_wait3A_295 = tpu.memref_slice %arg10[%dma_wait3A_293, %dma_wait3A_294] : memref<10240x128xf32, #tpu.memory_space<vmem_shared>> -> memref<10240x128xf32, #tpu.memory_space<vmem_shared>>
      tpu.wait_indirect_dma semaphore(%arg13 : memref<!tpu.dma_semaphore, #tpu.memory_space<semaphore_mem>>) src(%dma_wait3A_289 : memref<128x128xf32, #tpu.memory_space<vmem>>) dst(%dma_wait3A_295 : memref<10240x128xf32, #tpu.memory_space<vmem_shared>>)
      %mul3A_296 = arith.constant 16 : i32
      %mul3A_297 = arith.muli %scan3A_22, %mul3A_296 : i32
      %add3A_298 = arith.constant 5 : i32
      %add3A_299 = arith.addi %mul3A_297, %add3A_298 : i32
      %add3A_300 = arith.constant 1 : i32
      %add3A_301 = arith.addi %add3A_299, %add3A_300 : i32
      %dma_start3A_302 = arith.constant 0 : i32
      %dma_start3A_303 = arith.constant 0 : i32
      %dma_start3A_304 = arith.constant 0 : i32
      %dma_start3A_305 = tpu.memref_slice %arg9[%dma_start3A_302, %dma_start3A_303, %dma_start3A_304] : memref<2x128x128xf32, #tpu.memory_space<vmem>> -> memref<1x128x128xf32, #tpu.memory_space<vmem>>
      %dma_start3A_306 = tpu.memref_squeeze %dma_start3A_305 : memref<1x128x128xf32, #tpu.memory_space<vmem>> -> memref<128x128xf32, #tpu.memory_space<vmem>>
      %dma_start3A_307 = arith.constant 0 : i32
      %dma_start3A_308 = tpu.memref_slice %arg7[%add3A_301, %dma_start3A_307] : memref<80x128xi32, #tpu.memory_space<vmem>> -> memref<1x128xi32, #tpu.memory_space<vmem>>
      %dma_start3A_309 = tpu.memref_squeeze %dma_start3A_308 : memref<1x128xi32, #tpu.memory_space<vmem>> -> memref<128xi32, #tpu.memory_space<vmem>>
      %dma_start3A_310 = arith.constant 0 : i32
      %dma_start3A_311 = arith.constant 0 : i32
      %dma_start3A_312 = tpu.memref_slice %arg2[%dma_start3A_310, %dma_start3A_311] : memref<10240x128xf32, #tpu.memory_space<hbm>> -> memref<10240x128xf32, #tpu.memory_space<hbm>>
      tpu.enqueue_indirect_dma source(%dma_start3A_312 : memref<10240x128xf32, #tpu.memory_space<hbm>>) target(%dma_start3A_306 : memref<128x128xf32, #tpu.memory_space<vmem>>) offsets(%dma_start3A_309 : memref<128xi32, #tpu.memory_space<vmem>>) semaphore(%arg11 : memref<!tpu.dma_semaphore, #tpu.memory_space<semaphore_mem>>)
      %dma_wait3A_313 = arith.constant 1 : i32
      %dma_wait3A_314 = arith.constant 0 : i32
      %dma_wait3A_315 = arith.constant 0 : i32
      %dma_wait3A_316 = tpu.memref_slice %arg9[%dma_wait3A_313, %dma_wait3A_314, %dma_wait3A_315] : memref<2x128x128xf32, #tpu.memory_space<vmem>> -> memref<1x128x128xf32, #tpu.memory_space<vmem>>
      %dma_wait3A_317 = tpu.memref_squeeze %dma_wait3A_316 : memref<1x128x128xf32, #tpu.memory_space<vmem>> -> memref<128x128xf32, #tpu.memory_space<vmem>>
      %dma_wait3A_318 = arith.constant 0 : i32
      %dma_wait3A_319 = tpu.memref_slice %arg7[%add3A_249, %dma_wait3A_318] : memref<80x128xi32, #tpu.memory_space<vmem>> -> memref<1x128xi32, #tpu.memory_space<vmem>>
      %dma_wait3A_320 = tpu.memref_squeeze %dma_wait3A_319 : memref<1x128xi32, #tpu.memory_space<vmem>> -> memref<128xi32, #tpu.memory_space<vmem>>
      %dma_wait3A_321 = arith.constant 0 : i32
      %dma_wait3A_322 = arith.constant 0 : i32
      %dma_wait3A_323 = tpu.memref_slice %arg2[%dma_wait3A_321, %dma_wait3A_322] : memref<10240x128xf32, #tpu.memory_space<hbm>> -> memref<10240x128xf32, #tpu.memory_space<hbm>>
      tpu.wait_indirect_dma semaphore(%arg12 : memref<!tpu.dma_semaphore, #tpu.memory_space<semaphore_mem>>) src(%dma_wait3A_323 : memref<10240x128xf32, #tpu.memory_space<hbm>>) dst(%dma_wait3A_317 : memref<128x128xf32, #tpu.memory_space<vmem>>)
      %dma_start3A_324 = arith.constant 1 : i32
      %dma_start3A_325 = arith.constant 5 : i32
      %dma_start3A_326 = arith.constant 0 : i32
      %dma_start3A_327 = arith.constant 0 : i32
      %dma_start3A_328 = tpu.memref_slice %arg9[%dma_start3A_324, %dma_start3A_326, %dma_start3A_327] : memref<2x128x128xf32, #tpu.memory_space<vmem>> -> memref<1x128x128xf32, #tpu.memory_space<vmem>>
      %dma_start3A_329 = tpu.memref_squeeze %dma_start3A_328 : memref<1x128x128xf32, #tpu.memory_space<vmem>> -> memref<128x128xf32, #tpu.memory_space<vmem>>
      %dma_start3A_330 = arith.constant 0 : i32
      %dma_start3A_331 = tpu.memref_slice %arg8[%dma_start3A_325, %dma_start3A_330] : memref<16x128xi32, #tpu.memory_space<vmem>> -> memref<1x128xi32, #tpu.memory_space<vmem>>
      %dma_start3A_332 = tpu.memref_squeeze %dma_start3A_331 : memref<1x128xi32, #tpu.memory_space<vmem>> -> memref<128xi32, #tpu.memory_space<vmem>>
      %dma_start3A_333 = arith.constant 0 : i32
      %dma_start3A_334 = arith.constant 0 : i32
      %dma_start3A_335 = tpu.memref_slice %arg10[%dma_start3A_333, %dma_start3A_334] : memref<10240x128xf32, #tpu.memory_space<vmem_shared>> -> memref<10240x128xf32, #tpu.memory_space<vmem_shared>>
      tpu.enqueue_indirect_dma source(%dma_start3A_329 : memref<128x128xf32, #tpu.memory_space<vmem>>) target(%dma_start3A_335 : memref<10240x128xf32, #tpu.memory_space<vmem_shared>>) offsets(%dma_start3A_332 : memref<128xi32, #tpu.memory_space<vmem>>) semaphore(%arg14 : memref<!tpu.dma_semaphore, #tpu.memory_space<semaphore_mem>>) {add = true}
      %dma_wait3A_336 = arith.constant 1 : i32
      %dma_wait3A_337 = arith.constant 5 : i32
      %dma_wait3A_338 = arith.constant 0 : i32
      %dma_wait3A_339 = arith.constant 0 : i32
      %dma_wait3A_340 = tpu.memref_slice %arg9[%dma_wait3A_336, %dma_wait3A_338, %dma_wait3A_339] : memref<2x128x128xf32, #tpu.memory_space<vmem>> -> memref<1x128x128xf32, #tpu.memory_space<vmem>>
      %dma_wait3A_341 = tpu.memref_squeeze %dma_wait3A_340 : memref<1x128x128xf32, #tpu.memory_space<vmem>> -> memref<128x128xf32, #tpu.memory_space<vmem>>
      %dma_wait3A_342 = arith.constant 0 : i32
      %dma_wait3A_343 = tpu.memref_slice %arg8[%dma_wait3A_337, %dma_wait3A_342] : memref<16x128xi32, #tpu.memory_space<vmem>> -> memref<1x128xi32, #tpu.memory_space<vmem>>
      %dma_wait3A_344 = tpu.memref_squeeze %dma_wait3A_343 : memref<1x128xi32, #tpu.memory_space<vmem>> -> memref<128xi32, #tpu.memory_space<vmem>>
      %dma_wait3A_345 = arith.constant 0 : i32
      %dma_wait3A_346 = arith.constant 0 : i32
      %dma_wait3A_347 = tpu.memref_slice %arg10[%dma_wait3A_345, %dma_wait3A_346] : memref<10240x128xf32, #tpu.memory_space<vmem_shared>> -> memref<10240x128xf32, #tpu.memory_space<vmem_shared>>
      tpu.wait_indirect_dma semaphore(%arg14 : memref<!tpu.dma_semaphore, #tpu.memory_space<semaphore_mem>>) src(%dma_wait3A_341 : memref<128x128xf32, #tpu.memory_space<vmem>>) dst(%dma_wait3A_347 : memref<10240x128xf32, #tpu.memory_space<vmem_shared>>)
      %mul3A_348 = arith.constant 16 : i32
      %mul3A_349 = arith.muli %scan3A_22, %mul3A_348 : i32
      %add3A_350 = arith.constant 6 : i32
      %add3A_351 = arith.addi %mul3A_349, %add3A_350 : i32
      %add3A_352 = arith.constant 1 : i32
      %add3A_353 = arith.addi %add3A_351, %add3A_352 : i32
      %dma_start3A_354 = arith.constant 1 : i32
      %dma_start3A_355 = arith.constant 0 : i32
      %dma_start3A_356 = arith.constant 0 : i32
      %dma_start3A_357 = tpu.memref_slice %arg9[%dma_start3A_354, %dma_start3A_355, %dma_start3A_356] : memref<2x128x128xf32, #tpu.memory_space<vmem>> -> memref<1x128x128xf32, #tpu.memory_space<vmem>>
      %dma_start3A_358 = tpu.memref_squeeze %dma_start3A_357 : memref<1x128x128xf32, #tpu.memory_space<vmem>> -> memref<128x128xf32, #tpu.memory_space<vmem>>
      %dma_start3A_359 = arith.constant 0 : i32
      %dma_start3A_360 = tpu.memref_slice %arg7[%add3A_353, %dma_start3A_359] : memref<80x128xi32, #tpu.memory_space<vmem>> -> memref<1x128xi32, #tpu.memory_space<vmem>>
      %dma_start3A_361 = tpu.memref_squeeze %dma_start3A_360 : memref<1x128xi32, #tpu.memory_space<vmem>> -> memref<128xi32, #tpu.memory_space<vmem>>
      %dma_start3A_362 = arith.constant 0 : i32
      %dma_start3A_363 = arith.constant 0 : i32
      %dma_start3A_364 = tpu.memref_slice %arg2[%dma_start3A_362, %dma_start3A_363] : memref<10240x128xf32, #tpu.memory_space<hbm>> -> memref<10240x128xf32, #tpu.memory_space<hbm>>
      tpu.enqueue_indirect_dma source(%dma_start3A_364 : memref<10240x128xf32, #tpu.memory_space<hbm>>) target(%dma_start3A_358 : memref<128x128xf32, #tpu.memory_space<vmem>>) offsets(%dma_start3A_361 : memref<128xi32, #tpu.memory_space<vmem>>) semaphore(%arg12 : memref<!tpu.dma_semaphore, #tpu.memory_space<semaphore_mem>>)
      %dma_wait3A_365 = arith.constant 0 : i32
      %dma_wait3A_366 = arith.constant 0 : i32
      %dma_wait3A_367 = arith.constant 0 : i32
      %dma_wait3A_368 = tpu.memref_slice %arg9[%dma_wait3A_365, %dma_wait3A_366, %dma_wait3A_367] : memref<2x128x128xf32, #tpu.memory_space<vmem>> -> memref<1x128x128xf32, #tpu.memory_space<vmem>>
      %dma_wait3A_369 = tpu.memref_squeeze %dma_wait3A_368 : memref<1x128x128xf32, #tpu.memory_space<vmem>> -> memref<128x128xf32, #tpu.memory_space<vmem>>
      %dma_wait3A_370 = arith.constant 0 : i32
      %dma_wait3A_371 = tpu.memref_slice %arg7[%add3A_301, %dma_wait3A_370] : memref<80x128xi32, #tpu.memory_space<vmem>> -> memref<1x128xi32, #tpu.memory_space<vmem>>
      %dma_wait3A_372 = tpu.memref_squeeze %dma_wait3A_371 : memref<1x128xi32, #tpu.memory_space<vmem>> -> memref<128xi32, #tpu.memory_space<vmem>>
      %dma_wait3A_373 = arith.constant 0 : i32
      %dma_wait3A_374 = arith.constant 0 : i32
      %dma_wait3A_375 = tpu.memref_slice %arg2[%dma_wait3A_373, %dma_wait3A_374] : memref<10240x128xf32, #tpu.memory_space<hbm>> -> memref<10240x128xf32, #tpu.memory_space<hbm>>
      tpu.wait_indirect_dma semaphore(%arg11 : memref<!tpu.dma_semaphore, #tpu.memory_space<semaphore_mem>>) src(%dma_wait3A_375 : memref<10240x128xf32, #tpu.memory_space<hbm>>) dst(%dma_wait3A_369 : memref<128x128xf32, #tpu.memory_space<vmem>>)
      %dma_start3A_376 = arith.constant 0 : i32
      %dma_start3A_377 = arith.constant 6 : i32
      %dma_start3A_378 = arith.constant 0 : i32
      %dma_start3A_379 = arith.constant 0 : i32
      %dma_start3A_380 = tpu.memref_slice %arg9[%dma_start3A_376, %dma_start3A_378, %dma_start3A_379] : memref<2x128x128xf32, #tpu.memory_space<vmem>> -> memref<1x128x128xf32, #tpu.memory_space<vmem>>
      %dma_start3A_381 = tpu.memref_squeeze %dma_start3A_380 : memref<1x128x128xf32, #tpu.memory_space<vmem>> -> memref<128x128xf32, #tpu.memory_space<vmem>>
      %dma_start3A_382 = arith.constant 0 : i32
      %dma_start3A_383 = tpu.memref_slice %arg8[%dma_start3A_377, %dma_start3A_382] : memref<16x128xi32, #tpu.memory_space<vmem>> -> memref<1x128xi32, #tpu.memory_space<vmem>>
      %dma_start3A_384 = tpu.memref_squeeze %dma_start3A_383 : memref<1x128xi32, #tpu.memory_space<vmem>> -> memref<128xi32, #tpu.memory_space<vmem>>
      %dma_start3A_385 = arith.constant 0 : i32
      %dma_start3A_386 = arith.constant 0 : i32
      %dma_start3A_387 = tpu.memref_slice %arg10[%dma_start3A_385, %dma_start3A_386] : memref<10240x128xf32, #tpu.memory_space<vmem_shared>> -> memref<10240x128xf32, #tpu.memory_space<vmem_shared>>
      tpu.enqueue_indirect_dma source(%dma_start3A_381 : memref<128x128xf32, #tpu.memory_space<vmem>>) target(%dma_start3A_387 : memref<10240x128xf32, #tpu.memory_space<vmem_shared>>) offsets(%dma_start3A_384 : memref<128xi32, #tpu.memory_space<vmem>>) semaphore(%arg13 : memref<!tpu.dma_semaphore, #tpu.memory_space<semaphore_mem>>) {add = true}
      %dma_wait3A_388 = arith.constant 0 : i32
      %dma_wait3A_389 = arith.constant 6 : i32
      %dma_wait3A_390 = arith.constant 0 : i32
      %dma_wait3A_391 = arith.constant 0 : i32
      %dma_wait3A_392 = tpu.memref_slice %arg9[%dma_wait3A_388, %dma_wait3A_390, %dma_wait3A_391] : memref<2x128x128xf32, #tpu.memory_space<vmem>> -> memref<1x128x128xf32, #tpu.memory_space<vmem>>
      %dma_wait3A_393 = tpu.memref_squeeze %dma_wait3A_392 : memref<1x128x128xf32, #tpu.memory_space<vmem>> -> memref<128x128xf32, #tpu.memory_space<vmem>>
      %dma_wait3A_394 = arith.constant 0 : i32
      %dma_wait3A_395 = tpu.memref_slice %arg8[%dma_wait3A_389, %dma_wait3A_394] : memref<16x128xi32, #tpu.memory_space<vmem>> -> memref<1x128xi32, #tpu.memory_space<vmem>>
      %dma_wait3A_396 = tpu.memref_squeeze %dma_wait3A_395 : memref<1x128xi32, #tpu.memory_space<vmem>> -> memref<128xi32, #tpu.memory_space<vmem>>
      %dma_wait3A_397 = arith.constant 0 : i32
      %dma_wait3A_398 = arith.constant 0 : i32
      %dma_wait3A_399 = tpu.memref_slice %arg10[%dma_wait3A_397, %dma_wait3A_398] : memref<10240x128xf32, #tpu.memory_space<vmem_shared>> -> memref<10240x128xf32, #tpu.memory_space<vmem_shared>>
      tpu.wait_indirect_dma semaphore(%arg13 : memref<!tpu.dma_semaphore, #tpu.memory_space<semaphore_mem>>) src(%dma_wait3A_393 : memref<128x128xf32, #tpu.memory_space<vmem>>) dst(%dma_wait3A_399 : memref<10240x128xf32, #tpu.memory_space<vmem_shared>>)
      %mul3A_400 = arith.constant 16 : i32
      %mul3A_401 = arith.muli %scan3A_22, %mul3A_400 : i32
      %add3A_402 = arith.constant 7 : i32
      %add3A_403 = arith.addi %mul3A_401, %add3A_402 : i32
      %add3A_404 = arith.constant 1 : i32
      %add3A_405 = arith.addi %add3A_403, %add3A_404 : i32
      %dma_start3A_406 = arith.constant 0 : i32
      %dma_start3A_407 = arith.constant 0 : i32
      %dma_start3A_408 = arith.constant 0 : i32
      %dma_start3A_409 = tpu.memref_slice %arg9[%dma_start3A_406, %dma_start3A_407, %dma_start3A_408] : memref<2x128x128xf32, #tpu.memory_space<vmem>> -> memref<1x128x128xf32, #tpu.memory_space<vmem>>
      %dma_start3A_410 = tpu.memref_squeeze %dma_start3A_409 : memref<1x128x128xf32, #tpu.memory_space<vmem>> -> memref<128x128xf32, #tpu.memory_space<vmem>>
      %dma_start3A_411 = arith.constant 0 : i32
      %dma_start3A_412 = tpu.memref_slice %arg7[%add3A_405, %dma_start3A_411] : memref<80x128xi32, #tpu.memory_space<vmem>> -> memref<1x128xi32, #tpu.memory_space<vmem>>
      %dma_start3A_413 = tpu.memref_squeeze %dma_start3A_412 : memref<1x128xi32, #tpu.memory_space<vmem>> -> memref<128xi32, #tpu.memory_space<vmem>>
      %dma_start3A_414 = arith.constant 0 : i32
      %dma_start3A_415 = arith.constant 0 : i32
      %dma_start3A_416 = tpu.memref_slice %arg2[%dma_start3A_414, %dma_start3A_415] : memref<10240x128xf32, #tpu.memory_space<hbm>> -> memref<10240x128xf32, #tpu.memory_space<hbm>>
      tpu.enqueue_indirect_dma source(%dma_start3A_416 : memref<10240x128xf32, #tpu.memory_space<hbm>>) target(%dma_start3A_410 : memref<128x128xf32, #tpu.memory_space<vmem>>) offsets(%dma_start3A_413 : memref<128xi32, #tpu.memory_space<vmem>>) semaphore(%arg11 : memref<!tpu.dma_semaphore, #tpu.memory_space<semaphore_mem>>)
      %dma_wait3A_417 = arith.constant 1 : i32
      %dma_wait3A_418 = arith.constant 0 : i32
      %dma_wait3A_419 = arith.constant 0 : i32
      %dma_wait3A_420 = tpu.memref_slice %arg9[%dma_wait3A_417, %dma_wait3A_418, %dma_wait3A_419] : memref<2x128x128xf32, #tpu.memory_space<vmem>> -> memref<1x128x128xf32, #tpu.memory_space<vmem>>
      %dma_wait3A_421 = tpu.memref_squeeze %dma_wait3A_420 : memref<1x128x128xf32, #tpu.memory_space<vmem>> -> memref<128x128xf32, #tpu.memory_space<vmem>>
      %dma_wait3A_422 = arith.constant 0 : i32
      %dma_wait3A_423 = tpu.memref_slice %arg7[%add3A_353, %dma_wait3A_422] : memref<80x128xi32, #tpu.memory_space<vmem>> -> memref<1x128xi32, #tpu.memory_space<vmem>>
      %dma_wait3A_424 = tpu.memref_squeeze %dma_wait3A_423 : memref<1x128xi32, #tpu.memory_space<vmem>> -> memref<128xi32, #tpu.memory_space<vmem>>
      %dma_wait3A_425 = arith.constant 0 : i32
      %dma_wait3A_426 = arith.constant 0 : i32
      %dma_wait3A_427 = tpu.memref_slice %arg2[%dma_wait3A_425, %dma_wait3A_426] : memref<10240x128xf32, #tpu.memory_space<hbm>> -> memref<10240x128xf32, #tpu.memory_space<hbm>>
      tpu.wait_indirect_dma semaphore(%arg12 : memref<!tpu.dma_semaphore, #tpu.memory_space<semaphore_mem>>) src(%dma_wait3A_427 : memref<10240x128xf32, #tpu.memory_space<hbm>>) dst(%dma_wait3A_421 : memref<128x128xf32, #tpu.memory_space<vmem>>)
      %dma_start3A_428 = arith.constant 1 : i32
      %dma_start3A_429 = arith.constant 7 : i32
      %dma_start3A_430 = arith.constant 0 : i32
      %dma_start3A_431 = arith.constant 0 : i32
      %dma_start3A_432 = tpu.memref_slice %arg9[%dma_start3A_428, %dma_start3A_430, %dma_start3A_431] : memref<2x128x128xf32, #tpu.memory_space<vmem>> -> memref<1x128x128xf32, #tpu.memory_space<vmem>>
      %dma_start3A_433 = tpu.memref_squeeze %dma_start3A_432 : memref<1x128x128xf32, #tpu.memory_space<vmem>> -> memref<128x128xf32, #tpu.memory_space<vmem>>
      %dma_start3A_434 = arith.constant 0 : i32
      %dma_start3A_435 = tpu.memref_slice %arg8[%dma_start3A_429, %dma_start3A_434] : memref<16x128xi32, #tpu.memory_space<vmem>> -> memref<1x128xi32, #tpu.memory_space<vmem>>
      %dma_start3A_436 = tpu.memref_squeeze %dma_start3A_435 : memref<1x128xi32, #tpu.memory_space<vmem>> -> memref<128xi32, #tpu.memory_space<vmem>>
      %dma_start3A_437 = arith.constant 0 : i32
      %dma_start3A_438 = arith.constant 0 : i32
      %dma_start3A_439 = tpu.memref_slice %arg10[%dma_start3A_437, %dma_start3A_438] : memref<10240x128xf32, #tpu.memory_space<vmem_shared>> -> memref<10240x128xf32, #tpu.memory_space<vmem_shared>>
      tpu.enqueue_indirect_dma source(%dma_start3A_433 : memref<128x128xf32, #tpu.memory_space<vmem>>) target(%dma_start3A_439 : memref<10240x128xf32, #tpu.memory_space<vmem_shared>>) offsets(%dma_start3A_436 : memref<128xi32, #tpu.memory_space<vmem>>) semaphore(%arg14 : memref<!tpu.dma_semaphore, #tpu.memory_space<semaphore_mem>>) {add = true}
      %dma_wait3A_440 = arith.constant 1 : i32
      %dma_wait3A_441 = arith.constant 7 : i32
      %dma_wait3A_442 = arith.constant 0 : i32
      %dma_wait3A_443 = arith.constant 0 : i32
      %dma_wait3A_444 = tpu.memref_slice %arg9[%dma_wait3A_440, %dma_wait3A_442, %dma_wait3A_443] : memref<2x128x128xf32, #tpu.memory_space<vmem>> -> memref<1x128x128xf32, #tpu.memory_space<vmem>>
      %dma_wait3A_445 = tpu.memref_squeeze %dma_wait3A_444 : memref<1x128x128xf32, #tpu.memory_space<vmem>> -> memref<128x128xf32, #tpu.memory_space<vmem>>
      %dma_wait3A_446 = arith.constant 0 : i32
      %dma_wait3A_447 = tpu.memref_slice %arg8[%dma_wait3A_441, %dma_wait3A_446] : memref<16x128xi32, #tpu.memory_space<vmem>> -> memref<1x128xi32, #tpu.memory_space<vmem>>
      %dma_wait3A_448 = tpu.memref_squeeze %dma_wait3A_447 : memref<1x128xi32, #tpu.memory_space<vmem>> -> memref<128xi32, #tpu.memory_space<vmem>>
      %dma_wait3A_449 = arith.constant 0 : i32
      %dma_wait3A_450 = arith.constant 0 : i32
      %dma_wait3A_451 = tpu.memref_slice %arg10[%dma_wait3A_449, %dma_wait3A_450] : memref<10240x128xf32, #tpu.memory_space<vmem_shared>> -> memref<10240x128xf32, #tpu.memory_space<vmem_shared>>
      tpu.wait_indirect_dma semaphore(%arg14 : memref<!tpu.dma_semaphore, #tpu.memory_space<semaphore_mem>>) src(%dma_wait3A_445 : memref<128x128xf32, #tpu.memory_space<vmem>>) dst(%dma_wait3A_451 : memref<10240x128xf32, #tpu.memory_space<vmem_shared>>)
      %mul3A_452 = arith.constant 16 : i32
      %mul3A_453 = arith.muli %scan3A_22, %mul3A_452 : i32
      %add3A_454 = arith.constant 8 : i32
      %add3A_455 = arith.addi %mul3A_453, %add3A_454 : i32
      %add3A_456 = arith.constant 1 : i32
      %add3A_457 = arith.addi %add3A_455, %add3A_456 : i32
      %dma_start3A_458 = arith.constant 1 : i32
      %dma_start3A_459 = arith.constant 0 : i32
      %dma_start3A_460 = arith.constant 0 : i32
      %dma_start3A_461 = tpu.memref_slice %arg9[%dma_start3A_458, %dma_start3A_459, %dma_start3A_460] : memref<2x128x128xf32, #tpu.memory_space<vmem>> -> memref<1x128x128xf32, #tpu.memory_space<vmem>>
      %dma_start3A_462 = tpu.memref_squeeze %dma_start3A_461 : memref<1x128x128xf32, #tpu.memory_space<vmem>> -> memref<128x128xf32, #tpu.memory_space<vmem>>
      %dma_start3A_463 = arith.constant 0 : i32
      %dma_start3A_464 = tpu.memref_slice %arg7[%add3A_457, %dma_start3A_463] : memref<80x128xi32, #tpu.memory_space<vmem>> -> memref<1x128xi32, #tpu.memory_space<vmem>>
      %dma_start3A_465 = tpu.memref_squeeze %dma_start3A_464 : memref<1x128xi32, #tpu.memory_space<vmem>> -> memref<128xi32, #tpu.memory_space<vmem>>
      %dma_start3A_466 = arith.constant 0 : i32
      %dma_start3A_467 = arith.constant 0 : i32
      %dma_start3A_468 = tpu.memref_slice %arg2[%dma_start3A_466, %dma_start3A_467] : memref<10240x128xf32, #tpu.memory_space<hbm>> -> memref<10240x128xf32, #tpu.memory_space<hbm>>
      tpu.enqueue_indirect_dma source(%dma_start3A_468 : memref<10240x128xf32, #tpu.memory_space<hbm>>) target(%dma_start3A_462 : memref<128x128xf32, #tpu.memory_space<vmem>>) offsets(%dma_start3A_465 : memref<128xi32, #tpu.memory_space<vmem>>) semaphore(%arg12 : memref<!tpu.dma_semaphore, #tpu.memory_space<semaphore_mem>>)
      %dma_wait3A_469 = arith.constant 0 : i32
      %dma_wait3A_470 = arith.constant 0 : i32
      %dma_wait3A_471 = arith.constant 0 : i32
      %dma_wait3A_472 = tpu.memref_slice %arg9[%dma_wait3A_469, %dma_wait3A_470, %dma_wait3A_471] : memref<2x128x128xf32, #tpu.memory_space<vmem>> -> memref<1x128x128xf32, #tpu.memory_space<vmem>>
      %dma_wait3A_473 = tpu.memref_squeeze %dma_wait3A_472 : memref<1x128x128xf32, #tpu.memory_space<vmem>> -> memref<128x128xf32, #tpu.memory_space<vmem>>
      %dma_wait3A_474 = arith.constant 0 : i32
      %dma_wait3A_475 = tpu.memref_slice %arg7[%add3A_405, %dma_wait3A_474] : memref<80x128xi32, #tpu.memory_space<vmem>> -> memref<1x128xi32, #tpu.memory_space<vmem>>
      %dma_wait3A_476 = tpu.memref_squeeze %dma_wait3A_475 : memref<1x128xi32, #tpu.memory_space<vmem>> -> memref<128xi32, #tpu.memory_space<vmem>>
      %dma_wait3A_477 = arith.constant 0 : i32
      %dma_wait3A_478 = arith.constant 0 : i32
      %dma_wait3A_479 = tpu.memref_slice %arg2[%dma_wait3A_477, %dma_wait3A_478] : memref<10240x128xf32, #tpu.memory_space<hbm>> -> memref<10240x128xf32, #tpu.memory_space<hbm>>
      tpu.wait_indirect_dma semaphore(%arg11 : memref<!tpu.dma_semaphore, #tpu.memory_space<semaphore_mem>>) src(%dma_wait3A_479 : memref<10240x128xf32, #tpu.memory_space<hbm>>) dst(%dma_wait3A_473 : memref<128x128xf32, #tpu.memory_space<vmem>>)
      %dma_start3A_480 = arith.constant 0 : i32
      %dma_start3A_481 = arith.constant 8 : i32
      %dma_start3A_482 = arith.constant 0 : i32
      %dma_start3A_483 = arith.constant 0 : i32
      %dma_start3A_484 = tpu.memref_slice %arg9[%dma_start3A_480, %dma_start3A_482, %dma_start3A_483] : memref<2x128x128xf32, #tpu.memory_space<vmem>> -> memref<1x128x128xf32, #tpu.memory_space<vmem>>
      %dma_start3A_485 = tpu.memref_squeeze %dma_start3A_484 : memref<1x128x128xf32, #tpu.memory_space<vmem>> -> memref<128x128xf32, #tpu.memory_space<vmem>>
      %dma_start3A_486 = arith.constant 0 : i32
      %dma_start3A_487 = tpu.memref_slice %arg8[%dma_start3A_481, %dma_start3A_486] : memref<16x128xi32, #tpu.memory_space<vmem>> -> memref<1x128xi32, #tpu.memory_space<vmem>>
      %dma_start3A_488 = tpu.memref_squeeze %dma_start3A_487 : memref<1x128xi32, #tpu.memory_space<vmem>> -> memref<128xi32, #tpu.memory_space<vmem>>
      %dma_start3A_489 = arith.constant 0 : i32
      %dma_start3A_490 = arith.constant 0 : i32
      %dma_start3A_491 = tpu.memref_slice %arg10[%dma_start3A_489, %dma_start3A_490] : memref<10240x128xf32, #tpu.memory_space<vmem_shared>> -> memref<10240x128xf32, #tpu.memory_space<vmem_shared>>
      tpu.enqueue_indirect_dma source(%dma_start3A_485 : memref<128x128xf32, #tpu.memory_space<vmem>>) target(%dma_start3A_491 : memref<10240x128xf32, #tpu.memory_space<vmem_shared>>) offsets(%dma_start3A_488 : memref<128xi32, #tpu.memory_space<vmem>>) semaphore(%arg13 : memref<!tpu.dma_semaphore, #tpu.memory_space<semaphore_mem>>) {add = true}
      %dma_wait3A_492 = arith.constant 0 : i32
      %dma_wait3A_493 = arith.constant 8 : i32
      %dma_wait3A_494 = arith.constant 0 : i32
      %dma_wait3A_495 = arith.constant 0 : i32
      %dma_wait3A_496 = tpu.memref_slice %arg9[%dma_wait3A_492, %dma_wait3A_494, %dma_wait3A_495] : memref<2x128x128xf32, #tpu.memory_space<vmem>> -> memref<1x128x128xf32, #tpu.memory_space<vmem>>
      %dma_wait3A_497 = tpu.memref_squeeze %dma_wait3A_496 : memref<1x128x128xf32, #tpu.memory_space<vmem>> -> memref<128x128xf32, #tpu.memory_space<vmem>>
      %dma_wait3A_498 = arith.constant 0 : i32
      %dma_wait3A_499 = tpu.memref_slice %arg8[%dma_wait3A_493, %dma_wait3A_498] : memref<16x128xi32, #tpu.memory_space<vmem>> -> memref<1x128xi32, #tpu.memory_space<vmem>>
      %dma_wait3A_500 = tpu.memref_squeeze %dma_wait3A_499 : memref<1x128xi32, #tpu.memory_space<vmem>> -> memref<128xi32, #tpu.memory_space<vmem>>
      %dma_wait3A_501 = arith.constant 0 : i32
      %dma_wait3A_502 = arith.constant 0 : i32
      %dma_wait3A_503 = tpu.memref_slice %arg10[%dma_wait3A_501, %dma_wait3A_502] : memref<10240x128xf32, #tpu.memory_space<vmem_shared>> -> memref<10240x128xf32, #tpu.memory_space<vmem_shared>>
      tpu.wait_indirect_dma semaphore(%arg13 : memref<!tpu.dma_semaphore, #tpu.memory_space<semaphore_mem>>) src(%dma_wait3A_497 : memref<128x128xf32, #tpu.memory_space<vmem>>) dst(%dma_wait3A_503 : memref<10240x128xf32, #tpu.memory_space<vmem_shared>>)
      %mul3A_504 = arith.constant 16 : i32
      %mul3A_505 = arith.muli %scan3A_22, %mul3A_504 : i32
      %add3A_506 = arith.constant 9 : i32
      %add3A_507 = arith.addi %mul3A_505, %add3A_506 : i32
      %add3A_508 = arith.constant 1 : i32
      %add3A_509 = arith.addi %add3A_507, %add3A_508 : i32
      %dma_start3A_510 = arith.constant 0 : i32
      %dma_start3A_511 = arith.constant 0 : i32
      %dma_start3A_512 = arith.constant 0 : i32
      %dma_start3A_513 = tpu.memref_slice %arg9[%dma_start3A_510, %dma_start3A_511, %dma_start3A_512] : memref<2x128x128xf32, #tpu.memory_space<vmem>> -> memref<1x128x128xf32, #tpu.memory_space<vmem>>
      %dma_start3A_514 = tpu.memref_squeeze %dma_start3A_513 : memref<1x128x128xf32, #tpu.memory_space<vmem>> -> memref<128x128xf32, #tpu.memory_space<vmem>>
      %dma_start3A_515 = arith.constant 0 : i32
      %dma_start3A_516 = tpu.memref_slice %arg7[%add3A_509, %dma_start3A_515] : memref<80x128xi32, #tpu.memory_space<vmem>> -> memref<1x128xi32, #tpu.memory_space<vmem>>
      %dma_start3A_517 = tpu.memref_squeeze %dma_start3A_516 : memref<1x128xi32, #tpu.memory_space<vmem>> -> memref<128xi32, #tpu.memory_space<vmem>>
      %dma_start3A_518 = arith.constant 0 : i32
      %dma_start3A_519 = arith.constant 0 : i32
      %dma_start3A_520 = tpu.memref_slice %arg2[%dma_start3A_518, %dma_start3A_519] : memref<10240x128xf32, #tpu.memory_space<hbm>> -> memref<10240x128xf32, #tpu.memory_space<hbm>>
      tpu.enqueue_indirect_dma source(%dma_start3A_520 : memref<10240x128xf32, #tpu.memory_space<hbm>>) target(%dma_start3A_514 : memref<128x128xf32, #tpu.memory_space<vmem>>) offsets(%dma_start3A_517 : memref<128xi32, #tpu.memory_space<vmem>>) semaphore(%arg11 : memref<!tpu.dma_semaphore, #tpu.memory_space<semaphore_mem>>)
      %dma_wait3A_521 = arith.constant 1 : i32
      %dma_wait3A_522 = arith.constant 0 : i32
      %dma_wait3A_523 = arith.constant 0 : i32
      %dma_wait3A_524 = tpu.memref_slice %arg9[%dma_wait3A_521, %dma_wait3A_522, %dma_wait3A_523] : memref<2x128x128xf32, #tpu.memory_space<vmem>> -> memref<1x128x128xf32, #tpu.memory_space<vmem>>
      %dma_wait3A_525 = tpu.memref_squeeze %dma_wait3A_524 : memref<1x128x128xf32, #tpu.memory_space<vmem>> -> memref<128x128xf32, #tpu.memory_space<vmem>>
      %dma_wait3A_526 = arith.constant 0 : i32
      %dma_wait3A_527 = tpu.memref_slice %arg7[%add3A_457, %dma_wait3A_526] : memref<80x128xi32, #tpu.memory_space<vmem>> -> memref<1x128xi32, #tpu.memory_space<vmem>>
      %dma_wait3A_528 = tpu.memref_squeeze %dma_wait3A_527 : memref<1x128xi32, #tpu.memory_space<vmem>> -> memref<128xi32, #tpu.memory_space<vmem>>
      %dma_wait3A_529 = arith.constant 0 : i32
      %dma_wait3A_530 = arith.constant 0 : i32
      %dma_wait3A_531 = tpu.memref_slice %arg2[%dma_wait3A_529, %dma_wait3A_530] : memref<10240x128xf32, #tpu.memory_space<hbm>> -> memref<10240x128xf32, #tpu.memory_space<hbm>>
      tpu.wait_indirect_dma semaphore(%arg12 : memref<!tpu.dma_semaphore, #tpu.memory_space<semaphore_mem>>) src(%dma_wait3A_531 : memref<10240x128xf32, #tpu.memory_space<hbm>>) dst(%dma_wait3A_525 : memref<128x128xf32, #tpu.memory_space<vmem>>)
      %dma_start3A_532 = arith.constant 1 : i32
      %dma_start3A_533 = arith.constant 9 : i32
      %dma_start3A_534 = arith.constant 0 : i32
      %dma_start3A_535 = arith.constant 0 : i32
      %dma_start3A_536 = tpu.memref_slice %arg9[%dma_start3A_532, %dma_start3A_534, %dma_start3A_535] : memref<2x128x128xf32, #tpu.memory_space<vmem>> -> memref<1x128x128xf32, #tpu.memory_space<vmem>>
      %dma_start3A_537 = tpu.memref_squeeze %dma_start3A_536 : memref<1x128x128xf32, #tpu.memory_space<vmem>> -> memref<128x128xf32, #tpu.memory_space<vmem>>
      %dma_start3A_538 = arith.constant 0 : i32
      %dma_start3A_539 = tpu.memref_slice %arg8[%dma_start3A_533, %dma_start3A_538] : memref<16x128xi32, #tpu.memory_space<vmem>> -> memref<1x128xi32, #tpu.memory_space<vmem>>
      %dma_start3A_540 = tpu.memref_squeeze %dma_start3A_539 : memref<1x128xi32, #tpu.memory_space<vmem>> -> memref<128xi32, #tpu.memory_space<vmem>>
      %dma_start3A_541 = arith.constant 0 : i32
      %dma_start3A_542 = arith.constant 0 : i32
      %dma_start3A_543 = tpu.memref_slice %arg10[%dma_start3A_541, %dma_start3A_542] : memref<10240x128xf32, #tpu.memory_space<vmem_shared>> -> memref<10240x128xf32, #tpu.memory_space<vmem_shared>>
      tpu.enqueue_indirect_dma source(%dma_start3A_537 : memref<128x128xf32, #tpu.memory_space<vmem>>) target(%dma_start3A_543 : memref<10240x128xf32, #tpu.memory_space<vmem_shared>>) offsets(%dma_start3A_540 : memref<128xi32, #tpu.memory_space<vmem>>) semaphore(%arg14 : memref<!tpu.dma_semaphore, #tpu.memory_space<semaphore_mem>>) {add = true}
      %dma_wait3A_544 = arith.constant 1 : i32
      %dma_wait3A_545 = arith.constant 9 : i32
      %dma_wait3A_546 = arith.constant 0 : i32
      %dma_wait3A_547 = arith.constant 0 : i32
      %dma_wait3A_548 = tpu.memref_slice %arg9[%dma_wait3A_544, %dma_wait3A_546, %dma_wait3A_547] : memref<2x128x128xf32, #tpu.memory_space<vmem>> -> memref<1x128x128xf32, #tpu.memory_space<vmem>>
      %dma_wait3A_549 = tpu.memref_squeeze %dma_wait3A_548 : memref<1x128x128xf32, #tpu.memory_space<vmem>> -> memref<128x128xf32, #tpu.memory_space<vmem>>
      %dma_wait3A_550 = arith.constant 0 : i32
      %dma_wait3A_551 = tpu.memref_slice %arg8[%dma_wait3A_545, %dma_wait3A_550] : memref<16x128xi32, #tpu.memory_space<vmem>> -> memref<1x128xi32, #tpu.memory_space<vmem>>
      %dma_wait3A_552 = tpu.memref_squeeze %dma_wait3A_551 : memref<1x128xi32, #tpu.memory_space<vmem>> -> memref<128xi32, #tpu.memory_space<vmem>>
      %dma_wait3A_553 = arith.constant 0 : i32
      %dma_wait3A_554 = arith.constant 0 : i32
      %dma_wait3A_555 = tpu.memref_slice %arg10[%dma_wait3A_553, %dma_wait3A_554] : memref<10240x128xf32, #tpu.memory_space<vmem_shared>> -> memref<10240x128xf32, #tpu.memory_space<vmem_shared>>
      tpu.wait_indirect_dma semaphore(%arg14 : memref<!tpu.dma_semaphore, #tpu.memory_space<semaphore_mem>>) src(%dma_wait3A_549 : memref<128x128xf32, #tpu.memory_space<vmem>>) dst(%dma_wait3A_555 : memref<10240x128xf32, #tpu.memory_space<vmem_shared>>)
      %mul3A_556 = arith.constant 16 : i32
      %mul3A_557 = arith.muli %scan3A_22, %mul3A_556 : i32
      %add3A_558 = arith.constant 10 : i32
      %add3A_559 = arith.addi %mul3A_557, %add3A_558 : i32
      %add3A_560 = arith.constant 1 : i32
      %add3A_561 = arith.addi %add3A_559, %add3A_560 : i32
      %dma_start3A_562 = arith.constant 1 : i32
      %dma_start3A_563 = arith.constant 0 : i32
      %dma_start3A_564 = arith.constant 0 : i32
      %dma_start3A_565 = tpu.memref_slice %arg9[%dma_start3A_562, %dma_start3A_563, %dma_start3A_564] : memref<2x128x128xf32, #tpu.memory_space<vmem>> -> memref<1x128x128xf32, #tpu.memory_space<vmem>>
      %dma_start3A_566 = tpu.memref_squeeze %dma_start3A_565 : memref<1x128x128xf32, #tpu.memory_space<vmem>> -> memref<128x128xf32, #tpu.memory_space<vmem>>
      %dma_start3A_567 = arith.constant 0 : i32
      %dma_start3A_568 = tpu.memref_slice %arg7[%add3A_561, %dma_start3A_567] : memref<80x128xi32, #tpu.memory_space<vmem>> -> memref<1x128xi32, #tpu.memory_space<vmem>>
      %dma_start3A_569 = tpu.memref_squeeze %dma_start3A_568 : memref<1x128xi32, #tpu.memory_space<vmem>> -> memref<128xi32, #tpu.memory_space<vmem>>
      %dma_start3A_570 = arith.constant 0 : i32
      %dma_start3A_571 = arith.constant 0 : i32
      %dma_start3A_572 = tpu.memref_slice %arg2[%dma_start3A_570, %dma_start3A_571] : memref<10240x128xf32, #tpu.memory_space<hbm>> -> memref<10240x128xf32, #tpu.memory_space<hbm>>
      tpu.enqueue_indirect_dma source(%dma_start3A_572 : memref<10240x128xf32, #tpu.memory_space<hbm>>) target(%dma_start3A_566 : memref<128x128xf32, #tpu.memory_space<vmem>>) offsets(%dma_start3A_569 : memref<128xi32, #tpu.memory_space<vmem>>) semaphore(%arg12 : memref<!tpu.dma_semaphore, #tpu.memory_space<semaphore_mem>>)
      %dma_wait3A_573 = arith.constant 0 : i32
      %dma_wait3A_574 = arith.constant 0 : i32
      %dma_wait3A_575 = arith.constant 0 : i32
      %dma_wait3A_576 = tpu.memref_slice %arg9[%dma_wait3A_573, %dma_wait3A_574, %dma_wait3A_575] : memref<2x128x128xf32, #tpu.memory_space<vmem>> -> memref<1x128x128xf32, #tpu.memory_space<vmem>>
      %dma_wait3A_577 = tpu.memref_squeeze %dma_wait3A_576 : memref<1x128x128xf32, #tpu.memory_space<vmem>> -> memref<128x128xf32, #tpu.memory_space<vmem>>
      %dma_wait3A_578 = arith.constant 0 : i32
      %dma_wait3A_579 = tpu.memref_slice %arg7[%add3A_509, %dma_wait3A_578] : memref<80x128xi32, #tpu.memory_space<vmem>> -> memref<1x128xi32, #tpu.memory_space<vmem>>
      %dma_wait3A_580 = tpu.memref_squeeze %dma_wait3A_579 : memref<1x128xi32, #tpu.memory_space<vmem>> -> memref<128xi32, #tpu.memory_space<vmem>>
      %dma_wait3A_581 = arith.constant 0 : i32
      %dma_wait3A_582 = arith.constant 0 : i32
      %dma_wait3A_583 = tpu.memref_slice %arg2[%dma_wait3A_581, %dma_wait3A_582] : memref<10240x128xf32, #tpu.memory_space<hbm>> -> memref<10240x128xf32, #tpu.memory_space<hbm>>
      tpu.wait_indirect_dma semaphore(%arg11 : memref<!tpu.dma_semaphore, #tpu.memory_space<semaphore_mem>>) src(%dma_wait3A_583 : memref<10240x128xf32, #tpu.memory_space<hbm>>) dst(%dma_wait3A_577 : memref<128x128xf32, #tpu.memory_space<vmem>>)
      %dma_start3A_584 = arith.constant 0 : i32
      %dma_start3A_585 = arith.constant 10 : i32
      %dma_start3A_586 = arith.constant 0 : i32
      %dma_start3A_587 = arith.constant 0 : i32
      %dma_start3A_588 = tpu.memref_slice %arg9[%dma_start3A_584, %dma_start3A_586, %dma_start3A_587] : memref<2x128x128xf32, #tpu.memory_space<vmem>> -> memref<1x128x128xf32, #tpu.memory_space<vmem>>
      %dma_start3A_589 = tpu.memref_squeeze %dma_start3A_588 : memref<1x128x128xf32, #tpu.memory_space<vmem>> -> memref<128x128xf32, #tpu.memory_space<vmem>>
      %dma_start3A_590 = arith.constant 0 : i32
      %dma_start3A_591 = tpu.memref_slice %arg8[%dma_start3A_585, %dma_start3A_590] : memref<16x128xi32, #tpu.memory_space<vmem>> -> memref<1x128xi32, #tpu.memory_space<vmem>>
      %dma_start3A_592 = tpu.memref_squeeze %dma_start3A_591 : memref<1x128xi32, #tpu.memory_space<vmem>> -> memref<128xi32, #tpu.memory_space<vmem>>
      %dma_start3A_593 = arith.constant 0 : i32
      %dma_start3A_594 = arith.constant 0 : i32
      %dma_start3A_595 = tpu.memref_slice %arg10[%dma_start3A_593, %dma_start3A_594] : memref<10240x128xf32, #tpu.memory_space<vmem_shared>> -> memref<10240x128xf32, #tpu.memory_space<vmem_shared>>
      tpu.enqueue_indirect_dma source(%dma_start3A_589 : memref<128x128xf32, #tpu.memory_space<vmem>>) target(%dma_start3A_595 : memref<10240x128xf32, #tpu.memory_space<vmem_shared>>) offsets(%dma_start3A_592 : memref<128xi32, #tpu.memory_space<vmem>>) semaphore(%arg13 : memref<!tpu.dma_semaphore, #tpu.memory_space<semaphore_mem>>) {add = true}
      %dma_wait3A_596 = arith.constant 0 : i32
      %dma_wait3A_597 = arith.constant 10 : i32
      %dma_wait3A_598 = arith.constant 0 : i32
      %dma_wait3A_599 = arith.constant 0 : i32
      %dma_wait3A_600 = tpu.memref_slice %arg9[%dma_wait3A_596, %dma_wait3A_598, %dma_wait3A_599] : memref<2x128x128xf32, #tpu.memory_space<vmem>> -> memref<1x128x128xf32, #tpu.memory_space<vmem>>
      %dma_wait3A_601 = tpu.memref_squeeze %dma_wait3A_600 : memref<1x128x128xf32, #tpu.memory_space<vmem>> -> memref<128x128xf32, #tpu.memory_space<vmem>>
      %dma_wait3A_602 = arith.constant 0 : i32
      %dma_wait3A_603 = tpu.memref_slice %arg8[%dma_wait3A_597, %dma_wait3A_602] : memref<16x128xi32, #tpu.memory_space<vmem>> -> memref<1x128xi32, #tpu.memory_space<vmem>>
      %dma_wait3A_604 = tpu.memref_squeeze %dma_wait3A_603 : memref<1x128xi32, #tpu.memory_space<vmem>> -> memref<128xi32, #tpu.memory_space<vmem>>
      %dma_wait3A_605 = arith.constant 0 : i32
      %dma_wait3A_606 = arith.constant 0 : i32
      %dma_wait3A_607 = tpu.memref_slice %arg10[%dma_wait3A_605, %dma_wait3A_606] : memref<10240x128xf32, #tpu.memory_space<vmem_shared>> -> memref<10240x128xf32, #tpu.memory_space<vmem_shared>>
      tpu.wait_indirect_dma semaphore(%arg13 : memref<!tpu.dma_semaphore, #tpu.memory_space<semaphore_mem>>) src(%dma_wait3A_601 : memref<128x128xf32, #tpu.memory_space<vmem>>) dst(%dma_wait3A_607 : memref<10240x128xf32, #tpu.memory_space<vmem_shared>>)
      %mul3A_608 = arith.constant 16 : i32
      %mul3A_609 = arith.muli %scan3A_22, %mul3A_608 : i32
      %add3A_610 = arith.constant 11 : i32
      %add3A_611 = arith.addi %mul3A_609, %add3A_610 : i32
      %add3A_612 = arith.constant 1 : i32
      %add3A_613 = arith.addi %add3A_611, %add3A_612 : i32
      %dma_start3A_614 = arith.constant 0 : i32
      %dma_start3A_615 = arith.constant 0 : i32
      %dma_start3A_616 = arith.constant 0 : i32
      %dma_start3A_617 = tpu.memref_slice %arg9[%dma_start3A_614, %dma_start3A_615, %dma_start3A_616] : memref<2x128x128xf32, #tpu.memory_space<vmem>> -> memref<1x128x128xf32, #tpu.memory_space<vmem>>
      %dma_start3A_618 = tpu.memref_squeeze %dma_start3A_617 : memref<1x128x128xf32, #tpu.memory_space<vmem>> -> memref<128x128xf32, #tpu.memory_space<vmem>>
      %dma_start3A_619 = arith.constant 0 : i32
      %dma_start3A_620 = tpu.memref_slice %arg7[%add3A_613, %dma_start3A_619] : memref<80x128xi32, #tpu.memory_space<vmem>> -> memref<1x128xi32, #tpu.memory_space<vmem>>
      %dma_start3A_621 = tpu.memref_squeeze %dma_start3A_620 : memref<1x128xi32, #tpu.memory_space<vmem>> -> memref<128xi32, #tpu.memory_space<vmem>>
      %dma_start3A_622 = arith.constant 0 : i32
      %dma_start3A_623 = arith.constant 0 : i32
      %dma_start3A_624 = tpu.memref_slice %arg2[%dma_start3A_622, %dma_start3A_623] : memref<10240x128xf32, #tpu.memory_space<hbm>> -> memref<10240x128xf32, #tpu.memory_space<hbm>>
      tpu.enqueue_indirect_dma source(%dma_start3A_624 : memref<10240x128xf32, #tpu.memory_space<hbm>>) target(%dma_start3A_618 : memref<128x128xf32, #tpu.memory_space<vmem>>) offsets(%dma_start3A_621 : memref<128xi32, #tpu.memory_space<vmem>>) semaphore(%arg11 : memref<!tpu.dma_semaphore, #tpu.memory_space<semaphore_mem>>)
      %dma_wait3A_625 = arith.constant 1 : i32
      %dma_wait3A_626 = arith.constant 0 : i32
      %dma_wait3A_627 = arith.constant 0 : i32
      %dma_wait3A_628 = tpu.memref_slice %arg9[%dma_wait3A_625, %dma_wait3A_626, %dma_wait3A_627] : memref<2x128x128xf32, #tpu.memory_space<vmem>> -> memref<1x128x128xf32, #tpu.memory_space<vmem>>
      %dma_wait3A_629 = tpu.memref_squeeze %dma_wait3A_628 : memref<1x128x128xf32, #tpu.memory_space<vmem>> -> memref<128x128xf32, #tpu.memory_space<vmem>>
      %dma_wait3A_630 = arith.constant 0 : i32
      %dma_wait3A_631 = tpu.memref_slice %arg7[%add3A_561, %dma_wait3A_630] : memref<80x128xi32, #tpu.memory_space<vmem>> -> memref<1x128xi32, #tpu.memory_space<vmem>>
      %dma_wait3A_632 = tpu.memref_squeeze %dma_wait3A_631 : memref<1x128xi32, #tpu.memory_space<vmem>> -> memref<128xi32, #tpu.memory_space<vmem>>
      %dma_wait3A_633 = arith.constant 0 : i32
      %dma_wait3A_634 = arith.constant 0 : i32
      %dma_wait3A_635 = tpu.memref_slice %arg2[%dma_wait3A_633, %dma_wait3A_634] : memref<10240x128xf32, #tpu.memory_space<hbm>> -> memref<10240x128xf32, #tpu.memory_space<hbm>>
      tpu.wait_indirect_dma semaphore(%arg12 : memref<!tpu.dma_semaphore, #tpu.memory_space<semaphore_mem>>) src(%dma_wait3A_635 : memref<10240x128xf32, #tpu.memory_space<hbm>>) dst(%dma_wait3A_629 : memref<128x128xf32, #tpu.memory_space<vmem>>)
      %dma_start3A_636 = arith.constant 1 : i32
      %dma_start3A_637 = arith.constant 11 : i32
      %dma_start3A_638 = arith.constant 0 : i32
      %dma_start3A_639 = arith.constant 0 : i32
      %dma_start3A_640 = tpu.memref_slice %arg9[%dma_start3A_636, %dma_start3A_638, %dma_start3A_639] : memref<2x128x128xf32, #tpu.memory_space<vmem>> -> memref<1x128x128xf32, #tpu.memory_space<vmem>>
      %dma_start3A_641 = tpu.memref_squeeze %dma_start3A_640 : memref<1x128x128xf32, #tpu.memory_space<vmem>> -> memref<128x128xf32, #tpu.memory_space<vmem>>
      %dma_start3A_642 = arith.constant 0 : i32
      %dma_start3A_643 = tpu.memref_slice %arg8[%dma_start3A_637, %dma_start3A_642] : memref<16x128xi32, #tpu.memory_space<vmem>> -> memref<1x128xi32, #tpu.memory_space<vmem>>
      %dma_start3A_644 = tpu.memref_squeeze %dma_start3A_643 : memref<1x128xi32, #tpu.memory_space<vmem>> -> memref<128xi32, #tpu.memory_space<vmem>>
      %dma_start3A_645 = arith.constant 0 : i32
      %dma_start3A_646 = arith.constant 0 : i32
      %dma_start3A_647 = tpu.memref_slice %arg10[%dma_start3A_645, %dma_start3A_646] : memref<10240x128xf32, #tpu.memory_space<vmem_shared>> -> memref<10240x128xf32, #tpu.memory_space<vmem_shared>>
      tpu.enqueue_indirect_dma source(%dma_start3A_641 : memref<128x128xf32, #tpu.memory_space<vmem>>) target(%dma_start3A_647 : memref<10240x128xf32, #tpu.memory_space<vmem_shared>>) offsets(%dma_start3A_644 : memref<128xi32, #tpu.memory_space<vmem>>) semaphore(%arg14 : memref<!tpu.dma_semaphore, #tpu.memory_space<semaphore_mem>>) {add = true}
      %dma_wait3A_648 = arith.constant 1 : i32
      %dma_wait3A_649 = arith.constant 11 : i32
      %dma_wait3A_650 = arith.constant 0 : i32
      %dma_wait3A_651 = arith.constant 0 : i32
      %dma_wait3A_652 = tpu.memref_slice %arg9[%dma_wait3A_648, %dma_wait3A_650, %dma_wait3A_651] : memref<2x128x128xf32, #tpu.memory_space<vmem>> -> memref<1x128x128xf32, #tpu.memory_space<vmem>>
      %dma_wait3A_653 = tpu.memref_squeeze %dma_wait3A_652 : memref<1x128x128xf32, #tpu.memory_space<vmem>> -> memref<128x128xf32, #tpu.memory_space<vmem>>
      %dma_wait3A_654 = arith.constant 0 : i32
      %dma_wait3A_655 = tpu.memref_slice %arg8[%dma_wait3A_649, %dma_wait3A_654] : memref<16x128xi32, #tpu.memory_space<vmem>> -> memref<1x128xi32, #tpu.memory_space<vmem>>
      %dma_wait3A_656 = tpu.memref_squeeze %dma_wait3A_655 : memref<1x128xi32, #tpu.memory_space<vmem>> -> memref<128xi32, #tpu.memory_space<vmem>>
      %dma_wait3A_657 = arith.constant 0 : i32
      %dma_wait3A_658 = arith.constant 0 : i32
      %dma_wait3A_659 = tpu.memref_slice %arg10[%dma_wait3A_657, %dma_wait3A_658] : memref<10240x128xf32, #tpu.memory_space<vmem_shared>> -> memref<10240x128xf32, #tpu.memory_space<vmem_shared>>
      tpu.wait_indirect_dma semaphore(%arg14 : memref<!tpu.dma_semaphore, #tpu.memory_space<semaphore_mem>>) src(%dma_wait3A_653 : memref<128x128xf32, #tpu.memory_space<vmem>>) dst(%dma_wait3A_659 : memref<10240x128xf32, #tpu.memory_space<vmem_shared>>)
      %mul3A_660 = arith.constant 16 : i32
      %mul3A_661 = arith.muli %scan3A_22, %mul3A_660 : i32
      %add3A_662 = arith.constant 12 : i32
      %add3A_663 = arith.addi %mul3A_661, %add3A_662 : i32
      %add3A_664 = arith.constant 1 : i32
      %add3A_665 = arith.addi %add3A_663, %add3A_664 : i32
      %dma_start3A_666 = arith.constant 1 : i32
      %dma_start3A_667 = arith.constant 0 : i32
      %dma_start3A_668 = arith.constant 0 : i32
      %dma_start3A_669 = tpu.memref_slice %arg9[%dma_start3A_666, %dma_start3A_667, %dma_start3A_668] : memref<2x128x128xf32, #tpu.memory_space<vmem>> -> memref<1x128x128xf32, #tpu.memory_space<vmem>>
      %dma_start3A_670 = tpu.memref_squeeze %dma_start3A_669 : memref<1x128x128xf32, #tpu.memory_space<vmem>> -> memref<128x128xf32, #tpu.memory_space<vmem>>
      %dma_start3A_671 = arith.constant 0 : i32
      %dma_start3A_672 = tpu.memref_slice %arg7[%add3A_665, %dma_start3A_671] : memref<80x128xi32, #tpu.memory_space<vmem>> -> memref<1x128xi32, #tpu.memory_space<vmem>>
      %dma_start3A_673 = tpu.memref_squeeze %dma_start3A_672 : memref<1x128xi32, #tpu.memory_space<vmem>> -> memref<128xi32, #tpu.memory_space<vmem>>
      %dma_start3A_674 = arith.constant 0 : i32
      %dma_start3A_675 = arith.constant 0 : i32
      %dma_start3A_676 = tpu.memref_slice %arg2[%dma_start3A_674, %dma_start3A_675] : memref<10240x128xf32, #tpu.memory_space<hbm>> -> memref<10240x128xf32, #tpu.memory_space<hbm>>
      tpu.enqueue_indirect_dma source(%dma_start3A_676 : memref<10240x128xf32, #tpu.memory_space<hbm>>) target(%dma_start3A_670 : memref<128x128xf32, #tpu.memory_space<vmem>>) offsets(%dma_start3A_673 : memref<128xi32, #tpu.memory_space<vmem>>) semaphore(%arg12 : memref<!tpu.dma_semaphore, #tpu.memory_space<semaphore_mem>>)
      %dma_wait3A_677 = arith.constant 0 : i32
      %dma_wait3A_678 = arith.constant 0 : i32
      %dma_wait3A_679 = arith.constant 0 : i32
      %dma_wait3A_680 = tpu.memref_slice %arg9[%dma_wait3A_677, %dma_wait3A_678, %dma_wait3A_679] : memref<2x128x128xf32, #tpu.memory_space<vmem>> -> memref<1x128x128xf32, #tpu.memory_space<vmem>>
      %dma_wait3A_681 = tpu.memref_squeeze %dma_wait3A_680 : memref<1x128x128xf32, #tpu.memory_space<vmem>> -> memref<128x128xf32, #tpu.memory_space<vmem>>
      %dma_wait3A_682 = arith.constant 0 : i32
      %dma_wait3A_683 = tpu.memref_slice %arg7[%add3A_613, %dma_wait3A_682] : memref<80x128xi32, #tpu.memory_space<vmem>> -> memref<1x128xi32, #tpu.memory_space<vmem>>
      %dma_wait3A_684 = tpu.memref_squeeze %dma_wait3A_683 : memref<1x128xi32, #tpu.memory_space<vmem>> -> memref<128xi32, #tpu.memory_space<vmem>>
      %dma_wait3A_685 = arith.constant 0 : i32
      %dma_wait3A_686 = arith.constant 0 : i32
      %dma_wait3A_687 = tpu.memref_slice %arg2[%dma_wait3A_685, %dma_wait3A_686] : memref<10240x128xf32, #tpu.memory_space<hbm>> -> memref<10240x128xf32, #tpu.memory_space<hbm>>
      tpu.wait_indirect_dma semaphore(%arg11 : memref<!tpu.dma_semaphore, #tpu.memory_space<semaphore_mem>>) src(%dma_wait3A_687 : memref<10240x128xf32, #tpu.memory_space<hbm>>) dst(%dma_wait3A_681 : memref<128x128xf32, #tpu.memory_space<vmem>>)
      %dma_start3A_688 = arith.constant 0 : i32
      %dma_start3A_689 = arith.constant 12 : i32
      %dma_start3A_690 = arith.constant 0 : i32
      %dma_start3A_691 = arith.constant 0 : i32
      %dma_start3A_692 = tpu.memref_slice %arg9[%dma_start3A_688, %dma_start3A_690, %dma_start3A_691] : memref<2x128x128xf32, #tpu.memory_space<vmem>> -> memref<1x128x128xf32, #tpu.memory_space<vmem>>
      %dma_start3A_693 = tpu.memref_squeeze %dma_start3A_692 : memref<1x128x128xf32, #tpu.memory_space<vmem>> -> memref<128x128xf32, #tpu.memory_space<vmem>>
      %dma_start3A_694 = arith.constant 0 : i32
      %dma_start3A_695 = tpu.memref_slice %arg8[%dma_start3A_689, %dma_start3A_694] : memref<16x128xi32, #tpu.memory_space<vmem>> -> memref<1x128xi32, #tpu.memory_space<vmem>>
      %dma_start3A_696 = tpu.memref_squeeze %dma_start3A_695 : memref<1x128xi32, #tpu.memory_space<vmem>> -> memref<128xi32, #tpu.memory_space<vmem>>
      %dma_start3A_697 = arith.constant 0 : i32
      %dma_start3A_698 = arith.constant 0 : i32
      %dma_start3A_699 = tpu.memref_slice %arg10[%dma_start3A_697, %dma_start3A_698] : memref<10240x128xf32, #tpu.memory_space<vmem_shared>> -> memref<10240x128xf32, #tpu.memory_space<vmem_shared>>
      tpu.enqueue_indirect_dma source(%dma_start3A_693 : memref<128x128xf32, #tpu.memory_space<vmem>>) target(%dma_start3A_699 : memref<10240x128xf32, #tpu.memory_space<vmem_shared>>) offsets(%dma_start3A_696 : memref<128xi32, #tpu.memory_space<vmem>>) semaphore(%arg13 : memref<!tpu.dma_semaphore, #tpu.memory_space<semaphore_mem>>) {add = true}
      %dma_wait3A_700 = arith.constant 0 : i32
      %dma_wait3A_701 = arith.constant 12 : i32
      %dma_wait3A_702 = arith.constant 0 : i32
      %dma_wait3A_703 = arith.constant 0 : i32
      %dma_wait3A_704 = tpu.memref_slice %arg9[%dma_wait3A_700, %dma_wait3A_702, %dma_wait3A_703] : memref<2x128x128xf32, #tpu.memory_space<vmem>> -> memref<1x128x128xf32, #tpu.memory_space<vmem>>
      %dma_wait3A_705 = tpu.memref_squeeze %dma_wait3A_704 : memref<1x128x128xf32, #tpu.memory_space<vmem>> -> memref<128x128xf32, #tpu.memory_space<vmem>>
      %dma_wait3A_706 = arith.constant 0 : i32
      %dma_wait3A_707 = tpu.memref_slice %arg8[%dma_wait3A_701, %dma_wait3A_706] : memref<16x128xi32, #tpu.memory_space<vmem>> -> memref<1x128xi32, #tpu.memory_space<vmem>>
      %dma_wait3A_708 = tpu.memref_squeeze %dma_wait3A_707 : memref<1x128xi32, #tpu.memory_space<vmem>> -> memref<128xi32, #tpu.memory_space<vmem>>
      %dma_wait3A_709 = arith.constant 0 : i32
      %dma_wait3A_710 = arith.constant 0 : i32
      %dma_wait3A_711 = tpu.memref_slice %arg10[%dma_wait3A_709, %dma_wait3A_710] : memref<10240x128xf32, #tpu.memory_space<vmem_shared>> -> memref<10240x128xf32, #tpu.memory_space<vmem_shared>>
      tpu.wait_indirect_dma semaphore(%arg13 : memref<!tpu.dma_semaphore, #tpu.memory_space<semaphore_mem>>) src(%dma_wait3A_705 : memref<128x128xf32, #tpu.memory_space<vmem>>) dst(%dma_wait3A_711 : memref<10240x128xf32, #tpu.memory_space<vmem_shared>>)
      %mul3A_712 = arith.constant 16 : i32
      %mul3A_713 = arith.muli %scan3A_22, %mul3A_712 : i32
      %add3A_714 = arith.constant 13 : i32
      %add3A_715 = arith.addi %mul3A_713, %add3A_714 : i32
      %add3A_716 = arith.constant 1 : i32
      %add3A_717 = arith.addi %add3A_715, %add3A_716 : i32
      %dma_start3A_718 = arith.constant 0 : i32
      %dma_start3A_719 = arith.constant 0 : i32
      %dma_start3A_720 = arith.constant 0 : i32
      %dma_start3A_721 = tpu.memref_slice %arg9[%dma_start3A_718, %dma_start3A_719, %dma_start3A_720] : memref<2x128x128xf32, #tpu.memory_space<vmem>> -> memref<1x128x128xf32, #tpu.memory_space<vmem>>
      %dma_start3A_722 = tpu.memref_squeeze %dma_start3A_721 : memref<1x128x128xf32, #tpu.memory_space<vmem>> -> memref<128x128xf32, #tpu.memory_space<vmem>>
      %dma_start3A_723 = arith.constant 0 : i32
      %dma_start3A_724 = tpu.memref_slice %arg7[%add3A_717, %dma_start3A_723] : memref<80x128xi32, #tpu.memory_space<vmem>> -> memref<1x128xi32, #tpu.memory_space<vmem>>
      %dma_start3A_725 = tpu.memref_squeeze %dma_start3A_724 : memref<1x128xi32, #tpu.memory_space<vmem>> -> memref<128xi32, #tpu.memory_space<vmem>>
      %dma_start3A_726 = arith.constant 0 : i32
      %dma_start3A_727 = arith.constant 0 : i32
      %dma_start3A_728 = tpu.memref_slice %arg2[%dma_start3A_726, %dma_start3A_727] : memref<10240x128xf32, #tpu.memory_space<hbm>> -> memref<10240x128xf32, #tpu.memory_space<hbm>>
      tpu.enqueue_indirect_dma source(%dma_start3A_728 : memref<10240x128xf32, #tpu.memory_space<hbm>>) target(%dma_start3A_722 : memref<128x128xf32, #tpu.memory_space<vmem>>) offsets(%dma_start3A_725 : memref<128xi32, #tpu.memory_space<vmem>>) semaphore(%arg11 : memref<!tpu.dma_semaphore, #tpu.memory_space<semaphore_mem>>)
      %dma_wait3A_729 = arith.constant 1 : i32
      %dma_wait3A_730 = arith.constant 0 : i32
      %dma_wait3A_731 = arith.constant 0 : i32
      %dma_wait3A_732 = tpu.memref_slice %arg9[%dma_wait3A_729, %dma_wait3A_730, %dma_wait3A_731] : memref<2x128x128xf32, #tpu.memory_space<vmem>> -> memref<1x128x128xf32, #tpu.memory_space<vmem>>
      %dma_wait3A_733 = tpu.memref_squeeze %dma_wait3A_732 : memref<1x128x128xf32, #tpu.memory_space<vmem>> -> memref<128x128xf32, #tpu.memory_space<vmem>>
      %dma_wait3A_734 = arith.constant 0 : i32
      %dma_wait3A_735 = tpu.memref_slice %arg7[%add3A_665, %dma_wait3A_734] : memref<80x128xi32, #tpu.memory_space<vmem>> -> memref<1x128xi32, #tpu.memory_space<vmem>>
      %dma_wait3A_736 = tpu.memref_squeeze %dma_wait3A_735 : memref<1x128xi32, #tpu.memory_space<vmem>> -> memref<128xi32, #tpu.memory_space<vmem>>
      %dma_wait3A_737 = arith.constant 0 : i32
      %dma_wait3A_738 = arith.constant 0 : i32
      %dma_wait3A_739 = tpu.memref_slice %arg2[%dma_wait3A_737, %dma_wait3A_738] : memref<10240x128xf32, #tpu.memory_space<hbm>> -> memref<10240x128xf32, #tpu.memory_space<hbm>>
      tpu.wait_indirect_dma semaphore(%arg12 : memref<!tpu.dma_semaphore, #tpu.memory_space<semaphore_mem>>) src(%dma_wait3A_739 : memref<10240x128xf32, #tpu.memory_space<hbm>>) dst(%dma_wait3A_733 : memref<128x128xf32, #tpu.memory_space<vmem>>)
      %dma_start3A_740 = arith.constant 1 : i32
      %dma_start3A_741 = arith.constant 13 : i32
      %dma_start3A_742 = arith.constant 0 : i32
      %dma_start3A_743 = arith.constant 0 : i32
      %dma_start3A_744 = tpu.memref_slice %arg9[%dma_start3A_740, %dma_start3A_742, %dma_start3A_743] : memref<2x128x128xf32, #tpu.memory_space<vmem>> -> memref<1x128x128xf32, #tpu.memory_space<vmem>>
      %dma_start3A_745 = tpu.memref_squeeze %dma_start3A_744 : memref<1x128x128xf32, #tpu.memory_space<vmem>> -> memref<128x128xf32, #tpu.memory_space<vmem>>
      %dma_start3A_746 = arith.constant 0 : i32
      %dma_start3A_747 = tpu.memref_slice %arg8[%dma_start3A_741, %dma_start3A_746] : memref<16x128xi32, #tpu.memory_space<vmem>> -> memref<1x128xi32, #tpu.memory_space<vmem>>
      %dma_start3A_748 = tpu.memref_squeeze %dma_start3A_747 : memref<1x128xi32, #tpu.memory_space<vmem>> -> memref<128xi32, #tpu.memory_space<vmem>>
      %dma_start3A_749 = arith.constant 0 : i32
      %dma_start3A_750 = arith.constant 0 : i32
      %dma_start3A_751 = tpu.memref_slice %arg10[%dma_start3A_749, %dma_start3A_750] : memref<10240x128xf32, #tpu.memory_space<vmem_shared>> -> memref<10240x128xf32, #tpu.memory_space<vmem_shared>>
      tpu.enqueue_indirect_dma source(%dma_start3A_745 : memref<128x128xf32, #tpu.memory_space<vmem>>) target(%dma_start3A_751 : memref<10240x128xf32, #tpu.memory_space<vmem_shared>>) offsets(%dma_start3A_748 : memref<128xi32, #tpu.memory_space<vmem>>) semaphore(%arg14 : memref<!tpu.dma_semaphore, #tpu.memory_space<semaphore_mem>>) {add = true}
      %dma_wait3A_752 = arith.constant 1 : i32
      %dma_wait3A_753 = arith.constant 13 : i32
      %dma_wait3A_754 = arith.constant 0 : i32
      %dma_wait3A_755 = arith.constant 0 : i32
      %dma_wait3A_756 = tpu.memref_slice %arg9[%dma_wait3A_752, %dma_wait3A_754, %dma_wait3A_755] : memref<2x128x128xf32, #tpu.memory_space<vmem>> -> memref<1x128x128xf32, #tpu.memory_space<vmem>>
      %dma_wait3A_757 = tpu.memref_squeeze %dma_wait3A_756 : memref<1x128x128xf32, #tpu.memory_space<vmem>> -> memref<128x128xf32, #tpu.memory_space<vmem>>
      %dma_wait3A_758 = arith.constant 0 : i32
      %dma_wait3A_759 = tpu.memref_slice %arg8[%dma_wait3A_753, %dma_wait3A_758] : memref<16x128xi32, #tpu.memory_space<vmem>> -> memref<1x128xi32, #tpu.memory_space<vmem>>
      %dma_wait3A_760 = tpu.memref_squeeze %dma_wait3A_759 : memref<1x128xi32, #tpu.memory_space<vmem>> -> memref<128xi32, #tpu.memory_space<vmem>>
      %dma_wait3A_761 = arith.constant 0 : i32
      %dma_wait3A_762 = arith.constant 0 : i32
      %dma_wait3A_763 = tpu.memref_slice %arg10[%dma_wait3A_761, %dma_wait3A_762] : memref<10240x128xf32, #tpu.memory_space<vmem_shared>> -> memref<10240x128xf32, #tpu.memory_space<vmem_shared>>
      tpu.wait_indirect_dma semaphore(%arg14 : memref<!tpu.dma_semaphore, #tpu.memory_space<semaphore_mem>>) src(%dma_wait3A_757 : memref<128x128xf32, #tpu.memory_space<vmem>>) dst(%dma_wait3A_763 : memref<10240x128xf32, #tpu.memory_space<vmem_shared>>)
      %mul3A_764 = arith.constant 16 : i32
      %mul3A_765 = arith.muli %scan3A_22, %mul3A_764 : i32
      %add3A_766 = arith.constant 14 : i32
      %add3A_767 = arith.addi %mul3A_765, %add3A_766 : i32
      %add3A_768 = arith.constant 1 : i32
      %add3A_769 = arith.addi %add3A_767, %add3A_768 : i32
      %dma_start3A_770 = arith.constant 1 : i32
      %dma_start3A_771 = arith.constant 0 : i32
      %dma_start3A_772 = arith.constant 0 : i32
      %dma_start3A_773 = tpu.memref_slice %arg9[%dma_start3A_770, %dma_start3A_771, %dma_start3A_772] : memref<2x128x128xf32, #tpu.memory_space<vmem>> -> memref<1x128x128xf32, #tpu.memory_space<vmem>>
      %dma_start3A_774 = tpu.memref_squeeze %dma_start3A_773 : memref<1x128x128xf32, #tpu.memory_space<vmem>> -> memref<128x128xf32, #tpu.memory_space<vmem>>
      %dma_start3A_775 = arith.constant 0 : i32
      %dma_start3A_776 = tpu.memref_slice %arg7[%add3A_769, %dma_start3A_775] : memref<80x128xi32, #tpu.memory_space<vmem>> -> memref<1x128xi32, #tpu.memory_space<vmem>>
      %dma_start3A_777 = tpu.memref_squeeze %dma_start3A_776 : memref<1x128xi32, #tpu.memory_space<vmem>> -> memref<128xi32, #tpu.memory_space<vmem>>
      %dma_start3A_778 = arith.constant 0 : i32
      %dma_start3A_779 = arith.constant 0 : i32
      %dma_start3A_780 = tpu.memref_slice %arg2[%dma_start3A_778, %dma_start3A_779] : memref<10240x128xf32, #tpu.memory_space<hbm>> -> memref<10240x128xf32, #tpu.memory_space<hbm>>
      tpu.enqueue_indirect_dma source(%dma_start3A_780 : memref<10240x128xf32, #tpu.memory_space<hbm>>) target(%dma_start3A_774 : memref<128x128xf32, #tpu.memory_space<vmem>>) offsets(%dma_start3A_777 : memref<128xi32, #tpu.memory_space<vmem>>) semaphore(%arg12 : memref<!tpu.dma_semaphore, #tpu.memory_space<semaphore_mem>>)
      %dma_wait3A_781 = arith.constant 0 : i32
      %dma_wait3A_782 = arith.constant 0 : i32
      %dma_wait3A_783 = arith.constant 0 : i32
      %dma_wait3A_784 = tpu.memref_slice %arg9[%dma_wait3A_781, %dma_wait3A_782, %dma_wait3A_783] : memref<2x128x128xf32, #tpu.memory_space<vmem>> -> memref<1x128x128xf32, #tpu.memory_space<vmem>>
      %dma_wait3A_785 = tpu.memref_squeeze %dma_wait3A_784 : memref<1x128x128xf32, #tpu.memory_space<vmem>> -> memref<128x128xf32, #tpu.memory_space<vmem>>
      %dma_wait3A_786 = arith.constant 0 : i32
      %dma_wait3A_787 = tpu.memref_slice %arg7[%add3A_717, %dma_wait3A_786] : memref<80x128xi32, #tpu.memory_space<vmem>> -> memref<1x128xi32, #tpu.memory_space<vmem>>
      %dma_wait3A_788 = tpu.memref_squeeze %dma_wait3A_787 : memref<1x128xi32, #tpu.memory_space<vmem>> -> memref<128xi32, #tpu.memory_space<vmem>>
      %dma_wait3A_789 = arith.constant 0 : i32
      %dma_wait3A_790 = arith.constant 0 : i32
      %dma_wait3A_791 = tpu.memref_slice %arg2[%dma_wait3A_789, %dma_wait3A_790] : memref<10240x128xf32, #tpu.memory_space<hbm>> -> memref<10240x128xf32, #tpu.memory_space<hbm>>
      tpu.wait_indirect_dma semaphore(%arg11 : memref<!tpu.dma_semaphore, #tpu.memory_space<semaphore_mem>>) src(%dma_wait3A_791 : memref<10240x128xf32, #tpu.memory_space<hbm>>) dst(%dma_wait3A_785 : memref<128x128xf32, #tpu.memory_space<vmem>>)
      %dma_start3A_792 = arith.constant 0 : i32
      %dma_start3A_793 = arith.constant 14 : i32
      %dma_start3A_794 = arith.constant 0 : i32
      %dma_start3A_795 = arith.constant 0 : i32
      %dma_start3A_796 = tpu.memref_slice %arg9[%dma_start3A_792, %dma_start3A_794, %dma_start3A_795] : memref<2x128x128xf32, #tpu.memory_space<vmem>> -> memref<1x128x128xf32, #tpu.memory_space<vmem>>
      %dma_start3A_797 = tpu.memref_squeeze %dma_start3A_796 : memref<1x128x128xf32, #tpu.memory_space<vmem>> -> memref<128x128xf32, #tpu.memory_space<vmem>>
      %dma_start3A_798 = arith.constant 0 : i32
      %dma_start3A_799 = tpu.memref_slice %arg8[%dma_start3A_793, %dma_start3A_798] : memref<16x128xi32, #tpu.memory_space<vmem>> -> memref<1x128xi32, #tpu.memory_space<vmem>>
      %dma_start3A_800 = tpu.memref_squeeze %dma_start3A_799 : memref<1x128xi32, #tpu.memory_space<vmem>> -> memref<128xi32, #tpu.memory_space<vmem>>
      %dma_start3A_801 = arith.constant 0 : i32
      %dma_start3A_802 = arith.constant 0 : i32
      %dma_start3A_803 = tpu.memref_slice %arg10[%dma_start3A_801, %dma_start3A_802] : memref<10240x128xf32, #tpu.memory_space<vmem_shared>> -> memref<10240x128xf32, #tpu.memory_space<vmem_shared>>
      tpu.enqueue_indirect_dma source(%dma_start3A_797 : memref<128x128xf32, #tpu.memory_space<vmem>>) target(%dma_start3A_803 : memref<10240x128xf32, #tpu.memory_space<vmem_shared>>) offsets(%dma_start3A_800 : memref<128xi32, #tpu.memory_space<vmem>>) semaphore(%arg13 : memref<!tpu.dma_semaphore, #tpu.memory_space<semaphore_mem>>) {add = true}
      %dma_wait3A_804 = arith.constant 0 : i32
      %dma_wait3A_805 = arith.constant 14 : i32
      %dma_wait3A_806 = arith.constant 0 : i32
      %dma_wait3A_807 = arith.constant 0 : i32
      %dma_wait3A_808 = tpu.memref_slice %arg9[%dma_wait3A_804, %dma_wait3A_806, %dma_wait3A_807] : memref<2x128x128xf32, #tpu.memory_space<vmem>> -> memref<1x128x128xf32, #tpu.memory_space<vmem>>
      %dma_wait3A_809 = tpu.memref_squeeze %dma_wait3A_808 : memref<1x128x128xf32, #tpu.memory_space<vmem>> -> memref<128x128xf32, #tpu.memory_space<vmem>>
      %dma_wait3A_810 = arith.constant 0 : i32
      %dma_wait3A_811 = tpu.memref_slice %arg8[%dma_wait3A_805, %dma_wait3A_810] : memref<16x128xi32, #tpu.memory_space<vmem>> -> memref<1x128xi32, #tpu.memory_space<vmem>>
      %dma_wait3A_812 = tpu.memref_squeeze %dma_wait3A_811 : memref<1x128xi32, #tpu.memory_space<vmem>> -> memref<128xi32, #tpu.memory_space<vmem>>
      %dma_wait3A_813 = arith.constant 0 : i32
      %dma_wait3A_814 = arith.constant 0 : i32
      %dma_wait3A_815 = tpu.memref_slice %arg10[%dma_wait3A_813, %dma_wait3A_814] : memref<10240x128xf32, #tpu.memory_space<vmem_shared>> -> memref<10240x128xf32, #tpu.memory_space<vmem_shared>>
      tpu.wait_indirect_dma semaphore(%arg13 : memref<!tpu.dma_semaphore, #tpu.memory_space<semaphore_mem>>) src(%dma_wait3A_809 : memref<128x128xf32, #tpu.memory_space<vmem>>) dst(%dma_wait3A_815 : memref<10240x128xf32, #tpu.memory_space<vmem_shared>>)
      %lt3A = arith.constant 4 : i32
      %lt3A_816 = arith.cmpi slt, %scan3A_22, %lt3A : i32
      %convert_element_type3A = arith.extui %lt3A_816 : i1 to i32
      %cond3A = arith.constant 0 : i32
      %cond3A_817 = arith.cmpi ne, %convert_element_type3A, %cond3A : i32
      scf.if %cond3A_817 {
        %mul3A_853 = arith.constant 16 : i32
        %mul3A_854 = arith.muli %scan3A_22, %mul3A_853 : i32
        %add3A_855 = arith.constant 16 : i32
        %add3A_856 = arith.addi %mul3A_854, %add3A_855 : i32
        %dma_start3A_857 = arith.constant 0 : i32
        %dma_start3A_858 = arith.constant 0 : i32
        %dma_start3A_859 = arith.constant 0 : i32
        %dma_start3A_860 = tpu.memref_slice %arg9[%dma_start3A_857, %dma_start3A_858, %dma_start3A_859] : memref<2x128x128xf32, #tpu.memory_space<vmem>> -> memref<1x128x128xf32, #tpu.memory_space<vmem>>
        %dma_start3A_861 = tpu.memref_squeeze %dma_start3A_860 : memref<1x128x128xf32, #tpu.memory_space<vmem>> -> memref<128x128xf32, #tpu.memory_space<vmem>>
        %dma_start3A_862 = arith.constant 0 : i32
        %dma_start3A_863 = tpu.memref_slice %arg7[%add3A_856, %dma_start3A_862] : memref<80x128xi32, #tpu.memory_space<vmem>> -> memref<1x128xi32, #tpu.memory_space<vmem>>
        %dma_start3A_864 = tpu.memref_squeeze %dma_start3A_863 : memref<1x128xi32, #tpu.memory_space<vmem>> -> memref<128xi32, #tpu.memory_space<vmem>>
        %dma_start3A_865 = arith.constant 0 : i32
        %dma_start3A_866 = arith.constant 0 : i32
        %dma_start3A_867 = tpu.memref_slice %arg2[%dma_start3A_865, %dma_start3A_866] : memref<10240x128xf32, #tpu.memory_space<hbm>> -> memref<10240x128xf32, #tpu.memory_space<hbm>>
        tpu.enqueue_indirect_dma source(%dma_start3A_867 : memref<10240x128xf32, #tpu.memory_space<hbm>>) target(%dma_start3A_861 : memref<128x128xf32, #tpu.memory_space<vmem>>) offsets(%dma_start3A_864 : memref<128xi32, #tpu.memory_space<vmem>>) semaphore(%arg11 : memref<!tpu.dma_semaphore, #tpu.memory_space<semaphore_mem>>)
      } else {
      }
      %dma_wait3A_818 = arith.constant 1 : i32
      %dma_wait3A_819 = arith.constant 0 : i32
      %dma_wait3A_820 = arith.constant 0 : i32
      %dma_wait3A_821 = tpu.memref_slice %arg9[%dma_wait3A_818, %dma_wait3A_819, %dma_wait3A_820] : memref<2x128x128xf32, #tpu.memory_space<vmem>> -> memref<1x128x128xf32, #tpu.memory_space<vmem>>
      %dma_wait3A_822 = tpu.memref_squeeze %dma_wait3A_821 : memref<1x128x128xf32, #tpu.memory_space<vmem>> -> memref<128x128xf32, #tpu.memory_space<vmem>>
      %dma_wait3A_823 = arith.constant 0 : i32
      %dma_wait3A_824 = tpu.memref_slice %arg7[%add3A_769, %dma_wait3A_823] : memref<80x128xi32, #tpu.memory_space<vmem>> -> memref<1x128xi32, #tpu.memory_space<vmem>>
      %dma_wait3A_825 = tpu.memref_squeeze %dma_wait3A_824 : memref<1x128xi32, #tpu.memory_space<vmem>> -> memref<128xi32, #tpu.memory_space<vmem>>
      %dma_wait3A_826 = arith.constant 0 : i32
      %dma_wait3A_827 = arith.constant 0 : i32
      %dma_wait3A_828 = tpu.memref_slice %arg2[%dma_wait3A_826, %dma_wait3A_827] : memref<10240x128xf32, #tpu.memory_space<hbm>> -> memref<10240x128xf32, #tpu.memory_space<hbm>>
      tpu.wait_indirect_dma semaphore(%arg12 : memref<!tpu.dma_semaphore, #tpu.memory_space<semaphore_mem>>) src(%dma_wait3A_828 : memref<10240x128xf32, #tpu.memory_space<hbm>>) dst(%dma_wait3A_822 : memref<128x128xf32, #tpu.memory_space<vmem>>)
      %dma_start3A_829 = arith.constant 1 : i32
      %dma_start3A_830 = arith.constant 15 : i32
      %dma_start3A_831 = arith.constant 0 : i32
      %dma_start3A_832 = arith.constant 0 : i32
      %dma_start3A_833 = tpu.memref_slice %arg9[%dma_start3A_829, %dma_start3A_831, %dma_start3A_832] : memref<2x128x128xf32, #tpu.memory_space<vmem>> -> memref<1x128x128xf32, #tpu.memory_space<vmem>>
      %dma_start3A_834 = tpu.memref_squeeze %dma_start3A_833 : memref<1x128x128xf32, #tpu.memory_space<vmem>> -> memref<128x128xf32, #tpu.memory_space<vmem>>
      %dma_start3A_835 = arith.constant 0 : i32
      %dma_start3A_836 = tpu.memref_slice %arg8[%dma_start3A_830, %dma_start3A_835] : memref<16x128xi32, #tpu.memory_space<vmem>> -> memref<1x128xi32, #tpu.memory_space<vmem>>
      %dma_start3A_837 = tpu.memref_squeeze %dma_start3A_836 : memref<1x128xi32, #tpu.memory_space<vmem>> -> memref<128xi32, #tpu.memory_space<vmem>>
      %dma_start3A_838 = arith.constant 0 : i32
      %dma_start3A_839 = arith.constant 0 : i32
      %dma_start3A_840 = tpu.memref_slice %arg10[%dma_start3A_838, %dma_start3A_839] : memref<10240x128xf32, #tpu.memory_space<vmem_shared>> -> memref<10240x128xf32, #tpu.memory_space<vmem_shared>>
      tpu.enqueue_indirect_dma source(%dma_start3A_834 : memref<128x128xf32, #tpu.memory_space<vmem>>) target(%dma_start3A_840 : memref<10240x128xf32, #tpu.memory_space<vmem_shared>>) offsets(%dma_start3A_837 : memref<128xi32, #tpu.memory_space<vmem>>) semaphore(%arg14 : memref<!tpu.dma_semaphore, #tpu.memory_space<semaphore_mem>>) {add = true}
      %dma_wait3A_841 = arith.constant 1 : i32
      %dma_wait3A_842 = arith.constant 15 : i32
      %dma_wait3A_843 = arith.constant 0 : i32
      %dma_wait3A_844 = arith.constant 0 : i32
      %dma_wait3A_845 = tpu.memref_slice %arg9[%dma_wait3A_841, %dma_wait3A_843, %dma_wait3A_844] : memref<2x128x128xf32, #tpu.memory_space<vmem>> -> memref<1x128x128xf32, #tpu.memory_space<vmem>>
      %dma_wait3A_846 = tpu.memref_squeeze %dma_wait3A_845 : memref<1x128x128xf32, #tpu.memory_space<vmem>> -> memref<128x128xf32, #tpu.memory_space<vmem>>
      %dma_wait3A_847 = arith.constant 0 : i32
      %dma_wait3A_848 = tpu.memref_slice %arg8[%dma_wait3A_842, %dma_wait3A_847] : memref<16x128xi32, #tpu.memory_space<vmem>> -> memref<1x128xi32, #tpu.memory_space<vmem>>
      %dma_wait3A_849 = tpu.memref_squeeze %dma_wait3A_848 : memref<1x128xi32, #tpu.memory_space<vmem>> -> memref<128xi32, #tpu.memory_space<vmem>>
      %dma_wait3A_850 = arith.constant 0 : i32
      %dma_wait3A_851 = arith.constant 0 : i32
      %dma_wait3A_852 = tpu.memref_slice %arg10[%dma_wait3A_850, %dma_wait3A_851] : memref<10240x128xf32, #tpu.memory_space<vmem_shared>> -> memref<10240x128xf32, #tpu.memory_space<vmem_shared>>
      tpu.wait_indirect_dma semaphore(%arg14 : memref<!tpu.dma_semaphore, #tpu.memory_space<semaphore_mem>>) src(%dma_wait3A_846 : memref<128x128xf32, #tpu.memory_space<vmem>>) dst(%dma_wait3A_852 : memref<10240x128xf32, #tpu.memory_space<vmem_shared>>)
    }
    %scan3A_20 = arith.constant 5 : i32
    %barrier3A_21 = arith.constant 0 : index
    tpu.barrier barrier_id(%barrier3A_21)
    "tpu.region"() ({
      %run_scoped3A = tpu.sem_alloc : memref<!tpu.dma_semaphore, #tpu.memory_space<semaphore_mem>>
      %dma_start3A_22 = arith.constant 0 : i32
      %dma_start3A_23 = tpu.memref_slice %arg6[%arg0, %multiple_of3A, %dma_start3A_22] : memref<2x10240x128xf32, #tpu.memory_space<hbm>> -> memref<1x640x128xf32, #tpu.memory_space<hbm>>
      %dma_start3A_24 = tpu.memref_squeeze %dma_start3A_23 : memref<1x640x128xf32, #tpu.memory_space<hbm>> -> memref<640x128xf32, #tpu.memory_space<hbm>>
      %dma_start3A_25 = arith.constant 0 : i32
      %dma_start3A_26 = tpu.memref_slice %arg10[%multiple_of3A, %dma_start3A_25] : memref<10240x128xf32, #tpu.memory_space<vmem_shared>> -> memref<640x128xf32, #tpu.memory_space<vmem_shared>>
      tpu.enqueue_dma source(%dma_start3A_26 : memref<640x128xf32, #tpu.memory_space<vmem_shared>>) target(%dma_start3A_24 : memref<640x128xf32, #tpu.memory_space<hbm>>) target_semaphore(%run_scoped3A : memref<!tpu.dma_semaphore, #tpu.memory_space<semaphore_mem>>)
      %dma_wait3A = arith.constant 0 : i32
      %dma_wait3A_27 = tpu.memref_slice %arg6[%arg0, %multiple_of3A, %dma_wait3A] : memref<2x10240x128xf32, #tpu.memory_space<hbm>> -> memref<1x640x128xf32, #tpu.memory_space<hbm>>
      %dma_wait3A_28 = tpu.memref_squeeze %dma_wait3A_27 : memref<1x640x128xf32, #tpu.memory_space<hbm>> -> memref<640x128xf32, #tpu.memory_space<hbm>>
      %dma_wait3A_29 = arith.constant 0 : i32
      %dma_wait3A_30 = tpu.memref_slice %arg10[%multiple_of3A, %dma_wait3A_29] : memref<10240x128xf32, #tpu.memory_space<vmem_shared>> -> memref<640x128xf32, #tpu.memory_space<vmem_shared>>
      tpu.wait_dma2 semaphore(%run_scoped3A : memref<!tpu.dma_semaphore, #tpu.memory_space<semaphore_mem>>) src(%dma_wait3A_30 : memref<640x128xf32, #tpu.memory_space<vmem_shared>>) dst(%dma_wait3A_28 : memref<640x128xf32, #tpu.memory_space<hbm>>)
      tpu.yield
    }) : () -> ()
    return
  }
}

#map = affine_map<(d0, d1) -> (0, 0)>
module attributes {stable_mosaic.version = 14 : i64} {
  func.func @deg_kernel(%arg0: i32, %arg1: i32, %arg2: memref<32x10240xi32, #tpu.memory_space<hbm>>, %arg3: memref<32x10240xf32, #tpu.memory_space<hbm>>, %arg4: memref<10240xi32, #tpu.memory_space<vmem>>, %arg5: memref<10240xf32, #tpu.memory_space<vmem>>) attributes {dimension_semantics = [#tpu.dimension_semantics<core_parallel>, #tpu.dimension_semantics<subcore_parallel>], iteration_bounds = array<i64: 2, 16>, scalar_prefetch = 0 : i64, scratch_operands = 2 : i64, tpu.core_type = #tpu.core_type<sc_vector_subcore>, window_params = [{transform_indices = #map}, {transform_indices = #map}]} {
    %mul3A = arith.constant 16 : i32
    %mul3A_0 = arith.muli %arg0, %mul3A : i32
    %add3A = arith.addi %mul3A_0, %arg1 : i32
    "tpu.region"() ({
      %run_scoped3A = tpu.sem_alloc : memref<!tpu.dma_semaphore, #tpu.memory_space<semaphore_mem>>
      %dma_start3A = arith.constant 0 : i32
      %dma_start3A_15 = tpu.memref_slice %arg2[%add3A, %dma_start3A] : memref<32x10240xi32, #tpu.memory_space<hbm>> -> memref<1x10240xi32, #tpu.memory_space<hbm>>
      %dma_start3A_16 = tpu.memref_squeeze %dma_start3A_15 : memref<1x10240xi32, #tpu.memory_space<hbm>> -> memref<10240xi32, #tpu.memory_space<hbm>>
      %dma_start3A_17 = arith.constant 0 : i32
      %dma_start3A_18 = tpu.memref_slice %arg2[%add3A, %dma_start3A_17] : memref<32x10240xi32, #tpu.memory_space<hbm>> -> memref<1x10240xi32, #tpu.memory_space<hbm>>
      %dma_start3A_19 = tpu.memref_squeeze %dma_start3A_18 : memref<1x10240xi32, #tpu.memory_space<hbm>> -> memref<10240xi32, #tpu.memory_space<hbm>>
      tpu.enqueue_dma source(%dma_start3A_19 : memref<10240xi32, #tpu.memory_space<hbm>>) target(%arg4 : memref<10240xi32, #tpu.memory_space<vmem>>) target_semaphore(%run_scoped3A : memref<!tpu.dma_semaphore, #tpu.memory_space<semaphore_mem>>)
      %dma_wait3A = arith.constant 0 : i32
      %dma_wait3A_20 = tpu.memref_slice %arg2[%add3A, %dma_wait3A] : memref<32x10240xi32, #tpu.memory_space<hbm>> -> memref<1x10240xi32, #tpu.memory_space<hbm>>
      %dma_wait3A_21 = tpu.memref_squeeze %dma_wait3A_20 : memref<1x10240xi32, #tpu.memory_space<hbm>> -> memref<10240xi32, #tpu.memory_space<hbm>>
      %dma_wait3A_22 = arith.constant 0 : i32
      %dma_wait3A_23 = tpu.memref_slice %arg2[%add3A, %dma_wait3A_22] : memref<32x10240xi32, #tpu.memory_space<hbm>> -> memref<1x10240xi32, #tpu.memory_space<hbm>>
      %dma_wait3A_24 = tpu.memref_squeeze %dma_wait3A_23 : memref<1x10240xi32, #tpu.memory_space<hbm>> -> memref<10240xi32, #tpu.memory_space<hbm>>
      tpu.wait_dma2 semaphore(%run_scoped3A : memref<!tpu.dma_semaphore, #tpu.memory_space<semaphore_mem>>) src(%dma_wait3A_24 : memref<10240xi32, #tpu.memory_space<hbm>>) dst(%arg4 : memref<10240xi32, #tpu.memory_space<vmem>>)
      tpu.yield
    }) : () -> ()
    %broadcast_in_dim3A = arith.constant 0.000000e+00 : f32
    %broadcast_in_dim3A_1 = vector.broadcast %broadcast_in_dim3A : f32 to vector<16xf32>
    %broadcast_in_dim3A_2 = arith.constant 1.000000e+00 : f32
    %broadcast_in_dim3A_3 = vector.broadcast %broadcast_in_dim3A_2 : f32 to vector<16xf32>
    %scan3A = arith.constant 0 : i32
    %scan3A_4 = arith.constant 0 : i32
    %scan3A_5 = arith.constant 640 : i32
    %scan3A_6 = arith.addi %scan3A_4, %scan3A_5 : i32
    %scan3A_7 = arith.constant 1 : i32
    scf.for %scan3A_15 = %scan3A_4 to %scan3A_6 step %scan3A_7  : i32 {
      %mul3A_16 = arith.constant 16 : i32
      %mul3A_17 = arith.muli %scan3A_15, %mul3A_16 : i32
      %swap3A = arith.index_cast %mul3A_17 : i32 to index
      %swap3A_18 = tpu.vector_load %arg5[%swap3A] {strides = array<i32>} : memref<10240xf32, #tpu.memory_space<vmem>>, vector<16xf32>,
      tpu.vector_store %arg5[%swap3A], %broadcast_in_dim3A_1 {strides = array<i32>} : memref<10240xf32, #tpu.memory_space<vmem>>, vector<16xf32>,
    }
    %scan3A_8 = arith.constant 640 : i32
    %scan3A_9 = arith.constant 0 : i32
    %scan3A_10 = arith.constant 0 : i32
    %scan3A_11 = arith.constant 640 : i32
    %scan3A_12 = arith.addi %scan3A_10, %scan3A_11 : i32
    %scan3A_13 = arith.constant 1 : i32
    scf.for %scan3A_15 = %scan3A_10 to %scan3A_12 step %scan3A_13  : i32 {
      %mul3A_16 = arith.constant 16 : i32
      %mul3A_17 = arith.muli %scan3A_15, %mul3A_16 : i32
      %get3A = arith.index_cast %mul3A_17 : i32 to index
      %get3A_18 = tpu.vector_load %arg4[%get3A] {strides = array<i32>} : memref<10240xi32, #tpu.memory_space<vmem>>, vector<16xi32>,
      tpu.vector_store_idx %arg5[%get3A_18], %broadcast_in_dim3A_3 {add = true} : memref<10240xf32, #tpu.memory_space<vmem>>[vector<16xi32>], vector<16xf32>,
    }
    %scan3A_14 = arith.constant 640 : i32
    "tpu.region"() ({
      %run_scoped3A = tpu.sem_alloc : memref<!tpu.dma_semaphore, #tpu.memory_space<semaphore_mem>>
      %dma_start3A = arith.constant 0 : i32
      %dma_start3A_15 = tpu.memref_slice %arg3[%add3A, %dma_start3A] : memref<32x10240xf32, #tpu.memory_space<hbm>> -> memref<1x10240xf32, #tpu.memory_space<hbm>>
      %dma_start3A_16 = tpu.memref_squeeze %dma_start3A_15 : memref<1x10240xf32, #tpu.memory_space<hbm>> -> memref<10240xf32, #tpu.memory_space<hbm>>
      %dma_start3A_17 = arith.constant 0 : i32
      %dma_start3A_18 = tpu.memref_slice %arg3[%add3A, %dma_start3A_17] : memref<32x10240xf32, #tpu.memory_space<hbm>> -> memref<1x10240xf32, #tpu.memory_space<hbm>>
      %dma_start3A_19 = tpu.memref_squeeze %dma_start3A_18 : memref<1x10240xf32, #tpu.memory_space<hbm>> -> memref<10240xf32, #tpu.memory_space<hbm>>
      tpu.enqueue_dma source(%arg5 : memref<10240xf32, #tpu.memory_space<vmem>>) target(%dma_start3A_19 : memref<10240xf32, #tpu.memory_space<hbm>>) target_semaphore(%run_scoped3A : memref<!tpu.dma_semaphore, #tpu.memory_space<semaphore_mem>>)
      %dma_wait3A = arith.constant 0 : i32
      %dma_wait3A_20 = tpu.memref_slice %arg3[%add3A, %dma_wait3A] : memref<32x10240xf32, #tpu.memory_space<hbm>> -> memref<1x10240xf32, #tpu.memory_space<hbm>>
      %dma_wait3A_21 = tpu.memref_squeeze %dma_wait3A_20 : memref<1x10240xf32, #tpu.memory_space<hbm>> -> memref<10240xf32, #tpu.memory_space<hbm>>
      %dma_wait3A_22 = arith.constant 0 : i32
      %dma_wait3A_23 = tpu.memref_slice %arg3[%add3A, %dma_wait3A_22] : memref<32x10240xf32, #tpu.memory_space<hbm>> -> memref<1x10240xf32, #tpu.memory_space<hbm>>
      %dma_wait3A_24 = tpu.memref_squeeze %dma_wait3A_23 : memref<1x10240xf32, #tpu.memory_space<hbm>> -> memref<10240xf32, #tpu.memory_space<hbm>>
      tpu.wait_dma2 semaphore(%run_scoped3A : memref<!tpu.dma_semaphore, #tpu.memory_space<semaphore_mem>>) src(%arg5 : memref<10240xf32, #tpu.memory_space<vmem>>) dst(%dma_wait3A_24 : memref<10240xf32, #tpu.memory_space<hbm>>)
      tpu.yield
    }) : () -> ()
    return
  }
}

#map = affine_map<(d0, d1) -> (0, 0)>
#map1 = affine_map<(d0, d1) -> (0, 0, 0)>
module attributes {stable_mosaic.version = 14 : i64} {
  func.func @agg_kernel(%arg0: i32, %arg1: i32, %arg2: memref<10240x128xf32, #tpu.memory_space<hbm>>, %arg3: memref<32x80x128xi32, #tpu.memory_space<hbm>>, %arg4: memref<32x80x128xi32, #tpu.memory_space<hbm>>, %arg5: memref<10240x128xf32, #tpu.memory_space<hbm>>, %arg6: memref<2x10240x128xf32, #tpu.memory_space<hbm>>, %arg7: memref<80x128xi32, #tpu.memory_space<vmem>>, %arg8: memref<16x128xi32, #tpu.memory_space<vmem>>, %arg9: memref<2x128x128xf32, #tpu.memory_space<vmem>>, %arg10: memref<10240x128xf32, #tpu.memory_space<vmem_shared>>, %arg11: memref<!tpu.dma_semaphore, #tpu.memory_space<semaphore_mem>>, %arg12: memref<!tpu.dma_semaphore, #tpu.memory_space<semaphore_mem>>, %arg13: memref<!tpu.dma_semaphore, #tpu.memory_space<semaphore_mem>>, %arg14: memref<!tpu.dma_semaphore, #tpu.memory_space<semaphore_mem>>, %arg15: memref<!tpu.dma_semaphore, #tpu.memory_space<semaphore_mem>>) attributes {dimension_semantics = [#tpu.dimension_semantics<core_parallel>, #tpu.dimension_semantics<subcore_parallel>], iteration_bounds = array<i64: 2, 16>, scalar_prefetch = 0 : i64, scratch_operands = 9 : i64, tpu.core_type = #tpu.core_type<sc_vector_subcore>, window_params = [{transform_indices = #map}, {transform_indices = #map1}, {transform_indices = #map1}, {transform_indices = #map}, {transform_indices = #map1}]} {
    %mul3A = arith.constant 640 : i32
    %mul3A_0 = arith.muli %arg1, %mul3A : i32
    %multiple_of3A = tpu.assume_multiple %mul3A_0, 128 : i32
    "tpu.region"() ({
      %run_scoped3A = tpu.sem_alloc : memref<!tpu.dma_semaphore, #tpu.memory_space<semaphore_mem>>
      %dma_start3A_22 = arith.constant 0 : i32
      %dma_start3A_23 = tpu.memref_slice %arg10[%multiple_of3A, %dma_start3A_22] : memref<10240x128xf32, #tpu.memory_space<vmem_shared>> -> memref<640x128xf32, #tpu.memory_space<vmem_shared>>
      %dma_start3A_24 = arith.constant 0 : i32
      %dma_start3A_25 = tpu.memref_slice %arg5[%multiple_of3A, %dma_start3A_24] : memref<10240x128xf32, #tpu.memory_space<hbm>> -> memref<640x128xf32, #tpu.memory_space<hbm>>
      tpu.enqueue_dma source(%dma_start3A_25 : memref<640x128xf32, #tpu.memory_space<hbm>>) target(%dma_start3A_23 : memref<640x128xf32, #tpu.memory_space<vmem_shared>>) target_semaphore(%run_scoped3A : memref<!tpu.dma_semaphore, #tpu.memory_space<semaphore_mem>>)
      %dma_wait3A = arith.constant 0 : i32
      %dma_wait3A_26 = tpu.memref_slice %arg10[%multiple_of3A, %dma_wait3A] : memref<10240x128xf32, #tpu.memory_space<vmem_shared>> -> memref<640x128xf32, #tpu.memory_space<vmem_shared>>
      %dma_wait3A_27 = arith.constant 0 : i32
      %dma_wait3A_28 = tpu.memref_slice %arg5[%multiple_of3A, %dma_wait3A_27] : memref<10240x128xf32, #tpu.memory_space<hbm>> -> memref<640x128xf32, #tpu.memory_space<hbm>>
      tpu.wait_dma2 semaphore(%run_scoped3A : memref<!tpu.dma_semaphore, #tpu.memory_space<semaphore_mem>>) src(%dma_wait3A_28 : memref<640x128xf32, #tpu.memory_space<hbm>>) dst(%dma_wait3A_26 : memref<640x128xf32, #tpu.memory_space<vmem_shared>>)
      tpu.yield
    }) : () -> ()
    %mul3A_1 = arith.constant 16 : i32
    %mul3A_2 = arith.muli %arg0, %mul3A_1 : i32
    %add3A = arith.addi %mul3A_2, %arg1 : i32
    "tpu.region"() ({
      %run_scoped3A = tpu.sem_alloc : memref<!tpu.dma_semaphore, #tpu.memory_space<semaphore_mem>>
      %dma_start3A_22 = arith.constant 0 : i32
      %dma_start3A_23 = arith.constant 0 : i32
      %dma_start3A_24 = tpu.memref_slice %arg3[%add3A, %dma_start3A_22, %dma_start3A_23] : memref<32x80x128xi32, #tpu.memory_space<hbm>> -> memref<1x80x128xi32, #tpu.memory_space<hbm>>
      %dma_start3A_25 = tpu.memref_squeeze %dma_start3A_24 : memref<1x80x128xi32, #tpu.memory_space<hbm>> -> memref<80x128xi32, #tpu.memory_space<hbm>>
      %dma_start3A_26 = arith.constant 0 : i32
      %dma_start3A_27 = arith.constant 0 : i32
      %dma_start3A_28 = tpu.memref_slice %arg3[%add3A, %dma_start3A_26, %dma_start3A_27] : memref<32x80x128xi32, #tpu.memory_space<hbm>> -> memref<1x80x128xi32, #tpu.memory_space<hbm>>
      %dma_start3A_29 = tpu.memref_squeeze %dma_start3A_28 : memref<1x80x128xi32, #tpu.memory_space<hbm>> -> memref<80x128xi32, #tpu.memory_space<hbm>>
      tpu.enqueue_dma source(%dma_start3A_29 : memref<80x128xi32, #tpu.memory_space<hbm>>) target(%arg7 : memref<80x128xi32, #tpu.memory_space<vmem>>) target_semaphore(%run_scoped3A : memref<!tpu.dma_semaphore, #tpu.memory_space<semaphore_mem>>)
      %dma_wait3A = arith.constant 0 : i32
      %dma_wait3A_30 = arith.constant 0 : i32
      %dma_wait3A_31 = tpu.memref_slice %arg3[%add3A, %dma_wait3A, %dma_wait3A_30] : memref<32x80x128xi32, #tpu.memory_space<hbm>> -> memref<1x80x128xi32, #tpu.memory_space<hbm>>
      %dma_wait3A_32 = tpu.memref_squeeze %dma_wait3A_31 : memref<1x80x128xi32, #tpu.memory_space<hbm>> -> memref<80x128xi32, #tpu.memory_space<hbm>>
      %dma_wait3A_33 = arith.constant 0 : i32
      %dma_wait3A_34 = arith.constant 0 : i32
      %dma_wait3A_35 = tpu.memref_slice %arg3[%add3A, %dma_wait3A_33, %dma_wait3A_34] : memref<32x80x128xi32, #tpu.memory_space<hbm>> -> memref<1x80x128xi32, #tpu.memory_space<hbm>>
      %dma_wait3A_36 = tpu.memref_squeeze %dma_wait3A_35 : memref<1x80x128xi32, #tpu.memory_space<hbm>> -> memref<80x128xi32, #tpu.memory_space<hbm>>
      tpu.wait_dma2 semaphore(%run_scoped3A : memref<!tpu.dma_semaphore, #tpu.memory_space<semaphore_mem>>) src(%dma_wait3A_36 : memref<80x128xi32, #tpu.memory_space<hbm>>) dst(%arg7 : memref<80x128xi32, #tpu.memory_space<vmem>>)
      tpu.yield
    }) : () -> ()
    %dma_start3A = arith.constant 0 : i32
    %dma_start3A_3 = arith.constant 0 : i32
    %dma_start3A_4 = arith.constant 0 : i32
    %dma_start3A_5 = arith.constant 0 : i32
    %dma_start3A_6 = tpu.memref_slice %arg9[%dma_start3A_3, %dma_start3A_4, %dma_start3A_5] : memref<2x128x128xf32, #tpu.memory_space<vmem>> -> memref<1x128x128xf32, #tpu.memory_space<vmem>>
    %dma_start3A_7 = tpu.memref_squeeze %dma_start3A_6 : memref<1x128x128xf32, #tpu.memory_space<vmem>> -> memref<128x128xf32, #tpu.memory_space<vmem>>
    %dma_start3A_8 = arith.constant 0 : i32
    %dma_start3A_9 = tpu.memref_slice %arg7[%dma_start3A, %dma_start3A_8] : memref<80x128xi32, #tpu.memory_space<vmem>> -> memref<1x128xi32, #tpu.memory_space<vmem>>
    %dma_start3A_10 = tpu.memref_squeeze %dma_start3A_9 : memref<1x128xi32, #tpu.memory_space<vmem>> -> memref<128xi32, #tpu.memory_space<vmem>>
    %dma_start3A_11 = arith.constant 0 : i32
    %dma_start3A_12 = arith.constant 0 : i32
    %dma_start3A_13 = tpu.memref_slice %arg2[%dma_start3A_11, %dma_start3A_12] : memref<10240x128xf32, #tpu.memory_space<hbm>> -> memref<10240x128xf32, #tpu.memory_space<hbm>>
    tpu.enqueue_indirect_dma source(%dma_start3A_13 : memref<10240x128xf32, #tpu.memory_space<hbm>>) target(%dma_start3A_7 : memref<128x128xf32, #tpu.memory_space<vmem>>) offsets(%dma_start3A_10 : memref<128xi32, #tpu.memory_space<vmem>>) semaphore(%arg11 : memref<!tpu.dma_semaphore, #tpu.memory_space<semaphore_mem>>)
    %barrier3A = arith.constant 0 : index
    tpu.barrier barrier_id(%barrier3A)
    %scan3A = arith.constant 0 : i32
    %scan3A_14 = arith.constant 0 : i32
    %scan3A_15 = arith.constant 0 : i32
    %scan3A_16 = arith.constant 0 : i32
    %scan3A_17 = arith.constant 5 : i32
    %scan3A_18 = arith.addi %scan3A_16, %scan3A_17 : i32
    %scan3A_19 = arith.constant 1 : i32
    scf.for %scan3A_22 = %scan3A_16 to %scan3A_18 step %scan3A_19  : i32 {
      %mul3A_23 = arith.constant 16 : i32
      %mul3A_24 = arith.muli %scan3A_22, %mul3A_23 : i32
      %multiple_of3A_25 = tpu.assume_multiple %mul3A_24, 16 : i32
      %dma_start3A_26 = arith.constant 0 : i32
      %dma_start3A_27 = tpu.memref_slice %arg4[%add3A, %multiple_of3A_25, %dma_start3A_26] : memref<32x80x128xi32, #tpu.memory_space<hbm>> -> memref<1x16x128xi32, #tpu.memory_space<hbm>>
      %dma_start3A_28 = tpu.memref_squeeze %dma_start3A_27 : memref<1x16x128xi32, #tpu.memory_space<hbm>> -> memref<16x128xi32, #tpu.memory_space<hbm>>
      %dma_start3A_29 = arith.constant 0 : i32
      %dma_start3A_30 = tpu.memref_slice %arg4[%add3A, %multiple_of3A_25, %dma_start3A_29] : memref<32x80x128xi32, #tpu.memory_space<hbm>> -> memref<1x16x128xi32, #tpu.memory_space<hbm>>
      %dma_start3A_31 = tpu.memref_squeeze %dma_start3A_30 : memref<1x16x128xi32, #tpu.memory_space<hbm>> -> memref<16x128xi32, #tpu.memory_space<hbm>>
      tpu.enqueue_dma source(%dma_start3A_31 : memref<16x128xi32, #tpu.memory_space<hbm>>) target(%arg8 : memref<16x128xi32, #tpu.memory_space<vmem>>) target_semaphore(%arg15 : memref<!tpu.dma_semaphore, #tpu.memory_space<semaphore_mem>>)
      %mul3A_32 = arith.constant 16 : i32
      %mul3A_33 = arith.muli %scan3A_22, %mul3A_32 : i32
      %add3A_34 = arith.constant 0 : i32
      %add3A_35 = arith.addi %mul3A_33, %add3A_34 : i32
      %add3A_36 = arith.constant 1 : i32
      %add3A_37 = arith.addi %add3A_35, %add3A_36 : i32
      %dma_start3A_38 = arith.constant 1 : i32
      %dma_start3A_39 = arith.constant 0 : i32
      %dma_start3A_40 = arith.constant 0 : i32
      %dma_start3A_41 = tpu.memref_slice %arg9[%dma_start3A_38, %dma_start3A_39, %dma_start3A_40] : memref<2x128x128xf32, #tpu.memory_space<vmem>> -> memref<1x128x128xf32, #tpu.memory_space<vmem>>
      %dma_start3A_42 = tpu.memref_squeeze %dma_start3A_41 : memref<1x128x128xf32, #tpu.memory_space<vmem>> -> memref<128x128xf32, #tpu.memory_space<vmem>>
      %dma_start3A_43 = arith.constant 0 : i32
      %dma_start3A_44 = tpu.memref_slice %arg7[%add3A_37, %dma_start3A_43] : memref<80x128xi32, #tpu.memory_space<vmem>> -> memref<1x128xi32, #tpu.memory_space<vmem>>
      %dma_start3A_45 = tpu.memref_squeeze %dma_start3A_44 : memref<1x128xi32, #tpu.memory_space<vmem>> -> memref<128xi32, #tpu.memory_space<vmem>>
      %dma_start3A_46 = arith.constant 0 : i32
      %dma_start3A_47 = arith.constant 0 : i32
      %dma_start3A_48 = tpu.memref_slice %arg2[%dma_start3A_46, %dma_start3A_47] : memref<10240x128xf32, #tpu.memory_space<hbm>> -> memref<10240x128xf32, #tpu.memory_space<hbm>>
      tpu.enqueue_indirect_dma source(%dma_start3A_48 : memref<10240x128xf32, #tpu.memory_space<hbm>>) target(%dma_start3A_42 : memref<128x128xf32, #tpu.memory_space<vmem>>) offsets(%dma_start3A_45 : memref<128xi32, #tpu.memory_space<vmem>>) semaphore(%arg12 : memref<!tpu.dma_semaphore, #tpu.memory_space<semaphore_mem>>)
      %dma_wait3A = arith.constant 0 : i32
      %dma_wait3A_49 = arith.constant 0 : i32
      %dma_wait3A_50 = tpu.memref_slice %arg9[%scan3A_15, %dma_wait3A, %dma_wait3A_49] : memref<2x128x128xf32, #tpu.memory_space<vmem>> -> memref<1x128x128xf32, #tpu.memory_space<vmem>>
      %dma_wait3A_51 = tpu.memref_squeeze %dma_wait3A_50 : memref<1x128x128xf32, #tpu.memory_space<vmem>> -> memref<128x128xf32, #tpu.memory_space<vmem>>
      %dma_wait3A_52 = arith.constant 0 : i32
      %dma_wait3A_53 = tpu.memref_slice %arg7[%scan3A_14, %dma_wait3A_52] : memref<80x128xi32, #tpu.memory_space<vmem>> -> memref<1x128xi32, #tpu.memory_space<vmem>>
      %dma_wait3A_54 = tpu.memref_squeeze %dma_wait3A_53 : memref<1x128xi32, #tpu.memory_space<vmem>> -> memref<128xi32, #tpu.memory_space<vmem>>
      %dma_wait3A_55 = arith.constant 0 : i32
      %dma_wait3A_56 = arith.constant 0 : i32
      %dma_wait3A_57 = tpu.memref_slice %arg2[%dma_wait3A_55, %dma_wait3A_56] : memref<10240x128xf32, #tpu.memory_space<hbm>> -> memref<10240x128xf32, #tpu.memory_space<hbm>>
      tpu.wait_indirect_dma semaphore(%arg11 : memref<!tpu.dma_semaphore, #tpu.memory_space<semaphore_mem>>) src(%dma_wait3A_57 : memref<10240x128xf32, #tpu.memory_space<hbm>>) dst(%dma_wait3A_51 : memref<128x128xf32, #tpu.memory_space<vmem>>)
      %dma_wait3A_58 = arith.constant 0 : i32
      %dma_wait3A_59 = tpu.memref_slice %arg4[%add3A, %multiple_of3A_25, %dma_wait3A_58] : memref<32x80x128xi32, #tpu.memory_space<hbm>> -> memref<1x16x128xi32, #tpu.memory_space<hbm>>
      %dma_wait3A_60 = tpu.memref_squeeze %dma_wait3A_59 : memref<1x16x128xi32, #tpu.memory_space<hbm>> -> memref<16x128xi32, #tpu.memory_space<hbm>>
      %dma_wait3A_61 = arith.constant 0 : i32
      %dma_wait3A_62 = tpu.memref_slice %arg4[%add3A, %multiple_of3A_25, %dma_wait3A_61] : memref<32x80x128xi32, #tpu.memory_space<hbm>> -> memref<1x16x128xi32, #tpu.memory_space<hbm>>
      %dma_wait3A_63 = tpu.memref_squeeze %dma_wait3A_62 : memref<1x16x128xi32, #tpu.memory_space<hbm>> -> memref<16x128xi32, #tpu.memory_space<hbm>>
      tpu.wait_dma2 semaphore(%arg15 : memref<!tpu.dma_semaphore, #tpu.memory_space<semaphore_mem>>) src(%dma_wait3A_63 : memref<16x128xi32, #tpu.memory_space<hbm>>) dst(%arg8 : memref<16x128xi32, #tpu.memory_space<vmem>>)
      %dma_start3A_64 = arith.constant 0 : i32
      %dma_start3A_65 = arith.constant 0 : i32
      %dma_start3A_66 = arith.constant 0 : i32
      %dma_start3A_67 = arith.constant 0 : i32
      %dma_start3A_68 = tpu.memref_slice %arg9[%dma_start3A_64, %dma_start3A_66, %dma_start3A_67] : memref<2x128x128xf32, #tpu.memory_space<vmem>> -> memref<1x128x128xf32, #tpu.memory_space<vmem>>
      %dma_start3A_69 = tpu.memref_squeeze %dma_start3A_68 : memref<1x128x128xf32, #tpu.memory_space<vmem>> -> memref<128x128xf32, #tpu.memory_space<vmem>>
      %dma_start3A_70 = arith.constant 0 : i32
      %dma_start3A_71 = tpu.memref_slice %arg8[%dma_start3A_65, %dma_start3A_70] : memref<16x128xi32, #tpu.memory_space<vmem>> -> memref<1x128xi32, #tpu.memory_space<vmem>>
      %dma_start3A_72 = tpu.memref_squeeze %dma_start3A_71 : memref<1x128xi32, #tpu.memory_space<vmem>> -> memref<128xi32, #tpu.memory_space<vmem>>
      %dma_start3A_73 = arith.constant 0 : i32
      %dma_start3A_74 = arith.constant 0 : i32
      %dma_start3A_75 = tpu.memref_slice %arg10[%dma_start3A_73, %dma_start3A_74] : memref<10240x128xf32, #tpu.memory_space<vmem_shared>> -> memref<10240x128xf32, #tpu.memory_space<vmem_shared>>
      tpu.enqueue_indirect_dma source(%dma_start3A_69 : memref<128x128xf32, #tpu.memory_space<vmem>>) target(%dma_start3A_75 : memref<10240x128xf32, #tpu.memory_space<vmem_shared>>) offsets(%dma_start3A_72 : memref<128xi32, #tpu.memory_space<vmem>>) semaphore(%arg13 : memref<!tpu.dma_semaphore, #tpu.memory_space<semaphore_mem>>) {add = true}
      %dma_wait3A_76 = arith.constant 0 : i32
      %dma_wait3A_77 = arith.constant 0 : i32
      %dma_wait3A_78 = arith.constant 0 : i32
      %dma_wait3A_79 = arith.constant 0 : i32
      %dma_wait3A_80 = tpu.memref_slice %arg9[%dma_wait3A_76, %dma_wait3A_78, %dma_wait3A_79] : memref<2x128x128xf32, #tpu.memory_space<vmem>> -> memref<1x128x128xf32, #tpu.memory_space<vmem>>
      %dma_wait3A_81 = tpu.memref_squeeze %dma_wait3A_80 : memref<1x128x128xf32, #tpu.memory_space<vmem>> -> memref<128x128xf32, #tpu.memory_space<vmem>>
      %dma_wait3A_82 = arith.constant 0 : i32
      %dma_wait3A_83 = tpu.memref_slice %arg8[%dma_wait3A_77, %dma_wait3A_82] : memref<16x128xi32, #tpu.memory_space<vmem>> -> memref<1x128xi32, #tpu.memory_space<vmem>>
      %dma_wait3A_84 = tpu.memref_squeeze %dma_wait3A_83 : memref<1x128xi32, #tpu.memory_space<vmem>> -> memref<128xi32, #tpu.memory_space<vmem>>
      %dma_wait3A_85 = arith.constant 0 : i32
      %dma_wait3A_86 = arith.constant 0 : i32
      %dma_wait3A_87 = tpu.memref_slice %arg10[%dma_wait3A_85, %dma_wait3A_86] : memref<10240x128xf32, #tpu.memory_space<vmem_shared>> -> memref<10240x128xf32, #tpu.memory_space<vmem_shared>>
      tpu.wait_indirect_dma semaphore(%arg13 : memref<!tpu.dma_semaphore, #tpu.memory_space<semaphore_mem>>) src(%dma_wait3A_81 : memref<128x128xf32, #tpu.memory_space<vmem>>) dst(%dma_wait3A_87 : memref<10240x128xf32, #tpu.memory_space<vmem_shared>>)
      %mul3A_88 = arith.constant 16 : i32
      %mul3A_89 = arith.muli %scan3A_22, %mul3A_88 : i32
      %add3A_90 = arith.constant 1 : i32
      %add3A_91 = arith.addi %mul3A_89, %add3A_90 : i32
      %add3A_92 = arith.constant 1 : i32
      %add3A_93 = arith.addi %add3A_91, %add3A_92 : i32
      %dma_start3A_94 = arith.constant 0 : i32
      %dma_start3A_95 = arith.constant 0 : i32
      %dma_start3A_96 = arith.constant 0 : i32
      %dma_start3A_97 = tpu.memref_slice %arg9[%dma_start3A_94, %dma_start3A_95, %dma_start3A_96] : memref<2x128x128xf32, #tpu.memory_space<vmem>> -> memref<1x128x128xf32, #tpu.memory_space<vmem>>
      %dma_start3A_98 = tpu.memref_squeeze %dma_start3A_97 : memref<1x128x128xf32, #tpu.memory_space<vmem>> -> memref<128x128xf32, #tpu.memory_space<vmem>>
      %dma_start3A_99 = arith.constant 0 : i32
      %dma_start3A_100 = tpu.memref_slice %arg7[%add3A_93, %dma_start3A_99] : memref<80x128xi32, #tpu.memory_space<vmem>> -> memref<1x128xi32, #tpu.memory_space<vmem>>
      %dma_start3A_101 = tpu.memref_squeeze %dma_start3A_100 : memref<1x128xi32, #tpu.memory_space<vmem>> -> memref<128xi32, #tpu.memory_space<vmem>>
      %dma_start3A_102 = arith.constant 0 : i32
      %dma_start3A_103 = arith.constant 0 : i32
      %dma_start3A_104 = tpu.memref_slice %arg2[%dma_start3A_102, %dma_start3A_103] : memref<10240x128xf32, #tpu.memory_space<hbm>> -> memref<10240x128xf32, #tpu.memory_space<hbm>>
      tpu.enqueue_indirect_dma source(%dma_start3A_104 : memref<10240x128xf32, #tpu.memory_space<hbm>>) target(%dma_start3A_98 : memref<128x128xf32, #tpu.memory_space<vmem>>) offsets(%dma_start3A_101 : memref<128xi32, #tpu.memory_space<vmem>>) semaphore(%arg11 : memref<!tpu.dma_semaphore, #tpu.memory_space<semaphore_mem>>)
      %dma_wait3A_105 = arith.constant 1 : i32
      %dma_wait3A_106 = arith.constant 0 : i32
      %dma_wait3A_107 = arith.constant 0 : i32
      %dma_wait3A_108 = tpu.memref_slice %arg9[%dma_wait3A_105, %dma_wait3A_106, %dma_wait3A_107] : memref<2x128x128xf32, #tpu.memory_space<vmem>> -> memref<1x128x128xf32, #tpu.memory_space<vmem>>
      %dma_wait3A_109 = tpu.memref_squeeze %dma_wait3A_108 : memref<1x128x128xf32, #tpu.memory_space<vmem>> -> memref<128x128xf32, #tpu.memory_space<vmem>>
      %dma_wait3A_110 = arith.constant 0 : i32
      %dma_wait3A_111 = tpu.memref_slice %arg7[%add3A_37, %dma_wait3A_110] : memref<80x128xi32, #tpu.memory_space<vmem>> -> memref<1x128xi32, #tpu.memory_space<vmem>>
      %dma_wait3A_112 = tpu.memref_squeeze %dma_wait3A_111 : memref<1x128xi32, #tpu.memory_space<vmem>> -> memref<128xi32, #tpu.memory_space<vmem>>
      %dma_wait3A_113 = arith.constant 0 : i32
      %dma_wait3A_114 = arith.constant 0 : i32
      %dma_wait3A_115 = tpu.memref_slice %arg2[%dma_wait3A_113, %dma_wait3A_114] : memref<10240x128xf32, #tpu.memory_space<hbm>> -> memref<10240x128xf32, #tpu.memory_space<hbm>>
      tpu.wait_indirect_dma semaphore(%arg12 : memref<!tpu.dma_semaphore, #tpu.memory_space<semaphore_mem>>) src(%dma_wait3A_115 : memref<10240x128xf32, #tpu.memory_space<hbm>>) dst(%dma_wait3A_109 : memref<128x128xf32, #tpu.memory_space<vmem>>)
      %dma_start3A_116 = arith.constant 1 : i32
      %dma_start3A_117 = arith.constant 1 : i32
      %dma_start3A_118 = arith.constant 0 : i32
      %dma_start3A_119 = arith.constant 0 : i32
      %dma_start3A_120 = tpu.memref_slice %arg9[%dma_start3A_116, %dma_start3A_118, %dma_start3A_119] : memref<2x128x128xf32, #tpu.memory_space<vmem>> -> memref<1x128x128xf32, #tpu.memory_space<vmem>>
      %dma_start3A_121 = tpu.memref_squeeze %dma_start3A_120 : memref<1x128x128xf32, #tpu.memory_space<vmem>> -> memref<128x128xf32, #tpu.memory_space<vmem>>
      %dma_start3A_122 = arith.constant 0 : i32
      %dma_start3A_123 = tpu.memref_slice %arg8[%dma_start3A_117, %dma_start3A_122] : memref<16x128xi32, #tpu.memory_space<vmem>> -> memref<1x128xi32, #tpu.memory_space<vmem>>
      %dma_start3A_124 = tpu.memref_squeeze %dma_start3A_123 : memref<1x128xi32, #tpu.memory_space<vmem>> -> memref<128xi32, #tpu.memory_space<vmem>>
      %dma_start3A_125 = arith.constant 0 : i32
      %dma_start3A_126 = arith.constant 0 : i32
      %dma_start3A_127 = tpu.memref_slice %arg10[%dma_start3A_125, %dma_start3A_126] : memref<10240x128xf32, #tpu.memory_space<vmem_shared>> -> memref<10240x128xf32, #tpu.memory_space<vmem_shared>>
      tpu.enqueue_indirect_dma source(%dma_start3A_121 : memref<128x128xf32, #tpu.memory_space<vmem>>) target(%dma_start3A_127 : memref<10240x128xf32, #tpu.memory_space<vmem_shared>>) offsets(%dma_start3A_124 : memref<128xi32, #tpu.memory_space<vmem>>) semaphore(%arg14 : memref<!tpu.dma_semaphore, #tpu.memory_space<semaphore_mem>>) {add = true}
      %dma_wait3A_128 = arith.constant 1 : i32
      %dma_wait3A_129 = arith.constant 1 : i32
      %dma_wait3A_130 = arith.constant 0 : i32
      %dma_wait3A_131 = arith.constant 0 : i32
      %dma_wait3A_132 = tpu.memref_slice %arg9[%dma_wait3A_128, %dma_wait3A_130, %dma_wait3A_131] : memref<2x128x128xf32, #tpu.memory_space<vmem>> -> memref<1x128x128xf32, #tpu.memory_space<vmem>>
      %dma_wait3A_133 = tpu.memref_squeeze %dma_wait3A_132 : memref<1x128x128xf32, #tpu.memory_space<vmem>> -> memref<128x128xf32, #tpu.memory_space<vmem>>
      %dma_wait3A_134 = arith.constant 0 : i32
      %dma_wait3A_135 = tpu.memref_slice %arg8[%dma_wait3A_129, %dma_wait3A_134] : memref<16x128xi32, #tpu.memory_space<vmem>> -> memref<1x128xi32, #tpu.memory_space<vmem>>
      %dma_wait3A_136 = tpu.memref_squeeze %dma_wait3A_135 : memref<1x128xi32, #tpu.memory_space<vmem>> -> memref<128xi32, #tpu.memory_space<vmem>>
      %dma_wait3A_137 = arith.constant 0 : i32
      %dma_wait3A_138 = arith.constant 0 : i32
      %dma_wait3A_139 = tpu.memref_slice %arg10[%dma_wait3A_137, %dma_wait3A_138] : memref<10240x128xf32, #tpu.memory_space<vmem_shared>> -> memref<10240x128xf32, #tpu.memory_space<vmem_shared>>
      tpu.wait_indirect_dma semaphore(%arg14 : memref<!tpu.dma_semaphore, #tpu.memory_space<semaphore_mem>>) src(%dma_wait3A_133 : memref<128x128xf32, #tpu.memory_space<vmem>>) dst(%dma_wait3A_139 : memref<10240x128xf32, #tpu.memory_space<vmem_shared>>)
      %mul3A_140 = arith.constant 16 : i32
      %mul3A_141 = arith.muli %scan3A_22, %mul3A_140 : i32
      %add3A_142 = arith.constant 2 : i32
      %add3A_143 = arith.addi %mul3A_141, %add3A_142 : i32
      %add3A_144 = arith.constant 1 : i32
      %add3A_145 = arith.addi %add3A_143, %add3A_144 : i32
      %dma_start3A_146 = arith.constant 1 : i32
      %dma_start3A_147 = arith.constant 0 : i32
      %dma_start3A_148 = arith.constant 0 : i32
      %dma_start3A_149 = tpu.memref_slice %arg9[%dma_start3A_146, %dma_start3A_147, %dma_start3A_148] : memref<2x128x128xf32, #tpu.memory_space<vmem>> -> memref<1x128x128xf32, #tpu.memory_space<vmem>>
      %dma_start3A_150 = tpu.memref_squeeze %dma_start3A_149 : memref<1x128x128xf32, #tpu.memory_space<vmem>> -> memref<128x128xf32, #tpu.memory_space<vmem>>
      %dma_start3A_151 = arith.constant 0 : i32
      %dma_start3A_152 = tpu.memref_slice %arg7[%add3A_145, %dma_start3A_151] : memref<80x128xi32, #tpu.memory_space<vmem>> -> memref<1x128xi32, #tpu.memory_space<vmem>>
      %dma_start3A_153 = tpu.memref_squeeze %dma_start3A_152 : memref<1x128xi32, #tpu.memory_space<vmem>> -> memref<128xi32, #tpu.memory_space<vmem>>
      %dma_start3A_154 = arith.constant 0 : i32
      %dma_start3A_155 = arith.constant 0 : i32
      %dma_start3A_156 = tpu.memref_slice %arg2[%dma_start3A_154, %dma_start3A_155] : memref<10240x128xf32, #tpu.memory_space<hbm>> -> memref<10240x128xf32, #tpu.memory_space<hbm>>
      tpu.enqueue_indirect_dma source(%dma_start3A_156 : memref<10240x128xf32, #tpu.memory_space<hbm>>) target(%dma_start3A_150 : memref<128x128xf32, #tpu.memory_space<vmem>>) offsets(%dma_start3A_153 : memref<128xi32, #tpu.memory_space<vmem>>) semaphore(%arg12 : memref<!tpu.dma_semaphore, #tpu.memory_space<semaphore_mem>>)
      %dma_wait3A_157 = arith.constant 0 : i32
      %dma_wait3A_158 = arith.constant 0 : i32
      %dma_wait3A_159 = arith.constant 0 : i32
      %dma_wait3A_160 = tpu.memref_slice %arg9[%dma_wait3A_157, %dma_wait3A_158, %dma_wait3A_159] : memref<2x128x128xf32, #tpu.memory_space<vmem>> -> memref<1x128x128xf32, #tpu.memory_space<vmem>>
      %dma_wait3A_161 = tpu.memref_squeeze %dma_wait3A_160 : memref<1x128x128xf32, #tpu.memory_space<vmem>> -> memref<128x128xf32, #tpu.memory_space<vmem>>
      %dma_wait3A_162 = arith.constant 0 : i32
      %dma_wait3A_163 = tpu.memref_slice %arg7[%add3A_93, %dma_wait3A_162] : memref<80x128xi32, #tpu.memory_space<vmem>> -> memref<1x128xi32, #tpu.memory_space<vmem>>
      %dma_wait3A_164 = tpu.memref_squeeze %dma_wait3A_163 : memref<1x128xi32, #tpu.memory_space<vmem>> -> memref<128xi32, #tpu.memory_space<vmem>>
      %dma_wait3A_165 = arith.constant 0 : i32
      %dma_wait3A_166 = arith.constant 0 : i32
      %dma_wait3A_167 = tpu.memref_slice %arg2[%dma_wait3A_165, %dma_wait3A_166] : memref<10240x128xf32, #tpu.memory_space<hbm>> -> memref<10240x128xf32, #tpu.memory_space<hbm>>
      tpu.wait_indirect_dma semaphore(%arg11 : memref<!tpu.dma_semaphore, #tpu.memory_space<semaphore_mem>>) src(%dma_wait3A_167 : memref<10240x128xf32, #tpu.memory_space<hbm>>) dst(%dma_wait3A_161 : memref<128x128xf32, #tpu.memory_space<vmem>>)
      %dma_start3A_168 = arith.constant 0 : i32
      %dma_start3A_169 = arith.constant 2 : i32
      %dma_start3A_170 = arith.constant 0 : i32
      %dma_start3A_171 = arith.constant 0 : i32
      %dma_start3A_172 = tpu.memref_slice %arg9[%dma_start3A_168, %dma_start3A_170, %dma_start3A_171] : memref<2x128x128xf32, #tpu.memory_space<vmem>> -> memref<1x128x128xf32, #tpu.memory_space<vmem>>
      %dma_start3A_173 = tpu.memref_squeeze %dma_start3A_172 : memref<1x128x128xf32, #tpu.memory_space<vmem>> -> memref<128x128xf32, #tpu.memory_space<vmem>>
      %dma_start3A_174 = arith.constant 0 : i32
      %dma_start3A_175 = tpu.memref_slice %arg8[%dma_start3A_169, %dma_start3A_174] : memref<16x128xi32, #tpu.memory_space<vmem>> -> memref<1x128xi32, #tpu.memory_space<vmem>>
      %dma_start3A_176 = tpu.memref_squeeze %dma_start3A_175 : memref<1x128xi32, #tpu.memory_space<vmem>> -> memref<128xi32, #tpu.memory_space<vmem>>
      %dma_start3A_177 = arith.constant 0 : i32
      %dma_start3A_178 = arith.constant 0 : i32
      %dma_start3A_179 = tpu.memref_slice %arg10[%dma_start3A_177, %dma_start3A_178] : memref<10240x128xf32, #tpu.memory_space<vmem_shared>> -> memref<10240x128xf32, #tpu.memory_space<vmem_shared>>
      tpu.enqueue_indirect_dma source(%dma_start3A_173 : memref<128x128xf32, #tpu.memory_space<vmem>>) target(%dma_start3A_179 : memref<10240x128xf32, #tpu.memory_space<vmem_shared>>) offsets(%dma_start3A_176 : memref<128xi32, #tpu.memory_space<vmem>>) semaphore(%arg13 : memref<!tpu.dma_semaphore, #tpu.memory_space<semaphore_mem>>) {add = true}
      %dma_wait3A_180 = arith.constant 0 : i32
      %dma_wait3A_181 = arith.constant 2 : i32
      %dma_wait3A_182 = arith.constant 0 : i32
      %dma_wait3A_183 = arith.constant 0 : i32
      %dma_wait3A_184 = tpu.memref_slice %arg9[%dma_wait3A_180, %dma_wait3A_182, %dma_wait3A_183] : memref<2x128x128xf32, #tpu.memory_space<vmem>> -> memref<1x128x128xf32, #tpu.memory_space<vmem>>
      %dma_wait3A_185 = tpu.memref_squeeze %dma_wait3A_184 : memref<1x128x128xf32, #tpu.memory_space<vmem>> -> memref<128x128xf32, #tpu.memory_space<vmem>>
      %dma_wait3A_186 = arith.constant 0 : i32
      %dma_wait3A_187 = tpu.memref_slice %arg8[%dma_wait3A_181, %dma_wait3A_186] : memref<16x128xi32, #tpu.memory_space<vmem>> -> memref<1x128xi32, #tpu.memory_space<vmem>>
      %dma_wait3A_188 = tpu.memref_squeeze %dma_wait3A_187 : memref<1x128xi32, #tpu.memory_space<vmem>> -> memref<128xi32, #tpu.memory_space<vmem>>
      %dma_wait3A_189 = arith.constant 0 : i32
      %dma_wait3A_190 = arith.constant 0 : i32
      %dma_wait3A_191 = tpu.memref_slice %arg10[%dma_wait3A_189, %dma_wait3A_190] : memref<10240x128xf32, #tpu.memory_space<vmem_shared>> -> memref<10240x128xf32, #tpu.memory_space<vmem_shared>>
      tpu.wait_indirect_dma semaphore(%arg13 : memref<!tpu.dma_semaphore, #tpu.memory_space<semaphore_mem>>) src(%dma_wait3A_185 : memref<128x128xf32, #tpu.memory_space<vmem>>) dst(%dma_wait3A_191 : memref<10240x128xf32, #tpu.memory_space<vmem_shared>>)
      %mul3A_192 = arith.constant 16 : i32
      %mul3A_193 = arith.muli %scan3A_22, %mul3A_192 : i32
      %add3A_194 = arith.constant 3 : i32
      %add3A_195 = arith.addi %mul3A_193, %add3A_194 : i32
      %add3A_196 = arith.constant 1 : i32
      %add3A_197 = arith.addi %add3A_195, %add3A_196 : i32
      %dma_start3A_198 = arith.constant 0 : i32
      %dma_start3A_199 = arith.constant 0 : i32
      %dma_start3A_200 = arith.constant 0 : i32
      %dma_start3A_201 = tpu.memref_slice %arg9[%dma_start3A_198, %dma_start3A_199, %dma_start3A_200] : memref<2x128x128xf32, #tpu.memory_space<vmem>> -> memref<1x128x128xf32, #tpu.memory_space<vmem>>
      %dma_start3A_202 = tpu.memref_squeeze %dma_start3A_201 : memref<1x128x128xf32, #tpu.memory_space<vmem>> -> memref<128x128xf32, #tpu.memory_space<vmem>>
      %dma_start3A_203 = arith.constant 0 : i32
      %dma_start3A_204 = tpu.memref_slice %arg7[%add3A_197, %dma_start3A_203] : memref<80x128xi32, #tpu.memory_space<vmem>> -> memref<1x128xi32, #tpu.memory_space<vmem>>
      %dma_start3A_205 = tpu.memref_squeeze %dma_start3A_204 : memref<1x128xi32, #tpu.memory_space<vmem>> -> memref<128xi32, #tpu.memory_space<vmem>>
      %dma_start3A_206 = arith.constant 0 : i32
      %dma_start3A_207 = arith.constant 0 : i32
      %dma_start3A_208 = tpu.memref_slice %arg2[%dma_start3A_206, %dma_start3A_207] : memref<10240x128xf32, #tpu.memory_space<hbm>> -> memref<10240x128xf32, #tpu.memory_space<hbm>>
      tpu.enqueue_indirect_dma source(%dma_start3A_208 : memref<10240x128xf32, #tpu.memory_space<hbm>>) target(%dma_start3A_202 : memref<128x128xf32, #tpu.memory_space<vmem>>) offsets(%dma_start3A_205 : memref<128xi32, #tpu.memory_space<vmem>>) semaphore(%arg11 : memref<!tpu.dma_semaphore, #tpu.memory_space<semaphore_mem>>)
      %dma_wait3A_209 = arith.constant 1 : i32
      %dma_wait3A_210 = arith.constant 0 : i32
      %dma_wait3A_211 = arith.constant 0 : i32
      %dma_wait3A_212 = tpu.memref_slice %arg9[%dma_wait3A_209, %dma_wait3A_210, %dma_wait3A_211] : memref<2x128x128xf32, #tpu.memory_space<vmem>> -> memref<1x128x128xf32, #tpu.memory_space<vmem>>
      %dma_wait3A_213 = tpu.memref_squeeze %dma_wait3A_212 : memref<1x128x128xf32, #tpu.memory_space<vmem>> -> memref<128x128xf32, #tpu.memory_space<vmem>>
      %dma_wait3A_214 = arith.constant 0 : i32
      %dma_wait3A_215 = tpu.memref_slice %arg7[%add3A_145, %dma_wait3A_214] : memref<80x128xi32, #tpu.memory_space<vmem>> -> memref<1x128xi32, #tpu.memory_space<vmem>>
      %dma_wait3A_216 = tpu.memref_squeeze %dma_wait3A_215 : memref<1x128xi32, #tpu.memory_space<vmem>> -> memref<128xi32, #tpu.memory_space<vmem>>
      %dma_wait3A_217 = arith.constant 0 : i32
      %dma_wait3A_218 = arith.constant 0 : i32
      %dma_wait3A_219 = tpu.memref_slice %arg2[%dma_wait3A_217, %dma_wait3A_218] : memref<10240x128xf32, #tpu.memory_space<hbm>> -> memref<10240x128xf32, #tpu.memory_space<hbm>>
      tpu.wait_indirect_dma semaphore(%arg12 : memref<!tpu.dma_semaphore, #tpu.memory_space<semaphore_mem>>) src(%dma_wait3A_219 : memref<10240x128xf32, #tpu.memory_space<hbm>>) dst(%dma_wait3A_213 : memref<128x128xf32, #tpu.memory_space<vmem>>)
      %dma_start3A_220 = arith.constant 1 : i32
      %dma_start3A_221 = arith.constant 3 : i32
      %dma_start3A_222 = arith.constant 0 : i32
      %dma_start3A_223 = arith.constant 0 : i32
      %dma_start3A_224 = tpu.memref_slice %arg9[%dma_start3A_220, %dma_start3A_222, %dma_start3A_223] : memref<2x128x128xf32, #tpu.memory_space<vmem>> -> memref<1x128x128xf32, #tpu.memory_space<vmem>>
      %dma_start3A_225 = tpu.memref_squeeze %dma_start3A_224 : memref<1x128x128xf32, #tpu.memory_space<vmem>> -> memref<128x128xf32, #tpu.memory_space<vmem>>
      %dma_start3A_226 = arith.constant 0 : i32
      %dma_start3A_227 = tpu.memref_slice %arg8[%dma_start3A_221, %dma_start3A_226] : memref<16x128xi32, #tpu.memory_space<vmem>> -> memref<1x128xi32, #tpu.memory_space<vmem>>
      %dma_start3A_228 = tpu.memref_squeeze %dma_start3A_227 : memref<1x128xi32, #tpu.memory_space<vmem>> -> memref<128xi32, #tpu.memory_space<vmem>>
      %dma_start3A_229 = arith.constant 0 : i32
      %dma_start3A_230 = arith.constant 0 : i32
      %dma_start3A_231 = tpu.memref_slice %arg10[%dma_start3A_229, %dma_start3A_230] : memref<10240x128xf32, #tpu.memory_space<vmem_shared>> -> memref<10240x128xf32, #tpu.memory_space<vmem_shared>>
      tpu.enqueue_indirect_dma source(%dma_start3A_225 : memref<128x128xf32, #tpu.memory_space<vmem>>) target(%dma_start3A_231 : memref<10240x128xf32, #tpu.memory_space<vmem_shared>>) offsets(%dma_start3A_228 : memref<128xi32, #tpu.memory_space<vmem>>) semaphore(%arg14 : memref<!tpu.dma_semaphore, #tpu.memory_space<semaphore_mem>>) {add = true}
      %dma_wait3A_232 = arith.constant 1 : i32
      %dma_wait3A_233 = arith.constant 3 : i32
      %dma_wait3A_234 = arith.constant 0 : i32
      %dma_wait3A_235 = arith.constant 0 : i32
      %dma_wait3A_236 = tpu.memref_slice %arg9[%dma_wait3A_232, %dma_wait3A_234, %dma_wait3A_235] : memref<2x128x128xf32, #tpu.memory_space<vmem>> -> memref<1x128x128xf32, #tpu.memory_space<vmem>>
      %dma_wait3A_237 = tpu.memref_squeeze %dma_wait3A_236 : memref<1x128x128xf32, #tpu.memory_space<vmem>> -> memref<128x128xf32, #tpu.memory_space<vmem>>
      %dma_wait3A_238 = arith.constant 0 : i32
      %dma_wait3A_239 = tpu.memref_slice %arg8[%dma_wait3A_233, %dma_wait3A_238] : memref<16x128xi32, #tpu.memory_space<vmem>> -> memref<1x128xi32, #tpu.memory_space<vmem>>
      %dma_wait3A_240 = tpu.memref_squeeze %dma_wait3A_239 : memref<1x128xi32, #tpu.memory_space<vmem>> -> memref<128xi32, #tpu.memory_space<vmem>>
      %dma_wait3A_241 = arith.constant 0 : i32
      %dma_wait3A_242 = arith.constant 0 : i32
      %dma_wait3A_243 = tpu.memref_slice %arg10[%dma_wait3A_241, %dma_wait3A_242] : memref<10240x128xf32, #tpu.memory_space<vmem_shared>> -> memref<10240x128xf32, #tpu.memory_space<vmem_shared>>
      tpu.wait_indirect_dma semaphore(%arg14 : memref<!tpu.dma_semaphore, #tpu.memory_space<semaphore_mem>>) src(%dma_wait3A_237 : memref<128x128xf32, #tpu.memory_space<vmem>>) dst(%dma_wait3A_243 : memref<10240x128xf32, #tpu.memory_space<vmem_shared>>)
      %mul3A_244 = arith.constant 16 : i32
      %mul3A_245 = arith.muli %scan3A_22, %mul3A_244 : i32
      %add3A_246 = arith.constant 4 : i32
      %add3A_247 = arith.addi %mul3A_245, %add3A_246 : i32
      %add3A_248 = arith.constant 1 : i32
      %add3A_249 = arith.addi %add3A_247, %add3A_248 : i32
      %dma_start3A_250 = arith.constant 1 : i32
      %dma_start3A_251 = arith.constant 0 : i32
      %dma_start3A_252 = arith.constant 0 : i32
      %dma_start3A_253 = tpu.memref_slice %arg9[%dma_start3A_250, %dma_start3A_251, %dma_start3A_252] : memref<2x128x128xf32, #tpu.memory_space<vmem>> -> memref<1x128x128xf32, #tpu.memory_space<vmem>>
      %dma_start3A_254 = tpu.memref_squeeze %dma_start3A_253 : memref<1x128x128xf32, #tpu.memory_space<vmem>> -> memref<128x128xf32, #tpu.memory_space<vmem>>
      %dma_start3A_255 = arith.constant 0 : i32
      %dma_start3A_256 = tpu.memref_slice %arg7[%add3A_249, %dma_start3A_255] : memref<80x128xi32, #tpu.memory_space<vmem>> -> memref<1x128xi32, #tpu.memory_space<vmem>>
      %dma_start3A_257 = tpu.memref_squeeze %dma_start3A_256 : memref<1x128xi32, #tpu.memory_space<vmem>> -> memref<128xi32, #tpu.memory_space<vmem>>
      %dma_start3A_258 = arith.constant 0 : i32
      %dma_start3A_259 = arith.constant 0 : i32
      %dma_start3A_260 = tpu.memref_slice %arg2[%dma_start3A_258, %dma_start3A_259] : memref<10240x128xf32, #tpu.memory_space<hbm>> -> memref<10240x128xf32, #tpu.memory_space<hbm>>
      tpu.enqueue_indirect_dma source(%dma_start3A_260 : memref<10240x128xf32, #tpu.memory_space<hbm>>) target(%dma_start3A_254 : memref<128x128xf32, #tpu.memory_space<vmem>>) offsets(%dma_start3A_257 : memref<128xi32, #tpu.memory_space<vmem>>) semaphore(%arg12 : memref<!tpu.dma_semaphore, #tpu.memory_space<semaphore_mem>>)
      %dma_wait3A_261 = arith.constant 0 : i32
      %dma_wait3A_262 = arith.constant 0 : i32
      %dma_wait3A_263 = arith.constant 0 : i32
      %dma_wait3A_264 = tpu.memref_slice %arg9[%dma_wait3A_261, %dma_wait3A_262, %dma_wait3A_263] : memref<2x128x128xf32, #tpu.memory_space<vmem>> -> memref<1x128x128xf32, #tpu.memory_space<vmem>>
      %dma_wait3A_265 = tpu.memref_squeeze %dma_wait3A_264 : memref<1x128x128xf32, #tpu.memory_space<vmem>> -> memref<128x128xf32, #tpu.memory_space<vmem>>
      %dma_wait3A_266 = arith.constant 0 : i32
      %dma_wait3A_267 = tpu.memref_slice %arg7[%add3A_197, %dma_wait3A_266] : memref<80x128xi32, #tpu.memory_space<vmem>> -> memref<1x128xi32, #tpu.memory_space<vmem>>
      %dma_wait3A_268 = tpu.memref_squeeze %dma_wait3A_267 : memref<1x128xi32, #tpu.memory_space<vmem>> -> memref<128xi32, #tpu.memory_space<vmem>>
      %dma_wait3A_269 = arith.constant 0 : i32
      %dma_wait3A_270 = arith.constant 0 : i32
      %dma_wait3A_271 = tpu.memref_slice %arg2[%dma_wait3A_269, %dma_wait3A_270] : memref<10240x128xf32, #tpu.memory_space<hbm>> -> memref<10240x128xf32, #tpu.memory_space<hbm>>
      tpu.wait_indirect_dma semaphore(%arg11 : memref<!tpu.dma_semaphore, #tpu.memory_space<semaphore_mem>>) src(%dma_wait3A_271 : memref<10240x128xf32, #tpu.memory_space<hbm>>) dst(%dma_wait3A_265 : memref<128x128xf32, #tpu.memory_space<vmem>>)
      %dma_start3A_272 = arith.constant 0 : i32
      %dma_start3A_273 = arith.constant 4 : i32
      %dma_start3A_274 = arith.constant 0 : i32
      %dma_start3A_275 = arith.constant 0 : i32
      %dma_start3A_276 = tpu.memref_slice %arg9[%dma_start3A_272, %dma_start3A_274, %dma_start3A_275] : memref<2x128x128xf32, #tpu.memory_space<vmem>> -> memref<1x128x128xf32, #tpu.memory_space<vmem>>
      %dma_start3A_277 = tpu.memref_squeeze %dma_start3A_276 : memref<1x128x128xf32, #tpu.memory_space<vmem>> -> memref<128x128xf32, #tpu.memory_space<vmem>>
      %dma_start3A_278 = arith.constant 0 : i32
      %dma_start3A_279 = tpu.memref_slice %arg8[%dma_start3A_273, %dma_start3A_278] : memref<16x128xi32, #tpu.memory_space<vmem>> -> memref<1x128xi32, #tpu.memory_space<vmem>>
      %dma_start3A_280 = tpu.memref_squeeze %dma_start3A_279 : memref<1x128xi32, #tpu.memory_space<vmem>> -> memref<128xi32, #tpu.memory_space<vmem>>
      %dma_start3A_281 = arith.constant 0 : i32
      %dma_start3A_282 = arith.constant 0 : i32
      %dma_start3A_283 = tpu.memref_slice %arg10[%dma_start3A_281, %dma_start3A_282] : memref<10240x128xf32, #tpu.memory_space<vmem_shared>> -> memref<10240x128xf32, #tpu.memory_space<vmem_shared>>
      tpu.enqueue_indirect_dma source(%dma_start3A_277 : memref<128x128xf32, #tpu.memory_space<vmem>>) target(%dma_start3A_283 : memref<10240x128xf32, #tpu.memory_space<vmem_shared>>) offsets(%dma_start3A_280 : memref<128xi32, #tpu.memory_space<vmem>>) semaphore(%arg13 : memref<!tpu.dma_semaphore, #tpu.memory_space<semaphore_mem>>) {add = true}
      %dma_wait3A_284 = arith.constant 0 : i32
      %dma_wait3A_285 = arith.constant 4 : i32
      %dma_wait3A_286 = arith.constant 0 : i32
      %dma_wait3A_287 = arith.constant 0 : i32
      %dma_wait3A_288 = tpu.memref_slice %arg9[%dma_wait3A_284, %dma_wait3A_286, %dma_wait3A_287] : memref<2x128x128xf32, #tpu.memory_space<vmem>> -> memref<1x128x128xf32, #tpu.memory_space<vmem>>
      %dma_wait3A_289 = tpu.memref_squeeze %dma_wait3A_288 : memref<1x128x128xf32, #tpu.memory_space<vmem>> -> memref<128x128xf32, #tpu.memory_space<vmem>>
      %dma_wait3A_290 = arith.constant 0 : i32
      %dma_wait3A_291 = tpu.memref_slice %arg8[%dma_wait3A_285, %dma_wait3A_290] : memref<16x128xi32, #tpu.memory_space<vmem>> -> memref<1x128xi32, #tpu.memory_space<vmem>>
      %dma_wait3A_292 = tpu.memref_squeeze %dma_wait3A_291 : memref<1x128xi32, #tpu.memory_space<vmem>> -> memref<128xi32, #tpu.memory_space<vmem>>
      %dma_wait3A_293 = arith.constant 0 : i32
      %dma_wait3A_294 = arith.constant 0 : i32
      %dma_wait3A_295 = tpu.memref_slice %arg10[%dma_wait3A_293, %dma_wait3A_294] : memref<10240x128xf32, #tpu.memory_space<vmem_shared>> -> memref<10240x128xf32, #tpu.memory_space<vmem_shared>>
      tpu.wait_indirect_dma semaphore(%arg13 : memref<!tpu.dma_semaphore, #tpu.memory_space<semaphore_mem>>) src(%dma_wait3A_289 : memref<128x128xf32, #tpu.memory_space<vmem>>) dst(%dma_wait3A_295 : memref<10240x128xf32, #tpu.memory_space<vmem_shared>>)
      %mul3A_296 = arith.constant 16 : i32
      %mul3A_297 = arith.muli %scan3A_22, %mul3A_296 : i32
      %add3A_298 = arith.constant 5 : i32
      %add3A_299 = arith.addi %mul3A_297, %add3A_298 : i32
      %add3A_300 = arith.constant 1 : i32
      %add3A_301 = arith.addi %add3A_299, %add3A_300 : i32
      %dma_start3A_302 = arith.constant 0 : i32
      %dma_start3A_303 = arith.constant 0 : i32
      %dma_start3A_304 = arith.constant 0 : i32
      %dma_start3A_305 = tpu.memref_slice %arg9[%dma_start3A_302, %dma_start3A_303, %dma_start3A_304] : memref<2x128x128xf32, #tpu.memory_space<vmem>> -> memref<1x128x128xf32, #tpu.memory_space<vmem>>
      %dma_start3A_306 = tpu.memref_squeeze %dma_start3A_305 : memref<1x128x128xf32, #tpu.memory_space<vmem>> -> memref<128x128xf32, #tpu.memory_space<vmem>>
      %dma_start3A_307 = arith.constant 0 : i32
      %dma_start3A_308 = tpu.memref_slice %arg7[%add3A_301, %dma_start3A_307] : memref<80x128xi32, #tpu.memory_space<vmem>> -> memref<1x128xi32, #tpu.memory_space<vmem>>
      %dma_start3A_309 = tpu.memref_squeeze %dma_start3A_308 : memref<1x128xi32, #tpu.memory_space<vmem>> -> memref<128xi32, #tpu.memory_space<vmem>>
      %dma_start3A_310 = arith.constant 0 : i32
      %dma_start3A_311 = arith.constant 0 : i32
      %dma_start3A_312 = tpu.memref_slice %arg2[%dma_start3A_310, %dma_start3A_311] : memref<10240x128xf32, #tpu.memory_space<hbm>> -> memref<10240x128xf32, #tpu.memory_space<hbm>>
      tpu.enqueue_indirect_dma source(%dma_start3A_312 : memref<10240x128xf32, #tpu.memory_space<hbm>>) target(%dma_start3A_306 : memref<128x128xf32, #tpu.memory_space<vmem>>) offsets(%dma_start3A_309 : memref<128xi32, #tpu.memory_space<vmem>>) semaphore(%arg11 : memref<!tpu.dma_semaphore, #tpu.memory_space<semaphore_mem>>)
      %dma_wait3A_313 = arith.constant 1 : i32
      %dma_wait3A_314 = arith.constant 0 : i32
      %dma_wait3A_315 = arith.constant 0 : i32
      %dma_wait3A_316 = tpu.memref_slice %arg9[%dma_wait3A_313, %dma_wait3A_314, %dma_wait3A_315] : memref<2x128x128xf32, #tpu.memory_space<vmem>> -> memref<1x128x128xf32, #tpu.memory_space<vmem>>
      %dma_wait3A_317 = tpu.memref_squeeze %dma_wait3A_316 : memref<1x128x128xf32, #tpu.memory_space<vmem>> -> memref<128x128xf32, #tpu.memory_space<vmem>>
      %dma_wait3A_318 = arith.constant 0 : i32
      %dma_wait3A_319 = tpu.memref_slice %arg7[%add3A_249, %dma_wait3A_318] : memref<80x128xi32, #tpu.memory_space<vmem>> -> memref<1x128xi32, #tpu.memory_space<vmem>>
      %dma_wait3A_320 = tpu.memref_squeeze %dma_wait3A_319 : memref<1x128xi32, #tpu.memory_space<vmem>> -> memref<128xi32, #tpu.memory_space<vmem>>
      %dma_wait3A_321 = arith.constant 0 : i32
      %dma_wait3A_322 = arith.constant 0 : i32
      %dma_wait3A_323 = tpu.memref_slice %arg2[%dma_wait3A_321, %dma_wait3A_322] : memref<10240x128xf32, #tpu.memory_space<hbm>> -> memref<10240x128xf32, #tpu.memory_space<hbm>>
      tpu.wait_indirect_dma semaphore(%arg12 : memref<!tpu.dma_semaphore, #tpu.memory_space<semaphore_mem>>) src(%dma_wait3A_323 : memref<10240x128xf32, #tpu.memory_space<hbm>>) dst(%dma_wait3A_317 : memref<128x128xf32, #tpu.memory_space<vmem>>)
      %dma_start3A_324 = arith.constant 1 : i32
      %dma_start3A_325 = arith.constant 5 : i32
      %dma_start3A_326 = arith.constant 0 : i32
      %dma_start3A_327 = arith.constant 0 : i32
      %dma_start3A_328 = tpu.memref_slice %arg9[%dma_start3A_324, %dma_start3A_326, %dma_start3A_327] : memref<2x128x128xf32, #tpu.memory_space<vmem>> -> memref<1x128x128xf32, #tpu.memory_space<vmem>>
      %dma_start3A_329 = tpu.memref_squeeze %dma_start3A_328 : memref<1x128x128xf32, #tpu.memory_space<vmem>> -> memref<128x128xf32, #tpu.memory_space<vmem>>
      %dma_start3A_330 = arith.constant 0 : i32
      %dma_start3A_331 = tpu.memref_slice %arg8[%dma_start3A_325, %dma_start3A_330] : memref<16x128xi32, #tpu.memory_space<vmem>> -> memref<1x128xi32, #tpu.memory_space<vmem>>
      %dma_start3A_332 = tpu.memref_squeeze %dma_start3A_331 : memref<1x128xi32, #tpu.memory_space<vmem>> -> memref<128xi32, #tpu.memory_space<vmem>>
      %dma_start3A_333 = arith.constant 0 : i32
      %dma_start3A_334 = arith.constant 0 : i32
      %dma_start3A_335 = tpu.memref_slice %arg10[%dma_start3A_333, %dma_start3A_334] : memref<10240x128xf32, #tpu.memory_space<vmem_shared>> -> memref<10240x128xf32, #tpu.memory_space<vmem_shared>>
      tpu.enqueue_indirect_dma source(%dma_start3A_329 : memref<128x128xf32, #tpu.memory_space<vmem>>) target(%dma_start3A_335 : memref<10240x128xf32, #tpu.memory_space<vmem_shared>>) offsets(%dma_start3A_332 : memref<128xi32, #tpu.memory_space<vmem>>) semaphore(%arg14 : memref<!tpu.dma_semaphore, #tpu.memory_space<semaphore_mem>>) {add = true}
      %dma_wait3A_336 = arith.constant 1 : i32
      %dma_wait3A_337 = arith.constant 5 : i32
      %dma_wait3A_338 = arith.constant 0 : i32
      %dma_wait3A_339 = arith.constant 0 : i32
      %dma_wait3A_340 = tpu.memref_slice %arg9[%dma_wait3A_336, %dma_wait3A_338, %dma_wait3A_339] : memref<2x128x128xf32, #tpu.memory_space<vmem>> -> memref<1x128x128xf32, #tpu.memory_space<vmem>>
      %dma_wait3A_341 = tpu.memref_squeeze %dma_wait3A_340 : memref<1x128x128xf32, #tpu.memory_space<vmem>> -> memref<128x128xf32, #tpu.memory_space<vmem>>
      %dma_wait3A_342 = arith.constant 0 : i32
      %dma_wait3A_343 = tpu.memref_slice %arg8[%dma_wait3A_337, %dma_wait3A_342] : memref<16x128xi32, #tpu.memory_space<vmem>> -> memref<1x128xi32, #tpu.memory_space<vmem>>
      %dma_wait3A_344 = tpu.memref_squeeze %dma_wait3A_343 : memref<1x128xi32, #tpu.memory_space<vmem>> -> memref<128xi32, #tpu.memory_space<vmem>>
      %dma_wait3A_345 = arith.constant 0 : i32
      %dma_wait3A_346 = arith.constant 0 : i32
      %dma_wait3A_347 = tpu.memref_slice %arg10[%dma_wait3A_345, %dma_wait3A_346] : memref<10240x128xf32, #tpu.memory_space<vmem_shared>> -> memref<10240x128xf32, #tpu.memory_space<vmem_shared>>
      tpu.wait_indirect_dma semaphore(%arg14 : memref<!tpu.dma_semaphore, #tpu.memory_space<semaphore_mem>>) src(%dma_wait3A_341 : memref<128x128xf32, #tpu.memory_space<vmem>>) dst(%dma_wait3A_347 : memref<10240x128xf32, #tpu.memory_space<vmem_shared>>)
      %mul3A_348 = arith.constant 16 : i32
      %mul3A_349 = arith.muli %scan3A_22, %mul3A_348 : i32
      %add3A_350 = arith.constant 6 : i32
      %add3A_351 = arith.addi %mul3A_349, %add3A_350 : i32
      %add3A_352 = arith.constant 1 : i32
      %add3A_353 = arith.addi %add3A_351, %add3A_352 : i32
      %dma_start3A_354 = arith.constant 1 : i32
      %dma_start3A_355 = arith.constant 0 : i32
      %dma_start3A_356 = arith.constant 0 : i32
      %dma_start3A_357 = tpu.memref_slice %arg9[%dma_start3A_354, %dma_start3A_355, %dma_start3A_356] : memref<2x128x128xf32, #tpu.memory_space<vmem>> -> memref<1x128x128xf32, #tpu.memory_space<vmem>>
      %dma_start3A_358 = tpu.memref_squeeze %dma_start3A_357 : memref<1x128x128xf32, #tpu.memory_space<vmem>> -> memref<128x128xf32, #tpu.memory_space<vmem>>
      %dma_start3A_359 = arith.constant 0 : i32
      %dma_start3A_360 = tpu.memref_slice %arg7[%add3A_353, %dma_start3A_359] : memref<80x128xi32, #tpu.memory_space<vmem>> -> memref<1x128xi32, #tpu.memory_space<vmem>>
      %dma_start3A_361 = tpu.memref_squeeze %dma_start3A_360 : memref<1x128xi32, #tpu.memory_space<vmem>> -> memref<128xi32, #tpu.memory_space<vmem>>
      %dma_start3A_362 = arith.constant 0 : i32
      %dma_start3A_363 = arith.constant 0 : i32
      %dma_start3A_364 = tpu.memref_slice %arg2[%dma_start3A_362, %dma_start3A_363] : memref<10240x128xf32, #tpu.memory_space<hbm>> -> memref<10240x128xf32, #tpu.memory_space<hbm>>
      tpu.enqueue_indirect_dma source(%dma_start3A_364 : memref<10240x128xf32, #tpu.memory_space<hbm>>) target(%dma_start3A_358 : memref<128x128xf32, #tpu.memory_space<vmem>>) offsets(%dma_start3A_361 : memref<128xi32, #tpu.memory_space<vmem>>) semaphore(%arg12 : memref<!tpu.dma_semaphore, #tpu.memory_space<semaphore_mem>>)
      %dma_wait3A_365 = arith.constant 0 : i32
      %dma_wait3A_366 = arith.constant 0 : i32
      %dma_wait3A_367 = arith.constant 0 : i32
      %dma_wait3A_368 = tpu.memref_slice %arg9[%dma_wait3A_365, %dma_wait3A_366, %dma_wait3A_367] : memref<2x128x128xf32, #tpu.memory_space<vmem>> -> memref<1x128x128xf32, #tpu.memory_space<vmem>>
      %dma_wait3A_369 = tpu.memref_squeeze %dma_wait3A_368 : memref<1x128x128xf32, #tpu.memory_space<vmem>> -> memref<128x128xf32, #tpu.memory_space<vmem>>
      %dma_wait3A_370 = arith.constant 0 : i32
      %dma_wait3A_371 = tpu.memref_slice %arg7[%add3A_301, %dma_wait3A_370] : memref<80x128xi32, #tpu.memory_space<vmem>> -> memref<1x128xi32, #tpu.memory_space<vmem>>
      %dma_wait3A_372 = tpu.memref_squeeze %dma_wait3A_371 : memref<1x128xi32, #tpu.memory_space<vmem>> -> memref<128xi32, #tpu.memory_space<vmem>>
      %dma_wait3A_373 = arith.constant 0 : i32
      %dma_wait3A_374 = arith.constant 0 : i32
      %dma_wait3A_375 = tpu.memref_slice %arg2[%dma_wait3A_373, %dma_wait3A_374] : memref<10240x128xf32, #tpu.memory_space<hbm>> -> memref<10240x128xf32, #tpu.memory_space<hbm>>
      tpu.wait_indirect_dma semaphore(%arg11 : memref<!tpu.dma_semaphore, #tpu.memory_space<semaphore_mem>>) src(%dma_wait3A_375 : memref<10240x128xf32, #tpu.memory_space<hbm>>) dst(%dma_wait3A_369 : memref<128x128xf32, #tpu.memory_space<vmem>>)
      %dma_start3A_376 = arith.constant 0 : i32
      %dma_start3A_377 = arith.constant 6 : i32
      %dma_start3A_378 = arith.constant 0 : i32
      %dma_start3A_379 = arith.constant 0 : i32
      %dma_start3A_380 = tpu.memref_slice %arg9[%dma_start3A_376, %dma_start3A_378, %dma_start3A_379] : memref<2x128x128xf32, #tpu.memory_space<vmem>> -> memref<1x128x128xf32, #tpu.memory_space<vmem>>
      %dma_start3A_381 = tpu.memref_squeeze %dma_start3A_380 : memref<1x128x128xf32, #tpu.memory_space<vmem>> -> memref<128x128xf32, #tpu.memory_space<vmem>>
      %dma_start3A_382 = arith.constant 0 : i32
      %dma_start3A_383 = tpu.memref_slice %arg8[%dma_start3A_377, %dma_start3A_382] : memref<16x128xi32, #tpu.memory_space<vmem>> -> memref<1x128xi32, #tpu.memory_space<vmem>>
      %dma_start3A_384 = tpu.memref_squeeze %dma_start3A_383 : memref<1x128xi32, #tpu.memory_space<vmem>> -> memref<128xi32, #tpu.memory_space<vmem>>
      %dma_start3A_385 = arith.constant 0 : i32
      %dma_start3A_386 = arith.constant 0 : i32
      %dma_start3A_387 = tpu.memref_slice %arg10[%dma_start3A_385, %dma_start3A_386] : memref<10240x128xf32, #tpu.memory_space<vmem_shared>> -> memref<10240x128xf32, #tpu.memory_space<vmem_shared>>
      tpu.enqueue_indirect_dma source(%dma_start3A_381 : memref<128x128xf32, #tpu.memory_space<vmem>>) target(%dma_start3A_387 : memref<10240x128xf32, #tpu.memory_space<vmem_shared>>) offsets(%dma_start3A_384 : memref<128xi32, #tpu.memory_space<vmem>>) semaphore(%arg13 : memref<!tpu.dma_semaphore, #tpu.memory_space<semaphore_mem>>) {add = true}
      %dma_wait3A_388 = arith.constant 0 : i32
      %dma_wait3A_389 = arith.constant 6 : i32
      %dma_wait3A_390 = arith.constant 0 : i32
      %dma_wait3A_391 = arith.constant 0 : i32
      %dma_wait3A_392 = tpu.memref_slice %arg9[%dma_wait3A_388, %dma_wait3A_390, %dma_wait3A_391] : memref<2x128x128xf32, #tpu.memory_space<vmem>> -> memref<1x128x128xf32, #tpu.memory_space<vmem>>
      %dma_wait3A_393 = tpu.memref_squeeze %dma_wait3A_392 : memref<1x128x128xf32, #tpu.memory_space<vmem>> -> memref<128x128xf32, #tpu.memory_space<vmem>>
      %dma_wait3A_394 = arith.constant 0 : i32
      %dma_wait3A_395 = tpu.memref_slice %arg8[%dma_wait3A_389, %dma_wait3A_394] : memref<16x128xi32, #tpu.memory_space<vmem>> -> memref<1x128xi32, #tpu.memory_space<vmem>>
      %dma_wait3A_396 = tpu.memref_squeeze %dma_wait3A_395 : memref<1x128xi32, #tpu.memory_space<vmem>> -> memref<128xi32, #tpu.memory_space<vmem>>
      %dma_wait3A_397 = arith.constant 0 : i32
      %dma_wait3A_398 = arith.constant 0 : i32
      %dma_wait3A_399 = tpu.memref_slice %arg10[%dma_wait3A_397, %dma_wait3A_398] : memref<10240x128xf32, #tpu.memory_space<vmem_shared>> -> memref<10240x128xf32, #tpu.memory_space<vmem_shared>>
      tpu.wait_indirect_dma semaphore(%arg13 : memref<!tpu.dma_semaphore, #tpu.memory_space<semaphore_mem>>) src(%dma_wait3A_393 : memref<128x128xf32, #tpu.memory_space<vmem>>) dst(%dma_wait3A_399 : memref<10240x128xf32, #tpu.memory_space<vmem_shared>>)
      %mul3A_400 = arith.constant 16 : i32
      %mul3A_401 = arith.muli %scan3A_22, %mul3A_400 : i32
      %add3A_402 = arith.constant 7 : i32
      %add3A_403 = arith.addi %mul3A_401, %add3A_402 : i32
      %add3A_404 = arith.constant 1 : i32
      %add3A_405 = arith.addi %add3A_403, %add3A_404 : i32
      %dma_start3A_406 = arith.constant 0 : i32
      %dma_start3A_407 = arith.constant 0 : i32
      %dma_start3A_408 = arith.constant 0 : i32
      %dma_start3A_409 = tpu.memref_slice %arg9[%dma_start3A_406, %dma_start3A_407, %dma_start3A_408] : memref<2x128x128xf32, #tpu.memory_space<vmem>> -> memref<1x128x128xf32, #tpu.memory_space<vmem>>
      %dma_start3A_410 = tpu.memref_squeeze %dma_start3A_409 : memref<1x128x128xf32, #tpu.memory_space<vmem>> -> memref<128x128xf32, #tpu.memory_space<vmem>>
      %dma_start3A_411 = arith.constant 0 : i32
      %dma_start3A_412 = tpu.memref_slice %arg7[%add3A_405, %dma_start3A_411] : memref<80x128xi32, #tpu.memory_space<vmem>> -> memref<1x128xi32, #tpu.memory_space<vmem>>
      %dma_start3A_413 = tpu.memref_squeeze %dma_start3A_412 : memref<1x128xi32, #tpu.memory_space<vmem>> -> memref<128xi32, #tpu.memory_space<vmem>>
      %dma_start3A_414 = arith.constant 0 : i32
      %dma_start3A_415 = arith.constant 0 : i32
      %dma_start3A_416 = tpu.memref_slice %arg2[%dma_start3A_414, %dma_start3A_415] : memref<10240x128xf32, #tpu.memory_space<hbm>> -> memref<10240x128xf32, #tpu.memory_space<hbm>>
      tpu.enqueue_indirect_dma source(%dma_start3A_416 : memref<10240x128xf32, #tpu.memory_space<hbm>>) target(%dma_start3A_410 : memref<128x128xf32, #tpu.memory_space<vmem>>) offsets(%dma_start3A_413 : memref<128xi32, #tpu.memory_space<vmem>>) semaphore(%arg11 : memref<!tpu.dma_semaphore, #tpu.memory_space<semaphore_mem>>)
      %dma_wait3A_417 = arith.constant 1 : i32
      %dma_wait3A_418 = arith.constant 0 : i32
      %dma_wait3A_419 = arith.constant 0 : i32
      %dma_wait3A_420 = tpu.memref_slice %arg9[%dma_wait3A_417, %dma_wait3A_418, %dma_wait3A_419] : memref<2x128x128xf32, #tpu.memory_space<vmem>> -> memref<1x128x128xf32, #tpu.memory_space<vmem>>
      %dma_wait3A_421 = tpu.memref_squeeze %dma_wait3A_420 : memref<1x128x128xf32, #tpu.memory_space<vmem>> -> memref<128x128xf32, #tpu.memory_space<vmem>>
      %dma_wait3A_422 = arith.constant 0 : i32
      %dma_wait3A_423 = tpu.memref_slice %arg7[%add3A_353, %dma_wait3A_422] : memref<80x128xi32, #tpu.memory_space<vmem>> -> memref<1x128xi32, #tpu.memory_space<vmem>>
      %dma_wait3A_424 = tpu.memref_squeeze %dma_wait3A_423 : memref<1x128xi32, #tpu.memory_space<vmem>> -> memref<128xi32, #tpu.memory_space<vmem>>
      %dma_wait3A_425 = arith.constant 0 : i32
      %dma_wait3A_426 = arith.constant 0 : i32
      %dma_wait3A_427 = tpu.memref_slice %arg2[%dma_wait3A_425, %dma_wait3A_426] : memref<10240x128xf32, #tpu.memory_space<hbm>> -> memref<10240x128xf32, #tpu.memory_space<hbm>>
      tpu.wait_indirect_dma semaphore(%arg12 : memref<!tpu.dma_semaphore, #tpu.memory_space<semaphore_mem>>) src(%dma_wait3A_427 : memref<10240x128xf32, #tpu.memory_space<hbm>>) dst(%dma_wait3A_421 : memref<128x128xf32, #tpu.memory_space<vmem>>)
      %dma_start3A_428 = arith.constant 1 : i32
      %dma_start3A_429 = arith.constant 7 : i32
      %dma_start3A_430 = arith.constant 0 : i32
      %dma_start3A_431 = arith.constant 0 : i32
      %dma_start3A_432 = tpu.memref_slice %arg9[%dma_start3A_428, %dma_start3A_430, %dma_start3A_431] : memref<2x128x128xf32, #tpu.memory_space<vmem>> -> memref<1x128x128xf32, #tpu.memory_space<vmem>>
      %dma_start3A_433 = tpu.memref_squeeze %dma_start3A_432 : memref<1x128x128xf32, #tpu.memory_space<vmem>> -> memref<128x128xf32, #tpu.memory_space<vmem>>
      %dma_start3A_434 = arith.constant 0 : i32
      %dma_start3A_435 = tpu.memref_slice %arg8[%dma_start3A_429, %dma_start3A_434] : memref<16x128xi32, #tpu.memory_space<vmem>> -> memref<1x128xi32, #tpu.memory_space<vmem>>
      %dma_start3A_436 = tpu.memref_squeeze %dma_start3A_435 : memref<1x128xi32, #tpu.memory_space<vmem>> -> memref<128xi32, #tpu.memory_space<vmem>>
      %dma_start3A_437 = arith.constant 0 : i32
      %dma_start3A_438 = arith.constant 0 : i32
      %dma_start3A_439 = tpu.memref_slice %arg10[%dma_start3A_437, %dma_start3A_438] : memref<10240x128xf32, #tpu.memory_space<vmem_shared>> -> memref<10240x128xf32, #tpu.memory_space<vmem_shared>>
      tpu.enqueue_indirect_dma source(%dma_start3A_433 : memref<128x128xf32, #tpu.memory_space<vmem>>) target(%dma_start3A_439 : memref<10240x128xf32, #tpu.memory_space<vmem_shared>>) offsets(%dma_start3A_436 : memref<128xi32, #tpu.memory_space<vmem>>) semaphore(%arg14 : memref<!tpu.dma_semaphore, #tpu.memory_space<semaphore_mem>>) {add = true}
      %dma_wait3A_440 = arith.constant 1 : i32
      %dma_wait3A_441 = arith.constant 7 : i32
      %dma_wait3A_442 = arith.constant 0 : i32
      %dma_wait3A_443 = arith.constant 0 : i32
      %dma_wait3A_444 = tpu.memref_slice %arg9[%dma_wait3A_440, %dma_wait3A_442, %dma_wait3A_443] : memref<2x128x128xf32, #tpu.memory_space<vmem>> -> memref<1x128x128xf32, #tpu.memory_space<vmem>>
      %dma_wait3A_445 = tpu.memref_squeeze %dma_wait3A_444 : memref<1x128x128xf32, #tpu.memory_space<vmem>> -> memref<128x128xf32, #tpu.memory_space<vmem>>
      %dma_wait3A_446 = arith.constant 0 : i32
      %dma_wait3A_447 = tpu.memref_slice %arg8[%dma_wait3A_441, %dma_wait3A_446] : memref<16x128xi32, #tpu.memory_space<vmem>> -> memref<1x128xi32, #tpu.memory_space<vmem>>
      %dma_wait3A_448 = tpu.memref_squeeze %dma_wait3A_447 : memref<1x128xi32, #tpu.memory_space<vmem>> -> memref<128xi32, #tpu.memory_space<vmem>>
      %dma_wait3A_449 = arith.constant 0 : i32
      %dma_wait3A_450 = arith.constant 0 : i32
      %dma_wait3A_451 = tpu.memref_slice %arg10[%dma_wait3A_449, %dma_wait3A_450] : memref<10240x128xf32, #tpu.memory_space<vmem_shared>> -> memref<10240x128xf32, #tpu.memory_space<vmem_shared>>
      tpu.wait_indirect_dma semaphore(%arg14 : memref<!tpu.dma_semaphore, #tpu.memory_space<semaphore_mem>>) src(%dma_wait3A_445 : memref<128x128xf32, #tpu.memory_space<vmem>>) dst(%dma_wait3A_451 : memref<10240x128xf32, #tpu.memory_space<vmem_shared>>)
      %mul3A_452 = arith.constant 16 : i32
      %mul3A_453 = arith.muli %scan3A_22, %mul3A_452 : i32
      %add3A_454 = arith.constant 8 : i32
      %add3A_455 = arith.addi %mul3A_453, %add3A_454 : i32
      %add3A_456 = arith.constant 1 : i32
      %add3A_457 = arith.addi %add3A_455, %add3A_456 : i32
      %dma_start3A_458 = arith.constant 1 : i32
      %dma_start3A_459 = arith.constant 0 : i32
      %dma_start3A_460 = arith.constant 0 : i32
      %dma_start3A_461 = tpu.memref_slice %arg9[%dma_start3A_458, %dma_start3A_459, %dma_start3A_460] : memref<2x128x128xf32, #tpu.memory_space<vmem>> -> memref<1x128x128xf32, #tpu.memory_space<vmem>>
      %dma_start3A_462 = tpu.memref_squeeze %dma_start3A_461 : memref<1x128x128xf32, #tpu.memory_space<vmem>> -> memref<128x128xf32, #tpu.memory_space<vmem>>
      %dma_start3A_463 = arith.constant 0 : i32
      %dma_start3A_464 = tpu.memref_slice %arg7[%add3A_457, %dma_start3A_463] : memref<80x128xi32, #tpu.memory_space<vmem>> -> memref<1x128xi32, #tpu.memory_space<vmem>>
      %dma_start3A_465 = tpu.memref_squeeze %dma_start3A_464 : memref<1x128xi32, #tpu.memory_space<vmem>> -> memref<128xi32, #tpu.memory_space<vmem>>
      %dma_start3A_466 = arith.constant 0 : i32
      %dma_start3A_467 = arith.constant 0 : i32
      %dma_start3A_468 = tpu.memref_slice %arg2[%dma_start3A_466, %dma_start3A_467] : memref<10240x128xf32, #tpu.memory_space<hbm>> -> memref<10240x128xf32, #tpu.memory_space<hbm>>
      tpu.enqueue_indirect_dma source(%dma_start3A_468 : memref<10240x128xf32, #tpu.memory_space<hbm>>) target(%dma_start3A_462 : memref<128x128xf32, #tpu.memory_space<vmem>>) offsets(%dma_start3A_465 : memref<128xi32, #tpu.memory_space<vmem>>) semaphore(%arg12 : memref<!tpu.dma_semaphore, #tpu.memory_space<semaphore_mem>>)
      %dma_wait3A_469 = arith.constant 0 : i32
      %dma_wait3A_470 = arith.constant 0 : i32
      %dma_wait3A_471 = arith.constant 0 : i32
      %dma_wait3A_472 = tpu.memref_slice %arg9[%dma_wait3A_469, %dma_wait3A_470, %dma_wait3A_471] : memref<2x128x128xf32, #tpu.memory_space<vmem>> -> memref<1x128x128xf32, #tpu.memory_space<vmem>>
      %dma_wait3A_473 = tpu.memref_squeeze %dma_wait3A_472 : memref<1x128x128xf32, #tpu.memory_space<vmem>> -> memref<128x128xf32, #tpu.memory_space<vmem>>
      %dma_wait3A_474 = arith.constant 0 : i32
      %dma_wait3A_475 = tpu.memref_slice %arg7[%add3A_405, %dma_wait3A_474] : memref<80x128xi32, #tpu.memory_space<vmem>> -> memref<1x128xi32, #tpu.memory_space<vmem>>
      %dma_wait3A_476 = tpu.memref_squeeze %dma_wait3A_475 : memref<1x128xi32, #tpu.memory_space<vmem>> -> memref<128xi32, #tpu.memory_space<vmem>>
      %dma_wait3A_477 = arith.constant 0 : i32
      %dma_wait3A_478 = arith.constant 0 : i32
      %dma_wait3A_479 = tpu.memref_slice %arg2[%dma_wait3A_477, %dma_wait3A_478] : memref<10240x128xf32, #tpu.memory_space<hbm>> -> memref<10240x128xf32, #tpu.memory_space<hbm>>
      tpu.wait_indirect_dma semaphore(%arg11 : memref<!tpu.dma_semaphore, #tpu.memory_space<semaphore_mem>>) src(%dma_wait3A_479 : memref<10240x128xf32, #tpu.memory_space<hbm>>) dst(%dma_wait3A_473 : memref<128x128xf32, #tpu.memory_space<vmem>>)
      %dma_start3A_480 = arith.constant 0 : i32
      %dma_start3A_481 = arith.constant 8 : i32
      %dma_start3A_482 = arith.constant 0 : i32
      %dma_start3A_483 = arith.constant 0 : i32
      %dma_start3A_484 = tpu.memref_slice %arg9[%dma_start3A_480, %dma_start3A_482, %dma_start3A_483] : memref<2x128x128xf32, #tpu.memory_space<vmem>> -> memref<1x128x128xf32, #tpu.memory_space<vmem>>
      %dma_start3A_485 = tpu.memref_squeeze %dma_start3A_484 : memref<1x128x128xf32, #tpu.memory_space<vmem>> -> memref<128x128xf32, #tpu.memory_space<vmem>>
      %dma_start3A_486 = arith.constant 0 : i32
      %dma_start3A_487 = tpu.memref_slice %arg8[%dma_start3A_481, %dma_start3A_486] : memref<16x128xi32, #tpu.memory_space<vmem>> -> memref<1x128xi32, #tpu.memory_space<vmem>>
      %dma_start3A_488 = tpu.memref_squeeze %dma_start3A_487 : memref<1x128xi32, #tpu.memory_space<vmem>> -> memref<128xi32, #tpu.memory_space<vmem>>
      %dma_start3A_489 = arith.constant 0 : i32
      %dma_start3A_490 = arith.constant 0 : i32
      %dma_start3A_491 = tpu.memref_slice %arg10[%dma_start3A_489, %dma_start3A_490] : memref<10240x128xf32, #tpu.memory_space<vmem_shared>> -> memref<10240x128xf32, #tpu.memory_space<vmem_shared>>
      tpu.enqueue_indirect_dma source(%dma_start3A_485 : memref<128x128xf32, #tpu.memory_space<vmem>>) target(%dma_start3A_491 : memref<10240x128xf32, #tpu.memory_space<vmem_shared>>) offsets(%dma_start3A_488 : memref<128xi32, #tpu.memory_space<vmem>>) semaphore(%arg13 : memref<!tpu.dma_semaphore, #tpu.memory_space<semaphore_mem>>) {add = true}
      %dma_wait3A_492 = arith.constant 0 : i32
      %dma_wait3A_493 = arith.constant 8 : i32
      %dma_wait3A_494 = arith.constant 0 : i32
      %dma_wait3A_495 = arith.constant 0 : i32
      %dma_wait3A_496 = tpu.memref_slice %arg9[%dma_wait3A_492, %dma_wait3A_494, %dma_wait3A_495] : memref<2x128x128xf32, #tpu.memory_space<vmem>> -> memref<1x128x128xf32, #tpu.memory_space<vmem>>
      %dma_wait3A_497 = tpu.memref_squeeze %dma_wait3A_496 : memref<1x128x128xf32, #tpu.memory_space<vmem>> -> memref<128x128xf32, #tpu.memory_space<vmem>>
      %dma_wait3A_498 = arith.constant 0 : i32
      %dma_wait3A_499 = tpu.memref_slice %arg8[%dma_wait3A_493, %dma_wait3A_498] : memref<16x128xi32, #tpu.memory_space<vmem>> -> memref<1x128xi32, #tpu.memory_space<vmem>>
      %dma_wait3A_500 = tpu.memref_squeeze %dma_wait3A_499 : memref<1x128xi32, #tpu.memory_space<vmem>> -> memref<128xi32, #tpu.memory_space<vmem>>
      %dma_wait3A_501 = arith.constant 0 : i32
      %dma_wait3A_502 = arith.constant 0 : i32
      %dma_wait3A_503 = tpu.memref_slice %arg10[%dma_wait3A_501, %dma_wait3A_502] : memref<10240x128xf32, #tpu.memory_space<vmem_shared>> -> memref<10240x128xf32, #tpu.memory_space<vmem_shared>>
      tpu.wait_indirect_dma semaphore(%arg13 : memref<!tpu.dma_semaphore, #tpu.memory_space<semaphore_mem>>) src(%dma_wait3A_497 : memref<128x128xf32, #tpu.memory_space<vmem>>) dst(%dma_wait3A_503 : memref<10240x128xf32, #tpu.memory_space<vmem_shared>>)
      %mul3A_504 = arith.constant 16 : i32
      %mul3A_505 = arith.muli %scan3A_22, %mul3A_504 : i32
      %add3A_506 = arith.constant 9 : i32
      %add3A_507 = arith.addi %mul3A_505, %add3A_506 : i32
      %add3A_508 = arith.constant 1 : i32
      %add3A_509 = arith.addi %add3A_507, %add3A_508 : i32
      %dma_start3A_510 = arith.constant 0 : i32
      %dma_start3A_511 = arith.constant 0 : i32
      %dma_start3A_512 = arith.constant 0 : i32
      %dma_start3A_513 = tpu.memref_slice %arg9[%dma_start3A_510, %dma_start3A_511, %dma_start3A_512] : memref<2x128x128xf32, #tpu.memory_space<vmem>> -> memref<1x128x128xf32, #tpu.memory_space<vmem>>
      %dma_start3A_514 = tpu.memref_squeeze %dma_start3A_513 : memref<1x128x128xf32, #tpu.memory_space<vmem>> -> memref<128x128xf32, #tpu.memory_space<vmem>>
      %dma_start3A_515 = arith.constant 0 : i32
      %dma_start3A_516 = tpu.memref_slice %arg7[%add3A_509, %dma_start3A_515] : memref<80x128xi32, #tpu.memory_space<vmem>> -> memref<1x128xi32, #tpu.memory_space<vmem>>
      %dma_start3A_517 = tpu.memref_squeeze %dma_start3A_516 : memref<1x128xi32, #tpu.memory_space<vmem>> -> memref<128xi32, #tpu.memory_space<vmem>>
      %dma_start3A_518 = arith.constant 0 : i32
      %dma_start3A_519 = arith.constant 0 : i32
      %dma_start3A_520 = tpu.memref_slice %arg2[%dma_start3A_518, %dma_start3A_519] : memref<10240x128xf32, #tpu.memory_space<hbm>> -> memref<10240x128xf32, #tpu.memory_space<hbm>>
      tpu.enqueue_indirect_dma source(%dma_start3A_520 : memref<10240x128xf32, #tpu.memory_space<hbm>>) target(%dma_start3A_514 : memref<128x128xf32, #tpu.memory_space<vmem>>) offsets(%dma_start3A_517 : memref<128xi32, #tpu.memory_space<vmem>>) semaphore(%arg11 : memref<!tpu.dma_semaphore, #tpu.memory_space<semaphore_mem>>)
      %dma_wait3A_521 = arith.constant 1 : i32
      %dma_wait3A_522 = arith.constant 0 : i32
      %dma_wait3A_523 = arith.constant 0 : i32
      %dma_wait3A_524 = tpu.memref_slice %arg9[%dma_wait3A_521, %dma_wait3A_522, %dma_wait3A_523] : memref<2x128x128xf32, #tpu.memory_space<vmem>> -> memref<1x128x128xf32, #tpu.memory_space<vmem>>
      %dma_wait3A_525 = tpu.memref_squeeze %dma_wait3A_524 : memref<1x128x128xf32, #tpu.memory_space<vmem>> -> memref<128x128xf32, #tpu.memory_space<vmem>>
      %dma_wait3A_526 = arith.constant 0 : i32
      %dma_wait3A_527 = tpu.memref_slice %arg7[%add3A_457, %dma_wait3A_526] : memref<80x128xi32, #tpu.memory_space<vmem>> -> memref<1x128xi32, #tpu.memory_space<vmem>>
      %dma_wait3A_528 = tpu.memref_squeeze %dma_wait3A_527 : memref<1x128xi32, #tpu.memory_space<vmem>> -> memref<128xi32, #tpu.memory_space<vmem>>
      %dma_wait3A_529 = arith.constant 0 : i32
      %dma_wait3A_530 = arith.constant 0 : i32
      %dma_wait3A_531 = tpu.memref_slice %arg2[%dma_wait3A_529, %dma_wait3A_530] : memref<10240x128xf32, #tpu.memory_space<hbm>> -> memref<10240x128xf32, #tpu.memory_space<hbm>>
      tpu.wait_indirect_dma semaphore(%arg12 : memref<!tpu.dma_semaphore, #tpu.memory_space<semaphore_mem>>) src(%dma_wait3A_531 : memref<10240x128xf32, #tpu.memory_space<hbm>>) dst(%dma_wait3A_525 : memref<128x128xf32, #tpu.memory_space<vmem>>)
      %dma_start3A_532 = arith.constant 1 : i32
      %dma_start3A_533 = arith.constant 9 : i32
      %dma_start3A_534 = arith.constant 0 : i32
      %dma_start3A_535 = arith.constant 0 : i32
      %dma_start3A_536 = tpu.memref_slice %arg9[%dma_start3A_532, %dma_start3A_534, %dma_start3A_535] : memref<2x128x128xf32, #tpu.memory_space<vmem>> -> memref<1x128x128xf32, #tpu.memory_space<vmem>>
      %dma_start3A_537 = tpu.memref_squeeze %dma_start3A_536 : memref<1x128x128xf32, #tpu.memory_space<vmem>> -> memref<128x128xf32, #tpu.memory_space<vmem>>
      %dma_start3A_538 = arith.constant 0 : i32
      %dma_start3A_539 = tpu.memref_slice %arg8[%dma_start3A_533, %dma_start3A_538] : memref<16x128xi32, #tpu.memory_space<vmem>> -> memref<1x128xi32, #tpu.memory_space<vmem>>
      %dma_start3A_540 = tpu.memref_squeeze %dma_start3A_539 : memref<1x128xi32, #tpu.memory_space<vmem>> -> memref<128xi32, #tpu.memory_space<vmem>>
      %dma_start3A_541 = arith.constant 0 : i32
      %dma_start3A_542 = arith.constant 0 : i32
      %dma_start3A_543 = tpu.memref_slice %arg10[%dma_start3A_541, %dma_start3A_542] : memref<10240x128xf32, #tpu.memory_space<vmem_shared>> -> memref<10240x128xf32, #tpu.memory_space<vmem_shared>>
      tpu.enqueue_indirect_dma source(%dma_start3A_537 : memref<128x128xf32, #tpu.memory_space<vmem>>) target(%dma_start3A_543 : memref<10240x128xf32, #tpu.memory_space<vmem_shared>>) offsets(%dma_start3A_540 : memref<128xi32, #tpu.memory_space<vmem>>) semaphore(%arg14 : memref<!tpu.dma_semaphore, #tpu.memory_space<semaphore_mem>>) {add = true}
      %dma_wait3A_544 = arith.constant 1 : i32
      %dma_wait3A_545 = arith.constant 9 : i32
      %dma_wait3A_546 = arith.constant 0 : i32
      %dma_wait3A_547 = arith.constant 0 : i32
      %dma_wait3A_548 = tpu.memref_slice %arg9[%dma_wait3A_544, %dma_wait3A_546, %dma_wait3A_547] : memref<2x128x128xf32, #tpu.memory_space<vmem>> -> memref<1x128x128xf32, #tpu.memory_space<vmem>>
      %dma_wait3A_549 = tpu.memref_squeeze %dma_wait3A_548 : memref<1x128x128xf32, #tpu.memory_space<vmem>> -> memref<128x128xf32, #tpu.memory_space<vmem>>
      %dma_wait3A_550 = arith.constant 0 : i32
      %dma_wait3A_551 = tpu.memref_slice %arg8[%dma_wait3A_545, %dma_wait3A_550] : memref<16x128xi32, #tpu.memory_space<vmem>> -> memref<1x128xi32, #tpu.memory_space<vmem>>
      %dma_wait3A_552 = tpu.memref_squeeze %dma_wait3A_551 : memref<1x128xi32, #tpu.memory_space<vmem>> -> memref<128xi32, #tpu.memory_space<vmem>>
      %dma_wait3A_553 = arith.constant 0 : i32
      %dma_wait3A_554 = arith.constant 0 : i32
      %dma_wait3A_555 = tpu.memref_slice %arg10[%dma_wait3A_553, %dma_wait3A_554] : memref<10240x128xf32, #tpu.memory_space<vmem_shared>> -> memref<10240x128xf32, #tpu.memory_space<vmem_shared>>
      tpu.wait_indirect_dma semaphore(%arg14 : memref<!tpu.dma_semaphore, #tpu.memory_space<semaphore_mem>>) src(%dma_wait3A_549 : memref<128x128xf32, #tpu.memory_space<vmem>>) dst(%dma_wait3A_555 : memref<10240x128xf32, #tpu.memory_space<vmem_shared>>)
      %mul3A_556 = arith.constant 16 : i32
      %mul3A_557 = arith.muli %scan3A_22, %mul3A_556 : i32
      %add3A_558 = arith.constant 10 : i32
      %add3A_559 = arith.addi %mul3A_557, %add3A_558 : i32
      %add3A_560 = arith.constant 1 : i32
      %add3A_561 = arith.addi %add3A_559, %add3A_560 : i32
      %dma_start3A_562 = arith.constant 1 : i32
      %dma_start3A_563 = arith.constant 0 : i32
      %dma_start3A_564 = arith.constant 0 : i32
      %dma_start3A_565 = tpu.memref_slice %arg9[%dma_start3A_562, %dma_start3A_563, %dma_start3A_564] : memref<2x128x128xf32, #tpu.memory_space<vmem>> -> memref<1x128x128xf32, #tpu.memory_space<vmem>>
      %dma_start3A_566 = tpu.memref_squeeze %dma_start3A_565 : memref<1x128x128xf32, #tpu.memory_space<vmem>> -> memref<128x128xf32, #tpu.memory_space<vmem>>
      %dma_start3A_567 = arith.constant 0 : i32
      %dma_start3A_568 = tpu.memref_slice %arg7[%add3A_561, %dma_start3A_567] : memref<80x128xi32, #tpu.memory_space<vmem>> -> memref<1x128xi32, #tpu.memory_space<vmem>>
      %dma_start3A_569 = tpu.memref_squeeze %dma_start3A_568 : memref<1x128xi32, #tpu.memory_space<vmem>> -> memref<128xi32, #tpu.memory_space<vmem>>
      %dma_start3A_570 = arith.constant 0 : i32
      %dma_start3A_571 = arith.constant 0 : i32
      %dma_start3A_572 = tpu.memref_slice %arg2[%dma_start3A_570, %dma_start3A_571] : memref<10240x128xf32, #tpu.memory_space<hbm>> -> memref<10240x128xf32, #tpu.memory_space<hbm>>
      tpu.enqueue_indirect_dma source(%dma_start3A_572 : memref<10240x128xf32, #tpu.memory_space<hbm>>) target(%dma_start3A_566 : memref<128x128xf32, #tpu.memory_space<vmem>>) offsets(%dma_start3A_569 : memref<128xi32, #tpu.memory_space<vmem>>) semaphore(%arg12 : memref<!tpu.dma_semaphore, #tpu.memory_space<semaphore_mem>>)
      %dma_wait3A_573 = arith.constant 0 : i32
      %dma_wait3A_574 = arith.constant 0 : i32
      %dma_wait3A_575 = arith.constant 0 : i32
      %dma_wait3A_576 = tpu.memref_slice %arg9[%dma_wait3A_573, %dma_wait3A_574, %dma_wait3A_575] : memref<2x128x128xf32, #tpu.memory_space<vmem>> -> memref<1x128x128xf32, #tpu.memory_space<vmem>>
      %dma_wait3A_577 = tpu.memref_squeeze %dma_wait3A_576 : memref<1x128x128xf32, #tpu.memory_space<vmem>> -> memref<128x128xf32, #tpu.memory_space<vmem>>
      %dma_wait3A_578 = arith.constant 0 : i32
      %dma_wait3A_579 = tpu.memref_slice %arg7[%add3A_509, %dma_wait3A_578] : memref<80x128xi32, #tpu.memory_space<vmem>> -> memref<1x128xi32, #tpu.memory_space<vmem>>
      %dma_wait3A_580 = tpu.memref_squeeze %dma_wait3A_579 : memref<1x128xi32, #tpu.memory_space<vmem>> -> memref<128xi32, #tpu.memory_space<vmem>>
      %dma_wait3A_581 = arith.constant 0 : i32
      %dma_wait3A_582 = arith.constant 0 : i32
      %dma_wait3A_583 = tpu.memref_slice %arg2[%dma_wait3A_581, %dma_wait3A_582] : memref<10240x128xf32, #tpu.memory_space<hbm>> -> memref<10240x128xf32, #tpu.memory_space<hbm>>
      tpu.wait_indirect_dma semaphore(%arg11 : memref<!tpu.dma_semaphore, #tpu.memory_space<semaphore_mem>>) src(%dma_wait3A_583 : memref<10240x128xf32, #tpu.memory_space<hbm>>) dst(%dma_wait3A_577 : memref<128x128xf32, #tpu.memory_space<vmem>>)
      %dma_start3A_584 = arith.constant 0 : i32
      %dma_start3A_585 = arith.constant 10 : i32
      %dma_start3A_586 = arith.constant 0 : i32
      %dma_start3A_587 = arith.constant 0 : i32
      %dma_start3A_588 = tpu.memref_slice %arg9[%dma_start3A_584, %dma_start3A_586, %dma_start3A_587] : memref<2x128x128xf32, #tpu.memory_space<vmem>> -> memref<1x128x128xf32, #tpu.memory_space<vmem>>
      %dma_start3A_589 = tpu.memref_squeeze %dma_start3A_588 : memref<1x128x128xf32, #tpu.memory_space<vmem>> -> memref<128x128xf32, #tpu.memory_space<vmem>>
      %dma_start3A_590 = arith.constant 0 : i32
      %dma_start3A_591 = tpu.memref_slice %arg8[%dma_start3A_585, %dma_start3A_590] : memref<16x128xi32, #tpu.memory_space<vmem>> -> memref<1x128xi32, #tpu.memory_space<vmem>>
      %dma_start3A_592 = tpu.memref_squeeze %dma_start3A_591 : memref<1x128xi32, #tpu.memory_space<vmem>> -> memref<128xi32, #tpu.memory_space<vmem>>
      %dma_start3A_593 = arith.constant 0 : i32
      %dma_start3A_594 = arith.constant 0 : i32
      %dma_start3A_595 = tpu.memref_slice %arg10[%dma_start3A_593, %dma_start3A_594] : memref<10240x128xf32, #tpu.memory_space<vmem_shared>> -> memref<10240x128xf32, #tpu.memory_space<vmem_shared>>
      tpu.enqueue_indirect_dma source(%dma_start3A_589 : memref<128x128xf32, #tpu.memory_space<vmem>>) target(%dma_start3A_595 : memref<10240x128xf32, #tpu.memory_space<vmem_shared>>) offsets(%dma_start3A_592 : memref<128xi32, #tpu.memory_space<vmem>>) semaphore(%arg13 : memref<!tpu.dma_semaphore, #tpu.memory_space<semaphore_mem>>) {add = true}
      %dma_wait3A_596 = arith.constant 0 : i32
      %dma_wait3A_597 = arith.constant 10 : i32
      %dma_wait3A_598 = arith.constant 0 : i32
      %dma_wait3A_599 = arith.constant 0 : i32
      %dma_wait3A_600 = tpu.memref_slice %arg9[%dma_wait3A_596, %dma_wait3A_598, %dma_wait3A_599] : memref<2x128x128xf32, #tpu.memory_space<vmem>> -> memref<1x128x128xf32, #tpu.memory_space<vmem>>
      %dma_wait3A_601 = tpu.memref_squeeze %dma_wait3A_600 : memref<1x128x128xf32, #tpu.memory_space<vmem>> -> memref<128x128xf32, #tpu.memory_space<vmem>>
      %dma_wait3A_602 = arith.constant 0 : i32
      %dma_wait3A_603 = tpu.memref_slice %arg8[%dma_wait3A_597, %dma_wait3A_602] : memref<16x128xi32, #tpu.memory_space<vmem>> -> memref<1x128xi32, #tpu.memory_space<vmem>>
      %dma_wait3A_604 = tpu.memref_squeeze %dma_wait3A_603 : memref<1x128xi32, #tpu.memory_space<vmem>> -> memref<128xi32, #tpu.memory_space<vmem>>
      %dma_wait3A_605 = arith.constant 0 : i32
      %dma_wait3A_606 = arith.constant 0 : i32
      %dma_wait3A_607 = tpu.memref_slice %arg10[%dma_wait3A_605, %dma_wait3A_606] : memref<10240x128xf32, #tpu.memory_space<vmem_shared>> -> memref<10240x128xf32, #tpu.memory_space<vmem_shared>>
      tpu.wait_indirect_dma semaphore(%arg13 : memref<!tpu.dma_semaphore, #tpu.memory_space<semaphore_mem>>) src(%dma_wait3A_601 : memref<128x128xf32, #tpu.memory_space<vmem>>) dst(%dma_wait3A_607 : memref<10240x128xf32, #tpu.memory_space<vmem_shared>>)
      %mul3A_608 = arith.constant 16 : i32
      %mul3A_609 = arith.muli %scan3A_22, %mul3A_608 : i32
      %add3A_610 = arith.constant 11 : i32
      %add3A_611 = arith.addi %mul3A_609, %add3A_610 : i32
      %add3A_612 = arith.constant 1 : i32
      %add3A_613 = arith.addi %add3A_611, %add3A_612 : i32
      %dma_start3A_614 = arith.constant 0 : i32
      %dma_start3A_615 = arith.constant 0 : i32
      %dma_start3A_616 = arith.constant 0 : i32
      %dma_start3A_617 = tpu.memref_slice %arg9[%dma_start3A_614, %dma_start3A_615, %dma_start3A_616] : memref<2x128x128xf32, #tpu.memory_space<vmem>> -> memref<1x128x128xf32, #tpu.memory_space<vmem>>
      %dma_start3A_618 = tpu.memref_squeeze %dma_start3A_617 : memref<1x128x128xf32, #tpu.memory_space<vmem>> -> memref<128x128xf32, #tpu.memory_space<vmem>>
      %dma_start3A_619 = arith.constant 0 : i32
      %dma_start3A_620 = tpu.memref_slice %arg7[%add3A_613, %dma_start3A_619] : memref<80x128xi32, #tpu.memory_space<vmem>> -> memref<1x128xi32, #tpu.memory_space<vmem>>
      %dma_start3A_621 = tpu.memref_squeeze %dma_start3A_620 : memref<1x128xi32, #tpu.memory_space<vmem>> -> memref<128xi32, #tpu.memory_space<vmem>>
      %dma_start3A_622 = arith.constant 0 : i32
      %dma_start3A_623 = arith.constant 0 : i32
      %dma_start3A_624 = tpu.memref_slice %arg2[%dma_start3A_622, %dma_start3A_623] : memref<10240x128xf32, #tpu.memory_space<hbm>> -> memref<10240x128xf32, #tpu.memory_space<hbm>>
      tpu.enqueue_indirect_dma source(%dma_start3A_624 : memref<10240x128xf32, #tpu.memory_space<hbm>>) target(%dma_start3A_618 : memref<128x128xf32, #tpu.memory_space<vmem>>) offsets(%dma_start3A_621 : memref<128xi32, #tpu.memory_space<vmem>>) semaphore(%arg11 : memref<!tpu.dma_semaphore, #tpu.memory_space<semaphore_mem>>)
      %dma_wait3A_625 = arith.constant 1 : i32
      %dma_wait3A_626 = arith.constant 0 : i32
      %dma_wait3A_627 = arith.constant 0 : i32
      %dma_wait3A_628 = tpu.memref_slice %arg9[%dma_wait3A_625, %dma_wait3A_626, %dma_wait3A_627] : memref<2x128x128xf32, #tpu.memory_space<vmem>> -> memref<1x128x128xf32, #tpu.memory_space<vmem>>
      %dma_wait3A_629 = tpu.memref_squeeze %dma_wait3A_628 : memref<1x128x128xf32, #tpu.memory_space<vmem>> -> memref<128x128xf32, #tpu.memory_space<vmem>>
      %dma_wait3A_630 = arith.constant 0 : i32
      %dma_wait3A_631 = tpu.memref_slice %arg7[%add3A_561, %dma_wait3A_630] : memref<80x128xi32, #tpu.memory_space<vmem>> -> memref<1x128xi32, #tpu.memory_space<vmem>>
      %dma_wait3A_632 = tpu.memref_squeeze %dma_wait3A_631 : memref<1x128xi32, #tpu.memory_space<vmem>> -> memref<128xi32, #tpu.memory_space<vmem>>
      %dma_wait3A_633 = arith.constant 0 : i32
      %dma_wait3A_634 = arith.constant 0 : i32
      %dma_wait3A_635 = tpu.memref_slice %arg2[%dma_wait3A_633, %dma_wait3A_634] : memref<10240x128xf32, #tpu.memory_space<hbm>> -> memref<10240x128xf32, #tpu.memory_space<hbm>>
      tpu.wait_indirect_dma semaphore(%arg12 : memref<!tpu.dma_semaphore, #tpu.memory_space<semaphore_mem>>) src(%dma_wait3A_635 : memref<10240x128xf32, #tpu.memory_space<hbm>>) dst(%dma_wait3A_629 : memref<128x128xf32, #tpu.memory_space<vmem>>)
      %dma_start3A_636 = arith.constant 1 : i32
      %dma_start3A_637 = arith.constant 11 : i32
      %dma_start3A_638 = arith.constant 0 : i32
      %dma_start3A_639 = arith.constant 0 : i32
      %dma_start3A_640 = tpu.memref_slice %arg9[%dma_start3A_636, %dma_start3A_638, %dma_start3A_639] : memref<2x128x128xf32, #tpu.memory_space<vmem>> -> memref<1x128x128xf32, #tpu.memory_space<vmem>>
      %dma_start3A_641 = tpu.memref_squeeze %dma_start3A_640 : memref<1x128x128xf32, #tpu.memory_space<vmem>> -> memref<128x128xf32, #tpu.memory_space<vmem>>
      %dma_start3A_642 = arith.constant 0 : i32
      %dma_start3A_643 = tpu.memref_slice %arg8[%dma_start3A_637, %dma_start3A_642] : memref<16x128xi32, #tpu.memory_space<vmem>> -> memref<1x128xi32, #tpu.memory_space<vmem>>
      %dma_start3A_644 = tpu.memref_squeeze %dma_start3A_643 : memref<1x128xi32, #tpu.memory_space<vmem>> -> memref<128xi32, #tpu.memory_space<vmem>>
      %dma_start3A_645 = arith.constant 0 : i32
      %dma_start3A_646 = arith.constant 0 : i32
      %dma_start3A_647 = tpu.memref_slice %arg10[%dma_start3A_645, %dma_start3A_646] : memref<10240x128xf32, #tpu.memory_space<vmem_shared>> -> memref<10240x128xf32, #tpu.memory_space<vmem_shared>>
      tpu.enqueue_indirect_dma source(%dma_start3A_641 : memref<128x128xf32, #tpu.memory_space<vmem>>) target(%dma_start3A_647 : memref<10240x128xf32, #tpu.memory_space<vmem_shared>>) offsets(%dma_start3A_644 : memref<128xi32, #tpu.memory_space<vmem>>) semaphore(%arg14 : memref<!tpu.dma_semaphore, #tpu.memory_space<semaphore_mem>>) {add = true}
      %dma_wait3A_648 = arith.constant 1 : i32
      %dma_wait3A_649 = arith.constant 11 : i32
      %dma_wait3A_650 = arith.constant 0 : i32
      %dma_wait3A_651 = arith.constant 0 : i32
      %dma_wait3A_652 = tpu.memref_slice %arg9[%dma_wait3A_648, %dma_wait3A_650, %dma_wait3A_651] : memref<2x128x128xf32, #tpu.memory_space<vmem>> -> memref<1x128x128xf32, #tpu.memory_space<vmem>>
      %dma_wait3A_653 = tpu.memref_squeeze %dma_wait3A_652 : memref<1x128x128xf32, #tpu.memory_space<vmem>> -> memref<128x128xf32, #tpu.memory_space<vmem>>
      %dma_wait3A_654 = arith.constant 0 : i32
      %dma_wait3A_655 = tpu.memref_slice %arg8[%dma_wait3A_649, %dma_wait3A_654] : memref<16x128xi32, #tpu.memory_space<vmem>> -> memref<1x128xi32, #tpu.memory_space<vmem>>
      %dma_wait3A_656 = tpu.memref_squeeze %dma_wait3A_655 : memref<1x128xi32, #tpu.memory_space<vmem>> -> memref<128xi32, #tpu.memory_space<vmem>>
      %dma_wait3A_657 = arith.constant 0 : i32
      %dma_wait3A_658 = arith.constant 0 : i32
      %dma_wait3A_659 = tpu.memref_slice %arg10[%dma_wait3A_657, %dma_wait3A_658] : memref<10240x128xf32, #tpu.memory_space<vmem_shared>> -> memref<10240x128xf32, #tpu.memory_space<vmem_shared>>
      tpu.wait_indirect_dma semaphore(%arg14 : memref<!tpu.dma_semaphore, #tpu.memory_space<semaphore_mem>>) src(%dma_wait3A_653 : memref<128x128xf32, #tpu.memory_space<vmem>>) dst(%dma_wait3A_659 : memref<10240x128xf32, #tpu.memory_space<vmem_shared>>)
      %mul3A_660 = arith.constant 16 : i32
      %mul3A_661 = arith.muli %scan3A_22, %mul3A_660 : i32
      %add3A_662 = arith.constant 12 : i32
      %add3A_663 = arith.addi %mul3A_661, %add3A_662 : i32
      %add3A_664 = arith.constant 1 : i32
      %add3A_665 = arith.addi %add3A_663, %add3A_664 : i32
      %dma_start3A_666 = arith.constant 1 : i32
      %dma_start3A_667 = arith.constant 0 : i32
      %dma_start3A_668 = arith.constant 0 : i32
      %dma_start3A_669 = tpu.memref_slice %arg9[%dma_start3A_666, %dma_start3A_667, %dma_start3A_668] : memref<2x128x128xf32, #tpu.memory_space<vmem>> -> memref<1x128x128xf32, #tpu.memory_space<vmem>>
      %dma_start3A_670 = tpu.memref_squeeze %dma_start3A_669 : memref<1x128x128xf32, #tpu.memory_space<vmem>> -> memref<128x128xf32, #tpu.memory_space<vmem>>
      %dma_start3A_671 = arith.constant 0 : i32
      %dma_start3A_672 = tpu.memref_slice %arg7[%add3A_665, %dma_start3A_671] : memref<80x128xi32, #tpu.memory_space<vmem>> -> memref<1x128xi32, #tpu.memory_space<vmem>>
      %dma_start3A_673 = tpu.memref_squeeze %dma_start3A_672 : memref<1x128xi32, #tpu.memory_space<vmem>> -> memref<128xi32, #tpu.memory_space<vmem>>
      %dma_start3A_674 = arith.constant 0 : i32
      %dma_start3A_675 = arith.constant 0 : i32
      %dma_start3A_676 = tpu.memref_slice %arg2[%dma_start3A_674, %dma_start3A_675] : memref<10240x128xf32, #tpu.memory_space<hbm>> -> memref<10240x128xf32, #tpu.memory_space<hbm>>
      tpu.enqueue_indirect_dma source(%dma_start3A_676 : memref<10240x128xf32, #tpu.memory_space<hbm>>) target(%dma_start3A_670 : memref<128x128xf32, #tpu.memory_space<vmem>>) offsets(%dma_start3A_673 : memref<128xi32, #tpu.memory_space<vmem>>) semaphore(%arg12 : memref<!tpu.dma_semaphore, #tpu.memory_space<semaphore_mem>>)
      %dma_wait3A_677 = arith.constant 0 : i32
      %dma_wait3A_678 = arith.constant 0 : i32
      %dma_wait3A_679 = arith.constant 0 : i32
      %dma_wait3A_680 = tpu.memref_slice %arg9[%dma_wait3A_677, %dma_wait3A_678, %dma_wait3A_679] : memref<2x128x128xf32, #tpu.memory_space<vmem>> -> memref<1x128x128xf32, #tpu.memory_space<vmem>>
      %dma_wait3A_681 = tpu.memref_squeeze %dma_wait3A_680 : memref<1x128x128xf32, #tpu.memory_space<vmem>> -> memref<128x128xf32, #tpu.memory_space<vmem>>
      %dma_wait3A_682 = arith.constant 0 : i32
      %dma_wait3A_683 = tpu.memref_slice %arg7[%add3A_613, %dma_wait3A_682] : memref<80x128xi32, #tpu.memory_space<vmem>> -> memref<1x128xi32, #tpu.memory_space<vmem>>
      %dma_wait3A_684 = tpu.memref_squeeze %dma_wait3A_683 : memref<1x128xi32, #tpu.memory_space<vmem>> -> memref<128xi32, #tpu.memory_space<vmem>>
      %dma_wait3A_685 = arith.constant 0 : i32
      %dma_wait3A_686 = arith.constant 0 : i32
      %dma_wait3A_687 = tpu.memref_slice %arg2[%dma_wait3A_685, %dma_wait3A_686] : memref<10240x128xf32, #tpu.memory_space<hbm>> -> memref<10240x128xf32, #tpu.memory_space<hbm>>
      tpu.wait_indirect_dma semaphore(%arg11 : memref<!tpu.dma_semaphore, #tpu.memory_space<semaphore_mem>>) src(%dma_wait3A_687 : memref<10240x128xf32, #tpu.memory_space<hbm>>) dst(%dma_wait3A_681 : memref<128x128xf32, #tpu.memory_space<vmem>>)
      %dma_start3A_688 = arith.constant 0 : i32
      %dma_start3A_689 = arith.constant 12 : i32
      %dma_start3A_690 = arith.constant 0 : i32
      %dma_start3A_691 = arith.constant 0 : i32
      %dma_start3A_692 = tpu.memref_slice %arg9[%dma_start3A_688, %dma_start3A_690, %dma_start3A_691] : memref<2x128x128xf32, #tpu.memory_space<vmem>> -> memref<1x128x128xf32, #tpu.memory_space<vmem>>
      %dma_start3A_693 = tpu.memref_squeeze %dma_start3A_692 : memref<1x128x128xf32, #tpu.memory_space<vmem>> -> memref<128x128xf32, #tpu.memory_space<vmem>>
      %dma_start3A_694 = arith.constant 0 : i32
      %dma_start3A_695 = tpu.memref_slice %arg8[%dma_start3A_689, %dma_start3A_694] : memref<16x128xi32, #tpu.memory_space<vmem>> -> memref<1x128xi32, #tpu.memory_space<vmem>>
      %dma_start3A_696 = tpu.memref_squeeze %dma_start3A_695 : memref<1x128xi32, #tpu.memory_space<vmem>> -> memref<128xi32, #tpu.memory_space<vmem>>
      %dma_start3A_697 = arith.constant 0 : i32
      %dma_start3A_698 = arith.constant 0 : i32
      %dma_start3A_699 = tpu.memref_slice %arg10[%dma_start3A_697, %dma_start3A_698] : memref<10240x128xf32, #tpu.memory_space<vmem_shared>> -> memref<10240x128xf32, #tpu.memory_space<vmem_shared>>
      tpu.enqueue_indirect_dma source(%dma_start3A_693 : memref<128x128xf32, #tpu.memory_space<vmem>>) target(%dma_start3A_699 : memref<10240x128xf32, #tpu.memory_space<vmem_shared>>) offsets(%dma_start3A_696 : memref<128xi32, #tpu.memory_space<vmem>>) semaphore(%arg13 : memref<!tpu.dma_semaphore, #tpu.memory_space<semaphore_mem>>) {add = true}
      %dma_wait3A_700 = arith.constant 0 : i32
      %dma_wait3A_701 = arith.constant 12 : i32
      %dma_wait3A_702 = arith.constant 0 : i32
      %dma_wait3A_703 = arith.constant 0 : i32
      %dma_wait3A_704 = tpu.memref_slice %arg9[%dma_wait3A_700, %dma_wait3A_702, %dma_wait3A_703] : memref<2x128x128xf32, #tpu.memory_space<vmem>> -> memref<1x128x128xf32, #tpu.memory_space<vmem>>
      %dma_wait3A_705 = tpu.memref_squeeze %dma_wait3A_704 : memref<1x128x128xf32, #tpu.memory_space<vmem>> -> memref<128x128xf32, #tpu.memory_space<vmem>>
      %dma_wait3A_706 = arith.constant 0 : i32
      %dma_wait3A_707 = tpu.memref_slice %arg8[%dma_wait3A_701, %dma_wait3A_706] : memref<16x128xi32, #tpu.memory_space<vmem>> -> memref<1x128xi32, #tpu.memory_space<vmem>>
      %dma_wait3A_708 = tpu.memref_squeeze %dma_wait3A_707 : memref<1x128xi32, #tpu.memory_space<vmem>> -> memref<128xi32, #tpu.memory_space<vmem>>
      %dma_wait3A_709 = arith.constant 0 : i32
      %dma_wait3A_710 = arith.constant 0 : i32
      %dma_wait3A_711 = tpu.memref_slice %arg10[%dma_wait3A_709, %dma_wait3A_710] : memref<10240x128xf32, #tpu.memory_space<vmem_shared>> -> memref<10240x128xf32, #tpu.memory_space<vmem_shared>>
      tpu.wait_indirect_dma semaphore(%arg13 : memref<!tpu.dma_semaphore, #tpu.memory_space<semaphore_mem>>) src(%dma_wait3A_705 : memref<128x128xf32, #tpu.memory_space<vmem>>) dst(%dma_wait3A_711 : memref<10240x128xf32, #tpu.memory_space<vmem_shared>>)
      %mul3A_712 = arith.constant 16 : i32
      %mul3A_713 = arith.muli %scan3A_22, %mul3A_712 : i32
      %add3A_714 = arith.constant 13 : i32
      %add3A_715 = arith.addi %mul3A_713, %add3A_714 : i32
      %add3A_716 = arith.constant 1 : i32
      %add3A_717 = arith.addi %add3A_715, %add3A_716 : i32
      %dma_start3A_718 = arith.constant 0 : i32
      %dma_start3A_719 = arith.constant 0 : i32
      %dma_start3A_720 = arith.constant 0 : i32
      %dma_start3A_721 = tpu.memref_slice %arg9[%dma_start3A_718, %dma_start3A_719, %dma_start3A_720] : memref<2x128x128xf32, #tpu.memory_space<vmem>> -> memref<1x128x128xf32, #tpu.memory_space<vmem>>
      %dma_start3A_722 = tpu.memref_squeeze %dma_start3A_721 : memref<1x128x128xf32, #tpu.memory_space<vmem>> -> memref<128x128xf32, #tpu.memory_space<vmem>>
      %dma_start3A_723 = arith.constant 0 : i32
      %dma_start3A_724 = tpu.memref_slice %arg7[%add3A_717, %dma_start3A_723] : memref<80x128xi32, #tpu.memory_space<vmem>> -> memref<1x128xi32, #tpu.memory_space<vmem>>
      %dma_start3A_725 = tpu.memref_squeeze %dma_start3A_724 : memref<1x128xi32, #tpu.memory_space<vmem>> -> memref<128xi32, #tpu.memory_space<vmem>>
      %dma_start3A_726 = arith.constant 0 : i32
      %dma_start3A_727 = arith.constant 0 : i32
      %dma_start3A_728 = tpu.memref_slice %arg2[%dma_start3A_726, %dma_start3A_727] : memref<10240x128xf32, #tpu.memory_space<hbm>> -> memref<10240x128xf32, #tpu.memory_space<hbm>>
      tpu.enqueue_indirect_dma source(%dma_start3A_728 : memref<10240x128xf32, #tpu.memory_space<hbm>>) target(%dma_start3A_722 : memref<128x128xf32, #tpu.memory_space<vmem>>) offsets(%dma_start3A_725 : memref<128xi32, #tpu.memory_space<vmem>>) semaphore(%arg11 : memref<!tpu.dma_semaphore, #tpu.memory_space<semaphore_mem>>)
      %dma_wait3A_729 = arith.constant 1 : i32
      %dma_wait3A_730 = arith.constant 0 : i32
      %dma_wait3A_731 = arith.constant 0 : i32
      %dma_wait3A_732 = tpu.memref_slice %arg9[%dma_wait3A_729, %dma_wait3A_730, %dma_wait3A_731] : memref<2x128x128xf32, #tpu.memory_space<vmem>> -> memref<1x128x128xf32, #tpu.memory_space<vmem>>
      %dma_wait3A_733 = tpu.memref_squeeze %dma_wait3A_732 : memref<1x128x128xf32, #tpu.memory_space<vmem>> -> memref<128x128xf32, #tpu.memory_space<vmem>>
      %dma_wait3A_734 = arith.constant 0 : i32
      %dma_wait3A_735 = tpu.memref_slice %arg7[%add3A_665, %dma_wait3A_734] : memref<80x128xi32, #tpu.memory_space<vmem>> -> memref<1x128xi32, #tpu.memory_space<vmem>>
      %dma_wait3A_736 = tpu.memref_squeeze %dma_wait3A_735 : memref<1x128xi32, #tpu.memory_space<vmem>> -> memref<128xi32, #tpu.memory_space<vmem>>
      %dma_wait3A_737 = arith.constant 0 : i32
      %dma_wait3A_738 = arith.constant 0 : i32
      %dma_wait3A_739 = tpu.memref_slice %arg2[%dma_wait3A_737, %dma_wait3A_738] : memref<10240x128xf32, #tpu.memory_space<hbm>> -> memref<10240x128xf32, #tpu.memory_space<hbm>>
      tpu.wait_indirect_dma semaphore(%arg12 : memref<!tpu.dma_semaphore, #tpu.memory_space<semaphore_mem>>) src(%dma_wait3A_739 : memref<10240x128xf32, #tpu.memory_space<hbm>>) dst(%dma_wait3A_733 : memref<128x128xf32, #tpu.memory_space<vmem>>)
      %dma_start3A_740 = arith.constant 1 : i32
      %dma_start3A_741 = arith.constant 13 : i32
      %dma_start3A_742 = arith.constant 0 : i32
      %dma_start3A_743 = arith.constant 0 : i32
      %dma_start3A_744 = tpu.memref_slice %arg9[%dma_start3A_740, %dma_start3A_742, %dma_start3A_743] : memref<2x128x128xf32, #tpu.memory_space<vmem>> -> memref<1x128x128xf32, #tpu.memory_space<vmem>>
      %dma_start3A_745 = tpu.memref_squeeze %dma_start3A_744 : memref<1x128x128xf32, #tpu.memory_space<vmem>> -> memref<128x128xf32, #tpu.memory_space<vmem>>
      %dma_start3A_746 = arith.constant 0 : i32
      %dma_start3A_747 = tpu.memref_slice %arg8[%dma_start3A_741, %dma_start3A_746] : memref<16x128xi32, #tpu.memory_space<vmem>> -> memref<1x128xi32, #tpu.memory_space<vmem>>
      %dma_start3A_748 = tpu.memref_squeeze %dma_start3A_747 : memref<1x128xi32, #tpu.memory_space<vmem>> -> memref<128xi32, #tpu.memory_space<vmem>>
      %dma_start3A_749 = arith.constant 0 : i32
      %dma_start3A_750 = arith.constant 0 : i32
      %dma_start3A_751 = tpu.memref_slice %arg10[%dma_start3A_749, %dma_start3A_750] : memref<10240x128xf32, #tpu.memory_space<vmem_shared>> -> memref<10240x128xf32, #tpu.memory_space<vmem_shared>>
      tpu.enqueue_indirect_dma source(%dma_start3A_745 : memref<128x128xf32, #tpu.memory_space<vmem>>) target(%dma_start3A_751 : memref<10240x128xf32, #tpu.memory_space<vmem_shared>>) offsets(%dma_start3A_748 : memref<128xi32, #tpu.memory_space<vmem>>) semaphore(%arg14 : memref<!tpu.dma_semaphore, #tpu.memory_space<semaphore_mem>>) {add = true}
      %dma_wait3A_752 = arith.constant 1 : i32
      %dma_wait3A_753 = arith.constant 13 : i32
      %dma_wait3A_754 = arith.constant 0 : i32
      %dma_wait3A_755 = arith.constant 0 : i32
      %dma_wait3A_756 = tpu.memref_slice %arg9[%dma_wait3A_752, %dma_wait3A_754, %dma_wait3A_755] : memref<2x128x128xf32, #tpu.memory_space<vmem>> -> memref<1x128x128xf32, #tpu.memory_space<vmem>>
      %dma_wait3A_757 = tpu.memref_squeeze %dma_wait3A_756 : memref<1x128x128xf32, #tpu.memory_space<vmem>> -> memref<128x128xf32, #tpu.memory_space<vmem>>
      %dma_wait3A_758 = arith.constant 0 : i32
      %dma_wait3A_759 = tpu.memref_slice %arg8[%dma_wait3A_753, %dma_wait3A_758] : memref<16x128xi32, #tpu.memory_space<vmem>> -> memref<1x128xi32, #tpu.memory_space<vmem>>
      %dma_wait3A_760 = tpu.memref_squeeze %dma_wait3A_759 : memref<1x128xi32, #tpu.memory_space<vmem>> -> memref<128xi32, #tpu.memory_space<vmem>>
      %dma_wait3A_761 = arith.constant 0 : i32
      %dma_wait3A_762 = arith.constant 0 : i32
      %dma_wait3A_763 = tpu.memref_slice %arg10[%dma_wait3A_761, %dma_wait3A_762] : memref<10240x128xf32, #tpu.memory_space<vmem_shared>> -> memref<10240x128xf32, #tpu.memory_space<vmem_shared>>
      tpu.wait_indirect_dma semaphore(%arg14 : memref<!tpu.dma_semaphore, #tpu.memory_space<semaphore_mem>>) src(%dma_wait3A_757 : memref<128x128xf32, #tpu.memory_space<vmem>>) dst(%dma_wait3A_763 : memref<10240x128xf32, #tpu.memory_space<vmem_shared>>)
      %mul3A_764 = arith.constant 16 : i32
      %mul3A_765 = arith.muli %scan3A_22, %mul3A_764 : i32
      %add3A_766 = arith.constant 14 : i32
      %add3A_767 = arith.addi %mul3A_765, %add3A_766 : i32
      %add3A_768 = arith.constant 1 : i32
      %add3A_769 = arith.addi %add3A_767, %add3A_768 : i32
      %dma_start3A_770 = arith.constant 1 : i32
      %dma_start3A_771 = arith.constant 0 : i32
      %dma_start3A_772 = arith.constant 0 : i32
      %dma_start3A_773 = tpu.memref_slice %arg9[%dma_start3A_770, %dma_start3A_771, %dma_start3A_772] : memref<2x128x128xf32, #tpu.memory_space<vmem>> -> memref<1x128x128xf32, #tpu.memory_space<vmem>>
      %dma_start3A_774 = tpu.memref_squeeze %dma_start3A_773 : memref<1x128x128xf32, #tpu.memory_space<vmem>> -> memref<128x128xf32, #tpu.memory_space<vmem>>
      %dma_start3A_775 = arith.constant 0 : i32
      %dma_start3A_776 = tpu.memref_slice %arg7[%add3A_769, %dma_start3A_775] : memref<80x128xi32, #tpu.memory_space<vmem>> -> memref<1x128xi32, #tpu.memory_space<vmem>>
      %dma_start3A_777 = tpu.memref_squeeze %dma_start3A_776 : memref<1x128xi32, #tpu.memory_space<vmem>> -> memref<128xi32, #tpu.memory_space<vmem>>
      %dma_start3A_778 = arith.constant 0 : i32
      %dma_start3A_779 = arith.constant 0 : i32
      %dma_start3A_780 = tpu.memref_slice %arg2[%dma_start3A_778, %dma_start3A_779] : memref<10240x128xf32, #tpu.memory_space<hbm>> -> memref<10240x128xf32, #tpu.memory_space<hbm>>
      tpu.enqueue_indirect_dma source(%dma_start3A_780 : memref<10240x128xf32, #tpu.memory_space<hbm>>) target(%dma_start3A_774 : memref<128x128xf32, #tpu.memory_space<vmem>>) offsets(%dma_start3A_777 : memref<128xi32, #tpu.memory_space<vmem>>) semaphore(%arg12 : memref<!tpu.dma_semaphore, #tpu.memory_space<semaphore_mem>>)
      %dma_wait3A_781 = arith.constant 0 : i32
      %dma_wait3A_782 = arith.constant 0 : i32
      %dma_wait3A_783 = arith.constant 0 : i32
      %dma_wait3A_784 = tpu.memref_slice %arg9[%dma_wait3A_781, %dma_wait3A_782, %dma_wait3A_783] : memref<2x128x128xf32, #tpu.memory_space<vmem>> -> memref<1x128x128xf32, #tpu.memory_space<vmem>>
      %dma_wait3A_785 = tpu.memref_squeeze %dma_wait3A_784 : memref<1x128x128xf32, #tpu.memory_space<vmem>> -> memref<128x128xf32, #tpu.memory_space<vmem>>
      %dma_wait3A_786 = arith.constant 0 : i32
      %dma_wait3A_787 = tpu.memref_slice %arg7[%add3A_717, %dma_wait3A_786] : memref<80x128xi32, #tpu.memory_space<vmem>> -> memref<1x128xi32, #tpu.memory_space<vmem>>
      %dma_wait3A_788 = tpu.memref_squeeze %dma_wait3A_787 : memref<1x128xi32, #tpu.memory_space<vmem>> -> memref<128xi32, #tpu.memory_space<vmem>>
      %dma_wait3A_789 = arith.constant 0 : i32
      %dma_wait3A_790 = arith.constant 0 : i32
      %dma_wait3A_791 = tpu.memref_slice %arg2[%dma_wait3A_789, %dma_wait3A_790] : memref<10240x128xf32, #tpu.memory_space<hbm>> -> memref<10240x128xf32, #tpu.memory_space<hbm>>
      tpu.wait_indirect_dma semaphore(%arg11 : memref<!tpu.dma_semaphore, #tpu.memory_space<semaphore_mem>>) src(%dma_wait3A_791 : memref<10240x128xf32, #tpu.memory_space<hbm>>) dst(%dma_wait3A_785 : memref<128x128xf32, #tpu.memory_space<vmem>>)
      %dma_start3A_792 = arith.constant 0 : i32
      %dma_start3A_793 = arith.constant 14 : i32
      %dma_start3A_794 = arith.constant 0 : i32
      %dma_start3A_795 = arith.constant 0 : i32
      %dma_start3A_796 = tpu.memref_slice %arg9[%dma_start3A_792, %dma_start3A_794, %dma_start3A_795] : memref<2x128x128xf32, #tpu.memory_space<vmem>> -> memref<1x128x128xf32, #tpu.memory_space<vmem>>
      %dma_start3A_797 = tpu.memref_squeeze %dma_start3A_796 : memref<1x128x128xf32, #tpu.memory_space<vmem>> -> memref<128x128xf32, #tpu.memory_space<vmem>>
      %dma_start3A_798 = arith.constant 0 : i32
      %dma_start3A_799 = tpu.memref_slice %arg8[%dma_start3A_793, %dma_start3A_798] : memref<16x128xi32, #tpu.memory_space<vmem>> -> memref<1x128xi32, #tpu.memory_space<vmem>>
      %dma_start3A_800 = tpu.memref_squeeze %dma_start3A_799 : memref<1x128xi32, #tpu.memory_space<vmem>> -> memref<128xi32, #tpu.memory_space<vmem>>
      %dma_start3A_801 = arith.constant 0 : i32
      %dma_start3A_802 = arith.constant 0 : i32
      %dma_start3A_803 = tpu.memref_slice %arg10[%dma_start3A_801, %dma_start3A_802] : memref<10240x128xf32, #tpu.memory_space<vmem_shared>> -> memref<10240x128xf32, #tpu.memory_space<vmem_shared>>
      tpu.enqueue_indirect_dma source(%dma_start3A_797 : memref<128x128xf32, #tpu.memory_space<vmem>>) target(%dma_start3A_803 : memref<10240x128xf32, #tpu.memory_space<vmem_shared>>) offsets(%dma_start3A_800 : memref<128xi32, #tpu.memory_space<vmem>>) semaphore(%arg13 : memref<!tpu.dma_semaphore, #tpu.memory_space<semaphore_mem>>) {add = true}
      %dma_wait3A_804 = arith.constant 0 : i32
      %dma_wait3A_805 = arith.constant 14 : i32
      %dma_wait3A_806 = arith.constant 0 : i32
      %dma_wait3A_807 = arith.constant 0 : i32
      %dma_wait3A_808 = tpu.memref_slice %arg9[%dma_wait3A_804, %dma_wait3A_806, %dma_wait3A_807] : memref<2x128x128xf32, #tpu.memory_space<vmem>> -> memref<1x128x128xf32, #tpu.memory_space<vmem>>
      %dma_wait3A_809 = tpu.memref_squeeze %dma_wait3A_808 : memref<1x128x128xf32, #tpu.memory_space<vmem>> -> memref<128x128xf32, #tpu.memory_space<vmem>>
      %dma_wait3A_810 = arith.constant 0 : i32
      %dma_wait3A_811 = tpu.memref_slice %arg8[%dma_wait3A_805, %dma_wait3A_810] : memref<16x128xi32, #tpu.memory_space<vmem>> -> memref<1x128xi32, #tpu.memory_space<vmem>>
      %dma_wait3A_812 = tpu.memref_squeeze %dma_wait3A_811 : memref<1x128xi32, #tpu.memory_space<vmem>> -> memref<128xi32, #tpu.memory_space<vmem>>
      %dma_wait3A_813 = arith.constant 0 : i32
      %dma_wait3A_814 = arith.constant 0 : i32
      %dma_wait3A_815 = tpu.memref_slice %arg10[%dma_wait3A_813, %dma_wait3A_814] : memref<10240x128xf32, #tpu.memory_space<vmem_shared>> -> memref<10240x128xf32, #tpu.memory_space<vmem_shared>>
      tpu.wait_indirect_dma semaphore(%arg13 : memref<!tpu.dma_semaphore, #tpu.memory_space<semaphore_mem>>) src(%dma_wait3A_809 : memref<128x128xf32, #tpu.memory_space<vmem>>) dst(%dma_wait3A_815 : memref<10240x128xf32, #tpu.memory_space<vmem_shared>>)
      %lt3A = arith.constant 4 : i32
      %lt3A_816 = arith.cmpi slt, %scan3A_22, %lt3A : i32
      %convert_element_type3A = arith.extui %lt3A_816 : i1 to i32
      %cond3A = arith.constant 0 : i32
      %cond3A_817 = arith.cmpi ne, %convert_element_type3A, %cond3A : i32
      scf.if %cond3A_817 {
        %mul3A_853 = arith.constant 16 : i32
        %mul3A_854 = arith.muli %scan3A_22, %mul3A_853 : i32
        %add3A_855 = arith.constant 16 : i32
        %add3A_856 = arith.addi %mul3A_854, %add3A_855 : i32
        %dma_start3A_857 = arith.constant 0 : i32
        %dma_start3A_858 = arith.constant 0 : i32
        %dma_start3A_859 = arith.constant 0 : i32
        %dma_start3A_860 = tpu.memref_slice %arg9[%dma_start3A_857, %dma_start3A_858, %dma_start3A_859] : memref<2x128x128xf32, #tpu.memory_space<vmem>> -> memref<1x128x128xf32, #tpu.memory_space<vmem>>
        %dma_start3A_861 = tpu.memref_squeeze %dma_start3A_860 : memref<1x128x128xf32, #tpu.memory_space<vmem>> -> memref<128x128xf32, #tpu.memory_space<vmem>>
        %dma_start3A_862 = arith.constant 0 : i32
        %dma_start3A_863 = tpu.memref_slice %arg7[%add3A_856, %dma_start3A_862] : memref<80x128xi32, #tpu.memory_space<vmem>> -> memref<1x128xi32, #tpu.memory_space<vmem>>
        %dma_start3A_864 = tpu.memref_squeeze %dma_start3A_863 : memref<1x128xi32, #tpu.memory_space<vmem>> -> memref<128xi32, #tpu.memory_space<vmem>>
        %dma_start3A_865 = arith.constant 0 : i32
        %dma_start3A_866 = arith.constant 0 : i32
        %dma_start3A_867 = tpu.memref_slice %arg2[%dma_start3A_865, %dma_start3A_866] : memref<10240x128xf32, #tpu.memory_space<hbm>> -> memref<10240x128xf32, #tpu.memory_space<hbm>>
        tpu.enqueue_indirect_dma source(%dma_start3A_867 : memref<10240x128xf32, #tpu.memory_space<hbm>>) target(%dma_start3A_861 : memref<128x128xf32, #tpu.memory_space<vmem>>) offsets(%dma_start3A_864 : memref<128xi32, #tpu.memory_space<vmem>>) semaphore(%arg11 : memref<!tpu.dma_semaphore, #tpu.memory_space<semaphore_mem>>)
      } else {
      }
      %dma_wait3A_818 = arith.constant 1 : i32
      %dma_wait3A_819 = arith.constant 0 : i32
      %dma_wait3A_820 = arith.constant 0 : i32
      %dma_wait3A_821 = tpu.memref_slice %arg9[%dma_wait3A_818, %dma_wait3A_819, %dma_wait3A_820] : memref<2x128x128xf32, #tpu.memory_space<vmem>> -> memref<1x128x128xf32, #tpu.memory_space<vmem>>
      %dma_wait3A_822 = tpu.memref_squeeze %dma_wait3A_821 : memref<1x128x128xf32, #tpu.memory_space<vmem>> -> memref<128x128xf32, #tpu.memory_space<vmem>>
      %dma_wait3A_823 = arith.constant 0 : i32
      %dma_wait3A_824 = tpu.memref_slice %arg7[%add3A_769, %dma_wait3A_823] : memref<80x128xi32, #tpu.memory_space<vmem>> -> memref<1x128xi32, #tpu.memory_space<vmem>>
      %dma_wait3A_825 = tpu.memref_squeeze %dma_wait3A_824 : memref<1x128xi32, #tpu.memory_space<vmem>> -> memref<128xi32, #tpu.memory_space<vmem>>
      %dma_wait3A_826 = arith.constant 0 : i32
      %dma_wait3A_827 = arith.constant 0 : i32
      %dma_wait3A_828 = tpu.memref_slice %arg2[%dma_wait3A_826, %dma_wait3A_827] : memref<10240x128xf32, #tpu.memory_space<hbm>> -> memref<10240x128xf32, #tpu.memory_space<hbm>>
      tpu.wait_indirect_dma semaphore(%arg12 : memref<!tpu.dma_semaphore, #tpu.memory_space<semaphore_mem>>) src(%dma_wait3A_828 : memref<10240x128xf32, #tpu.memory_space<hbm>>) dst(%dma_wait3A_822 : memref<128x128xf32, #tpu.memory_space<vmem>>)
      %dma_start3A_829 = arith.constant 1 : i32
      %dma_start3A_830 = arith.constant 15 : i32
      %dma_start3A_831 = arith.constant 0 : i32
      %dma_start3A_832 = arith.constant 0 : i32
      %dma_start3A_833 = tpu.memref_slice %arg9[%dma_start3A_829, %dma_start3A_831, %dma_start3A_832] : memref<2x128x128xf32, #tpu.memory_space<vmem>> -> memref<1x128x128xf32, #tpu.memory_space<vmem>>
      %dma_start3A_834 = tpu.memref_squeeze %dma_start3A_833 : memref<1x128x128xf32, #tpu.memory_space<vmem>> -> memref<128x128xf32, #tpu.memory_space<vmem>>
      %dma_start3A_835 = arith.constant 0 : i32
      %dma_start3A_836 = tpu.memref_slice %arg8[%dma_start3A_830, %dma_start3A_835] : memref<16x128xi32, #tpu.memory_space<vmem>> -> memref<1x128xi32, #tpu.memory_space<vmem>>
      %dma_start3A_837 = tpu.memref_squeeze %dma_start3A_836 : memref<1x128xi32, #tpu.memory_space<vmem>> -> memref<128xi32, #tpu.memory_space<vmem>>
      %dma_start3A_838 = arith.constant 0 : i32
      %dma_start3A_839 = arith.constant 0 : i32
      %dma_start3A_840 = tpu.memref_slice %arg10[%dma_start3A_838, %dma_start3A_839] : memref<10240x128xf32, #tpu.memory_space<vmem_shared>> -> memref<10240x128xf32, #tpu.memory_space<vmem_shared>>
      tpu.enqueue_indirect_dma source(%dma_start3A_834 : memref<128x128xf32, #tpu.memory_space<vmem>>) target(%dma_start3A_840 : memref<10240x128xf32, #tpu.memory_space<vmem_shared>>) offsets(%dma_start3A_837 : memref<128xi32, #tpu.memory_space<vmem>>) semaphore(%arg14 : memref<!tpu.dma_semaphore, #tpu.memory_space<semaphore_mem>>) {add = true}
      %dma_wait3A_841 = arith.constant 1 : i32
      %dma_wait3A_842 = arith.constant 15 : i32
      %dma_wait3A_843 = arith.constant 0 : i32
      %dma_wait3A_844 = arith.constant 0 : i32
      %dma_wait3A_845 = tpu.memref_slice %arg9[%dma_wait3A_841, %dma_wait3A_843, %dma_wait3A_844] : memref<2x128x128xf32, #tpu.memory_space<vmem>> -> memref<1x128x128xf32, #tpu.memory_space<vmem>>
      %dma_wait3A_846 = tpu.memref_squeeze %dma_wait3A_845 : memref<1x128x128xf32, #tpu.memory_space<vmem>> -> memref<128x128xf32, #tpu.memory_space<vmem>>
      %dma_wait3A_847 = arith.constant 0 : i32
      %dma_wait3A_848 = tpu.memref_slice %arg8[%dma_wait3A_842, %dma_wait3A_847] : memref<16x128xi32, #tpu.memory_space<vmem>> -> memref<1x128xi32, #tpu.memory_space<vmem>>
      %dma_wait3A_849 = tpu.memref_squeeze %dma_wait3A_848 : memref<1x128xi32, #tpu.memory_space<vmem>> -> memref<128xi32, #tpu.memory_space<vmem>>
      %dma_wait3A_850 = arith.constant 0 : i32
      %dma_wait3A_851 = arith.constant 0 : i32
      %dma_wait3A_852 = tpu.memref_slice %arg10[%dma_wait3A_850, %dma_wait3A_851] : memref<10240x128xf32, #tpu.memory_space<vmem_shared>> -> memref<10240x128xf32, #tpu.memory_space<vmem_shared>>
      tpu.wait_indirect_dma semaphore(%arg14 : memref<!tpu.dma_semaphore, #tpu.memory_space<semaphore_mem>>) src(%dma_wait3A_846 : memref<128x128xf32, #tpu.memory_space<vmem>>) dst(%dma_wait3A_852 : memref<10240x128xf32, #tpu.memory_space<vmem_shared>>)
    }
    %scan3A_20 = arith.constant 5 : i32
    %barrier3A_21 = arith.constant 0 : index
    tpu.barrier barrier_id(%barrier3A_21)
    "tpu.region"() ({
      %run_scoped3A = tpu.sem_alloc : memref<!tpu.dma_semaphore, #tpu.memory_space<semaphore_mem>>
      %dma_start3A_22 = arith.constant 0 : i32
      %dma_start3A_23 = tpu.memref_slice %arg6[%arg0, %multiple_of3A, %dma_start3A_22] : memref<2x10240x128xf32, #tpu.memory_space<hbm>> -> memref<1x640x128xf32, #tpu.memory_space<hbm>>
      %dma_start3A_24 = tpu.memref_squeeze %dma_start3A_23 : memref<1x640x128xf32, #tpu.memory_space<hbm>> -> memref<640x128xf32, #tpu.memory_space<hbm>>
      %dma_start3A_25 = arith.constant 0 : i32
      %dma_start3A_26 = tpu.memref_slice %arg10[%multiple_of3A, %dma_start3A_25] : memref<10240x128xf32, #tpu.memory_space<vmem_shared>> -> memref<640x128xf32, #tpu.memory_space<vmem_shared>>
      tpu.enqueue_dma source(%dma_start3A_26 : memref<640x128xf32, #tpu.memory_space<vmem_shared>>) target(%dma_start3A_24 : memref<640x128xf32, #tpu.memory_space<hbm>>) target_semaphore(%run_scoped3A : memref<!tpu.dma_semaphore, #tpu.memory_space<semaphore_mem>>)
      %dma_wait3A = arith.constant 0 : i32
      %dma_wait3A_27 = tpu.memref_slice %arg6[%arg0, %multiple_of3A, %dma_wait3A] : memref<2x10240x128xf32, #tpu.memory_space<hbm>> -> memref<1x640x128xf32, #tpu.memory_space<hbm>>
      %dma_wait3A_28 = tpu.memref_squeeze %dma_wait3A_27 : memref<1x640x128xf32, #tpu.memory_space<hbm>> -> memref<640x128xf32, #tpu.memory_space<hbm>>
      %dma_wait3A_29 = arith.constant 0 : i32
      %dma_wait3A_30 = tpu.memref_slice %arg10[%multiple_of3A, %dma_wait3A_29] : memref<10240x128xf32, #tpu.memory_space<vmem_shared>> -> memref<640x128xf32, #tpu.memory_space<vmem_shared>>
      tpu.wait_dma2 semaphore(%run_scoped3A : memref<!tpu.dma_semaphore, #tpu.memory_space<semaphore_mem>>) src(%dma_wait3A_30 : memref<640x128xf32, #tpu.memory_space<vmem_shared>>) dst(%dma_wait3A_28 : memref<640x128xf32, #tpu.memory_space<hbm>>)
      tpu.yield
    }) : () -> ()
    return
  }
}

module attributes {stable_mosaic.version = 14 : i64} {
  func.func @body(%arg0: i32, %arg1: memref<32x5120xf32, #tpu.memory_space<vmem>>, %arg2: memref<5120x128xf32, #tpu.memory_space<vmem>>, %arg3: memref<128x128xf32, #tpu.memory_space<vmem>>, %arg4: memref<5120x128xf32, #tpu.memory_space<vmem>>, %arg5: memref<5120x1xf32, #tpu.memory_space<vmem>>) attributes {dimension_semantics = [#tpu.dimension_semantics<arbitrary>], iteration_bounds = array<i64: 2>, scalar_prefetch = 0 : i64, scratch_operands = 0 : i64, tpu.core_type = #tpu.core_type<tc>, window_params = [{transform_indices = @transform_0, window_bounds = array<i64: 32, 5120>}, {transform_indices = @transform_1, window_bounds = array<i64: 5120, 128>}, {pipeline_mode = #tpu.pipeline_mode<synchronous>, transform_indices = @transform_2, window_bounds = array<i64: 128, 128>}, {transform_indices = @transform_3, window_bounds = array<i64: 5120, 128>}, {transform_indices = @transform_4, window_bounds = array<i64: 5120, 1>}]} {
    %get3A = arith.constant 0 : index
    %get3A_0 = arith.constant 0 : index
    %get3A_1 = vector.load %arg1[%get3A, %get3A_0] : memref<32x5120xf32, #tpu.memory_space<vmem>>, vector<32x5120xf32>
    %broadcast_in_dim3A = arith.constant 1.000000e+00 : f32
    %broadcast_in_dim3A_2 = vector.broadcast %broadcast_in_dim3A : f32 to vector<32x1xf32>
    %dot_general3A = arith.constant dense<0.000000e+00> : vector<5120x1xf32>
    %dot_general3A_3 = tpu.matmul %get3A_1, %broadcast_in_dim3A_2, %dot_general3A {dimension_numbers = #tpu.dot_dimension_numbers<[0], [0], [1], [1], [0, 1, 1, 1], [], []>, transpose_lhs_hint = false} : vector<32x5120xf32>, vector<32x1xf32>, vector<5120x1xf32> -> vector<5120x1xf32>
    %add3A = arith.constant 1.000000e+00 : f32
    %add3A_4 = vector.broadcast %add3A : f32 to vector<5120x1xf32>
    %add3A_5 = arith.addf %dot_general3A_3, %add3A_4 : vector<5120x1xf32>
    %rsqrt3A = math.rsqrt %add3A_5 : vector<5120x1xf32>
    %get3A_6 = arith.constant 0 : index
    %get3A_7 = arith.constant 0 : index
    %get3A_8 = vector.load %arg2[%get3A_6, %get3A_7] : memref<5120x128xf32, #tpu.memory_space<vmem>>, vector<5120x128xf32>
    %get3A_9 = arith.constant 0 : index
    %get3A_10 = arith.constant 0 : index
    %get3A_11 = vector.load %arg3[%get3A_9, %get3A_10] : memref<128x128xf32, #tpu.memory_space<vmem>>, vector<128x128xf32>
    %dot_general3A_12 = arith.constant dense<0.000000e+00> : vector<5120x128xf32>
    %dot_general3A_13 = tpu.matmul %get3A_8, %get3A_11, %dot_general3A_12 {dimension_numbers = #tpu.dot_dimension_numbers<[1], [0], [0], [1], [0, 0, 1, 1], [], []>, transpose_lhs_hint = false} : vector<5120x128xf32>, vector<128x128xf32>, vector<5120x128xf32> -> vector<5120x128xf32>
    %mul3A = vector.broadcast %rsqrt3A : vector<5120x1xf32> to vector<5120x128xf32>
    %mul3A_14 = arith.mulf %dot_general3A_13, %mul3A : vector<5120x128xf32>
    %swap3A = arith.constant 0 : index
    %swap3A_15 = arith.constant 0 : index
    %swap3A_16 = vector.load %arg4[%swap3A, %swap3A_15] : memref<5120x128xf32, #tpu.memory_space<vmem>>, vector<5120x128xf32>
    tpu.vector_store %arg4[%swap3A, %swap3A_15], %mul3A_14 {strides = array<i32>} : memref<5120x128xf32, #tpu.memory_space<vmem>>, vector<5120x128xf32>,
    %swap3A_17 = arith.constant 0 : index
    %swap3A_18 = arith.constant 0 : index
    %swap3A_19 = vector.load %arg5[%swap3A_17, %swap3A_18] : memref<5120x1xf32, #tpu.memory_space<vmem>>, vector<5120x1xf32>
    tpu.vector_store %arg5[%swap3A_17, %swap3A_18], %rsqrt3A {strides = array<i32>} : memref<5120x1xf32, #tpu.memory_space<vmem>>, vector<5120x1xf32>,
    return
  }
  func.func @transform_0(%arg0: i32) -> (i32, i32) {
    %c0_i32 = arith.constant 0 : i32
    %c0_i32_0 = arith.constant 0 : i32
    return %c0_i32, %arg0 : i32, i32
  }
  func.func @transform_1(%arg0: i32) -> (i32, i32) {
    %c0_i32 = arith.constant 0 : i32
    %c0_i32_0 = arith.constant 0 : i32
    return %arg0, %c0_i32 : i32, i32
  }
  func.func @transform_2(%arg0: i32) -> (i32, i32) {
    %c0_i32 = arith.constant 0 : i32
    %c0_i32_0 = arith.constant 0 : i32
    %c0_i32_1 = arith.constant 0 : i32
    return %c0_i32, %c0_i32_0 : i32, i32
  }
  func.func @transform_3(%arg0: i32) -> (i32, i32) {
    %c0_i32 = arith.constant 0 : i32
    %c0_i32_0 = arith.constant 0 : i32
    return %arg0, %c0_i32 : i32, i32
  }
  func.func @transform_4(%arg0: i32) -> (i32, i32) {
    %c0_i32 = arith.constant 0 : i32
    %c0_i32_0 = arith.constant 0 : i32
    return %arg0, %c0_i32 : i32, i32
  }
}

module attributes {stable_mosaic.version = 14 : i64} {
  func.func @body(%arg0: i32, %arg1: memref<2x5120x128xf32, #tpu.memory_space<vmem>>, %arg2: memref<5120x128xf32, #tpu.memory_space<vmem>>, %arg3: memref<5120x1xf32, #tpu.memory_space<vmem>>, %arg4: memref<5120x128xf32, #tpu.memory_space<vmem>>) attributes {dimension_semantics = [#tpu.dimension_semantics<arbitrary>], iteration_bounds = array<i64: 2>, scalar_prefetch = 0 : i64, scratch_operands = 0 : i64, tpu.core_type = #tpu.core_type<tc>, window_params = [{transform_indices = @transform_0, window_bounds = array<i64: 2, 5120, 128>}, {transform_indices = @transform_1, window_bounds = array<i64: 5120, 128>}, {transform_indices = @transform_2, window_bounds = array<i64: 5120, 1>}, {transform_indices = @transform_3, window_bounds = array<i64: 5120, 128>}]} {
    %get3A = arith.constant 0 : index
    %get3A_0 = arith.constant 0 : index
    %get3A_1 = arith.constant 0 : index
    %get3A_2 = vector.load %arg1[%get3A, %get3A_0, %get3A_1] : memref<2x5120x128xf32, #tpu.memory_space<vmem>>, vector<1x5120x128xf32>
    %get3A_3 = vector.shape_cast %get3A_2 : vector<1x5120x128xf32> to vector<5120x128xf32>
    %get3A_4 = arith.constant 1 : index
    %get3A_5 = arith.constant 0 : index
    %get3A_6 = arith.constant 0 : index
    %get3A_7 = vector.load %arg1[%get3A_4, %get3A_5, %get3A_6] : memref<2x5120x128xf32, #tpu.memory_space<vmem>>, vector<1x5120x128xf32>
    %get3A_8 = vector.shape_cast %get3A_7 : vector<1x5120x128xf32> to vector<5120x128xf32>
    %add3A = arith.addf %get3A_3, %get3A_8 : vector<5120x128xf32>
    %get3A_9 = arith.constant 0 : index
    %get3A_10 = arith.constant 0 : index
    %get3A_11 = vector.load %arg2[%get3A_9, %get3A_10] : memref<5120x128xf32, #tpu.memory_space<vmem>>, vector<5120x128xf32>
    %add3A_12 = arith.addf %add3A, %get3A_11 : vector<5120x128xf32>
    %get3A_13 = arith.constant 0 : index
    %get3A_14 = arith.constant 0 : index
    %get3A_15 = vector.load %arg3[%get3A_13, %get3A_14] : memref<5120x1xf32, #tpu.memory_space<vmem>>, vector<5120x1xf32>
    %mul3A = vector.broadcast %get3A_15 : vector<5120x1xf32> to vector<5120x128xf32>
    %mul3A_16 = arith.mulf %add3A_12, %mul3A : vector<5120x128xf32>
    %max3A = arith.constant 0.000000e+00 : f32
    %max3A_17 = vector.broadcast %max3A : f32 to vector<5120x128xf32>
    %max3A_18 = arith.maximumf %mul3A_16, %max3A_17 : vector<5120x128xf32>
    %get3A_19 = arith.constant 0 : index
    %get3A_20 = arith.constant 0 : index
    %get3A_21 = vector.load %arg3[%get3A_19, %get3A_20] : memref<5120x1xf32, #tpu.memory_space<vmem>>, vector<5120x1xf32>
    %mul3A_22 = vector.broadcast %get3A_21 : vector<5120x1xf32> to vector<5120x128xf32>
    %mul3A_23 = arith.mulf %max3A_18, %mul3A_22 : vector<5120x128xf32>
    %swap3A = arith.constant 0 : index
    %swap3A_24 = arith.constant 0 : index
    %swap3A_25 = vector.load %arg4[%swap3A, %swap3A_24] : memref<5120x128xf32, #tpu.memory_space<vmem>>, vector<5120x128xf32>
    tpu.vector_store %arg4[%swap3A, %swap3A_24], %mul3A_23 {strides = array<i32>} : memref<5120x128xf32, #tpu.memory_space<vmem>>, vector<5120x128xf32>,
    return
  }
  func.func @transform_0(%arg0: i32) -> (i32, i32, i32) {
    %c0_i32 = arith.constant 0 : i32
    %c0_i32_0 = arith.constant 0 : i32
    %c0_i32_1 = arith.constant 0 : i32
    return %c0_i32, %arg0, %c0_i32_0 : i32, i32, i32
  }
  func.func @transform_1(%arg0: i32) -> (i32, i32) {
    %c0_i32 = arith.constant 0 : i32
    %c0_i32_0 = arith.constant 0 : i32
    return %arg0, %c0_i32 : i32, i32
  }
  func.func @transform_2(%arg0: i32) -> (i32, i32) {
    %c0_i32 = arith.constant 0 : i32
    %c0_i32_0 = arith.constant 0 : i32
    return %arg0, %c0_i32 : i32, i32
  }
  func.func @transform_3(%arg0: i32) -> (i32, i32) {
    %c0_i32 = arith.constant 0 : i32
    %c0_i32_0 = arith.constant 0 : i32
    return %arg0, %c0_i32 : i32, i32
  }
}

module attributes {stable_mosaic.version = 14 : i64} {
  func.func @body(%arg0: i32, %arg1: memref<2x5120x128xf32, #tpu.memory_space<vmem>>, %arg2: memref<5120x128xf32, #tpu.memory_space<vmem>>, %arg3: memref<5120x1xf32, #tpu.memory_space<vmem>>, %arg4: memref<5120x1xi32, #tpu.memory_space<vmem>>, %arg5: memref<128x40xf32, #tpu.memory_space<vmem>>, %arg6: memref<128x40xf32, #tpu.memory_space<vmem>>, %arg7: memref<128x128xf32, #tpu.memory_space<vmem>>, %arg8: memref<128x1xf32, #tpu.memory_space<vmem>>) attributes {dimension_semantics = [#tpu.dimension_semantics<arbitrary>], iteration_bounds = array<i64: 2>, scalar_prefetch = 0 : i64, scratch_operands = 2 : i64, tpu.core_type = #tpu.core_type<tc>, window_params = [{transform_indices = @transform_0, window_bounds = array<i64: 2, 5120, 128>}, {transform_indices = @transform_1, window_bounds = array<i64: 5120, 128>}, {transform_indices = @transform_2, window_bounds = array<i64: 5120, 1>}, {transform_indices = @transform_3, window_bounds = array<i64: 5120, 1>}, {pipeline_mode = #tpu.pipeline_mode<synchronous>, transform_indices = @transform_4, window_bounds = array<i64: 128, 40>}, {pipeline_mode = #tpu.pipeline_mode<synchronous>, transform_indices = @transform_5, window_bounds = array<i64: 128, 40>}]} {
    %eq3A = arith.constant 0 : i32
    %eq3A_0 = arith.cmpi eq, %arg0, %eq3A : i32
    %convert_element_type3A = arith.extui %eq3A_0 : i1 to i32
    %cond3A = arith.constant 0 : i32
    %cond3A_1 = arith.cmpi ne, %convert_element_type3A, %cond3A : i32
    scf.if %cond3A_1 {
      %broadcast_in_dim3A_49 = arith.constant 0.000000e+00 : f32
      %broadcast_in_dim3A_50 = vector.broadcast %broadcast_in_dim3A_49 : f32 to vector<128x128xf32>
      %swap3A_51 = arith.constant 0 : index
      %swap3A_52 = arith.constant 0 : index
      %swap3A_53 = vector.load %arg7[%swap3A_51, %swap3A_52] : memref<128x128xf32, #tpu.memory_space<vmem>>, vector<128x128xf32>
      tpu.vector_store %arg7[%swap3A_51, %swap3A_52], %broadcast_in_dim3A_50 {strides = array<i32>} : memref<128x128xf32, #tpu.memory_space<vmem>>, vector<128x128xf32>,
      %broadcast_in_dim3A_54 = arith.constant 0.000000e+00 : f32
      %broadcast_in_dim3A_55 = vector.broadcast %broadcast_in_dim3A_54 : f32 to vector<128x1xf32>
      %swap3A_56 = arith.constant 0 : index
      %swap3A_57 = arith.constant 0 : index
      %swap3A_58 = vector.load %arg8[%swap3A_56, %swap3A_57] : memref<128x1xf32, #tpu.memory_space<vmem>>, vector<128x1xf32>
      tpu.vector_store %arg8[%swap3A_56, %swap3A_57], %broadcast_in_dim3A_55 {strides = array<i32>} : memref<128x1xf32, #tpu.memory_space<vmem>>, vector<128x1xf32>,
    } else {
    }
    %get3A = arith.constant 0 : index
    %get3A_2 = arith.constant 0 : index
    %get3A_3 = arith.constant 0 : index
    %get3A_4 = vector.load %arg1[%get3A, %get3A_2, %get3A_3] : memref<2x5120x128xf32, #tpu.memory_space<vmem>>, vector<1x5120x128xf32>
    %get3A_5 = vector.shape_cast %get3A_4 : vector<1x5120x128xf32> to vector<5120x128xf32>
    %get3A_6 = arith.constant 1 : index
    %get3A_7 = arith.constant 0 : index
    %get3A_8 = arith.constant 0 : index
    %get3A_9 = vector.load %arg1[%get3A_6, %get3A_7, %get3A_8] : memref<2x5120x128xf32, #tpu.memory_space<vmem>>, vector<1x5120x128xf32>
    %get3A_10 = vector.shape_cast %get3A_9 : vector<1x5120x128xf32> to vector<5120x128xf32>
    %add3A = arith.addf %get3A_5, %get3A_10 : vector<5120x128xf32>
    %get3A_11 = arith.constant 0 : index
    %get3A_12 = arith.constant 0 : index
    %get3A_13 = vector.load %arg2[%get3A_11, %get3A_12] : memref<5120x128xf32, #tpu.memory_space<vmem>>, vector<5120x128xf32>
    %add3A_14 = arith.addf %add3A, %get3A_13 : vector<5120x128xf32>
    %get3A_15 = arith.constant 0 : index
    %get3A_16 = arith.constant 0 : index
    %get3A_17 = vector.load %arg3[%get3A_15, %get3A_16] : memref<5120x1xf32, #tpu.memory_space<vmem>>, vector<5120x1xf32>
    %mul3A = vector.broadcast %get3A_17 : vector<5120x1xf32> to vector<5120x128xf32>
    %mul3A_18 = arith.mulf %add3A_14, %mul3A : vector<5120x128xf32>
    %iota3A = tpu.iota {dimensions = array<i32: 1>} : vector<1x128xi32>
    %get3A_19 = arith.constant 0 : index
    %get3A_20 = arith.constant 0 : index
    %get3A_21 = vector.load %arg4[%get3A_19, %get3A_20] : memref<5120x1xi32, #tpu.memory_space<vmem>>, vector<5120x1xi32>
    %eq3A_22 = vector.broadcast %get3A_21 : vector<5120x1xi32> to vector<5120x128xi32>
    %eq3A_23 = vector.broadcast %iota3A : vector<1x128xi32> to vector<5120x128xi32>
    %eq3A_24 = arith.cmpi eq, %eq3A_22, %eq3A_23 : vector<5120x128xi32>
    %convert_element_type3A_25 = arith.extui %eq3A_24 : vector<5120x128xi1> to vector<5120x128xi32>
    %convert_element_type3A_26 = arith.sitofp %convert_element_type3A_25 : vector<5120x128xi32> to vector<5120x128xf32>
    %get3A_27 = arith.constant 0 : index
    %get3A_28 = arith.constant 0 : index
    %get3A_29 = vector.load %arg7[%get3A_27, %get3A_28] : memref<128x128xf32, #tpu.memory_space<vmem>>, vector<128x128xf32>
    %dot_general3A = arith.constant dense<0.000000e+00> : vector<128x128xf32>
    %dot_general3A_30 = tpu.matmul %convert_element_type3A_26, %mul3A_18, %dot_general3A {dimension_numbers = #tpu.dot_dimension_numbers<[0], [0], [1], [1], [0, 1, 1, 1], [], []>, transpose_lhs_hint = false} : vector<5120x128xf32>, vector<5120x128xf32>, vector<128x128xf32> -> vector<128x128xf32>
    %add3A_31 = arith.addf %get3A_29, %dot_general3A_30 : vector<128x128xf32>
    %swap3A = arith.constant 0 : index
    %swap3A_32 = arith.constant 0 : index
    %swap3A_33 = vector.load %arg7[%swap3A, %swap3A_32] : memref<128x128xf32, #tpu.memory_space<vmem>>, vector<128x128xf32>
    tpu.vector_store %arg7[%swap3A, %swap3A_32], %add3A_31 {strides = array<i32>} : memref<128x128xf32, #tpu.memory_space<vmem>>, vector<128x128xf32>,
    %get3A_34 = arith.constant 0 : index
    %get3A_35 = arith.constant 0 : index
    %get3A_36 = vector.load %arg8[%get3A_34, %get3A_35] : memref<128x1xf32, #tpu.memory_space<vmem>>, vector<128x1xf32>
    %broadcast_in_dim3A = arith.constant 1.000000e+00 : f32
    %broadcast_in_dim3A_37 = vector.broadcast %broadcast_in_dim3A : f32 to vector<5120x1xf32>
    %dot_general3A_38 = arith.constant dense<0.000000e+00> : vector<128x1xf32>
    %dot_general3A_39 = tpu.matmul %convert_element_type3A_26, %broadcast_in_dim3A_37, %dot_general3A_38 {dimension_numbers = #tpu.dot_dimension_numbers<[0], [0], [1], [1], [0, 1, 1, 1], [], []>, transpose_lhs_hint = false} : vector<5120x128xf32>, vector<5120x1xf32>, vector<128x1xf32> -> vector<128x1xf32>
    %add3A_40 = arith.addf %get3A_36, %dot_general3A_39 : vector<128x1xf32>
    %swap3A_41 = arith.constant 0 : index
    %swap3A_42 = arith.constant 0 : index
    %swap3A_43 = vector.load %arg8[%swap3A_41, %swap3A_42] : memref<128x1xf32, #tpu.memory_space<vmem>>, vector<128x1xf32>
    tpu.vector_store %arg8[%swap3A_41, %swap3A_42], %add3A_40 {strides = array<i32>} : memref<128x1xf32, #tpu.memory_space<vmem>>, vector<128x1xf32>,
    %eq3A_44 = arith.constant 1 : i32
    %eq3A_45 = arith.cmpi eq, %arg0, %eq3A_44 : i32
    %convert_element_type3A_46 = arith.extui %eq3A_45 : i1 to i32
    %cond3A_47 = arith.constant 0 : i32
    %cond3A_48 = arith.cmpi ne, %convert_element_type3A_46, %cond3A_47 : i32
    scf.if %cond3A_48 {
      %get3A_49 = arith.constant 0 : index
      %get3A_50 = arith.constant 0 : index
      %get3A_51 = vector.load %arg7[%get3A_49, %get3A_50] : memref<128x128xf32, #tpu.memory_space<vmem>>, vector<128x128xf32>
      %get3A_52 = arith.constant 0 : index
      %get3A_53 = arith.constant 0 : index
      %get3A_54 = vector.load %arg8[%get3A_52, %get3A_53] : memref<128x1xf32, #tpu.memory_space<vmem>>, vector<128x1xf32>
      %max3A = arith.constant 1.000000e+00 : f32
      %max3A_55 = vector.broadcast %max3A : f32 to vector<128x1xf32>
      %max3A_56 = arith.maximumf %get3A_54, %max3A_55 : vector<128x1xf32>
      %div3A = vector.broadcast %max3A_56 : vector<128x1xf32> to vector<128x128xf32>
      %div3A_57 = arith.divf %get3A_51, %div3A : vector<128x128xf32>
      %get3A_58 = arith.constant 0 : index
      %get3A_59 = arith.constant 0 : index
      %get3A_60 = vector.load %arg5[%get3A_58, %get3A_59] : memref<128x40xf32, #tpu.memory_space<vmem>>, vector<128x40xf32>
      %dot_general3A_61 = arith.constant dense<0.000000e+00> : vector<128x40xf32>
      %dot_general3A_62 = tpu.matmul %div3A_57, %get3A_60, %dot_general3A_61 {dimension_numbers = #tpu.dot_dimension_numbers<[1], [0], [0], [1], [0, 0, 1, 1], [], []>, transpose_lhs_hint = false} : vector<128x128xf32>, vector<128x40xf32>, vector<128x40xf32> -> vector<128x40xf32>
      %swap3A_63 = arith.constant 0 : index
      %swap3A_64 = arith.constant 0 : index
      %swap3A_65 = vector.load %arg6[%swap3A_63, %swap3A_64] : memref<128x40xf32, #tpu.memory_space<vmem>>, vector<128x40xf32>
      tpu.vector_store %arg6[%swap3A_63, %swap3A_64], %dot_general3A_62 {strides = array<i32>} : memref<128x40xf32, #tpu.memory_space<vmem>>, vector<128x40xf32>,
    } else {
    }
    return
  }
  func.func @transform_0(%arg0: i32) -> (i32, i32, i32) {
    %c0_i32 = arith.constant 0 : i32
    %c0_i32_0 = arith.constant 0 : i32
    %c0_i32_1 = arith.constant 0 : i32
    return %c0_i32, %arg0, %c0_i32_0 : i32, i32, i32
  }
  func.func @transform_1(%arg0: i32) -> (i32, i32) {
    %c0_i32 = arith.constant 0 : i32
    %c0_i32_0 = arith.constant 0 : i32
    return %arg0, %c0_i32 : i32, i32
  }
  func.func @transform_2(%arg0: i32) -> (i32, i32) {
    %c0_i32 = arith.constant 0 : i32
    %c0_i32_0 = arith.constant 0 : i32
    return %arg0, %c0_i32 : i32, i32
  }
  func.func @transform_3(%arg0: i32) -> (i32, i32) {
    %c0_i32 = arith.constant 0 : i32
    %c0_i32_0 = arith.constant 0 : i32
    return %arg0, %c0_i32 : i32, i32
  }
  func.func @transform_4(%arg0: i32) -> (i32, i32) {
    %c0_i32 = arith.constant 0 : i32
    %c0_i32_0 = arith.constant 0 : i32
    %c0_i32_1 = arith.constant 0 : i32
    return %c0_i32, %c0_i32_0 : i32, i32
  }
  func.func @transform_5(%arg0: i32) -> (i32, i32) {
    %c0_i32 = arith.constant 0 : i32
    %c0_i32_0 = arith.constant 0 : i32
    %c0_i32_1 = arith.constant 0 : i32
    return %c0_i32, %c0_i32_0 : i32, i32
  }
}

</mosaic_0001>

<sc_bundles>
// kernel: kernel.11.cloned.1.call-start
scs
__scs_entry_jumppad:
0x0: {  	(pc) =	sbr.rel $0x88, $3  }
0x1: {  	(tag) =	ssettag $0x0;
	lr =	simm.s32 $0x1  }
0x2: {  	[smem:$0x3F9C] =	sst lr;
	_ =	strace $0xD0000000  }
0x3: {  	_ = 	snop  }
0x4: {  	_ = 	snop  }
0x5: {  	_ = 	snop  }
0x6: {  	_ = 	snop  }
0x7: {  	_ = 	snop  }
__scs_overlays_trampoline_lowered:
0x8: {  	[smem:$0x3FAB] =	sst s0  }
0x9: {  	[smem:$0x3FAC] =	sst s1  }
0xa: {  	[smem:$0x3FAD] =	sst s2  }
0xb: {  	[smem:$0x3FAE] =	sst s3  }
0xc: {  	[smem:$0x3FAF] =	sst s4  }
0xd: {  	[smem:$0x3FB0] =	sst s5  }
0xe: {  	[smem:$0x3FB1] =	sst s6  }
0xf: {  	[smem:$0x3FB2] =	sst s7  }
0x10: {  	[smem:$0x3FB3] =	sst s8  }
0x11: {  	[smem:$0x3FB4] =	sst s9;
	s0 =	simm.s32 @!p0 $0x0  }
0x12: {  	s1 =	sld [smem:$0x3F9A];
	s0 =	simm.s32 @p0 $0x1  }
0x13: {  	[smem:$0x3FB5] =	sst s0;
	s0 =	simm.s32 @!p1 $0x0  }
0x14: {  	s2 =	sld [smem:$0x3F99];
	s0 =	simm.s32 @p1 $0x1  }
0x15: {  	[smem:$0x3FB6] =	sst s0;
	s0 =	simm.s32 @!p2 $0x0  }
0x16: {  	s3 =	sld [smem:$0x3FDB];
	s0 =	simm.s32 @p2 $0x1  }
0x17: {  	s4 =	simm.s32 $0x1BF5;
	[smem:$0x3FB8] =	sst s0  }
0x18: {  	s0 =	sld [smem:$0x3F9B];
	_ =	swait.ge [sflag:s4], $0x0  }
0x19: {  	s7 =	sld [smem:$0x3F9C]  }
0x1a: {  	s8 =	sadd.s32 $0xFFFFE003, lr  }
0x1b: {  	s9 =	sadd.s32 $0xFFFFFEF7, lr;
	s5 =	simm.s32 $0xFFFFFFFF;
	p2 =	slt.u32 s8, $0xFFFFF086  }
0x1c: {  	p1 =	slt.u32 s9, $0xF7A;
	s5 =	simm.s32 @!p2 $0x0  }
0x1d: {  	s5 =	simm.s32 @p1 $0x1;
	p0 =	seq.s32 s7, s2  }
0x1e: {  	s7 =	smul.u32 @!p0 $0xF7A, s2;
	p2 =	seq.s32 @!p0 s5, $0x0  }
0x1f: {  	s9 =	smul.u32 $0xF7A, s1;
	s8 =	simm.s32 @!p0 $0x1BF5;
	p2 =	por !p2, p0  }
0x20: {  	[sflag:s8] =	ssyncset.s32 @!p0 $0xFFFFF086;
	s6 =	sadd.s32 @!p0 s3, s7;
	s7 =	simm.s32 @!p0 $0x108  }
0x21: {  	s3 =	sadd.s32 s3, s9;
	s6 =	sadd.s32 @!p0 $0x88, s6;
	s7 =	simm.s32 @p2 $0x1082  }
0x22: {  	[simem:s7], [sflag:s8] =	dma.local @!p0 [hbm:s6], $0xF7A  }
0x23: {  	s9 =	sor.u32 $0xD0000000, s2;
	s6 =	simm.s32 $0x108;
	_ =	swait.ge @!p0 [sflag:s8], $0x0  }
0x24: {  	s3 =	sadd.s32 $0x88, s3;
	s6 =	simm.s32 @!p1 $0x1082;
	[sflag:s4] =	ssyncset.s32 $0xFFFFF086  }
0x25: {  	[simem:s6], [sflag:s4] =	dma.local [hbm:s3], $0xF7A  }
0x26: {  	[smem:$0x3F9C] =	sst s1;
	(tag) =	ssettag s2;
	_ =	strace s9  }
0x27: {  	s1 =	sld [smem:$0x3FAC]  }
0x28: {  	s2 =	sld [smem:$0x3FAD]  }
0x29: {  	s4 =	sld [smem:$0x3FAF]  }
0x2a: {  	p0 =	seq.s32 s5, $0x0;
	s5 =	sld [smem:$0x3FB0]  }
0x2b: {  	s6 =	sld [smem:$0x3FB1]  }
0x2c: {  	s7 =	sld [smem:$0x3FB2]  }
0x2d: {  	s3 =	simm.s32 $0x108;
	s8 =	sld [smem:$0x3FB3]  }
0x2e: {  	s3 =	simm.s32 @!p0 $0x1082;
	s9 =	sld [smem:$0x3FB4]  }
0x2f: {  	lr =	sadd.s32 s0, s3;
	s0 =	sld [smem:$0x3FAB]  }
0x30: {  	s3 =	sld [smem:$0x3FAE]  }
0x31: {  	[smem:$0x3FB7] =	sst s10  }
0x32: {  	s10 =	sld [smem:$0x3FB5];
	_ =	sdelay $0x3  }
0x33: {  	p0 =	seq.s32 s10, $0x1;
	s10 =	sld [smem:$0x3FB7];
	_ =	sdelay $0x3  }
0x34: {  	[smem:$0x3FB7] =	sst s10  }
0x35: {  	s10 =	sld [smem:$0x3FB6];
	_ =	sdelay $0x3  }
0x36: {  	p1 =	seq.s32 s10, $0x1;
	s10 =	sld [smem:$0x3FB7];
	_ =	sdelay $0x3  }
0x37: {  	[smem:$0x3FB7] =	sst s10  }
0x38: {  	s10 =	sld [smem:$0x3FB8]  }
0x39: {  	_ = 	snop;
	(pc) =	sbr.ind lr, $3  }
0x3a: {  	_ = 	snop  }
0x3b: {  	_ = 	snop  }
0x3c: {  	p2 =	seq.s32 s10, $0x1;
	s10 =	sld [smem:$0x3FB7]  }
0x3d: {  	_ =	shalt  }
0x3e: {  	_ =	shalt  }
0x3f: {  	_ =	shalt  }
0x40: {  	_ =	shalt  }
0x41: {  	_ =	shalt  }
0x42: {  	_ =	shalt  }
0x43: {  	_ =	shalt  }
0x44: {  	_ =	shalt  }
0x45: {  	_ =	shalt  }
0x46: {  	_ =	shalt  }
0x47: {  	_ =	shalt  }
0x48: {  	_ =	shalt  }
0x49: {  	_ =	shalt  }
0x4a: {  	_ =	shalt  }
0x4b: {  	_ =	shalt  }
0x4c: {  	_ =	shalt  }
0x4d: {  	_ =	shalt  }
0x4e: {  	_ =	shalt  }
0x4f: {  	_ =	shalt  }
0x50: {  	_ =	shalt  }
0x51: {  	_ =	shalt  }
0x52: {  	_ =	shalt  }
0x53: {  	_ =	shalt  }
0x54: {  	_ =	shalt  }
0x55: {  	_ =	shalt  }
0x56: {  	_ =	shalt  }
0x57: {  	_ =	shalt  }
0x58: {  	_ =	shalt  }
0x59: {  	_ =	shalt  }
0x5a: {  	_ =	shalt  }
0x5b: {  	_ =	shalt  }
0x5c: {  	_ =	shalt  }
0x5d: {  	_ =	shalt  }
0x5e: {  	_ =	shalt  }
0x5f: {  	_ =	shalt  }
0x60: {  	_ =	shalt  }
0x61: {  	_ =	shalt  }
0x62: {  	_ =	shalt  }
0x63: {  	_ =	shalt  }
0x64: {  	_ =	shalt  }
0x65: {  	_ =	shalt  }
0x66: {  	_ =	shalt  }
0x67: {  	_ =	shalt  }
0x68: {  	_ =	shalt  }
0x69: {  	_ =	shalt  }
0x6a: {  	_ =	shalt  }
0x6b: {  	_ =	shalt  }
0x6c: {  	_ =	shalt  }
0x6d: {  	_ =	shalt  }
0x6e: {  	_ =	shalt  }
0x6f: {  	_ =	shalt  }
0x70: {  	_ =	shalt  }
0x71: {  	_ =	shalt  }
0x72: {  	_ =	shalt  }
0x73: {  	_ =	shalt  }
0x74: {  	_ =	shalt  }
0x75: {  	_ =	shalt  }
0x76: {  	_ =	shalt  }
0x77: {  	_ =	shalt  }
0x78: {  	_ =	shalt  }
0x79: {  	_ =	shalt  }
0x7a: {  	_ =	shalt  }
0x7b: {  	_ =	shalt  }
0x7c: {  	_ =	shalt  }
0x7d: {  	_ =	shalt  }
0x7e: {  	_ =	shalt  }
0x7f: {  	_ =	shalt  }
0x80: {  	_ =	shalt  }
0x81: {  	_ =	shalt  }
0x82: {  	_ =	shalt  }
0x83: {  	_ =	shalt  }
0x84: {  	_ =	shalt  }
0x85: {  	_ =	shalt  }
0x86: {  	_ =	shalt  }
0x87: {  	_ =	shalt  }
.Lfunc_end0:
.L_simem_size_0:
called_computation.1_lowered:
.L_overlay_start_0:
0x88: {  	s2 =	sld [smem:$0x3FD9]  }
0x89: {  	s3 =	sld [smem:$0x3FFE];
	_ =	sdelay $0x1  }
0x8a: {  	s1 =	srdreg.scid  }
0x8b: {  	s0 =	sand.u32 $0x1, s1  }
0x8c: {  	s16 =	sshll.u32 s0, $0xA;
	s2 =	sadd.s32 s3, s2  }
0x8d: {  	s2 =	sadd.s32 s2, s16  }
0x8e: {  	[smem:$0x3FC3] =	sst s2  }
0x8f: {  	_ = 	snop  }
0x90: {  	(tm) =	ssettm $0x1  }
0x91: {  	s17 =	sld [smem:$0x3FFB];
	_ =	sdelay $0x3  }
0x92: {  	_ =	strace s17  }
0x93: {  	s2 =	sld [smem:$0x3FFC];
	_ =	sdelay $0x3  }
0x94: {  	_ =	strace s2  }
0x95: {  	s2 =	sld [smem:$0x3FFD];
	_ =	sdelay $0x3  }
0x96: {  	_ =	strace s2  }
0x97: {  	_ =	strace $0x8FFFFFFF  }
0x98: {  	s18 =	sld [smem:$0x3FDB];
	_ =	sdelay $0x1  }
0x99: {  	s19 =	simm.s32 $_scs_section_size  }
0x9a: {  	s4 =	simm.s32 $_size__tile_overlayer_lowered;
	s5 =	simm.s32 $_tile_overlayer_lowered  }
0x9b: {  	s22 =	simm.s32 $0x1BFF;
	s21 =	sshll.u32 s5, $0x1;
	s2 =	sadd.s32 s19, s18  }
0x9c: {  	s6 =	simm.s32 $0x0;
	s20 =	sshll.u32 s4, $0x1;
	s4 =	sadd.s32 s21, s2  }
0x9d: {  	[timem:s6], [sflag:s22] =	dma.local [hbm:s4], s20  }
0x9e: {  	_ =	swait.ge [sflag:s22], s20  }
0x9f: {  	s3 =	ssub.s32 $0x0, s20;
	[sflag:s22] =	ssyncset.done $0x0  }
0xa0: {  	[sflag:s22] =	ssyncadd.s32 s3;
	_ =	sdelay $0x1  }
0xa1: {  	s23 =	simm.s32 $0x1B8B  }
0xa2: {  	_ =	swait.ge [sflag:s23], $0x1  }
0xa3: {  	[sflag:s23] =	ssyncset.done $0x0  }
0xa4: {  	s25 =	simm.s32 $0x1B8E;
	s24 =	sld [smem:$0x3FFE];
	[sflag:s23] =	ssyncadd.s32 $0xFFFFFFFF  }
0xa5: {  	s26 =	simm.s32 $execute0_lowered;
	[smem:$0x3FD2] =	sst s25  }
0xa6: {  	s4 =	sshll.u32 s26, $0x1;
	_ =	strace $0x80000049;
	[dreg:$0x1] =	wrdreg $0xFFFFFFFF  }
0xa7: {  	s28 =	simm.s32 $_size_execute0_lowered;
	s2 =	sadd.s32 s2, s4;
	[dreg:$0x0] =	wrdreg $0x0  }
0xa8: {  	s4 =	sshll.u32 s28, $0x1;
	[dreg:$0x2] =	wrdreg s2  }
0xa9: {  	[dreg:$0x3] =	wrdreg s4  }
0xaa: {  	[dreg:$0x4] =	wrdreg $0xC0  }
0xab: {  	_ =	task [dreg:s6], $0x5FFFF  }
0xac: {  	[dreg:$0x1] =	wrdreg $0xFFFFFFFF  }
0xad: {  	[dreg:$0x0] =	wrdreg $0x60  }
0xae: {  	[dreg:$0x2] =	wrdreg s24  }
0xaf: {  	[dreg:$0x3] =	wrdreg $0xB0000  }
0xb0: {  	[dreg:$0x4] =	wrdreg $0x9  }
0xb1: {  	_ =	task.clear_ibuf [dreg:s6], $0x5FFFF;
	_ =	strace $0x90000049  }
0xb2: {  	s29 =	simm.s32 $0x9;
	_ =	strace $0x8000004B  }
0xb3: {  	_ =	swait.ge [sflag:s29], $0x1  }
0xb4: {  	[sflag:s29] =	ssyncadd.s32 $0xFFFFFFFF  }
0xb5: {  	_ =	strace $0x9000004B  }
0xb6: {  	_ =	sfence  }
0xb7: {  	s30 =	sld [smem:$0x0];
	_ =	sdelay $0x2  }
0xb8: {  	s31 =	sshll.u32 s1, $0xD;
	s1 =	sshrl.u32 s1, $0x2  }
0xb9: {  	s3 =	sand.u32 $0x4000, s31;
	s1 =	sadd.s32 s1, s30  }
0xba: {  	s0 =	sor.u32 s3, s0;
	s1 =	sshll.u32 s1, $0x11  }
0xbb: {  	s0 =	sor.u32 s1, s0  }
0xbc: {  	s0 =	sadd.s32 $0x8F2B, s0  }
0xbd: {  	[sflag:s0] =	ssyncadd.remote.s32 $0x1  }
0xbe: {  	_ =	sfence.sel $0xFFFF  }
0xbf: {  	[dreg:$0x0] =	wrdreg $0xFFFFFFFF;
	(pc) =	sbr.abs _section_cstart, $3  }
0xc0: {  	[dreg:$0x1] =	wrdreg $0xFFFFFFFF  }
0xc1: {  	_ =	task.clear_ibuf [dreg:s6], $0x2FFFF;
	_ =	strace $0x9FFFFFFF  }
0xc2: {  	(tm) =	ssettm $0x7FFFFFFF  }
0xc3: {  	_ =	shalt  }
tec
execute0_lowered:
.L_overlay_start_1:
0x0: {  	(tag) =	ssettag $0x1  }
0x1: {  	s5 =	rddreg [dreg:$0x0]  }
0x2: {  	s2 =	rddreg [dreg:$0x1]  }
0x3: {  	s1 =	srdreg.scid;
	s0 =	rddreg [dreg:$0x2]  }
0x4: {  	s3 =	simm.s32 $0x0;
	s25 =	simm.s32 $0x2880;
	s26 =	simm.s32 $0x2900  }
0x5: {  	s28 =	simm.s32 $0x2980;
	s29 =	simm.s32 $0x2A00;
	[smem:$0x7FF] =	sst s3  }
0x6: {  	s30 =	simm.s32 $0x2A80;
	_ =	strace $0x8000004A;
	[dreg:$0x3] =	wrdreg s25  }
0x7: {  	s31 =	simm.s32 $0x2B00;
	s14 =	simm.s32 $0x2B80;
	[dreg:$0x4] =	wrdreg s26  }
0x8: {  	s15 =	simm.s32 $0x2C00;
	s16 =	simm.s32 $0x2C80;
	[dreg:$0x5] =	wrdreg s28  }
0x9: {  	s6 =	sand.u32 $0x1, s1;
	s1 =	stileid.u32;
	[dreg:$0x6] =	wrdreg s29  }
0xa: {  	s17 =	simm.s32 $0x2D00;
	s7 =	smul.u32 $0x28000, s6;
	[dreg:$0x7] =	wrdreg s30  }
0xb: {  	s18 =	simm.s32 $0x2D80;
	s8 =	smul.u32 $0x2800, s1;
	[dreg:$0x8] =	wrdreg s31  }
0xc: {  	s19 =	simm.s32 $0x2E00;
	s20 =	smul.u32 $0x14000, s1;
	[dreg:$0x9] =	wrdreg s14  }
0xd: {  	s4 =	sshll.u32 s6, $0x4;
	s10 =	smul.u32 $0x140000, s6;
	[dreg:$0xa] =	wrdreg s15  }
0xe: {  	s22 =	smul.u32 $0x50000, s1;
	s6 =	ssub.s32 $0x2, s6;
	[dreg:$0xb] =	wrdreg s16  }
0xf: {  	s24 =	sshll.u32 s1, $0x6;
	s14 =	simm.s32 $0x3000;
	[dreg:$0xc] =	wrdreg s17  }
0x10: {  	s15 =	simm.s32 $0x2800;
	s16 =	simm.s32 $0x7000;
	[dreg:$0xd] =	wrdreg s18  }
0x11: {  	s17 =	simm.s32 $0x1;
	s18 =	simm.s32 $0x5;
	[dreg:$0xe] =	wrdreg s19  }
0x12: {  	s19 =	simm.s32 $0x3;
	s4 =	sor.u32 s1, s4;
	s23 =	sshrl.u32 s6, $0x1  }
0x13: {  	s4 =	smul.u32 $0x2800, s4;
	s7 =	sadd.s32 s8, s7;
	s21 =	sshrl.u32 s20, $0x3  }
0x14: {  	s8 =	sadd.s32 s20, s10;
	s10 =	sshrl.u32 s22, $0x2;
	s12 =	ssub.s32 s6, s23  }
0x15: {  	s6 =	sor.u32 $0x1C06, s24;
	s20 =	simm.s32 $0x2E80;
	s22 =	simm.s32 $0x2F80  }
0x16: {  	s7 =	sshrl.u32 s7, $0x3;
	s8 =	sshrl.u32 s8, $0x3;
	[dreg:$0xf] =	wrdreg s20  }
0x17: {  	s13 =	sadd.s32 s10, s2;
	s20 =	simm.s32 $0x2;
	[dreg:$0x11] =	wrdreg s22  }
0x18: {  	s22 =	simm.s32 $0x0;
	s9 =	sshrl.u32 s4, $0x3;
	s4 =	sadd.s32 $0x16800, s5  }
0x19: {  	s11 =	sadd.s32 s7, s5;
	s7 =	sadd.s32 s21, s5;
	s8 =	sadd.s32 s8, s5  }
0x1a: {  	s21 =	simm.s32 $0x2F00;
	s9 =	sadd.s32 s9, s5;
	s5 =	sadd.s32 $0x3E800, s7  }
0x1b: {  	s8 =	sadd.s32 $0x66800, s8;
	s10 =	sadd.s32 $0xC800, s11;
	s11 =	sshrl.u32 s13, $0x3  }
0x1c: {  	s13 =	simm.s32 $0x80;
	[dreg:$0x10] =	wrdreg s21;
	s21 =	simm.s32 $0x4  }
0x1d: {  	s7 =	sadd.s32 $0x2800, s9;
	s9 =	smax.u32 s12, $0x1;
	s12 =	simm.s32 $0x6  }
.LBB2_1:
0x1e: {  	[spmem:s11], [sflag:s6] =	dma.local [hbm:s5], $0x2800  }
0x1f: {  	_ =	swait.ge [sflag:s12], $0x2800  }
0x20: {  	[sflag:s12] =	ssyncset.done $0x0  }
0x21: {  	[sflag:s12] =	ssyncadd.s32 $0xFFFFD800  }
0x22: {  	[tilespmem:s3], [sflag:$0x6] =	stream.linear.gather [hbm4b:s7+s3], $0x2800, $0x38;
	[tilespmem:$0x1F000] =	vst v63  }
0x23: {  	_ =	swait.ge [sflag:s12], $0x2800  }
0x24: {  	[sflag:s12] =	ssyncset.done $0x0  }
0x25: {  	[sflag:s12] =	ssyncadd.s32 $0xFFFFD800  }
0x26: {  	[tilespmem:s14], [sflag:$0x1] =	stream.indirect.gather [hbm4b:s4+s13], $0x80, s3, s13, $0xb8;
	[tilespmem:$0x1F000] =	vst v63  }
0x27: {  	[bflag:$0x0] =	sbarrier.arrive $0xFFFF  }
0x28: {  	[tilespmem:s15], [sflag:$0x5] =	stream.linear.gather [hbm4b:s10+s3], $0x800, $0x38;
	[tilespmem:$0x1F000] =	vst v63  }
0x29: {  	s23 =	simm.s32 $0x80  }
0x2a: {  	[tilespmem:s16], [sflag:$0x2] =	stream.indirect.gather [hbm4b:s4+s13], $0x80, s23, s13, $0xb8;
	[tilespmem:$0x1F000] =	vst v63  }
0x2b: {  	_ =	swait.ge [sflag:s17], $0x4000  }
0x2c: {  	[sflag:s17] =	ssyncset.done $0x0  }
0x2d: {  	[sflag:s17] =	ssyncadd.s32 $0xFFFFC000  }
0x2e: {  	_ =	swait.ge [sflag:s18], $0x800  }
0x2f: {  	[sflag:s18] =	ssyncset.done $0x0  }
0x30: {  	[sflag:s18] =	ssyncadd.s32 $0xFFFFF800  }
0x31: {  	[spmem:s2] =	stream.indirect.scatter.add.f32 [tilespmem:s14], [sflag:$0x3], $0x80, s15, s13, $0xb8;
	[tilespmem:$0x1F000] =	vst v63  }
0x32: {  	_ =	swait.ge [sflag:s19], $0x4000  }
0x33: {  	[sflag:s19] =	ssyncset.done $0x0  }
0x34: {  	s31 =	simm.s32 $0x100;
	[sflag:s19] =	ssyncadd.s32 $0xFFFFC000  }
0x35: {  	[tilespmem:s14], [sflag:$0x1] =	stream.indirect.gather [hbm4b:s4+s13], $0x80, s31, s13, $0xb8;
	[tilespmem:$0x1F000] =	vst v63  }
0x36: {  	_ =	swait.ge [sflag:s20], $0x4000  }
0x37: {  	[sflag:s20] =	ssyncset.done $0x0  }
0x38: {  	s24 =	rddreg [dreg:$0x3];
	[sflag:s20] =	ssyncadd.s32 $0xFFFFC000  }
0x39: {  	[spmem:s2] =	stream.indirect.scatter.add.f32 [tilespmem:s16], [sflag:$0x4], $0x80, s24, s13, $0xb8;
	[tilespmem:$0x1F000] =	vst v63  }
0x3a: {  	_ =	swait.ge [sflag:s21], $0x4000  }
0x3b: {  	[sflag:s21] =	ssyncset.done $0x0  }
0x3c: {  	s25 =	simm.s32 $0x180;
	[sflag:s21] =	ssyncadd.s32 $0xFFFFC000  }
0x3d: {  	[tilespmem:s16], [sflag:$0x2] =	stream.indirect.gather [hbm4b:s4+s13], $0x80, s25, s13, $0xb8;
	[tilespmem:$0x1F000] =	vst v63  }
0x3e: {  	_ =	swait.ge [sflag:s17], $0x4000  }
0x3f: {  	[sflag:s17] =	ssyncset.done $0x0  }
0x40: {  	s26 =	rddreg [dreg:$0x4];
	[sflag:s17] =	ssyncadd.s32 $0xFFFFC000  }
0x41: {  	[spmem:s2] =	stream.indirect.scatter.add.f32 [tilespmem:s14], [sflag:$0x3], $0x80, s26, s13, $0xb8;
	[tilespmem:$0x1F000] =	vst v63  }
0x42: {  	_ =	swait.ge [sflag:s19], $0x4000  }
0x43: {  	[sflag:s19] =	ssyncset.done $0x0  }
0x44: {  	s28 =	simm.s32 $0x200;
	[sflag:s19] =	ssyncadd.s32 $0xFFFFC000  }
0x45: {  	[tilespmem:s14], [sflag:$0x1] =	stream.indirect.gather [hbm4b:s4+s13], $0x80, s28, s13, $0xb8;
	[tilespmem:$0x1F000] =	vst v63  }
0x46: {  	_ =	swait.ge [sflag:s20], $0x4000  }
0x47: {  	[sflag:s20] =	ssyncset.done $0x0  }
0x48: {  	s29 =	rddreg [dreg:$0x5];
	[sflag:s20] =	ssyncadd.s32 $0xFFFFC000  }
0x49: {  	[spmem:s2] =	stream.indirect.scatter.add.f32 [tilespmem:s16], [sflag:$0x4], $0x80, s29, s13, $0xb8;
	[tilespmem:$0x1F000] =	vst v63  }
0x4a: {  	_ =	swait.ge [sflag:s21], $0x4000  }
0x4b: {  	[sflag:s21] =	ssyncset.done $0x0  }
0x4c: {  	s30 =	simm.s32 $0x280;
	[sflag:s21] =	ssyncadd.s32 $0xFFFFC000  }
0x4d: {  	[tilespmem:s16], [sflag:$0x2] =	stream.indirect.gather [hbm4b:s4+s13], $0x80, s30, s13, $0xb8;
	[tilespmem:$0x1F000] =	vst v63  }
0x4e: {  	_ =	swait.ge [sflag:s17], $0x4000  }
0x4f: {  	[sflag:s17] =	ssyncset.done $0x0  }
0x50: {  	s31 =	rddreg [dreg:$0x6];
	[sflag:s17] =	ssyncadd.s32 $0xFFFFC000  }
0x51: {  	[spmem:s2] =	stream.indirect.scatter.add.f32 [tilespmem:s14], [sflag:$0x3], $0x80, s31, s13, $0xb8;
	[tilespmem:$0x1F000] =	vst v63  }
0x52: {  	_ =	swait.ge [sflag:s19], $0x4000  }
0x53: {  	[sflag:s19] =	ssyncset.done $0x0  }
0x54: {  	s24 =	simm.s32 $0x300;
	[sflag:s19] =	ssyncadd.s32 $0xFFFFC000  }
0x55: {  	[tilespmem:s14], [sflag:$0x1] =	stream.indirect.gather [hbm4b:s4+s13], $0x80, s24, s13, $0xb8;
	[tilespmem:$0x1F000] =	vst v63  }
0x56: {  	_ =	swait.ge [sflag:s20], $0x4000  }
0x57: {  	[sflag:s20] =	ssyncset.done $0x0  }
0x58: {  	s25 =	rddreg [dreg:$0x7];
	[sflag:s20] =	ssyncadd.s32 $0xFFFFC000  }
0x59: {  	[spmem:s2] =	stream.indirect.scatter.add.f32 [tilespmem:s16], [sflag:$0x4], $0x80, s25, s13, $0xb8;
	[tilespmem:$0x1F000] =	vst v63  }
0x5a: {  	_ =	swait.ge [sflag:s21], $0x4000  }
0x5b: {  	[sflag:s21] =	ssyncset.done $0x0  }
0x5c: {  	s26 =	simm.s32 $0x380;
	[sflag:s21] =	ssyncadd.s32 $0xFFFFC000  }
0x5d: {  	[tilespmem:s16], [sflag:$0x2] =	stream.indirect.gather [hbm4b:s4+s13], $0x80, s26, s13, $0xb8;
	[tilespmem:$0x1F000] =	vst v63  }
0x5e: {  	_ =	swait.ge [sflag:s17], $0x4000  }
0x5f: {  	[sflag:s17] =	ssyncset.done $0x0  }
0x60: {  	s28 =	rddreg [dreg:$0x8];
	[sflag:s17] =	ssyncadd.s32 $0xFFFFC000  }
0x61: {  	[spmem:s2] =	stream.indirect.scatter.add.f32 [tilespmem:s14], [sflag:$0x3], $0x80, s28, s13, $0xb8;
	[tilespmem:$0x1F000] =	vst v63  }
0x62: {  	_ =	swait.ge [sflag:s19], $0x4000  }
0x63: {  	[sflag:s19] =	ssyncset.done $0x0  }
0x64: {  	s29 =	simm.s32 $0x400;
	[sflag:s19] =	ssyncadd.s32 $0xFFFFC000  }
0x65: {  	[tilespmem:s14], [sflag:$0x1] =	stream.indirect.gather [hbm4b:s4+s13], $0x80, s29, s13, $0xb8;
	[tilespmem:$0x1F000] =	vst v63  }
0x66: {  	_ =	swait.ge [sflag:s20], $0x4000  }
0x67: {  	[sflag:s20] =	ssyncset.done $0x0  }
0x68: {  	s30 =	rddreg [dreg:$0x9];
	[sflag:s20] =	ssyncadd.s32 $0xFFFFC000  }
0x69: {  	[spmem:s2] =	stream.indirect.scatter.add.f32 [tilespmem:s16], [sflag:$0x4], $0x80, s30, s13, $0xb8;
	[tilespmem:$0x1F000] =	vst v63  }
0x6a: {  	_ =	swait.ge [sflag:s21], $0x4000  }
0x6b: {  	[sflag:s21] =	ssyncset.done $0x0  }
0x6c: {  	s31 =	simm.s32 $0x480;
	[sflag:s21] =	ssyncadd.s32 $0xFFFFC000  }
0x6d: {  	[tilespmem:s16], [sflag:$0x2] =	stream.indirect.gather [hbm4b:s4+s13], $0x80, s31, s13, $0xb8;
	[tilespmem:$0x1F000] =	vst v63  }
0x6e: {  	_ =	swait.ge [sflag:s17], $0x4000  }
0x6f: {  	[sflag:s17] =	ssyncset.done $0x0  }
0x70: {  	s24 =	rddreg [dreg:$0xa];
	[sflag:s17] =	ssyncadd.s32 $0xFFFFC000  }
0x71: {  	[spmem:s2] =	stream.indirect.scatter.add.f32 [tilespmem:s14], [sflag:$0x3], $0x80, s24, s13, $0xb8;
	[tilespmem:$0x1F000] =	vst v63  }
0x72: {  	_ =	swait.ge [sflag:s19], $0x4000  }
0x73: {  	[sflag:s19] =	ssyncset.done $0x0  }
0x74: {  	s25 =	simm.s32 $0x500;
	[sflag:s19] =	ssyncadd.s32 $0xFFFFC000  }
0x75: {  	[tilespmem:s14], [sflag:$0x1] =	stream.indirect.gather [hbm4b:s4+s13], $0x80, s25, s13, $0xb8;
	[tilespmem:$0x1F000] =	vst v63  }
0x76: {  	_ =	swait.ge [sflag:s20], $0x4000  }
0x77: {  	[sflag:s20] =	ssyncset.done $0x0  }
0x78: {  	s26 =	rddreg [dreg:$0xb];
	[sflag:s20] =	ssyncadd.s32 $0xFFFFC000  }
0x79: {  	[spmem:s2] =	stream.indirect.scatter.add.f32 [tilespmem:s16], [sflag:$0x4], $0x80, s26, s13, $0xb8;
	[tilespmem:$0x1F000] =	vst v63  }
0x7a: {  	_ =	swait.ge [sflag:s21], $0x4000  }
0x7b: {  	[sflag:s21] =	ssyncset.done $0x0  }
0x7c: {  	s28 =	simm.s32 $0x580;
	[sflag:s21] =	ssyncadd.s32 $0xFFFFC000  }
0x7d: {  	[tilespmem:s16], [sflag:$0x2] =	stream.indirect.gather [hbm4b:s4+s13], $0x80, s28, s13, $0xb8;
	[tilespmem:$0x1F000] =	vst v63  }
0x7e: {  	_ =	swait.ge [sflag:s17], $0x4000  }
0x7f: {  	[sflag:s17] =	ssyncset.done $0x0  }
0x80: {  	s29 =	rddreg [dreg:$0xc];
	[sflag:s17] =	ssyncadd.s32 $0xFFFFC000  }
0x81: {  	[spmem:s2] =	stream.indirect.scatter.add.f32 [tilespmem:s14], [sflag:$0x3], $0x80, s29, s13, $0xb8;
	[tilespmem:$0x1F000] =	vst v63  }
0x82: {  	_ =	swait.ge [sflag:s19], $0x4000  }
0x83: {  	[sflag:s19] =	ssyncset.done $0x0  }
0x84: {  	s30 =	simm.s32 $0x600;
	[sflag:s19] =	ssyncadd.s32 $0xFFFFC000  }
0x85: {  	[tilespmem:s14], [sflag:$0x1] =	stream.indirect.gather [hbm4b:s4+s13], $0x80, s30, s13, $0xb8;
	[tilespmem:$0x1F000] =	vst v63  }
0x86: {  	_ =	swait.ge [sflag:s20], $0x4000  }
0x87: {  	[sflag:s20] =	ssyncset.done $0x0  }
0x88: {  	s31 =	rddreg [dreg:$0xd];
	[sflag:s20] =	ssyncadd.s32 $0xFFFFC000  }
0x89: {  	[spmem:s2] =	stream.indirect.scatter.add.f32 [tilespmem:s16], [sflag:$0x4], $0x80, s31, s13, $0xb8;
	[tilespmem:$0x1F000] =	vst v63  }
0x8a: {  	_ =	swait.ge [sflag:s21], $0x4000  }
0x8b: {  	[sflag:s21] =	ssyncset.done $0x0  }
0x8c: {  	s24 =	simm.s32 $0x680;
	[sflag:s21] =	ssyncadd.s32 $0xFFFFC000  }
0x8d: {  	[tilespmem:s16], [sflag:$0x2] =	stream.indirect.gather [hbm4b:s4+s13], $0x80, s24, s13, $0xb8;
	[tilespmem:$0x1F000] =	vst v63  }
0x8e: {  	_ =	swait.ge [sflag:s17], $0x4000  }
0x8f: {  	[sflag:s17] =	ssyncset.done $0x0  }
0x90: {  	s25 =	rddreg [dreg:$0xe];
	[sflag:s17] =	ssyncadd.s32 $0xFFFFC000  }
0x91: {  	[spmem:s2] =	stream.indirect.scatter.add.f32 [tilespmem:s14], [sflag:$0x3], $0x80, s25, s13, $0xb8;
	[tilespmem:$0x1F000] =	vst v63  }
0x92: {  	_ =	swait.ge [sflag:s19], $0x4000  }
0x93: {  	[sflag:s19] =	ssyncset.done $0x0  }
0x94: {  	s26 =	simm.s32 $0x700;
	[sflag:s19] =	ssyncadd.s32 $0xFFFFC000  }
0x95: {  	[tilespmem:s14], [sflag:$0x1] =	stream.indirect.gather [hbm4b:s4+s13], $0x80, s26, s13, $0xb8;
	[tilespmem:$0x1F000] =	vst v63  }
0x96: {  	_ =	swait.ge [sflag:s20], $0x4000  }
0x97: {  	[sflag:s20] =	ssyncset.done $0x0  }
0x98: {  	s28 =	rddreg [dreg:$0xf];
	[sflag:s20] =	ssyncadd.s32 $0xFFFFC000  }
0x99: {  	[spmem:s2] =	stream.indirect.scatter.add.f32 [tilespmem:s16], [sflag:$0x4], $0x80, s28, s13, $0xb8;
	[tilespmem:$0x1F000] =	vst v63  }
0x9a: {  	_ =	swait.ge [sflag:s21], $0x4000  }
0x9b: {  	[sflag:s21] =	ssyncset.done $0x0  }
0x9c: {  	s29 =	simm.s32 $0x780;
	[sflag:s21] =	ssyncadd.s32 $0xFFFFC000  }
0x9d: {  	[tilespmem:s16], [sflag:$0x2] =	stream.indirect.gather [hbm4b:s4+s13], $0x80, s29, s13, $0xb8;
	[tilespmem:$0x1F000] =	vst v63  }
0x9e: {  	_ =	swait.ge [sflag:s17], $0x4000  }
0x9f: {  	[sflag:s17] =	ssyncset.done $0x0  }
0xa0: {  	s30 =	rddreg [dreg:$0x10];
	[sflag:s17] =	ssyncadd.s32 $0xFFFFC000  }
0xa1: {  	[spmem:s2] =	stream.indirect.scatter.add.f32 [tilespmem:s14], [sflag:$0x3], $0x80, s30, s13, $0xb8;
	[tilespmem:$0x1F000] =	vst v63  }
0xa2: {  	p0 =	por $0x0, $0x0;
	_ =	swait.ge [sflag:s19], $0x4000  }
0xa3: {  	s23 =	simm.s32 @!p0 $0x3000;
	[sflag:s19] =	ssyncset.done $0x0  }
0xa4: {  	s24 =	simm.s32 @!p0 $0x800;
	s25 =	simm.s32 @!p0 $0x80;
	[sflag:s19] =	ssyncadd.s32 $0xFFFFC000  }
0xa5: {  	[tilespmem:s23], [sflag:$0x1] =	stream.indirect.gather @!p0 [hbm4b:s4+s25], $0x80, s24, s25, $0xb8;
	[tilespmem:$0x1F000] =	vst v63  }
0xa6: {  	_ =	swait.ge [sflag:s20], $0x4000  }
0xa7: {  	[sflag:s20] =	ssyncset.done $0x0  }
0xa8: {  	s31 =	rddreg [dreg:$0x11];
	[sflag:s20] =	ssyncadd.s32 $0xFFFFC000  }
0xa9: {  	[spmem:s2] =	stream.indirect.scatter.add.f32 [tilespmem:s16], [sflag:$0x4], $0x80, s31, s13, $0xb8;
	[tilespmem:$0x1F000] =	vst v63  }
0xaa: {  	_ =	swait.ge [sflag:s21], $0x4000  }
0xab: {  	s23 =	simm.s32 $0x2000;
	s24 =	sadd.s32 $0x100, s10;
	[sflag:s21] =	ssyncset.done $0x0  }
.LBB2_2:
0xac: {  	s26 =	sshra.s32 s23, $0x2;
	[sflag:s21] =	ssyncadd.s32 $0xFFFFC000  }
0xad: {  	[tilespmem:s15], [sflag:$0x5] =	stream.linear.gather [hbm4b:s24+s3], $0x800, $0x38;
	[tilespmem:$0x1F000] =	vst v63  }
0xae: {  	s28 =	sadd.s32 $0x80, s26  }
0xaf: {  	[tilespmem:s16], [sflag:$0x2] =	stream.indirect.gather [hbm4b:s4+s13], $0x80, s28, s13, $0xb8;
	[tilespmem:$0x1F000] =	vst v63  }
0xb0: {  	_ =	swait.ge [sflag:s17], $0x4000  }
0xb1: {  	[sflag:s17] =	ssyncset.done $0x0  }
0xb2: {  	[sflag:s17] =	ssyncadd.s32 $0xFFFFC000  }
0xb3: {  	_ =	swait.ge [sflag:s18], $0x800  }
0xb4: {  	[sflag:s18] =	ssyncset.done $0x0  }
0xb5: {  	[sflag:s18] =	ssyncadd.s32 $0xFFFFF800  }
0xb6: {  	[spmem:s2] =	stream.indirect.scatter.add.f32 [tilespmem:s14], [sflag:$0x3], $0x80, s15, s13, $0xb8;
	[tilespmem:$0x1F000] =	vst v63  }
0xb7: {  	_ =	swait.ge [sflag:s19], $0x4000  }
0xb8: {  	[sflag:s19] =	ssyncset.done $0x0  }
0xb9: {  	s31 =	sadd.s32 $0x100, s26;
	[sflag:s19] =	ssyncadd.s32 $0xFFFFC000  }
0xba: {  	[tilespmem:s14], [sflag:$0x1] =	stream.indirect.gather [hbm4b:s4+s13], $0x80, s31, s13, $0xb8;
	[tilespmem:$0x1F000] =	vst v63  }
0xbb: {  	_ =	swait.ge [sflag:s20], $0x4000  }
0xbc: {  	[sflag:s20] =	ssyncset.done $0x0  }
0xbd: {  	s29 =	rddreg [dreg:$0x3];
	[sflag:s20] =	ssyncadd.s32 $0xFFFFC000  }
0xbe: {  	[spmem:s2] =	stream.indirect.scatter.add.f32 [tilespmem:s16], [sflag:$0x4], $0x80, s29, s13, $0xb8;
	[tilespmem:$0x1F000] =	vst v63  }
0xbf: {  	_ =	swait.ge [sflag:s21], $0x4000  }
0xc0: {  	[sflag:s21] =	ssyncset.done $0x0  }
0xc1: {  	s30 =	sadd.s32 $0x180, s26;
	[sflag:s21] =	ssyncadd.s32 $0xFFFFC000  }
0xc2: {  	[tilespmem:s16], [sflag:$0x2] =	stream.indirect.gather [hbm4b:s4+s13], $0x80, s30, s13, $0xb8;
	[tilespmem:$0x1F000] =	vst v63  }
0xc3: {  	_ =	swait.ge [sflag:s17], $0x4000  }
0xc4: {  	[sflag:s17] =	ssyncset.done $0x0  }
0xc5: {  	s31 =	rddreg [dreg:$0x4];
	[sflag:s17] =	ssyncadd.s32 $0xFFFFC000  }
0xc6: {  	[spmem:s2] =	stream.indirect.scatter.add.f32 [tilespmem:s14], [sflag:$0x3], $0x80, s31, s13, $0xb8;
	[tilespmem:$0x1F000] =	vst v63  }
0xc7: {  	_ =	swait.ge [sflag:s19], $0x4000  }
0xc8: {  	[sflag:s19] =	ssyncset.done $0x0  }
0xc9: {  	s29 =	sadd.s32 $0x200, s26;
	[sflag:s19] =	ssyncadd.s32 $0xFFFFC000  }
0xca: {  	[tilespmem:s14], [sflag:$0x1] =	stream.indirect.gather [hbm4b:s4+s13], $0x80, s29, s13, $0xb8;
	[tilespmem:$0x1F000] =	vst v63  }
0xcb: {  	_ =	swait.ge [sflag:s20], $0x4000  }
0xcc: {  	[sflag:s20] =	ssyncset.done $0x0  }
0xcd: {  	s30 =	rddreg [dreg:$0x5];
	[sflag:s20] =	ssyncadd.s32 $0xFFFFC000  }
0xce: {  	[spmem:s2] =	stream.indirect.scatter.add.f32 [tilespmem:s16], [sflag:$0x4], $0x80, s30, s13, $0xb8;
	[tilespmem:$0x1F000] =	vst v63  }
0xcf: {  	_ =	swait.ge [sflag:s21], $0x4000  }
0xd0: {  	[sflag:s21] =	ssyncset.done $0x0  }
0xd1: {  	s31 =	sadd.s32 $0x280, s26;
	[sflag:s21] =	ssyncadd.s32 $0xFFFFC000  }
0xd2: {  	[tilespmem:s16], [sflag:$0x2] =	stream.indirect.gather [hbm4b:s4+s13], $0x80, s31, s13, $0xb8;
	[tilespmem:$0x1F000] =	vst v63  }
0xd3: {  	_ =	swait.ge [sflag:s17], $0x4000  }
0xd4: {  	[sflag:s17] =	ssyncset.done $0x0  }
0xd5: {  	s29 =	rddreg [dreg:$0x6];
	[sflag:s17] =	ssyncadd.s32 $0xFFFFC000  }
0xd6: {  	[spmem:s2] =	stream.indirect.scatter.add.f32 [tilespmem:s14], [sflag:$0x3], $0x80, s29, s13, $0xb8;
	[tilespmem:$0x1F000] =	vst v63  }
0xd7: {  	_ =	swait.ge [sflag:s19], $0x4000  }
0xd8: {  	[sflag:s19] =	ssyncset.done $0x0  }
0xd9: {  	s30 =	sadd.s32 $0x300, s26;
	[sflag:s19] =	ssyncadd.s32 $0xFFFFC000  }
0xda: {  	[tilespmem:s14], [sflag:$0x1] =	stream.indirect.gather [hbm4b:s4+s13], $0x80, s30, s13, $0xb8;
	[tilespmem:$0x1F000] =	vst v63  }
0xdb: {  	_ =	swait.ge [sflag:s20], $0x4000  }
0xdc: {  	[sflag:s20] =	ssyncset.done $0x0  }
0xdd: {  	s31 =	rddreg [dreg:$0x7];
	[sflag:s20] =	ssyncadd.s32 $0xFFFFC000  }
0xde: {  	[spmem:s2] =	stream.indirect.scatter.add.f32 [tilespmem:s16], [sflag:$0x4], $0x80, s31, s13, $0xb8;
	[tilespmem:$0x1F000] =	vst v63  }
0xdf: {  	_ =	swait.ge [sflag:s21], $0x4000  }
0xe0: {  	[sflag:s21] =	ssyncset.done $0x0  }
0xe1: {  	s29 =	sadd.s32 $0x380, s26;
	[sflag:s21] =	ssyncadd.s32 $0xFFFFC000  }
0xe2: {  	[tilespmem:s16], [sflag:$0x2] =	stream.indirect.gather [hbm4b:s4+s13], $0x80, s29, s13, $0xb8;
	[tilespmem:$0x1F000] =	vst v63  }
0xe3: {  	_ =	swait.ge [sflag:s17], $0x4000  }
0xe4: {  	[sflag:s17] =	ssyncset.done $0x0  }
0xe5: {  	s30 =	rddreg [dreg:$0x8];
	[sflag:s17] =	ssyncadd.s32 $0xFFFFC000  }
0xe6: {  	[spmem:s2] =	stream.indirect.scatter.add.f32 [tilespmem:s14], [sflag:$0x3], $0x80, s30, s13, $0xb8;
	[tilespmem:$0x1F000] =	vst v63  }
0xe7: {  	_ =	swait.ge [sflag:s19], $0x4000  }
0xe8: {  	[sflag:s19] =	ssyncset.done $0x0  }
0xe9: {  	s31 =	sadd.s32 $0x400, s26;
	[sflag:s19] =	ssyncadd.s32 $0xFFFFC000  }
0xea: {  	[tilespmem:s14], [sflag:$0x1] =	stream.indirect.gather [hbm4b:s4+s13], $0x80, s31, s13, $0xb8;
	[tilespmem:$0x1F000] =	vst v63  }
0xeb: {  	_ =	swait.ge [sflag:s20], $0x4000  }
0xec: {  	[sflag:s20] =	ssyncset.done $0x0  }
0xed: {  	s29 =	rddreg [dreg:$0x9];
	[sflag:s20] =	ssyncadd.s32 $0xFFFFC000  }
0xee: {  	[spmem:s2] =	stream.indirect.scatter.add.f32 [tilespmem:s16], [sflag:$0x4], $0x80, s29, s13, $0xb8;
	[tilespmem:$0x1F000] =	vst v63  }
0xef: {  	_ =	swait.ge [sflag:s21], $0x4000  }
0xf0: {  	[sflag:s21] =	ssyncset.done $0x0  }
0xf1: {  	s30 =	sadd.s32 $0x480, s26;
	[sflag:s21] =	ssyncadd.s32 $0xFFFFC000  }
0xf2: {  	[tilespmem:s16], [sflag:$0x2] =	stream.indirect.gather [hbm4b:s4+s13], $0x80, s30, s13, $0xb8;
	[tilespmem:$0x1F000] =	vst v63  }
0xf3: {  	_ =	swait.ge [sflag:s17], $0x4000  }
0xf4: {  	[sflag:s17] =	ssyncset.done $0x0  }
0xf5: {  	s31 =	rddreg [dreg:$0xa];
	[sflag:s17] =	ssyncadd.s32 $0xFFFFC000  }
0xf6: {  	[spmem:s2] =	stream.indirect.scatter.add.f32 [tilespmem:s14], [sflag:$0x3], $0x80, s31, s13, $0xb8;
	[tilespmem:$0x1F000] =	vst v63  }
0xf7: {  	_ =	swait.ge [sflag:s19], $0x4000  }
0xf8: {  	[sflag:s19] =	ssyncset.done $0x0  }
0xf9: {  	s29 =	sadd.s32 $0x500, s26;
	[sflag:s19] =	ssyncadd.s32 $0xFFFFC000  }
0xfa: {  	[tilespmem:s14], [sflag:$0x1] =	stream.indirect.gather [hbm4b:s4+s13], $0x80, s29, s13, $0xb8;
	[tilespmem:$0x1F000] =	vst v63  }
0xfb: {  	_ =	swait.ge [sflag:s20], $0x4000  }
0xfc: {  	[sflag:s20] =	ssyncset.done $0x0  }
0xfd: {  	s30 =	rddreg [dreg:$0xb];
	[sflag:s20] =	ssyncadd.s32 $0xFFFFC000  }
0xfe: {  	[spmem:s2] =	stream.indirect.scatter.add.f32 [tilespmem:s16], [sflag:$0x4], $0x80, s30, s13, $0xb8;
	[tilespmem:$0x1F000] =	vst v63  }
0xff: {  	_ =	swait.ge [sflag:s21], $0x4000  }
0x100: {  	[sflag:s21] =	ssyncset.done $0x0  }
0x101: {  	s31 =	sadd.s32 $0x580, s26;
	[sflag:s21] =	ssyncadd.s32 $0xFFFFC000  }
0x102: {  	[tilespmem:s16], [sflag:$0x2] =	stream.indirect.gather [hbm4b:s4+s13], $0x80, s31, s13, $0xb8;
	[tilespmem:$0x1F000] =	vst v63  }
0x103: {  	_ =	swait.ge [sflag:s17], $0x4000  }
0x104: {  	[sflag:s17] =	ssyncset.done $0x0  }
0x105: {  	s29 =	rddreg [dreg:$0xc];
	[sflag:s17] =	ssyncadd.s32 $0xFFFFC000  }
0x106: {  	[spmem:s2] =	stream.indirect.scatter.add.f32 [tilespmem:s14], [sflag:$0x3], $0x80, s29, s13, $0xb8;
	[tilespmem:$0x1F000] =	vst v63  }
0x107: {  	_ =	swait.ge [sflag:s19], $0x4000  }
0x108: {  	[sflag:s19] =	ssyncset.done $0x0  }
0x109: {  	s30 =	sadd.s32 $0x600, s26;
	[sflag:s19] =	ssyncadd.s32 $0xFFFFC000  }
0x10a: {  	[tilespmem:s14], [sflag:$0x1] =	stream.indirect.gather [hbm4b:s4+s13], $0x80, s30, s13, $0xb8;
	[tilespmem:$0x1F000] =	vst v63  }
0x10b: {  	_ =	swait.ge [sflag:s20], $0x4000  }
0x10c: {  	[sflag:s20] =	ssyncset.done $0x0  }
0x10d: {  	s31 =	rddreg [dreg:$0xd];
	[sflag:s20] =	ssyncadd.s32 $0xFFFFC000  }
0x10e: {  	[spmem:s2] =	stream.indirect.scatter.add.f32 [tilespmem:s16], [sflag:$0x4], $0x80, s31, s13, $0xb8;
	[tilespmem:$0x1F000] =	vst v63  }
0x10f: {  	_ =	swait.ge [sflag:s21], $0x4000  }
0x110: {  	[sflag:s21] =	ssyncset.done $0x0  }
0x111: {  	s29 =	sadd.s32 $0x680, s26;
	[sflag:s21] =	ssyncadd.s32 $0xFFFFC000  }
0x112: {  	[tilespmem:s16], [sflag:$0x2] =	stream.indirect.gather [hbm4b:s4+s13], $0x80, s29, s13, $0xb8;
	[tilespmem:$0x1F000] =	vst v63  }
0x113: {  	_ =	swait.ge [sflag:s17], $0x4000  }
0x114: {  	[sflag:s17] =	ssyncset.done $0x0  }
0x115: {  	s30 =	rddreg [dreg:$0xe];
	[sflag:s17] =	ssyncadd.s32 $0xFFFFC000  }
0x116: {  	[spmem:s2] =	stream.indirect.scatter.add.f32 [tilespmem:s14], [sflag:$0x3], $0x80, s30, s13, $0xb8;
	[tilespmem:$0x1F000] =	vst v63  }
0x117: {  	_ =	swait.ge [sflag:s19], $0x4000  }
0x118: {  	[sflag:s19] =	ssyncset.done $0x0  }
0x119: {  	s31 =	sadd.s32 $0x700, s26;
	[sflag:s19] =	ssyncadd.s32 $0xFFFFC000  }
0x11a: {  	[tilespmem:s14], [sflag:$0x1] =	stream.indirect.gather [hbm4b:s4+s13], $0x80, s31, s13, $0xb8;
	[tilespmem:$0x1F000] =	vst v63  }
0x11b: {  	_ =	swait.ge [sflag:s20], $0x4000  }
0x11c: {  	[sflag:s20] =	ssyncset.done $0x0  }
0x11d: {  	s29 =	rddreg [dreg:$0xf];
	[sflag:s20] =	ssyncadd.s32 $0xFFFFC000  }
0x11e: {  	[spmem:s2] =	stream.indirect.scatter.add.f32 [tilespmem:s16], [sflag:$0x4], $0x80, s29, s13, $0xb8;
	[tilespmem:$0x1F000] =	vst v63  }
0x11f: {  	_ =	swait.ge [sflag:s21], $0x4000  }
0x120: {  	[sflag:s21] =	ssyncset.done $0x0  }
0x121: {  	s26 =	sadd.s32 $0x780, s26;
	[sflag:s21] =	ssyncadd.s32 $0xFFFFC000  }
0x122: {  	[tilespmem:s16], [sflag:$0x2] =	stream.indirect.gather [hbm4b:s4+s13], $0x80, s26, s13, $0xb8;
	[tilespmem:$0x1F000] =	vst v63  }
0x123: {  	_ =	swait.ge [sflag:s17], $0x4000  }
0x124: {  	s25 =	smov.u32 s23;
	[sflag:s17] =	ssyncset.done $0x0  }
0x125: {  	p1 =	seq.s32 s25, $0x8000;
	s30 =	rddreg [dreg:$0x10];
	[sflag:s17] =	ssyncadd.s32 $0xFFFFC000  }
0x126: {  	[spmem:s2] =	stream.indirect.scatter.add.f32 [tilespmem:s14], [sflag:$0x3], $0x80, s30, s13, $0xb8;
	[tilespmem:$0x1F000] =	vst v63  }
0x127: {  	s25 =	sshra.s32 @!p1 s25, $0x2;
	_ =	swait.ge [sflag:s19], $0x4000  }
0x128: {  	s23 =	sadd.s32 $0x2000, s23;
	s25 =	sadd.s32 @!p1 $0x800, s25;
	[sflag:s19] =	ssyncset.done $0x0  }
0x129: {  	s28 =	simm.s32 @!p1 $0x80;
	s26 =	simm.s32 @!p1 $0x3000;
	[sflag:s19] =	ssyncadd.s32 $0xFFFFC000  }
0x12a: {  	[tilespmem:s26], [sflag:$0x1] =	stream.indirect.gather @!p1 [hbm4b:s4+s28], $0x80, s25, s28, $0xb8;
	[tilespmem:$0x1F000] =	vst v63  }
0x12b: {  	p0 =	sne.s32 s23, $0xA000;
	_ =	swait.ge [sflag:s20], $0x4000  }
.Ltmp0:
0x12c: {  	[sflag:s20] =	ssyncset.done $0x0;
	(pc) =	sbr.rel @p0 .LBB2_2-.Ltmp0, $4  }
0x12d: {  	s31 =	rddreg [dreg:$0x11];
	[sflag:s20] =	ssyncadd.s32 $0xFFFFC000  }
0x12e: {  	[spmem:s2] =	stream.indirect.scatter.add.f32 [tilespmem:s16], [sflag:$0x4], $0x80, s31, s13, $0xb8;
	[tilespmem:$0x1F000] =	vst v63  }
0x12f: {  	_ =	swait.ge [sflag:s21], $0x4000  }
0x130: {  	s24 =	sadd.s32 $0x100, s24;
	[sflag:s21] =	ssyncset.done $0x0  }
0x131: {  	s22 =	sadd.s32 $0x1, s22  }
0x132: {  	[sflag:s21] =	ssyncadd.s32 $0xFFFFC000;
	p0 =	sne.s32 s22, s9  }
.Ltmp1:
0x133: {  	[bflag:$0x0] =	sbarrier.arrive $0xFFFF;
	(pc) =	sbr.rel @p0 .LBB2_1-.Ltmp1, $4  }
0x134: {  	[hbm:s8], [sflag:s6] =	dma.local [spmem:s11], $0x2800  }
0x135: {  	_ =	swait.ge [sflag:s12], $0x2800  }
0x136: {  	[sflag:s12] =	ssyncset.done $0x0  }
0x137: {  	[sflag:s12] =	ssyncadd.s32 $0xFFFFD800  }
0x138: {  	_ =	sfence.sel $0x180000  }
0x139: {  	[bflag:$0x0] =	sbarrier.arrive $0xFFFF  }
0x13a: {  	p0 =	sne.s32 s1, $0x0;
	_ =	strace $0x9000004A  }
0x13b: {  	s0 =	sadd.s32 @!p0 $0x100000, s0;
	[bflag:$0x2] =	sbarrier.arrive $0xFFFF  }
0x13c: {  	[sflag:s0] =	ssyncadd.tile.s32 @!p0 $0x1;
	_ =	shalt  }
.Lfunc_end2:
_tile_overlayer_lowered:
.L_overlay_start_2:
0x13d: {  	(tag) =	ssettag $0x2  }
0x13e: {  	s0 =	rddreg [dreg:$0x0];
	s2 =	stileid.u32  }
0x13f: {  	s1 =	rddreg [dreg:$0x1];
	p0 =	sne.s32 s2, $0x0  }
0x140: {  	s3 =	rddreg [dreg:$0x2];
	[bflag:$0x3] =	sbarrier.arrive $0xFFFF;
	s2 =	simm.s32 @!p0 $0x1C06  }
0x141: {  	[timem:s3], [sflag:s2] =	dma.local @!p0 [hbm:s0], s1  }
0x142: {  	s0 =	simm.s32 @!p0 $0x6  }
0x143: {  	_ =	swait.ge @!p0 [sflag:s0], s1  }
0x144: {  	s1 =	ssub.s32 @!p0 $0x0, s1;
	[sflag:s0] =	ssyncset.done @!p0 $0x0  }
0x145: {  	[sflag:s0] =	ssyncadd.s32 @!p0 s1  }
0x146: {  	[bflag:$0x3] =	sbarrier.arrive $0xFFFF  }
0x147: {  	_ =	shalt  }

// kernel: kernel.14.cloned.1.call-start
scs
__scs_entry_jumppad:
0x0: {  	(pc) =	sbr.rel $0x88, $3  }
0x1: {  	(tag) =	ssettag $0x0;
	lr =	simm.s32 $0x1  }
0x2: {  	[smem:$0x3F9C] =	sst lr;
	_ =	strace $0xD0000000  }
0x3: {  	_ = 	snop  }
0x4: {  	_ = 	snop  }
0x5: {  	_ = 	snop  }
0x6: {  	_ = 	snop  }
0x7: {  	_ = 	snop  }
__scs_overlays_trampoline_lowered:
0x8: {  	[smem:$0x3FAB] =	sst s0  }
0x9: {  	[smem:$0x3FAC] =	sst s1  }
0xa: {  	[smem:$0x3FAD] =	sst s2  }
0xb: {  	[smem:$0x3FAE] =	sst s3  }
0xc: {  	[smem:$0x3FAF] =	sst s4  }
0xd: {  	[smem:$0x3FB0] =	sst s5  }
0xe: {  	[smem:$0x3FB1] =	sst s6  }
0xf: {  	[smem:$0x3FB2] =	sst s7  }
0x10: {  	[smem:$0x3FB3] =	sst s8  }
0x11: {  	[smem:$0x3FB4] =	sst s9;
	s0 =	simm.s32 @!p0 $0x0  }
0x12: {  	s1 =	sld [smem:$0x3F9A];
	s0 =	simm.s32 @p0 $0x1  }
0x13: {  	[smem:$0x3FB5] =	sst s0;
	s0 =	simm.s32 @!p1 $0x0  }
0x14: {  	s2 =	sld [smem:$0x3F99];
	s0 =	simm.s32 @p1 $0x1  }
0x15: {  	[smem:$0x3FB6] =	sst s0;
	s0 =	simm.s32 @!p2 $0x0  }
0x16: {  	s3 =	sld [smem:$0x3FDB];
	s0 =	simm.s32 @p2 $0x1  }
0x17: {  	s4 =	simm.s32 $0x1BF5;
	[smem:$0x3FB8] =	sst s0  }
0x18: {  	s0 =	sld [smem:$0x3F9B];
	_ =	swait.ge [sflag:s4], $0x0  }
0x19: {  	s7 =	sld [smem:$0x3F9C]  }
0x1a: {  	s8 =	sadd.s32 $0xFFFFE003, lr  }
0x1b: {  	s9 =	sadd.s32 $0xFFFFFEF7, lr;
	s5 =	simm.s32 $0xFFFFFFFF;
	p2 =	slt.u32 s8, $0xFFFFF086  }
0x1c: {  	p1 =	slt.u32 s9, $0xF7A;
	s5 =	simm.s32 @!p2 $0x0  }
0x1d: {  	s5 =	simm.s32 @p1 $0x1;
	p0 =	seq.s32 s7, s2  }
0x1e: {  	s7 =	smul.u32 @!p0 $0xF7A, s2;
	p2 =	seq.s32 @!p0 s5, $0x0  }
0x1f: {  	s9 =	smul.u32 $0xF7A, s1;
	s8 =	simm.s32 @!p0 $0x1BF5;
	p2 =	por !p2, p0  }
0x20: {  	[sflag:s8] =	ssyncset.s32 @!p0 $0xFFFFF086;
	s6 =	sadd.s32 @!p0 s3, s7;
	s7 =	simm.s32 @!p0 $0x108  }
0x21: {  	s3 =	sadd.s32 s3, s9;
	s6 =	sadd.s32 @!p0 $0x88, s6;
	s7 =	simm.s32 @p2 $0x1082  }
0x22: {  	[simem:s7], [sflag:s8] =	dma.local @!p0 [hbm:s6], $0xF7A  }
0x23: {  	s9 =	sor.u32 $0xD0000000, s2;
	s6 =	simm.s32 $0x108;
	_ =	swait.ge @!p0 [sflag:s8], $0x0  }
0x24: {  	s3 =	sadd.s32 $0x88, s3;
	s6 =	simm.s32 @!p1 $0x1082;
	[sflag:s4] =	ssyncset.s32 $0xFFFFF086  }
0x25: {  	[simem:s6], [sflag:s4] =	dma.local [hbm:s3], $0xF7A  }
0x26: {  	[smem:$0x3F9C] =	sst s1;
	(tag) =	ssettag s2;
	_ =	strace s9  }
0x27: {  	s1 =	sld [smem:$0x3FAC]  }
0x28: {  	s2 =	sld [smem:$0x3FAD]  }
0x29: {  	s4 =	sld [smem:$0x3FAF]  }
0x2a: {  	p0 =	seq.s32 s5, $0x0;
	s5 =	sld [smem:$0x3FB0]  }
0x2b: {  	s6 =	sld [smem:$0x3FB1]  }
0x2c: {  	s7 =	sld [smem:$0x3FB2]  }
0x2d: {  	s3 =	simm.s32 $0x108;
	s8 =	sld [smem:$0x3FB3]  }
0x2e: {  	s3 =	simm.s32 @!p0 $0x1082;
	s9 =	sld [smem:$0x3FB4]  }
0x2f: {  	lr =	sadd.s32 s0, s3;
	s0 =	sld [smem:$0x3FAB]  }
0x30: {  	s3 =	sld [smem:$0x3FAE]  }
0x31: {  	[smem:$0x3FB7] =	sst s10  }
0x32: {  	s10 =	sld [smem:$0x3FB5];
	_ =	sdelay $0x3  }
0x33: {  	p0 =	seq.s32 s10, $0x1;
	s10 =	sld [smem:$0x3FB7];
	_ =	sdelay $0x3  }
0x34: {  	[smem:$0x3FB7] =	sst s10  }
0x35: {  	s10 =	sld [smem:$0x3FB6];
	_ =	sdelay $0x3  }
0x36: {  	p1 =	seq.s32 s10, $0x1;
	s10 =	sld [smem:$0x3FB7];
	_ =	sdelay $0x3  }
0x37: {  	[smem:$0x3FB7] =	sst s10  }
0x38: {  	s10 =	sld [smem:$0x3FB8]  }
0x39: {  	_ = 	snop;
	(pc) =	sbr.ind lr, $3  }
0x3a: {  	_ = 	snop  }
0x3b: {  	_ = 	snop  }
0x3c: {  	p2 =	seq.s32 s10, $0x1;
	s10 =	sld [smem:$0x3FB7]  }
0x3d: {  	_ =	shalt  }
0x3e: {  	_ =	shalt  }
0x3f: {  	_ =	shalt  }
0x40: {  	_ =	shalt  }
0x41: {  	_ =	shalt  }
0x42: {  	_ =	shalt  }
0x43: {  	_ =	shalt  }
0x44: {  	_ =	shalt  }
0x45: {  	_ =	shalt  }
0x46: {  	_ =	shalt  }
0x47: {  	_ =	shalt  }
0x48: {  	_ =	shalt  }
0x49: {  	_ =	shalt  }
0x4a: {  	_ =	shalt  }
0x4b: {  	_ =	shalt  }
0x4c: {  	_ =	shalt  }
0x4d: {  	_ =	shalt  }
0x4e: {  	_ =	shalt  }
0x4f: {  	_ =	shalt  }
0x50: {  	_ =	shalt  }
0x51: {  	_ =	shalt  }
0x52: {  	_ =	shalt  }
0x53: {  	_ =	shalt  }
0x54: {  	_ =	shalt  }
0x55: {  	_ =	shalt  }
0x56: {  	_ =	shalt  }
0x57: {  	_ =	shalt  }
0x58: {  	_ =	shalt  }
0x59: {  	_ =	shalt  }
0x5a: {  	_ =	shalt  }
0x5b: {  	_ =	shalt  }
0x5c: {  	_ =	shalt  }
0x5d: {  	_ =	shalt  }
0x5e: {  	_ =	shalt  }
0x5f: {  	_ =	shalt  }
0x60: {  	_ =	shalt  }
0x61: {  	_ =	shalt  }
0x62: {  	_ =	shalt  }
0x63: {  	_ =	shalt  }
0x64: {  	_ =	shalt  }
0x65: {  	_ =	shalt  }
0x66: {  	_ =	shalt  }
0x67: {  	_ =	shalt  }
0x68: {  	_ =	shalt  }
0x69: {  	_ =	shalt  }
0x6a: {  	_ =	shalt  }
0x6b: {  	_ =	shalt  }
0x6c: {  	_ =	shalt  }
0x6d: {  	_ =	shalt  }
0x6e: {  	_ =	shalt  }
0x6f: {  	_ =	shalt  }
0x70: {  	_ =	shalt  }
0x71: {  	_ =	shalt  }
0x72: {  	_ =	shalt  }
0x73: {  	_ =	shalt  }
0x74: {  	_ =	shalt  }
0x75: {  	_ =	shalt  }
0x76: {  	_ =	shalt  }
0x77: {  	_ =	shalt  }
0x78: {  	_ =	shalt  }
0x79: {  	_ =	shalt  }
0x7a: {  	_ =	shalt  }
0x7b: {  	_ =	shalt  }
0x7c: {  	_ =	shalt  }
0x7d: {  	_ =	shalt  }
0x7e: {  	_ =	shalt  }
0x7f: {  	_ =	shalt  }
0x80: {  	_ =	shalt  }
0x81: {  	_ =	shalt  }
0x82: {  	_ =	shalt  }
0x83: {  	_ =	shalt  }
0x84: {  	_ =	shalt  }
0x85: {  	_ =	shalt  }
0x86: {  	_ =	shalt  }
0x87: {  	_ =	shalt  }
.Lfunc_end0:
.L_simem_size_0:
called_computation.2_lowered:
.L_overlay_start_0:
0x88: {  	s2 =	sld [smem:$0x3FD9]  }
0x89: {  	s3 =	sld [smem:$0x3FFE];
	_ =	sdelay $0x1  }
0x8a: {  	s1 =	srdreg.scid  }
0x8b: {  	s0 =	sand.u32 $0x1, s1  }
0x8c: {  	s16 =	sshll.u32 s0, $0xA;
	s2 =	sadd.s32 s3, s2  }
0x8d: {  	s2 =	sadd.s32 s2, s16  }
0x8e: {  	[smem:$0x3FC3] =	sst s2  }
0x8f: {  	_ = 	snop  }
0x90: {  	(tm) =	ssettm $0x1  }
0x91: {  	s17 =	sld [smem:$0x3FFB];
	_ =	sdelay $0x3  }
0x92: {  	_ =	strace s17  }
0x93: {  	s2 =	sld [smem:$0x3FFC];
	_ =	sdelay $0x3  }
0x94: {  	_ =	strace s2  }
0x95: {  	s2 =	sld [smem:$0x3FFD];
	_ =	sdelay $0x3  }
0x96: {  	_ =	strace s2  }
0x97: {  	_ =	strace $0x8FFFFFFF  }
0x98: {  	s18 =	sld [smem:$0x3FDB];
	_ =	sdelay $0x1  }
0x99: {  	s19 =	simm.s32 $_scs_section_size  }
0x9a: {  	s4 =	simm.s32 $_size__tile_overlayer_lowered;
	s5 =	simm.s32 $_tile_overlayer_lowered  }
0x9b: {  	s22 =	simm.s32 $0x1BFF;
	s21 =	sshll.u32 s5, $0x1;
	s2 =	sadd.s32 s19, s18  }
0x9c: {  	s6 =	simm.s32 $0x0;
	s20 =	sshll.u32 s4, $0x1;
	s4 =	sadd.s32 s21, s2  }
0x9d: {  	[timem:s6], [sflag:s22] =	dma.local [hbm:s4], s20  }
0x9e: {  	_ =	swait.ge [sflag:s22], s20  }
0x9f: {  	s3 =	ssub.s32 $0x0, s20;
	[sflag:s22] =	ssyncset.done $0x0  }
0xa0: {  	[sflag:s22] =	ssyncadd.s32 s3;
	_ =	sdelay $0x1  }
0xa1: {  	s23 =	simm.s32 $0x1B8B  }
0xa2: {  	_ =	swait.ge [sflag:s23], $0x1  }
0xa3: {  	[sflag:s23] =	ssyncset.done $0x0  }
0xa4: {  	s25 =	simm.s32 $0x1B8E;
	s24 =	sld [smem:$0x3FFE];
	[sflag:s23] =	ssyncadd.s32 $0xFFFFFFFF  }
0xa5: {  	s26 =	simm.s32 $execute0_lowered;
	[smem:$0x3FD2] =	sst s25  }
0xa6: {  	s4 =	sshll.u32 s26, $0x1;
	_ =	strace $0x8000004C;
	[dreg:$0x1] =	wrdreg $0xFFFFFFFF  }
0xa7: {  	s28 =	simm.s32 $_size_execute0_lowered;
	s2 =	sadd.s32 s2, s4;
	[dreg:$0x0] =	wrdreg $0x0  }
0xa8: {  	s4 =	sshll.u32 s28, $0x1;
	[dreg:$0x2] =	wrdreg s2  }
0xa9: {  	[dreg:$0x3] =	wrdreg s4  }
0xaa: {  	[dreg:$0x4] =	wrdreg $0xC0  }
0xab: {  	_ =	task [dreg:s6], $0x5FFFF  }
0xac: {  	[dreg:$0x1] =	wrdreg $0xFFFFFFFF  }
0xad: {  	[dreg:$0x0] =	wrdreg $0x60  }
0xae: {  	[dreg:$0x2] =	wrdreg s24  }
0xaf: {  	[dreg:$0x3] =	wrdreg $0xB0000  }
0xb0: {  	[dreg:$0x4] =	wrdreg $0x9  }
0xb1: {  	_ =	task.clear_ibuf [dreg:s6], $0x5FFFF;
	_ =	strace $0x9000004C  }
0xb2: {  	s29 =	simm.s32 $0x9;
	_ =	strace $0x8000004E  }
0xb3: {  	_ =	swait.ge [sflag:s29], $0x1  }
0xb4: {  	[sflag:s29] =	ssyncadd.s32 $0xFFFFFFFF  }
0xb5: {  	_ =	strace $0x9000004E  }
0xb6: {  	_ =	sfence  }
0xb7: {  	s30 =	sld [smem:$0x0];
	_ =	sdelay $0x2  }
0xb8: {  	s31 =	sshll.u32 s1, $0xD;
	s1 =	sshrl.u32 s1, $0x2  }
0xb9: {  	s3 =	sand.u32 $0x4000, s31;
	s1 =	sadd.s32 s1, s30  }
0xba: {  	s0 =	sor.u32 s3, s0;
	s1 =	sshll.u32 s1, $0x11  }
0xbb: {  	s0 =	sor.u32 s1, s0  }
0xbc: {  	s0 =	sadd.s32 $0x8F2B, s0  }
0xbd: {  	[sflag:s0] =	ssyncadd.remote.s32 $0x1  }
0xbe: {  	_ =	sfence.sel $0xFFFF  }
0xbf: {  	[dreg:$0x0] =	wrdreg $0xFFFFFFFF;
	(pc) =	sbr.abs _section_cstart, $3  }
0xc0: {  	[dreg:$0x1] =	wrdreg $0xFFFFFFFF  }
0xc1: {  	_ =	task.clear_ibuf [dreg:s6], $0x2FFFF;
	_ =	strace $0x9FFFFFFF  }
0xc2: {  	(tm) =	ssettm $0x7FFFFFFF  }
0xc3: {  	_ =	shalt  }
tec
execute0_lowered:
.L_overlay_start_1:
0x0: {  	(tag) =	ssettag $0x1  }
0x1: {  	s5 =	rddreg [dreg:$0x0]  }
0x2: {  	s2 =	rddreg [dreg:$0x1]  }
0x3: {  	s1 =	srdreg.scid;
	s0 =	rddreg [dreg:$0x2]  }
0x4: {  	s3 =	simm.s32 $0x0;
	s25 =	simm.s32 $0x2880;
	s26 =	simm.s32 $0x2900  }
0x5: {  	s28 =	simm.s32 $0x2980;
	s29 =	simm.s32 $0x2A00;
	[smem:$0x7FF] =	sst s3  }
0x6: {  	s30 =	simm.s32 $0x2A80;
	_ =	strace $0x8000004D;
	[dreg:$0x3] =	wrdreg s25  }
0x7: {  	s31 =	simm.s32 $0x2B00;
	s14 =	simm.s32 $0x2B80;
	[dreg:$0x4] =	wrdreg s26  }
0x8: {  	s15 =	simm.s32 $0x2C00;
	s16 =	simm.s32 $0x2C80;
	[dreg:$0x5] =	wrdreg s28  }
0x9: {  	s6 =	sand.u32 $0x1, s1;
	s1 =	stileid.u32;
	[dreg:$0x6] =	wrdreg s29  }
0xa: {  	s17 =	simm.s32 $0x2D00;
	s7 =	smul.u32 $0x28000, s6;
	[dreg:$0x7] =	wrdreg s30  }
0xb: {  	s18 =	simm.s32 $0x2D80;
	s8 =	smul.u32 $0x2800, s1;
	[dreg:$0x8] =	wrdreg s31  }
0xc: {  	s19 =	simm.s32 $0x2E00;
	s20 =	smul.u32 $0x14000, s1;
	[dreg:$0x9] =	wrdreg s14  }
0xd: {  	s4 =	sshll.u32 s6, $0x4;
	s10 =	smul.u32 $0x140000, s6;
	[dreg:$0xa] =	wrdreg s15  }
0xe: {  	s22 =	smul.u32 $0x50000, s1;
	s6 =	ssub.s32 $0x2, s6;
	[dreg:$0xb] =	wrdreg s16  }
0xf: {  	s24 =	sshll.u32 s1, $0x6;
	s14 =	simm.s32 $0x3000;
	[dreg:$0xc] =	wrdreg s17  }
0x10: {  	s15 =	simm.s32 $0x2800;
	s16 =	simm.s32 $0x7000;
	[dreg:$0xd] =	wrdreg s18  }
0x11: {  	s17 =	simm.s32 $0x1;
	s18 =	simm.s32 $0x5;
	[dreg:$0xe] =	wrdreg s19  }
0x12: {  	s19 =	simm.s32 $0x3;
	s4 =	sor.u32 s1, s4;
	s23 =	sshrl.u32 s6, $0x1  }
0x13: {  	s4 =	smul.u32 $0x2800, s4;
	s7 =	sadd.s32 s8, s7;
	s21 =	sshrl.u32 s20, $0x3  }
0x14: {  	s8 =	sadd.s32 s20, s10;
	s10 =	sshrl.u32 s22, $0x2;
	s12 =	ssub.s32 s6, s23  }
0x15: {  	s6 =	sor.u32 $0x1C06, s24;
	s20 =	simm.s32 $0x2E80;
	s22 =	simm.s32 $0x2F80  }
0x16: {  	s7 =	sshrl.u32 s7, $0x3;
	s8 =	sshrl.u32 s8, $0x3;
	[dreg:$0xf] =	wrdreg s20  }
0x17: {  	s13 =	sadd.s32 s10, s2;
	s20 =	simm.s32 $0x2;
	[dreg:$0x11] =	wrdreg s22  }
0x18: {  	s22 =	simm.s32 $0x0;
	s9 =	sshrl.u32 s4, $0x3;
	s4 =	sadd.s32 $0x16800, s5  }
0x19: {  	s11 =	sadd.s32 s7, s5;
	s7 =	sadd.s32 s21, s5;
	s8 =	sadd.s32 s8, s5  }
0x1a: {  	s21 =	simm.s32 $0x2F00;
	s9 =	sadd.s32 s9, s5;
	s5 =	sadd.s32 $0x3E800, s7  }
0x1b: {  	s8 =	sadd.s32 $0x66800, s8;
	s10 =	sadd.s32 $0xC800, s11;
	s11 =	sshrl.u32 s13, $0x3  }
0x1c: {  	s13 =	simm.s32 $0x80;
	[dreg:$0x10] =	wrdreg s21;
	s21 =	simm.s32 $0x4  }
0x1d: {  	s7 =	sadd.s32 $0x2800, s9;
	s9 =	smax.u32 s12, $0x1;
	s12 =	simm.s32 $0x6  }
.LBB2_1:
0x1e: {  	[spmem:s11], [sflag:s6] =	dma.local [hbm:s5], $0x2800  }
0x1f: {  	_ =	swait.ge [sflag:s12], $0x2800  }
0x20: {  	[sflag:s12] =	ssyncset.done $0x0  }
0x21: {  	[sflag:s12] =	ssyncadd.s32 $0xFFFFD800  }
0x22: {  	[tilespmem:s3], [sflag:$0x6] =	stream.linear.gather [hbm4b:s7+s3], $0x2800, $0x38;
	[tilespmem:$0x1F000] =	vst v63  }
0x23: {  	_ =	swait.ge [sflag:s12], $0x2800  }
0x24: {  	[sflag:s12] =	ssyncset.done $0x0  }
0x25: {  	[sflag:s12] =	ssyncadd.s32 $0xFFFFD800  }
0x26: {  	[tilespmem:s14], [sflag:$0x1] =	stream.indirect.gather [hbm4b:s4+s13], $0x80, s3, s13, $0xb8;
	[tilespmem:$0x1F000] =	vst v63  }
0x27: {  	[bflag:$0x0] =	sbarrier.arrive $0xFFFF  }
0x28: {  	[tilespmem:s15], [sflag:$0x5] =	stream.linear.gather [hbm4b:s10+s3], $0x800, $0x38;
	[tilespmem:$0x1F000] =	vst v63  }
0x29: {  	s23 =	simm.s32 $0x80  }
0x2a: {  	[tilespmem:s16], [sflag:$0x2] =	stream.indirect.gather [hbm4b:s4+s13], $0x80, s23, s13, $0xb8;
	[tilespmem:$0x1F000] =	vst v63  }
0x2b: {  	_ =	swait.ge [sflag:s17], $0x4000  }
0x2c: {  	[sflag:s17] =	ssyncset.done $0x0  }
0x2d: {  	[sflag:s17] =	ssyncadd.s32 $0xFFFFC000  }
0x2e: {  	_ =	swait.ge [sflag:s18], $0x800  }
0x2f: {  	[sflag:s18] =	ssyncset.done $0x0  }
0x30: {  	[sflag:s18] =	ssyncadd.s32 $0xFFFFF800  }
0x31: {  	[spmem:s2] =	stream.indirect.scatter.add.f32 [tilespmem:s14], [sflag:$0x3], $0x80, s15, s13, $0xb8;
	[tilespmem:$0x1F000] =	vst v63  }
0x32: {  	_ =	swait.ge [sflag:s19], $0x4000  }
0x33: {  	[sflag:s19] =	ssyncset.done $0x0  }
0x34: {  	s31 =	simm.s32 $0x100;
	[sflag:s19] =	ssyncadd.s32 $0xFFFFC000  }
0x35: {  	[tilespmem:s14], [sflag:$0x1] =	stream.indirect.gather [hbm4b:s4+s13], $0x80, s31, s13, $0xb8;
	[tilespmem:$0x1F000] =	vst v63  }
0x36: {  	_ =	swait.ge [sflag:s20], $0x4000  }
0x37: {  	[sflag:s20] =	ssyncset.done $0x0  }
0x38: {  	s24 =	rddreg [dreg:$0x3];
	[sflag:s20] =	ssyncadd.s32 $0xFFFFC000  }
0x39: {  	[spmem:s2] =	stream.indirect.scatter.add.f32 [tilespmem:s16], [sflag:$0x4], $0x80, s24, s13, $0xb8;
	[tilespmem:$0x1F000] =	vst v63  }
0x3a: {  	_ =	swait.ge [sflag:s21], $0x4000  }
0x3b: {  	[sflag:s21] =	ssyncset.done $0x0  }
0x3c: {  	s25 =	simm.s32 $0x180;
	[sflag:s21] =	ssyncadd.s32 $0xFFFFC000  }
0x3d: {  	[tilespmem:s16], [sflag:$0x2] =	stream.indirect.gather [hbm4b:s4+s13], $0x80, s25, s13, $0xb8;
	[tilespmem:$0x1F000] =	vst v63  }
0x3e: {  	_ =	swait.ge [sflag:s17], $0x4000  }
0x3f: {  	[sflag:s17] =	ssyncset.done $0x0  }
0x40: {  	s26 =	rddreg [dreg:$0x4];
	[sflag:s17] =	ssyncadd.s32 $0xFFFFC000  }
0x41: {  	[spmem:s2] =	stream.indirect.scatter.add.f32 [tilespmem:s14], [sflag:$0x3], $0x80, s26, s13, $0xb8;
	[tilespmem:$0x1F000] =	vst v63  }
0x42: {  	_ =	swait.ge [sflag:s19], $0x4000  }
0x43: {  	[sflag:s19] =	ssyncset.done $0x0  }
0x44: {  	s28 =	simm.s32 $0x200;
	[sflag:s19] =	ssyncadd.s32 $0xFFFFC000  }
0x45: {  	[tilespmem:s14], [sflag:$0x1] =	stream.indirect.gather [hbm4b:s4+s13], $0x80, s28, s13, $0xb8;
	[tilespmem:$0x1F000] =	vst v63  }
0x46: {  	_ =	swait.ge [sflag:s20], $0x4000  }
0x47: {  	[sflag:s20] =	ssyncset.done $0x0  }
0x48: {  	s29 =	rddreg [dreg:$0x5];
	[sflag:s20] =	ssyncadd.s32 $0xFFFFC000  }
0x49: {  	[spmem:s2] =	stream.indirect.scatter.add.f32 [tilespmem:s16], [sflag:$0x4], $0x80, s29, s13, $0xb8;
	[tilespmem:$0x1F000] =	vst v63  }
0x4a: {  	_ =	swait.ge [sflag:s21], $0x4000  }
0x4b: {  	[sflag:s21] =	ssyncset.done $0x0  }
0x4c: {  	s30 =	simm.s32 $0x280;
	[sflag:s21] =	ssyncadd.s32 $0xFFFFC000  }
0x4d: {  	[tilespmem:s16], [sflag:$0x2] =	stream.indirect.gather [hbm4b:s4+s13], $0x80, s30, s13, $0xb8;
	[tilespmem:$0x1F000] =	vst v63  }
0x4e: {  	_ =	swait.ge [sflag:s17], $0x4000  }
0x4f: {  	[sflag:s17] =	ssyncset.done $0x0  }
0x50: {  	s31 =	rddreg [dreg:$0x6];
	[sflag:s17] =	ssyncadd.s32 $0xFFFFC000  }
0x51: {  	[spmem:s2] =	stream.indirect.scatter.add.f32 [tilespmem:s14], [sflag:$0x3], $0x80, s31, s13, $0xb8;
	[tilespmem:$0x1F000] =	vst v63  }
0x52: {  	_ =	swait.ge [sflag:s19], $0x4000  }
0x53: {  	[sflag:s19] =	ssyncset.done $0x0  }
0x54: {  	s24 =	simm.s32 $0x300;
	[sflag:s19] =	ssyncadd.s32 $0xFFFFC000  }
0x55: {  	[tilespmem:s14], [sflag:$0x1] =	stream.indirect.gather [hbm4b:s4+s13], $0x80, s24, s13, $0xb8;
	[tilespmem:$0x1F000] =	vst v63  }
0x56: {  	_ =	swait.ge [sflag:s20], $0x4000  }
0x57: {  	[sflag:s20] =	ssyncset.done $0x0  }
0x58: {  	s25 =	rddreg [dreg:$0x7];
	[sflag:s20] =	ssyncadd.s32 $0xFFFFC000  }
0x59: {  	[spmem:s2] =	stream.indirect.scatter.add.f32 [tilespmem:s16], [sflag:$0x4], $0x80, s25, s13, $0xb8;
	[tilespmem:$0x1F000] =	vst v63  }
0x5a: {  	_ =	swait.ge [sflag:s21], $0x4000  }
0x5b: {  	[sflag:s21] =	ssyncset.done $0x0  }
0x5c: {  	s26 =	simm.s32 $0x380;
	[sflag:s21] =	ssyncadd.s32 $0xFFFFC000  }
0x5d: {  	[tilespmem:s16], [sflag:$0x2] =	stream.indirect.gather [hbm4b:s4+s13], $0x80, s26, s13, $0xb8;
	[tilespmem:$0x1F000] =	vst v63  }
0x5e: {  	_ =	swait.ge [sflag:s17], $0x4000  }
0x5f: {  	[sflag:s17] =	ssyncset.done $0x0  }
0x60: {  	s28 =	rddreg [dreg:$0x8];
	[sflag:s17] =	ssyncadd.s32 $0xFFFFC000  }
0x61: {  	[spmem:s2] =	stream.indirect.scatter.add.f32 [tilespmem:s14], [sflag:$0x3], $0x80, s28, s13, $0xb8;
	[tilespmem:$0x1F000] =	vst v63  }
0x62: {  	_ =	swait.ge [sflag:s19], $0x4000  }
0x63: {  	[sflag:s19] =	ssyncset.done $0x0  }
0x64: {  	s29 =	simm.s32 $0x400;
	[sflag:s19] =	ssyncadd.s32 $0xFFFFC000  }
0x65: {  	[tilespmem:s14], [sflag:$0x1] =	stream.indirect.gather [hbm4b:s4+s13], $0x80, s29, s13, $0xb8;
	[tilespmem:$0x1F000] =	vst v63  }
0x66: {  	_ =	swait.ge [sflag:s20], $0x4000  }
0x67: {  	[sflag:s20] =	ssyncset.done $0x0  }
0x68: {  	s30 =	rddreg [dreg:$0x9];
	[sflag:s20] =	ssyncadd.s32 $0xFFFFC000  }
0x69: {  	[spmem:s2] =	stream.indirect.scatter.add.f32 [tilespmem:s16], [sflag:$0x4], $0x80, s30, s13, $0xb8;
	[tilespmem:$0x1F000] =	vst v63  }
0x6a: {  	_ =	swait.ge [sflag:s21], $0x4000  }
0x6b: {  	[sflag:s21] =	ssyncset.done $0x0  }
0x6c: {  	s31 =	simm.s32 $0x480;
	[sflag:s21] =	ssyncadd.s32 $0xFFFFC000  }
0x6d: {  	[tilespmem:s16], [sflag:$0x2] =	stream.indirect.gather [hbm4b:s4+s13], $0x80, s31, s13, $0xb8;
	[tilespmem:$0x1F000] =	vst v63  }
0x6e: {  	_ =	swait.ge [sflag:s17], $0x4000  }
0x6f: {  	[sflag:s17] =	ssyncset.done $0x0  }
0x70: {  	s24 =	rddreg [dreg:$0xa];
	[sflag:s17] =	ssyncadd.s32 $0xFFFFC000  }
0x71: {  	[spmem:s2] =	stream.indirect.scatter.add.f32 [tilespmem:s14], [sflag:$0x3], $0x80, s24, s13, $0xb8;
	[tilespmem:$0x1F000] =	vst v63  }
0x72: {  	_ =	swait.ge [sflag:s19], $0x4000  }
0x73: {  	[sflag:s19] =	ssyncset.done $0x0  }
0x74: {  	s25 =	simm.s32 $0x500;
	[sflag:s19] =	ssyncadd.s32 $0xFFFFC000  }
0x75: {  	[tilespmem:s14], [sflag:$0x1] =	stream.indirect.gather [hbm4b:s4+s13], $0x80, s25, s13, $0xb8;
	[tilespmem:$0x1F000] =	vst v63  }
0x76: {  	_ =	swait.ge [sflag:s20], $0x4000  }
0x77: {  	[sflag:s20] =	ssyncset.done $0x0  }
0x78: {  	s26 =	rddreg [dreg:$0xb];
	[sflag:s20] =	ssyncadd.s32 $0xFFFFC000  }
0x79: {  	[spmem:s2] =	stream.indirect.scatter.add.f32 [tilespmem:s16], [sflag:$0x4], $0x80, s26, s13, $0xb8;
	[tilespmem:$0x1F000] =	vst v63  }
0x7a: {  	_ =	swait.ge [sflag:s21], $0x4000  }
0x7b: {  	[sflag:s21] =	ssyncset.done $0x0  }
0x7c: {  	s28 =	simm.s32 $0x580;
	[sflag:s21] =	ssyncadd.s32 $0xFFFFC000  }
0x7d: {  	[tilespmem:s16], [sflag:$0x2] =	stream.indirect.gather [hbm4b:s4+s13], $0x80, s28, s13, $0xb8;
	[tilespmem:$0x1F000] =	vst v63  }
0x7e: {  	_ =	swait.ge [sflag:s17], $0x4000  }
0x7f: {  	[sflag:s17] =	ssyncset.done $0x0  }
0x80: {  	s29 =	rddreg [dreg:$0xc];
	[sflag:s17] =	ssyncadd.s32 $0xFFFFC000  }
0x81: {  	[spmem:s2] =	stream.indirect.scatter.add.f32 [tilespmem:s14], [sflag:$0x3], $0x80, s29, s13, $0xb8;
	[tilespmem:$0x1F000] =	vst v63  }
0x82: {  	_ =	swait.ge [sflag:s19], $0x4000  }
0x83: {  	[sflag:s19] =	ssyncset.done $0x0  }
0x84: {  	s30 =	simm.s32 $0x600;
	[sflag:s19] =	ssyncadd.s32 $0xFFFFC000  }
0x85: {  	[tilespmem:s14], [sflag:$0x1] =	stream.indirect.gather [hbm4b:s4+s13], $0x80, s30, s13, $0xb8;
	[tilespmem:$0x1F000] =	vst v63  }
0x86: {  	_ =	swait.ge [sflag:s20], $0x4000  }
0x87: {  	[sflag:s20] =	ssyncset.done $0x0  }
0x88: {  	s31 =	rddreg [dreg:$0xd];
	[sflag:s20] =	ssyncadd.s32 $0xFFFFC000  }
0x89: {  	[spmem:s2] =	stream.indirect.scatter.add.f32 [tilespmem:s16], [sflag:$0x4], $0x80, s31, s13, $0xb8;
	[tilespmem:$0x1F000] =	vst v63  }
0x8a: {  	_ =	swait.ge [sflag:s21], $0x4000  }
0x8b: {  	[sflag:s21] =	ssyncset.done $0x0  }
0x8c: {  	s24 =	simm.s32 $0x680;
	[sflag:s21] =	ssyncadd.s32 $0xFFFFC000  }
0x8d: {  	[tilespmem:s16], [sflag:$0x2] =	stream.indirect.gather [hbm4b:s4+s13], $0x80, s24, s13, $0xb8;
	[tilespmem:$0x1F000] =	vst v63  }
0x8e: {  	_ =	swait.ge [sflag:s17], $0x4000  }
0x8f: {  	[sflag:s17] =	ssyncset.done $0x0  }
0x90: {  	s25 =	rddreg [dreg:$0xe];
	[sflag:s17] =	ssyncadd.s32 $0xFFFFC000  }
0x91: {  	[spmem:s2] =	stream.indirect.scatter.add.f32 [tilespmem:s14], [sflag:$0x3], $0x80, s25, s13, $0xb8;
	[tilespmem:$0x1F000] =	vst v63  }
0x92: {  	_ =	swait.ge [sflag:s19], $0x4000  }
0x93: {  	[sflag:s19] =	ssyncset.done $0x0  }
0x94: {  	s26 =	simm.s32 $0x700;
	[sflag:s19] =	ssyncadd.s32 $0xFFFFC000  }
0x95: {  	[tilespmem:s14], [sflag:$0x1] =	stream.indirect.gather [hbm4b:s4+s13], $0x80, s26, s13, $0xb8;
	[tilespmem:$0x1F000] =	vst v63  }
0x96: {  	_ =	swait.ge [sflag:s20], $0x4000  }
0x97: {  	[sflag:s20] =	ssyncset.done $0x0  }
0x98: {  	s28 =	rddreg [dreg:$0xf];
	[sflag:s20] =	ssyncadd.s32 $0xFFFFC000  }
0x99: {  	[spmem:s2] =	stream.indirect.scatter.add.f32 [tilespmem:s16], [sflag:$0x4], $0x80, s28, s13, $0xb8;
	[tilespmem:$0x1F000] =	vst v63  }
0x9a: {  	_ =	swait.ge [sflag:s21], $0x4000  }
0x9b: {  	[sflag:s21] =	ssyncset.done $0x0  }
0x9c: {  	s29 =	simm.s32 $0x780;
	[sflag:s21] =	ssyncadd.s32 $0xFFFFC000  }
0x9d: {  	[tilespmem:s16], [sflag:$0x2] =	stream.indirect.gather [hbm4b:s4+s13], $0x80, s29, s13, $0xb8;
	[tilespmem:$0x1F000] =	vst v63  }
0x9e: {  	_ =	swait.ge [sflag:s17], $0x4000  }
0x9f: {  	[sflag:s17] =	ssyncset.done $0x0  }
0xa0: {  	s30 =	rddreg [dreg:$0x10];
	[sflag:s17] =	ssyncadd.s32 $0xFFFFC000  }
0xa1: {  	[spmem:s2] =	stream.indirect.scatter.add.f32 [tilespmem:s14], [sflag:$0x3], $0x80, s30, s13, $0xb8;
	[tilespmem:$0x1F000] =	vst v63  }
0xa2: {  	p0 =	por $0x0, $0x0;
	_ =	swait.ge [sflag:s19], $0x4000  }
0xa3: {  	s23 =	simm.s32 @!p0 $0x3000;
	[sflag:s19] =	ssyncset.done $0x0  }
0xa4: {  	s24 =	simm.s32 @!p0 $0x800;
	s25 =	simm.s32 @!p0 $0x80;
	[sflag:s19] =	ssyncadd.s32 $0xFFFFC000  }
0xa5: {  	[tilespmem:s23], [sflag:$0x1] =	stream.indirect.gather @!p0 [hbm4b:s4+s25], $0x80, s24, s25, $0xb8;
	[tilespmem:$0x1F000] =	vst v63  }
0xa6: {  	_ =	swait.ge [sflag:s20], $0x4000  }
0xa7: {  	[sflag:s20] =	ssyncset.done $0x0  }
0xa8: {  	s31 =	rddreg [dreg:$0x11];
	[sflag:s20] =	ssyncadd.s32 $0xFFFFC000  }
0xa9: {  	[spmem:s2] =	stream.indirect.scatter.add.f32 [tilespmem:s16], [sflag:$0x4], $0x80, s31, s13, $0xb8;
	[tilespmem:$0x1F000] =	vst v63  }
0xaa: {  	_ =	swait.ge [sflag:s21], $0x4000  }
0xab: {  	s23 =	simm.s32 $0x2000;
	s24 =	sadd.s32 $0x100, s10;
	[sflag:s21] =	ssyncset.done $0x0  }
.LBB2_2:
0xac: {  	s26 =	sshra.s32 s23, $0x2;
	[sflag:s21] =	ssyncadd.s32 $0xFFFFC000  }
0xad: {  	[tilespmem:s15], [sflag:$0x5] =	stream.linear.gather [hbm4b:s24+s3], $0x800, $0x38;
	[tilespmem:$0x1F000] =	vst v63  }
0xae: {  	s28 =	sadd.s32 $0x80, s26  }
0xaf: {  	[tilespmem:s16], [sflag:$0x2] =	stream.indirect.gather [hbm4b:s4+s13], $0x80, s28, s13, $0xb8;
	[tilespmem:$0x1F000] =	vst v63  }
0xb0: {  	_ =	swait.ge [sflag:s17], $0x4000  }
0xb1: {  	[sflag:s17] =	ssyncset.done $0x0  }
0xb2: {  	[sflag:s17] =	ssyncadd.s32 $0xFFFFC000  }
0xb3: {  	_ =	swait.ge [sflag:s18], $0x800  }
0xb4: {  	[sflag:s18] =	ssyncset.done $0x0  }
0xb5: {  	[sflag:s18] =	ssyncadd.s32 $0xFFFFF800  }
0xb6: {  	[spmem:s2] =	stream.indirect.scatter.add.f32 [tilespmem:s14], [sflag:$0x3], $0x80, s15, s13, $0xb8;
	[tilespmem:$0x1F000] =	vst v63  }
0xb7: {  	_ =	swait.ge [sflag:s19], $0x4000  }
0xb8: {  	[sflag:s19] =	ssyncset.done $0x0  }
0xb9: {  	s31 =	sadd.s32 $0x100, s26;
	[sflag:s19] =	ssyncadd.s32 $0xFFFFC000  }
0xba: {  	[tilespmem:s14], [sflag:$0x1] =	stream.indirect.gather [hbm4b:s4+s13], $0x80, s31, s13, $0xb8;
	[tilespmem:$0x1F000] =	vst v63  }
0xbb: {  	_ =	swait.ge [sflag:s20], $0x4000  }
0xbc: {  	[sflag:s20] =	ssyncset.done $0x0  }
0xbd: {  	s29 =	rddreg [dreg:$0x3];
	[sflag:s20] =	ssyncadd.s32 $0xFFFFC000  }
0xbe: {  	[spmem:s2] =	stream.indirect.scatter.add.f32 [tilespmem:s16], [sflag:$0x4], $0x80, s29, s13, $0xb8;
	[tilespmem:$0x1F000] =	vst v63  }
0xbf: {  	_ =	swait.ge [sflag:s21], $0x4000  }
0xc0: {  	[sflag:s21] =	ssyncset.done $0x0  }
0xc1: {  	s30 =	sadd.s32 $0x180, s26;
	[sflag:s21] =	ssyncadd.s32 $0xFFFFC000  }
0xc2: {  	[tilespmem:s16], [sflag:$0x2] =	stream.indirect.gather [hbm4b:s4+s13], $0x80, s30, s13, $0xb8;
	[tilespmem:$0x1F000] =	vst v63  }
0xc3: {  	_ =	swait.ge [sflag:s17], $0x4000  }
0xc4: {  	[sflag:s17] =	ssyncset.done $0x0  }
0xc5: {  	s31 =	rddreg [dreg:$0x4];
	[sflag:s17] =	ssyncadd.s32 $0xFFFFC000  }
0xc6: {  	[spmem:s2] =	stream.indirect.scatter.add.f32 [tilespmem:s14], [sflag:$0x3], $0x80, s31, s13, $0xb8;
	[tilespmem:$0x1F000] =	vst v63  }
0xc7: {  	_ =	swait.ge [sflag:s19], $0x4000  }
0xc8: {  	[sflag:s19] =	ssyncset.done $0x0  }
0xc9: {  	s29 =	sadd.s32 $0x200, s26;
	[sflag:s19] =	ssyncadd.s32 $0xFFFFC000  }
0xca: {  	[tilespmem:s14], [sflag:$0x1] =	stream.indirect.gather [hbm4b:s4+s13], $0x80, s29, s13, $0xb8;
	[tilespmem:$0x1F000] =	vst v63  }
0xcb: {  	_ =	swait.ge [sflag:s20], $0x4000  }
0xcc: {  	[sflag:s20] =	ssyncset.done $0x0  }
0xcd: {  	s30 =	rddreg [dreg:$0x5];
	[sflag:s20] =	ssyncadd.s32 $0xFFFFC000  }
0xce: {  	[spmem:s2] =	stream.indirect.scatter.add.f32 [tilespmem:s16], [sflag:$0x4], $0x80, s30, s13, $0xb8;
	[tilespmem:$0x1F000] =	vst v63  }
0xcf: {  	_ =	swait.ge [sflag:s21], $0x4000  }
0xd0: {  	[sflag:s21] =	ssyncset.done $0x0  }
0xd1: {  	s31 =	sadd.s32 $0x280, s26;
	[sflag:s21] =	ssyncadd.s32 $0xFFFFC000  }
0xd2: {  	[tilespmem:s16], [sflag:$0x2] =	stream.indirect.gather [hbm4b:s4+s13], $0x80, s31, s13, $0xb8;
	[tilespmem:$0x1F000] =	vst v63  }
0xd3: {  	_ =	swait.ge [sflag:s17], $0x4000  }
0xd4: {  	[sflag:s17] =	ssyncset.done $0x0  }
0xd5: {  	s29 =	rddreg [dreg:$0x6];
	[sflag:s17] =	ssyncadd.s32 $0xFFFFC000  }
0xd6: {  	[spmem:s2] =	stream.indirect.scatter.add.f32 [tilespmem:s14], [sflag:$0x3], $0x80, s29, s13, $0xb8;
	[tilespmem:$0x1F000] =	vst v63  }
0xd7: {  	_ =	swait.ge [sflag:s19], $0x4000  }
0xd8: {  	[sflag:s19] =	ssyncset.done $0x0  }
0xd9: {  	s30 =	sadd.s32 $0x300, s26;
	[sflag:s19] =	ssyncadd.s32 $0xFFFFC000  }
0xda: {  	[tilespmem:s14], [sflag:$0x1] =	stream.indirect.gather [hbm4b:s4+s13], $0x80, s30, s13, $0xb8;
	[tilespmem:$0x1F000] =	vst v63  }
0xdb: {  	_ =	swait.ge [sflag:s20], $0x4000  }
0xdc: {  	[sflag:s20] =	ssyncset.done $0x0  }
0xdd: {  	s31 =	rddreg [dreg:$0x7];
	[sflag:s20] =	ssyncadd.s32 $0xFFFFC000  }
0xde: {  	[spmem:s2] =	stream.indirect.scatter.add.f32 [tilespmem:s16], [sflag:$0x4], $0x80, s31, s13, $0xb8;
	[tilespmem:$0x1F000] =	vst v63  }
0xdf: {  	_ =	swait.ge [sflag:s21], $0x4000  }
0xe0: {  	[sflag:s21] =	ssyncset.done $0x0  }
0xe1: {  	s29 =	sadd.s32 $0x380, s26;
	[sflag:s21] =	ssyncadd.s32 $0xFFFFC000  }
0xe2: {  	[tilespmem:s16], [sflag:$0x2] =	stream.indirect.gather [hbm4b:s4+s13], $0x80, s29, s13, $0xb8;
	[tilespmem:$0x1F000] =	vst v63  }
0xe3: {  	_ =	swait.ge [sflag:s17], $0x4000  }
0xe4: {  	[sflag:s17] =	ssyncset.done $0x0  }
0xe5: {  	s30 =	rddreg [dreg:$0x8];
	[sflag:s17] =	ssyncadd.s32 $0xFFFFC000  }
0xe6: {  	[spmem:s2] =	stream.indirect.scatter.add.f32 [tilespmem:s14], [sflag:$0x3], $0x80, s30, s13, $0xb8;
	[tilespmem:$0x1F000] =	vst v63  }
0xe7: {  	_ =	swait.ge [sflag:s19], $0x4000  }
0xe8: {  	[sflag:s19] =	ssyncset.done $0x0  }
0xe9: {  	s31 =	sadd.s32 $0x400, s26;
	[sflag:s19] =	ssyncadd.s32 $0xFFFFC000  }
0xea: {  	[tilespmem:s14], [sflag:$0x1] =	stream.indirect.gather [hbm4b:s4+s13], $0x80, s31, s13, $0xb8;
	[tilespmem:$0x1F000] =	vst v63  }
0xeb: {  	_ =	swait.ge [sflag:s20], $0x4000  }
0xec: {  	[sflag:s20] =	ssyncset.done $0x0  }
0xed: {  	s29 =	rddreg [dreg:$0x9];
	[sflag:s20] =	ssyncadd.s32 $0xFFFFC000  }
0xee: {  	[spmem:s2] =	stream.indirect.scatter.add.f32 [tilespmem:s16], [sflag:$0x4], $0x80, s29, s13, $0xb8;
	[tilespmem:$0x1F000] =	vst v63  }
0xef: {  	_ =	swait.ge [sflag:s21], $0x4000  }
0xf0: {  	[sflag:s21] =	ssyncset.done $0x0  }
0xf1: {  	s30 =	sadd.s32 $0x480, s26;
	[sflag:s21] =	ssyncadd.s32 $0xFFFFC000  }
0xf2: {  	[tilespmem:s16], [sflag:$0x2] =	stream.indirect.gather [hbm4b:s4+s13], $0x80, s30, s13, $0xb8;
	[tilespmem:$0x1F000] =	vst v63  }
0xf3: {  	_ =	swait.ge [sflag:s17], $0x4000  }
0xf4: {  	[sflag:s17] =	ssyncset.done $0x0  }
0xf5: {  	s31 =	rddreg [dreg:$0xa];
	[sflag:s17] =	ssyncadd.s32 $0xFFFFC000  }
0xf6: {  	[spmem:s2] =	stream.indirect.scatter.add.f32 [tilespmem:s14], [sflag:$0x3], $0x80, s31, s13, $0xb8;
	[tilespmem:$0x1F000] =	vst v63  }
0xf7: {  	_ =	swait.ge [sflag:s19], $0x4000  }
0xf8: {  	[sflag:s19] =	ssyncset.done $0x0  }
0xf9: {  	s29 =	sadd.s32 $0x500, s26;
	[sflag:s19] =	ssyncadd.s32 $0xFFFFC000  }
0xfa: {  	[tilespmem:s14], [sflag:$0x1] =	stream.indirect.gather [hbm4b:s4+s13], $0x80, s29, s13, $0xb8;
	[tilespmem:$0x1F000] =	vst v63  }
0xfb: {  	_ =	swait.ge [sflag:s20], $0x4000  }
0xfc: {  	[sflag:s20] =	ssyncset.done $0x0  }
0xfd: {  	s30 =	rddreg [dreg:$0xb];
	[sflag:s20] =	ssyncadd.s32 $0xFFFFC000  }
0xfe: {  	[spmem:s2] =	stream.indirect.scatter.add.f32 [tilespmem:s16], [sflag:$0x4], $0x80, s30, s13, $0xb8;
	[tilespmem:$0x1F000] =	vst v63  }
0xff: {  	_ =	swait.ge [sflag:s21], $0x4000  }
0x100: {  	[sflag:s21] =	ssyncset.done $0x0  }
0x101: {  	s31 =	sadd.s32 $0x580, s26;
	[sflag:s21] =	ssyncadd.s32 $0xFFFFC000  }
0x102: {  	[tilespmem:s16], [sflag:$0x2] =	stream.indirect.gather [hbm4b:s4+s13], $0x80, s31, s13, $0xb8;
	[tilespmem:$0x1F000] =	vst v63  }
0x103: {  	_ =	swait.ge [sflag:s17], $0x4000  }
0x104: {  	[sflag:s17] =	ssyncset.done $0x0  }
0x105: {  	s29 =	rddreg [dreg:$0xc];
	[sflag:s17] =	ssyncadd.s32 $0xFFFFC000  }
0x106: {  	[spmem:s2] =	stream.indirect.scatter.add.f32 [tilespmem:s14], [sflag:$0x3], $0x80, s29, s13, $0xb8;
	[tilespmem:$0x1F000] =	vst v63  }
0x107: {  	_ =	swait.ge [sflag:s19], $0x4000  }
0x108: {  	[sflag:s19] =	ssyncset.done $0x0  }
0x109: {  	s30 =	sadd.s32 $0x600, s26;
	[sflag:s19] =	ssyncadd.s32 $0xFFFFC000  }
0x10a: {  	[tilespmem:s14], [sflag:$0x1] =	stream.indirect.gather [hbm4b:s4+s13], $0x80, s30, s13, $0xb8;
	[tilespmem:$0x1F000] =	vst v63  }
0x10b: {  	_ =	swait.ge [sflag:s20], $0x4000  }
0x10c: {  	[sflag:s20] =	ssyncset.done $0x0  }
0x10d: {  	s31 =	rddreg [dreg:$0xd];
	[sflag:s20] =	ssyncadd.s32 $0xFFFFC000  }
0x10e: {  	[spmem:s2] =	stream.indirect.scatter.add.f32 [tilespmem:s16], [sflag:$0x4], $0x80, s31, s13, $0xb8;
	[tilespmem:$0x1F000] =	vst v63  }
0x10f: {  	_ =	swait.ge [sflag:s21], $0x4000  }
0x110: {  	[sflag:s21] =	ssyncset.done $0x0  }
0x111: {  	s29 =	sadd.s32 $0x680, s26;
	[sflag:s21] =	ssyncadd.s32 $0xFFFFC000  }
0x112: {  	[tilespmem:s16], [sflag:$0x2] =	stream.indirect.gather [hbm4b:s4+s13], $0x80, s29, s13, $0xb8;
	[tilespmem:$0x1F000] =	vst v63  }
0x113: {  	_ =	swait.ge [sflag:s17], $0x4000  }
0x114: {  	[sflag:s17] =	ssyncset.done $0x0  }
0x115: {  	s30 =	rddreg [dreg:$0xe];
	[sflag:s17] =	ssyncadd.s32 $0xFFFFC000  }
0x116: {  	[spmem:s2] =	stream.indirect.scatter.add.f32 [tilespmem:s14], [sflag:$0x3], $0x80, s30, s13, $0xb8;
	[tilespmem:$0x1F000] =	vst v63  }
0x117: {  	_ =	swait.ge [sflag:s19], $0x4000  }
0x118: {  	[sflag:s19] =	ssyncset.done $0x0  }
0x119: {  	s31 =	sadd.s32 $0x700, s26;
	[sflag:s19] =	ssyncadd.s32 $0xFFFFC000  }
0x11a: {  	[tilespmem:s14], [sflag:$0x1] =	stream.indirect.gather [hbm4b:s4+s13], $0x80, s31, s13, $0xb8;
	[tilespmem:$0x1F000] =	vst v63  }
0x11b: {  	_ =	swait.ge [sflag:s20], $0x4000  }
0x11c: {  	[sflag:s20] =	ssyncset.done $0x0  }
0x11d: {  	s29 =	rddreg [dreg:$0xf];
	[sflag:s20] =	ssyncadd.s32 $0xFFFFC000  }
0x11e: {  	[spmem:s2] =	stream.indirect.scatter.add.f32 [tilespmem:s16], [sflag:$0x4], $0x80, s29, s13, $0xb8;
	[tilespmem:$0x1F000] =	vst v63  }
0x11f: {  	_ =	swait.ge [sflag:s21], $0x4000  }
0x120: {  	[sflag:s21] =	ssyncset.done $0x0  }
0x121: {  	s26 =	sadd.s32 $0x780, s26;
	[sflag:s21] =	ssyncadd.s32 $0xFFFFC000  }
0x122: {  	[tilespmem:s16], [sflag:$0x2] =	stream.indirect.gather [hbm4b:s4+s13], $0x80, s26, s13, $0xb8;
	[tilespmem:$0x1F000] =	vst v63  }
0x123: {  	_ =	swait.ge [sflag:s17], $0x4000  }
0x124: {  	s25 =	smov.u32 s23;
	[sflag:s17] =	ssyncset.done $0x0  }
0x125: {  	p1 =	seq.s32 s25, $0x8000;
	s30 =	rddreg [dreg:$0x10];
	[sflag:s17] =	ssyncadd.s32 $0xFFFFC000  }
0x126: {  	[spmem:s2] =	stream.indirect.scatter.add.f32 [tilespmem:s14], [sflag:$0x3], $0x80, s30, s13, $0xb8;
	[tilespmem:$0x1F000] =	vst v63  }
0x127: {  	s25 =	sshra.s32 @!p1 s25, $0x2;
	_ =	swait.ge [sflag:s19], $0x4000  }
0x128: {  	s23 =	sadd.s32 $0x2000, s23;
	s25 =	sadd.s32 @!p1 $0x800, s25;
	[sflag:s19] =	ssyncset.done $0x0  }
0x129: {  	s28 =	simm.s32 @!p1 $0x80;
	s26 =	simm.s32 @!p1 $0x3000;
	[sflag:s19] =	ssyncadd.s32 $0xFFFFC000  }
0x12a: {  	[tilespmem:s26], [sflag:$0x1] =	stream.indirect.gather @!p1 [hbm4b:s4+s28], $0x80, s25, s28, $0xb8;
	[tilespmem:$0x1F000] =	vst v63  }
0x12b: {  	p0 =	sne.s32 s23, $0xA000;
	_ =	swait.ge [sflag:s20], $0x4000  }
.Ltmp0:
0x12c: {  	[sflag:s20] =	ssyncset.done $0x0;
	(pc) =	sbr.rel @p0 .LBB2_2-.Ltmp0, $4  }
0x12d: {  	s31 =	rddreg [dreg:$0x11];
	[sflag:s20] =	ssyncadd.s32 $0xFFFFC000  }
0x12e: {  	[spmem:s2] =	stream.indirect.scatter.add.f32 [tilespmem:s16], [sflag:$0x4], $0x80, s31, s13, $0xb8;
	[tilespmem:$0x1F000] =	vst v63  }
0x12f: {  	_ =	swait.ge [sflag:s21], $0x4000  }
0x130: {  	s24 =	sadd.s32 $0x100, s24;
	[sflag:s21] =	ssyncset.done $0x0  }
0x131: {  	s22 =	sadd.s32 $0x1, s22  }
0x132: {  	[sflag:s21] =	ssyncadd.s32 $0xFFFFC000;
	p0 =	sne.s32 s22, s9  }
.Ltmp1:
0x133: {  	[bflag:$0x0] =	sbarrier.arrive $0xFFFF;
	(pc) =	sbr.rel @p0 .LBB2_1-.Ltmp1, $4  }
0x134: {  	[hbm:s8], [sflag:s6] =	dma.local [spmem:s11], $0x2800  }
0x135: {  	_ =	swait.ge [sflag:s12], $0x2800  }
0x136: {  	[sflag:s12] =	ssyncset.done $0x0  }
0x137: {  	[sflag:s12] =	ssyncadd.s32 $0xFFFFD800  }
0x138: {  	_ =	sfence.sel $0x180000  }
0x139: {  	[bflag:$0x0] =	sbarrier.arrive $0xFFFF  }
0x13a: {  	p0 =	sne.s32 s1, $0x0;
	_ =	strace $0x9000004D  }
0x13b: {  	s0 =	sadd.s32 @!p0 $0x100000, s0;
	[bflag:$0x2] =	sbarrier.arrive $0xFFFF  }
0x13c: {  	[sflag:s0] =	ssyncadd.tile.s32 @!p0 $0x1;
	_ =	shalt  }
.Lfunc_end2:
_tile_overlayer_lowered:
.L_overlay_start_2:
0x13d: {  	(tag) =	ssettag $0x2  }
0x13e: {  	s0 =	rddreg [dreg:$0x0];
	s2 =	stileid.u32  }
0x13f: {  	s1 =	rddreg [dreg:$0x1];
	p0 =	sne.s32 s2, $0x0  }
0x140: {  	s3 =	rddreg [dreg:$0x2];
	[bflag:$0x3] =	sbarrier.arrive $0xFFFF;
	s2 =	simm.s32 @!p0 $0x1C06  }
0x141: {  	[timem:s3], [sflag:s2] =	dma.local @!p0 [hbm:s0], s1  }
0x142: {  	s0 =	simm.s32 @!p0 $0x6  }
0x143: {  	_ =	swait.ge @!p0 [sflag:s0], s1  }
0x144: {  	s1 =	ssub.s32 @!p0 $0x0, s1;
	[sflag:s0] =	ssyncset.done @!p0 $0x0  }
0x145: {  	[sflag:s0] =	ssyncadd.s32 @!p0 s1  }
0x146: {  	[bflag:$0x3] =	sbarrier.arrive $0xFFFF  }
0x147: {  	_ =	shalt  }

// kernel: kernel.8.cloned.1.call-start
scs
__scs_entry_jumppad:
0x0: {  	(pc) =	sbr.rel $0x88, $3  }
0x1: {  	(tag) =	ssettag $0x0;
	lr =	simm.s32 $0x1  }
0x2: {  	[smem:$0x3F9C] =	sst lr;
	_ =	strace $0xD0000000  }
0x3: {  	_ = 	snop  }
0x4: {  	_ = 	snop  }
0x5: {  	_ = 	snop  }
0x6: {  	_ = 	snop  }
0x7: {  	_ = 	snop  }
__scs_overlays_trampoline_lowered:
0x8: {  	[smem:$0x3FAB] =	sst s0  }
0x9: {  	[smem:$0x3FAC] =	sst s1  }
0xa: {  	[smem:$0x3FAD] =	sst s2  }
0xb: {  	[smem:$0x3FAE] =	sst s3  }
0xc: {  	[smem:$0x3FAF] =	sst s4  }
0xd: {  	[smem:$0x3FB0] =	sst s5  }
0xe: {  	[smem:$0x3FB1] =	sst s6  }
0xf: {  	[smem:$0x3FB2] =	sst s7  }
0x10: {  	[smem:$0x3FB3] =	sst s8  }
0x11: {  	[smem:$0x3FB4] =	sst s9;
	s0 =	simm.s32 @!p0 $0x0  }
0x12: {  	s1 =	sld [smem:$0x3F9A];
	s0 =	simm.s32 @p0 $0x1  }
0x13: {  	[smem:$0x3FB5] =	sst s0;
	s0 =	simm.s32 @!p1 $0x0  }
0x14: {  	s2 =	sld [smem:$0x3F99];
	s0 =	simm.s32 @p1 $0x1  }
0x15: {  	[smem:$0x3FB6] =	sst s0;
	s0 =	simm.s32 @!p2 $0x0  }
0x16: {  	s3 =	sld [smem:$0x3FDB];
	s0 =	simm.s32 @p2 $0x1  }
0x17: {  	s4 =	simm.s32 $0x1BF5;
	[smem:$0x3FB8] =	sst s0  }
0x18: {  	s0 =	sld [smem:$0x3F9B];
	_ =	swait.ge [sflag:s4], $0x0  }
0x19: {  	s7 =	sld [smem:$0x3F9C]  }
0x1a: {  	s8 =	sadd.s32 $0xFFFFE003, lr  }
0x1b: {  	s9 =	sadd.s32 $0xFFFFFEF7, lr;
	s5 =	simm.s32 $0xFFFFFFFF;
	p2 =	slt.u32 s8, $0xFFFFF086  }
0x1c: {  	p1 =	slt.u32 s9, $0xF7A;
	s5 =	simm.s32 @!p2 $0x0  }
0x1d: {  	s5 =	simm.s32 @p1 $0x1;
	p0 =	seq.s32 s7, s2  }
0x1e: {  	s7 =	smul.u32 @!p0 $0xF7A, s2;
	p2 =	seq.s32 @!p0 s5, $0x0  }
0x1f: {  	s9 =	smul.u32 $0xF7A, s1;
	s8 =	simm.s32 @!p0 $0x1BF5;
	p2 =	por !p2, p0  }
0x20: {  	[sflag:s8] =	ssyncset.s32 @!p0 $0xFFFFF086;
	s6 =	sadd.s32 @!p0 s3, s7;
	s7 =	simm.s32 @!p0 $0x108  }
0x21: {  	s3 =	sadd.s32 s3, s9;
	s6 =	sadd.s32 @!p0 $0x88, s6;
	s7 =	simm.s32 @p2 $0x1082  }
0x22: {  	[simem:s7], [sflag:s8] =	dma.local @!p0 [hbm:s6], $0xF7A  }
0x23: {  	s9 =	sor.u32 $0xD0000000, s2;
	s6 =	simm.s32 $0x108;
	_ =	swait.ge @!p0 [sflag:s8], $0x0  }
0x24: {  	s3 =	sadd.s32 $0x88, s3;
	s6 =	simm.s32 @!p1 $0x1082;
	[sflag:s4] =	ssyncset.s32 $0xFFFFF086  }
0x25: {  	[simem:s6], [sflag:s4] =	dma.local [hbm:s3], $0xF7A  }
0x26: {  	[smem:$0x3F9C] =	sst s1;
	(tag) =	ssettag s2;
	_ =	strace s9  }
0x27: {  	s1 =	sld [smem:$0x3FAC]  }
0x28: {  	s2 =	sld [smem:$0x3FAD]  }
0x29: {  	s4 =	sld [smem:$0x3FAF]  }
0x2a: {  	p0 =	seq.s32 s5, $0x0;
	s5 =	sld [smem:$0x3FB0]  }
0x2b: {  	s6 =	sld [smem:$0x3FB1]  }
0x2c: {  	s7 =	sld [smem:$0x3FB2]  }
0x2d: {  	s3 =	simm.s32 $0x108;
	s8 =	sld [smem:$0x3FB3]  }
0x2e: {  	s3 =	simm.s32 @!p0 $0x1082;
	s9 =	sld [smem:$0x3FB4]  }
0x2f: {  	lr =	sadd.s32 s0, s3;
	s0 =	sld [smem:$0x3FAB]  }
0x30: {  	s3 =	sld [smem:$0x3FAE]  }
0x31: {  	[smem:$0x3FB7] =	sst s10  }
0x32: {  	s10 =	sld [smem:$0x3FB5];
	_ =	sdelay $0x3  }
0x33: {  	p0 =	seq.s32 s10, $0x1;
	s10 =	sld [smem:$0x3FB7];
	_ =	sdelay $0x3  }
0x34: {  	[smem:$0x3FB7] =	sst s10  }
0x35: {  	s10 =	sld [smem:$0x3FB6];
	_ =	sdelay $0x3  }
0x36: {  	p1 =	seq.s32 s10, $0x1;
	s10 =	sld [smem:$0x3FB7];
	_ =	sdelay $0x3  }
0x37: {  	[smem:$0x3FB7] =	sst s10  }
0x38: {  	s10 =	sld [smem:$0x3FB8]  }
0x39: {  	_ = 	snop;
	(pc) =	sbr.ind lr, $3  }
0x3a: {  	_ = 	snop  }
0x3b: {  	_ = 	snop  }
0x3c: {  	p2 =	seq.s32 s10, $0x1;
	s10 =	sld [smem:$0x3FB7]  }
0x3d: {  	_ =	shalt  }
0x3e: {  	_ =	shalt  }
0x3f: {  	_ =	shalt  }
0x40: {  	_ =	shalt  }
0x41: {  	_ =	shalt  }
0x42: {  	_ =	shalt  }
0x43: {  	_ =	shalt  }
0x44: {  	_ =	shalt  }
0x45: {  	_ =	shalt  }
0x46: {  	_ =	shalt  }
0x47: {  	_ =	shalt  }
0x48: {  	_ =	shalt  }
0x49: {  	_ =	shalt  }
0x4a: {  	_ =	shalt  }
0x4b: {  	_ =	shalt  }
0x4c: {  	_ =	shalt  }
0x4d: {  	_ =	shalt  }
0x4e: {  	_ =	shalt  }
0x4f: {  	_ =	shalt  }
0x50: {  	_ =	shalt  }
0x51: {  	_ =	shalt  }
0x52: {  	_ =	shalt  }
0x53: {  	_ =	shalt  }
0x54: {  	_ =	shalt  }
0x55: {  	_ =	shalt  }
0x56: {  	_ =	shalt  }
0x57: {  	_ =	shalt  }
0x58: {  	_ =	shalt  }
0x59: {  	_ =	shalt  }
0x5a: {  	_ =	shalt  }
0x5b: {  	_ =	shalt  }
0x5c: {  	_ =	shalt  }
0x5d: {  	_ =	shalt  }
0x5e: {  	_ =	shalt  }
0x5f: {  	_ =	shalt  }
0x60: {  	_ =	shalt  }
0x61: {  	_ =	shalt  }
0x62: {  	_ =	shalt  }
0x63: {  	_ =	shalt  }
0x64: {  	_ =	shalt  }
0x65: {  	_ =	shalt  }
0x66: {  	_ =	shalt  }
0x67: {  	_ =	shalt  }
0x68: {  	_ =	shalt  }
0x69: {  	_ =	shalt  }
0x6a: {  	_ =	shalt  }
0x6b: {  	_ =	shalt  }
0x6c: {  	_ =	shalt  }
0x6d: {  	_ =	shalt  }
0x6e: {  	_ =	shalt  }
0x6f: {  	_ =	shalt  }
0x70: {  	_ =	shalt  }
0x71: {  	_ =	shalt  }
0x72: {  	_ =	shalt  }
0x73: {  	_ =	shalt  }
0x74: {  	_ =	shalt  }
0x75: {  	_ =	shalt  }
0x76: {  	_ =	shalt  }
0x77: {  	_ =	shalt  }
0x78: {  	_ =	shalt  }
0x79: {  	_ =	shalt  }
0x7a: {  	_ =	shalt  }
0x7b: {  	_ =	shalt  }
0x7c: {  	_ =	shalt  }
0x7d: {  	_ =	shalt  }
0x7e: {  	_ =	shalt  }
0x7f: {  	_ =	shalt  }
0x80: {  	_ =	shalt  }
0x81: {  	_ =	shalt  }
0x82: {  	_ =	shalt  }
0x83: {  	_ =	shalt  }
0x84: {  	_ =	shalt  }
0x85: {  	_ =	shalt  }
0x86: {  	_ =	shalt  }
0x87: {  	_ =	shalt  }
.Lfunc_end0:
.L_simem_size_0:
called_computation_lowered:
.L_overlay_start_0:
0x88: {  	s2 =	sld [smem:$0x3FD9]  }
0x89: {  	s3 =	sld [smem:$0x3FFE];
	_ =	sdelay $0x1  }
0x8a: {  	s1 =	srdreg.scid  }
0x8b: {  	s0 =	sand.u32 $0x1, s1  }
0x8c: {  	s16 =	sshll.u32 s0, $0xA;
	s2 =	sadd.s32 s3, s2  }
0x8d: {  	s2 =	sadd.s32 s2, s16  }
0x8e: {  	[smem:$0x3FC3] =	sst s2  }
0x8f: {  	_ = 	snop  }
0x90: {  	(tm) =	ssettm $0x1  }
0x91: {  	s17 =	sld [smem:$0x3FFB];
	_ =	sdelay $0x3  }
0x92: {  	_ =	strace s17  }
0x93: {  	s2 =	sld [smem:$0x3FFC];
	_ =	sdelay $0x3  }
0x94: {  	_ =	strace s2  }
0x95: {  	s2 =	sld [smem:$0x3FFD];
	_ =	sdelay $0x3  }
0x96: {  	_ =	strace s2  }
0x97: {  	_ =	strace $0x8FFFFFFF  }
0x98: {  	s18 =	sld [smem:$0x3FDB];
	_ =	sdelay $0x1  }
0x99: {  	s19 =	simm.s32 $_scs_section_size  }
0x9a: {  	s4 =	simm.s32 $_size__tile_overlayer_lowered;
	s5 =	simm.s32 $_tile_overlayer_lowered  }
0x9b: {  	s22 =	simm.s32 $0x1BFF;
	s21 =	sshll.u32 s5, $0x1;
	s2 =	sadd.s32 s19, s18  }
0x9c: {  	s6 =	simm.s32 $0x0;
	s20 =	sshll.u32 s4, $0x1;
	s4 =	sadd.s32 s21, s2  }
0x9d: {  	[timem:s6], [sflag:s22] =	dma.local [hbm:s4], s20  }
0x9e: {  	_ =	swait.ge [sflag:s22], s20  }
0x9f: {  	s3 =	ssub.s32 $0x0, s20;
	[sflag:s22] =	ssyncset.done $0x0  }
0xa0: {  	[sflag:s22] =	ssyncadd.s32 s3;
	_ =	sdelay $0x1  }
0xa1: {  	s23 =	simm.s32 $0x1B8B  }
0xa2: {  	_ =	swait.ge [sflag:s23], $0x1  }
0xa3: {  	[sflag:s23] =	ssyncset.done $0x0  }
0xa4: {  	s25 =	simm.s32 $0x1B8E;
	s24 =	sld [smem:$0x3FFE];
	[sflag:s23] =	ssyncadd.s32 $0xFFFFFFFF  }
0xa5: {  	s26 =	simm.s32 $execute0_lowered;
	[smem:$0x3FD2] =	sst s25  }
0xa6: {  	s4 =	sshll.u32 s26, $0x1;
	_ =	strace $0x80000046;
	[dreg:$0x1] =	wrdreg $0xFFFFFFFF  }
0xa7: {  	s28 =	simm.s32 $_size_execute0_lowered;
	s2 =	sadd.s32 s2, s4;
	[dreg:$0x0] =	wrdreg $0x0  }
0xa8: {  	s4 =	sshll.u32 s28, $0x1;
	[dreg:$0x2] =	wrdreg s2  }
0xa9: {  	[dreg:$0x3] =	wrdreg s4  }
0xaa: {  	[dreg:$0x4] =	wrdreg $0xC0  }
0xab: {  	_ =	task [dreg:s6], $0x5FFFF  }
0xac: {  	[dreg:$0x1] =	wrdreg $0xFFFFFFFF  }
0xad: {  	[dreg:$0x0] =	wrdreg $0x60  }
0xae: {  	[dreg:$0x2] =	wrdreg s24  }
0xaf: {  	[dreg:$0x3] =	wrdreg $0x9  }
0xb0: {  	_ =	task.clear_ibuf [dreg:s6], $0x4FFFF;
	_ =	strace $0x90000046  }
0xb1: {  	s29 =	simm.s32 $0x9;
	_ =	strace $0x80000048  }
0xb2: {  	_ =	swait.ge [sflag:s29], $0x1  }
0xb3: {  	[sflag:s29] =	ssyncadd.s32 $0xFFFFFFFF  }
0xb4: {  	_ =	strace $0x90000048  }
0xb5: {  	_ =	sfence  }
0xb6: {  	s30 =	sld [smem:$0x0];
	_ =	sdelay $0x2  }
0xb7: {  	s31 =	sshll.u32 s1, $0xD;
	s1 =	sshrl.u32 s1, $0x2  }
0xb8: {  	s3 =	sand.u32 $0x4000, s31;
	s1 =	sadd.s32 s1, s30  }
0xb9: {  	s0 =	sor.u32 s3, s0;
	s1 =	sshll.u32 s1, $0x11  }
0xba: {  	s0 =	sor.u32 s1, s0  }
0xbb: {  	s0 =	sadd.s32 $0x8F2B, s0  }
0xbc: {  	[sflag:s0] =	ssyncadd.remote.s32 $0x1  }
0xbd: {  	_ =	sfence.sel $0xFFFF  }
0xbe: {  	[dreg:$0x0] =	wrdreg $0xFFFFFFFF;
	(pc) =	sbr.abs _section_cstart, $3  }
0xbf: {  	[dreg:$0x1] =	wrdreg $0xFFFFFFFF  }
0xc0: {  	_ =	task.clear_ibuf [dreg:s6], $0x2FFFF;
	_ =	strace $0x9FFFFFFF  }
0xc1: {  	(tm) =	ssettm $0x7FFFFFFF  }
tec
execute0_lowered:
.L_overlay_start_1:
0x0: {  	(tag) =	ssettag $0x1  }
0x1: {  	s0 =	srdreg.scid  }
0x2: {  	s3 =	sand.u32 $0x1, s0  }
0x3: {  	s0 =	stileid.u32;
	s1 =	sshll.u32 s3, $0x4  }
0x4: {  	s5 =	rddreg [dreg:$0x0];
	s2 =	simm.s32 $0x0;
	s1 =	sor.u32 s0, s1  }
0x5: {  	s7 =	simm.s32 $0x400;
	s8 =	simm.s32 $0x1;
	s1 =	sshrl.u32 s1, $0x3  }
0x6: {  	s9 =	simm.s32 $0x2800;
	s30 =	sshll.u32 s0, $0x7;
	s4 =	smul.u32 $0x14000, s1  }
0x7: {  	s10 =	simm.s32 $0x0;
	s3 =	ssub.s32 $0x2, s3;
	s6 =	sand.u32 $0x380, s30  }
0x8: {  	[smem:$0x7FF] =	sst s2;
	s31 =	sshrl.u32 s3, $0x1;
	s4 =	sor.u32 s6, s4  }
0x9: {  	s1 =	rddreg [dreg:$0x1];
	_ =	strace $0x80000047;
	s4 =	sshrl.u32 s4, $0x3  }
0xa: {  	s6 =	simm.s32 $0x80;
	s4 =	sadd.s32 s4, s5;
	s5 =	ssub.s32 s3, s31  }
0xb: {  	v0 =	vimm.f32 $0.0e+00;
	v1 =	vimm.f32 $1.000000000e+00;
	s3 =	sadd.s32 $0x16800, s4;
	s4 =	sadd.s32 $0x20800, s4;
	s5 =	smax.u32 s5, $0x1  }
.LBB2_1:
0xc: {  	[tilespmem:s2], [sflag:$0x1] =	stream.strided.gather [hbm4b:s3+s6], $0x2800, s7, s6, $0x38;
	[tilespmem:$0x5000] =	vst v63  }
0xd: {  	_ =	swait.ge [sflag:s8], $0x2800  }
0xe: {  	[sflag:s8] =	ssyncset.done $0x0  }
0xf: {  	s11 =	simm.s32 $0x0;
	[sflag:s8] =	ssyncadd.s32 $0xFFFFD800  }
.LBB2_2:
0x10: {  	p0 =	sne.s32 s11, $0x9FC0  }
.Ltmp0:
0x11: {  	_ = 	snop;
	(pc) =	sbr.rel @p0 .LBB2_2-.Ltmp0, $3  }
0x12: {  	_ =	sdelay $0x1  }
0x13: {  	s12 =	sshra.s32 s11, $0x2  }
0x14: {  	s11 =	sadd.s32 $0x40, s11;
	[tilespmem:s12+$0x2800] =	vst v0  }
0x15: {  	s12 =	simm.s32 $0x0;
	s11 =	simm.s32 $0x40  }
.LBB2_4:
0x16: {  	p0 =	sne.s32 s11, $0x9FC0;
	v2 =	vld [tilespmem:s12+$0x0];
	_ =	sdelay $0x3  }
.Ltmp1:
0x17: {  	(pc) =	sbr.rel @p0 .LBB2_4-.Ltmp1, $2  }
0x18: {  	_ =	sdelay $0x2  }
0x19: {  	s12 =	sshra.s32 s11, $0x2;
	s11 =	sadd.s32 $0x40, s11;
	[tilespmem:v2+s9+$0x0] =	vst.idx.add.f32.msk $0xffff, v1  }
0x1a: {  	v2 =	vld [tilespmem:s12+$0x0];
	_ =	sdelay $0x5  }
0x1b: {  	s10 =	sadd.s32 $0x1, s10  }
0x1c: {  	p0 =	sne.s32 s10, s5  }
.Ltmp2:
0x1d: {  	[tilespmem:v2+s9+$0x0] =	vst.idx.add.f32.msk $0xffff, v1;
	(pc) =	sbr.rel @p0 .LBB2_1-.Ltmp2, $4  }
0x1e: {  	[hbm4b:s4+s6] =	stream.strided.scatter [tilespmem:s9], [sflag:$0x1], $0x2800, s7, s6, $0x38;
	[tilespmem:$0x5000] =	vst v63  }
0x1f: {  	_ =	swait.ge [sflag:s8], $0x2800  }
0x20: {  	[sflag:s8] =	ssyncset.done $0x0  }
0x21: {  	[sflag:s8] =	ssyncadd.s32 $0xFFFFD800  }
0x22: {  	_ =	sfence.sel $0x180000  }
0x23: {  	[bflag:$0x0] =	sbarrier.arrive $0xFFFF  }
0x24: {  	p0 =	sne.s32 s0, $0x0;
	_ =	strace $0x90000047  }
0x25: {  	s0 =	sadd.s32 @!p0 $0x100000, s1;
	[bflag:$0x2] =	sbarrier.arrive $0xFFFF  }
0x26: {  	[sflag:s0] =	ssyncadd.tile.s32 @!p0 $0x1;
	_ =	shalt  }
.Lfunc_end2:
_tile_overlayer_lowered:
.L_overlay_start_2:
0x27: {  	(tag) =	ssettag $0x2  }
0x28: {  	s0 =	rddreg [dreg:$0x0];
	s2 =	stileid.u32  }
0x29: {  	s1 =	rddreg [dreg:$0x1];
	p0 =	sne.s32 s2, $0x0  }
0x2a: {  	s3 =	rddreg [dreg:$0x2];
	[bflag:$0x3] =	sbarrier.arrive $0xFFFF;
	s2 =	simm.s32 @!p0 $0x1C01  }
0x2b: {  	[timem:s3], [sflag:s2] =	dma.local @!p0 [hbm:s0], s1  }
0x2c: {  	s0 =	simm.s32 @!p0 $0x1  }
0x2d: {  	_ =	swait.ge @!p0 [sflag:s0], s1  }
0x2e: {  	s1 =	ssub.s32 @!p0 $0x0, s1;
	[sflag:s0] =	ssyncset.done @!p0 $0x0  }
0x2f: {  	[sflag:s0] =	ssyncadd.s32 @!p0 s1  }
0x30: {  	[bflag:$0x3] =	sbarrier.arrive $0xFFFF  }
0x31: {  	_ =	shalt  }

</sc_bundles>
